<compile_context>
chip_gen: v7x
topology: tpu7x:2x2x1
jax: 0.10.2.dev20260603
libtpu: 0.0.44.dev20260713+nightly
codegen_flags: <defaults>
</compile_context>

<pallas_src>
import functools
import math

import jax
import jax.numpy as jnp
import numpy as np
from jax import lax
from jax.experimental import pallas as pl
from jax.experimental.pallas import tpu as pltpu
from jax.experimental.pallas import tpu_sc as plsc

N = 10000
E = 320000
D = 128
INV_SQRT_DEG = 1.0 / math.sqrt(32.0)

NC = 2
NS = 16
NW = NC * NS

CP = 80
W_CH = E // (NW * CP)
QUADS = (W_CH - 1) // 4
ROWS_PER_SUB = 624
TAIL_ROWS = N - NS * ROWS_PER_SUB
STAGE_ROWS = 48
STAGE_ITERS = ROWS_PER_SUB // STAGE_ROWS

_DOT = dict(precision=lax.Precision.HIGHEST, preferred_element_type=jnp.float32)
BLK = 1000
BLKN = 2000

_PERM = np.empty(D, dtype=np.int32)
_PERM[0::2] = np.arange(64)
_PERM[1::2] = np.arange(64) + 64


def _node_body(x_ref, ws_ref, wd_ref, b_ref, a_ref, bm_ref):
    xb = x_ref[...]
    a_ref[...] = lax.dot_general(
        xb, ws_ref[...], (((1,), (0,)), ((), ())), **_DOT
    ).astype(jnp.bfloat16)
    bm_ref[...] = (
        lax.dot_general(xb, wd_ref[...], (((1,), (0,)), ((), ())), **_DOT)
        + b_ref[...]
    ).astype(jnp.bfloat16)


_node_call = pl.pallas_call(
    _node_body,
    grid=(N // BLKN,),
    in_specs=[
        pl.BlockSpec((BLKN, D), lambda i: (i, 0)),
        pl.BlockSpec((D, D), lambda i: (0, 0)),
        pl.BlockSpec((D, D), lambda i: (0, 0)),
        pl.BlockSpec((1, D), lambda i: (0, 0)),
    ],
    out_specs=[
        pl.BlockSpec((BLKN, D), lambda i: (i, 0)),
        pl.BlockSpec((BLKN, D), lambda i: (i, 0)),
    ],
    out_shape=[jax.ShapeDtypeStruct((N, D), jnp.bfloat16)] * 2,
)


_sc_mesh = plsc.VectorSubcoreMesh(
    core_axis_name="c", subcore_axis_name="s", num_cores=NC, num_subcores=NS
)


@functools.partial(
    pl.kernel,
    out_type=jax.ShapeDtypeStruct((NC, N, D), jnp.float32),
    mesh=_sc_mesh,
    compiler_params=pltpu.CompilerParams(use_tc_tiling_on_sc=False),
    scratch_types=[
        pltpu.VMEM((4, CP), jnp.int32),
        pltpu.VMEM((4, CP), jnp.int32),
        pltpu.VMEM((CP, D // 2), jnp.int32),
        pltpu.VMEM((CP, D // 2), jnp.int32),
        pltpu.VMEM((CP, D // 2), jnp.int32),
        pltpu.VMEM((CP, D // 2), jnp.int32),
        pltpu.VMEM((CP, D), jnp.float32),
        pltpu.VMEM((CP, D), jnp.float32),
        pltpu.VMEM((STAGE_ROWS, D), jnp.float32),
        pltpu.VMEM_SHARED((N, D), jnp.float32),
        pltpu.SemaphoreType.DMA,
        pltpu.SemaphoreType.DMA,
        pltpu.SemaphoreType.DMA,
        pltpu.SemaphoreType.DMA,
    ],
)
def _edge_kernel(src_hbm, dst_hbm, a_hbm, b_hbm, zero_hbm, out_hbm,
                 idx_s4, idx_d4, a0, b0, a1, b1, o0, o1,
                 stage, acc, sem_i0, sem_i1, sem_g0, sem_g1):
    c = lax.axis_index("c")
    s = lax.axis_index("s")
    wid = s * NC + c
    row0 = s * ROWS_PER_SUB

    idx_s = tuple(idx_s4.at[q] for q in range(4))
    idx_d = tuple(idx_d4.at[q] for q in range(4))
    abuf = (a0, a1)
    bbuf = (b0, b1)
    obuf = (o0, o1)
    sem_i = (sem_i0, sem_i1)
    sem_g = (sem_g0, sem_g1)

    def chunk_base(k):
        return (k * NW + wid) * CP

    def start_idx(k, q):
        base = chunk_base(k)
        pltpu.async_copy(src_hbm.at[pl.ds(base, CP)], idx_s[q], sem_i[q % 2])
        pltpu.async_copy(dst_hbm.at[pl.ds(base, CP)], idx_d[q], sem_i[q % 2])

    def wait_idx(k, q):
        base = chunk_base(k)
        pltpu.make_async_copy(src_hbm.at[pl.ds(base, CP)], idx_s[q], sem_i[q % 2]).wait()
        pltpu.make_async_copy(dst_hbm.at[pl.ds(base, CP)], idx_d[q], sem_i[q % 2]).wait()

    def start_gathers(p, q):
        pltpu.async_copy(a_hbm.at[idx_s[q]], abuf[p], sem_g[p])
        pltpu.async_copy(b_hbm.at[idx_d[q]], bbuf[p], sem_g[p])

    def wait_gathers(p, q):
        pltpu.make_async_copy(a_hbm.at[idx_s[q]], abuf[p], sem_g[p]).wait()
        pltpu.make_async_copy(b_hbm.at[idx_d[q]], bbuf[p], sem_g[p]).wait()

    def relu_part(p, lo, hi):
        ab, bb, ob = abuf[p], bbuf[p], obuf[p]
        himask = jnp.int32(-65536)

        @plsc.parallel_loop(lo, hi, step=1, unroll=4)
        def _(r):
            for g in range(4):
                sl = pl.ds(16 * g, 16)
                wa = ab[r, sl]
                wb = bb[r, sl]
                a_lo = lax.bitcast_convert_type(wa << 16, jnp.float32)
                b_lo = lax.bitcast_convert_type(wb << 16, jnp.float32)
                a_hi = lax.bitcast_convert_type(wa & himask, jnp.float32)
                b_hi = lax.bitcast_convert_type(wb & himask, jnp.float32)
                ob[r, pl.ds(16 * g, 16)] = jnp.maximum(a_lo + b_lo, 0.0)
                ob[r, pl.ds(64 + 16 * g, 16)] = jnp.maximum(a_hi + b_hi, 0.0)

    def scatter(p, q):
        pltpu.sync_copy(obuf[p], acc.at[idx_s[q]], add=True)

    start_idx(0, 0)
    pltpu.sync_copy(zero_hbm.at[pl.ds(0, STAGE_ROWS)], stage)
    for t in range(STAGE_ITERS):
        pltpu.sync_copy(stage, acc.at[pl.ds(row0 + t * STAGE_ROWS, STAGE_ROWS)])

    @pl.when(s == NS - 1)
    def _():
        tail0 = NS * ROWS_PER_SUB
        pltpu.sync_copy(stage.at[pl.ds(0, TAIL_ROWS)], acc.at[pl.ds(tail0, TAIL_ROWS)])

    plsc.subcore_barrier()
    wait_idx(0, 0)
    start_gathers(0, 0)
    start_idx(1, 1)

    def step(k, p, q):
        wait_gathers(p, q)

        @pl.when(k > 0)
        def _():
            scatter(1 - p, (q + 3) % 4)

        @pl.when(k < W_CH - 2)
        def _():
            start_idx(k + 2, (q + 2) % 4)

        wait_idx(k + 1, (q + 1) % 4)
        start_gathers(1 - p, (q + 1) % 4)
        relu_part(p, 0, CP)

    def quad_body(i, carry):
        k0 = i * 4
        step(k0, 0, 0)
        step(k0 + 1, 1, 1)
        step(k0 + 2, 0, 2)
        step(k0 + 3, 1, 3)
        return carry

    lax.fori_loop(0, QUADS, quad_body, 0)
    wait_gathers(0, 0)
    scatter(1, 3)
    relu_part(0, 0, CP)
    scatter(0, 0)

    plsc.subcore_barrier()
    for k in range(STAGE_ITERS):
        r0 = row0 + k * STAGE_ROWS
        pltpu.sync_copy(acc.at[pl.ds(r0, STAGE_ROWS)], stage)
        pltpu.sync_copy(stage, out_hbm.at[c, pl.ds(r0, STAGE_ROWS)])

    @pl.when(s == NS - 1)
    def _():
        tail0 = NS * ROWS_PER_SUB
        pltpu.sync_copy(acc.at[pl.ds(tail0, TAIL_ROWS)], stage.at[pl.ds(0, TAIL_ROWS)])
        pltpu.sync_copy(stage.at[pl.ds(0, TAIL_ROWS)], out_hbm.at[c, pl.ds(tail0, TAIL_ROWS)])


def _update_body(x_ref, m_ref, wu_ref, b_ref, o_ref):
    xb = x_ref[...]
    msum = (m_ref[0] + m_ref[1]) * INV_SQRT_DEG
    h = (
        lax.dot_general(xb + msum, wu_ref[...], (((1,), (0,)), ((), ())), **_DOT)
        + b_ref[...]
    )
    o_ref[...] = xb + jnp.maximum(h, 0.0)


_update_call = pl.pallas_call(
    _update_body,
    grid=(N // BLK,),
    in_specs=[
        pl.BlockSpec((BLK, D), lambda i: (i, 0)),
        pl.BlockSpec((NC, BLK, D), lambda i: (0, i, 0)),
        pl.BlockSpec((D, D), lambda i: (0, 0)),
        pl.BlockSpec((1, D), lambda i: (0, 0)),
    ],
    out_specs=pl.BlockSpec((BLK, D), lambda i: (i, 0)),
    out_shape=jax.ShapeDtypeStruct((N, D), jnp.float32),
)


def kernel(x, edge_index, W_interact, b_interact, W_update, b_update):
    src = edge_index[0]
    dst = edge_index[1]
    a, bm = _node_call(
        x,
        W_interact[:D][:, _PERM],
        W_interact[D:][:, _PERM],
        b_interact[_PERM].reshape(1, D),
    )
    a32 = lax.bitcast_convert_type(a.reshape(N, D // 2, 2), jnp.int32)
    bm32 = lax.bitcast_convert_type(bm.reshape(N, D // 2, 2), jnp.int32)
    zeros = jnp.zeros((N, D), jnp.float32)
    mpair = _edge_kernel(src, dst, a32, bm32, zeros)
    return _update_call(x, mpair, W_update, b_update.reshape(1, D))

# --- scband reference (transcript-rebuilt; emitter-appended) ---
"""Pipeline reference for scband-convolution-22917945491536 (READ-ONLY COPY).

The authoritative reference and input builder live on the scoring server;
editing this copy changes nothing except your own understanding.
"""

import math
import jax, jax.numpy as jnp
import numpy as np

N = 10000
E = 320000
D = 128
AVG_DEGREE = 32


def setup_inputs(seed: int = 0) -> dict:
    key = jax.random.key(seed)
    k1, k2, k3, k4, k5, k6 = jax.random.split(key, 6)
    x = jax.random.normal(k1, (N, D), dtype=jnp.float32)
    edge_index = jax.random.randint(k2, (2, E), 0, N, dtype=jnp.int32)
    # nn.Linear(2*D, D): weight stored transposed for x @ W convention
    lim_int = 1.0 / math.sqrt(2 * D)
    W_interact = jax.random.uniform(k3, (2 * D, D), dtype=jnp.float32, minval=-lim_int, maxval=lim_int)
    b_interact = jax.random.uniform(k4, (D,), dtype=jnp.float32, minval=-lim_int, maxval=lim_int)
    lim_upd = 1.0 / math.sqrt(D)
    W_update = jax.random.uniform(k5, (D, D), dtype=jnp.float32, minval=-lim_upd, maxval=lim_upd)
    b_update = jax.random.uniform(k6, (D,), dtype=jnp.float32, minval=-lim_upd, maxval=lim_upd)
    return {
        "x": x,
        "edge_index": edge_index,
        "W_interact": W_interact,
        "b_interact": b_interact,
        "W_update": W_update,
        "b_update": b_update,
    }


def reference(x, edge_index, W_interact, b_interact, W_update, b_update):
    src = edge_index[0]
    dst = edge_index[1]
    # m_ij = act(interact(cat([x[src], x[dst]], -1)))
    gathered = jnp.concatenate([jnp.take(x, src, axis=0), jnp.take(x, dst, axis=0)], axis=-1)
    m_ij = jax.nn.relu(gathered @ W_interact + b_interact)
    # m_i = scatter_sum(m_ij, src, dim_size=N) / sqrt(avg_degree)
    m_i = jax.ops.segment_sum(m_ij, src, num_segments=x.shape[0]) / math.sqrt(AVG_DEGREE)
    # x = x + act(update(x + m_i))
    out = x + jax.nn.relu((x + m_i) @ W_update + b_update)
    return out

if __name__ == "__main__":
    import jax
    _d = setup_inputs()
    print(jax.jit(kernel)(*tuple(_d.values())))

</pallas_src>

<mosaic_0001>
#map = affine_map<(d0, d1) -> (0)>
#map1 = affine_map<(d0, d1) -> (0, 0)>
#map2 = affine_map<(d0, d1) -> (0, 0, 0)>
module attributes {stable_mosaic.version = 14 : i64} {
  func.func @_edge_kernel(%arg0: i32, %arg1: i32, %arg2: memref<320000xi32, #tpu.memory_space<hbm>>, %arg3: memref<320000xi32, #tpu.memory_space<hbm>>, %arg4: memref<10000x64xi32, #tpu.memory_space<hbm>>, %arg5: memref<10000x64xi32, #tpu.memory_space<hbm>>, %arg6: memref<10000x128xf32, #tpu.memory_space<hbm>>, %arg7: memref<2x10000x128xf32, #tpu.memory_space<hbm>>, %arg8: memref<4x80xi32, #tpu.memory_space<vmem>>, %arg9: memref<4x80xi32, #tpu.memory_space<vmem>>, %arg10: memref<80x64xi32, #tpu.memory_space<vmem>>, %arg11: memref<80x64xi32, #tpu.memory_space<vmem>>, %arg12: memref<80x64xi32, #tpu.memory_space<vmem>>, %arg13: memref<80x64xi32, #tpu.memory_space<vmem>>, %arg14: memref<80x128xf32, #tpu.memory_space<vmem>>, %arg15: memref<80x128xf32, #tpu.memory_space<vmem>>, %arg16: memref<48x128xf32, #tpu.memory_space<vmem>>, %arg17: memref<10000x128xf32, #tpu.memory_space<vmem_shared>>, %arg18: memref<!tpu.dma_semaphore, #tpu.memory_space<semaphore_mem>>, %arg19: memref<!tpu.dma_semaphore, #tpu.memory_space<semaphore_mem>>, %arg20: memref<!tpu.dma_semaphore, #tpu.memory_space<semaphore_mem>>, %arg21: memref<!tpu.dma_semaphore, #tpu.memory_space<semaphore_mem>>) attributes {dimension_semantics = [#tpu.dimension_semantics<core_parallel>, #tpu.dimension_semantics<subcore_parallel>], iteration_bounds = array<i64: 2, 16>, scalar_prefetch = 0 : i64, scratch_operands = 14 : i64, tpu.core_type = #tpu.core_type<sc_vector_subcore>, window_params = [{transform_indices = #map}, {transform_indices = #map}, {transform_indices = #map1}, {transform_indices = #map1}, {transform_indices = #map1}, {transform_indices = #map2}]} {
    %mul3A = arith.constant 2 : i32
    %mul3A_0 = arith.muli %arg1, %mul3A : i32
    %add3A = arith.addi %mul3A_0, %arg0 : i32
    %mul3A_1 = arith.constant 624 : i32
    %mul3A_2 = arith.muli %arg1, %mul3A_1 : i32
    %add3A_3 = arith.constant 0 : i32
    %add3A_4 = arith.addi %add3A_3, %add3A : i32
    %mul3A_5 = arith.constant 80 : i32
    %mul3A_6 = arith.muli %add3A_4, %mul3A_5 : i32
    %dma_start3A = arith.constant 0 : i32
    %dma_start3A_7 = arith.constant 0 : i32
    %dma_start3A_8 = tpu.memref_slice %arg8[%dma_start3A, %dma_start3A_7] : memref<4x80xi32, #tpu.memory_space<vmem>> -> memref<1x80xi32, #tpu.memory_space<vmem>>
    %dma_start3A_9 = tpu.memref_squeeze %dma_start3A_8 : memref<1x80xi32, #tpu.memory_space<vmem>> -> memref<80xi32, #tpu.memory_space<vmem>>
    %dma_start3A_10 = tpu.memref_slice %arg2[%mul3A_6] : memref<320000xi32, #tpu.memory_space<hbm>> -> memref<80xi32, #tpu.memory_space<hbm>>
    %dma_start3A_11 = arith.constant 0 : i32
    %dma_start3A_12 = tpu.memref_slice %arg8[%dma_start3A, %dma_start3A_11] : memref<4x80xi32, #tpu.memory_space<vmem>> -> memref<1x80xi32, #tpu.memory_space<vmem>>
    %dma_start3A_13 = tpu.memref_squeeze %dma_start3A_12 : memref<1x80xi32, #tpu.memory_space<vmem>> -> memref<80xi32, #tpu.memory_space<vmem>>
    %dma_start3A_14 = tpu.memref_slice %arg2[%mul3A_6] : memref<320000xi32, #tpu.memory_space<hbm>> -> memref<80xi32, #tpu.memory_space<hbm>>
    tpu.enqueue_dma source(%dma_start3A_14 : memref<80xi32, #tpu.memory_space<hbm>>) target(%dma_start3A_13 : memref<80xi32, #tpu.memory_space<vmem>>) target_semaphore(%arg18 : memref<!tpu.dma_semaphore, #tpu.memory_space<semaphore_mem>>)
    %dma_start3A_15 = arith.constant 0 : i32
    %dma_start3A_16 = arith.constant 0 : i32
    %dma_start3A_17 = tpu.memref_slice %arg9[%dma_start3A_15, %dma_start3A_16] : memref<4x80xi32, #tpu.memory_space<vmem>> -> memref<1x80xi32, #tpu.memory_space<vmem>>
    %dma_start3A_18 = tpu.memref_squeeze %dma_start3A_17 : memref<1x80xi32, #tpu.memory_space<vmem>> -> memref<80xi32, #tpu.memory_space<vmem>>
    %dma_start3A_19 = tpu.memref_slice %arg3[%mul3A_6] : memref<320000xi32, #tpu.memory_space<hbm>> -> memref<80xi32, #tpu.memory_space<hbm>>
    %dma_start3A_20 = arith.constant 0 : i32
    %dma_start3A_21 = tpu.memref_slice %arg9[%dma_start3A_15, %dma_start3A_20] : memref<4x80xi32, #tpu.memory_space<vmem>> -> memref<1x80xi32, #tpu.memory_space<vmem>>
    %dma_start3A_22 = tpu.memref_squeeze %dma_start3A_21 : memref<1x80xi32, #tpu.memory_space<vmem>> -> memref<80xi32, #tpu.memory_space<vmem>>
    %dma_start3A_23 = tpu.memref_slice %arg3[%mul3A_6] : memref<320000xi32, #tpu.memory_space<hbm>> -> memref<80xi32, #tpu.memory_space<hbm>>
    tpu.enqueue_dma source(%dma_start3A_23 : memref<80xi32, #tpu.memory_space<hbm>>) target(%dma_start3A_22 : memref<80xi32, #tpu.memory_space<vmem>>) target_semaphore(%arg18 : memref<!tpu.dma_semaphore, #tpu.memory_space<semaphore_mem>>)
    "tpu.region"() ({
      %run_scoped3A_172 = tpu.sem_alloc : memref<!tpu.dma_semaphore, #tpu.memory_space<semaphore_mem>>
      %dma_start3A_173 = arith.constant 0 : i32
      %dma_start3A_174 = arith.constant 0 : i32
      %dma_start3A_175 = tpu.memref_slice %arg6[%dma_start3A_173, %dma_start3A_174] : memref<10000x128xf32, #tpu.memory_space<hbm>> -> memref<48x128xf32, #tpu.memory_space<hbm>>
      %dma_start3A_176 = arith.constant 0 : i32
      %dma_start3A_177 = arith.constant 0 : i32
      %dma_start3A_178 = tpu.memref_slice %arg6[%dma_start3A_176, %dma_start3A_177] : memref<10000x128xf32, #tpu.memory_space<hbm>> -> memref<48x128xf32, #tpu.memory_space<hbm>>
      tpu.enqueue_dma source(%dma_start3A_178 : memref<48x128xf32, #tpu.memory_space<hbm>>) target(%arg16 : memref<48x128xf32, #tpu.memory_space<vmem>>) target_semaphore(%run_scoped3A_172 : memref<!tpu.dma_semaphore, #tpu.memory_space<semaphore_mem>>)
      %dma_wait3A_179 = arith.constant 0 : i32
      %dma_wait3A_180 = arith.constant 0 : i32
      %dma_wait3A_181 = tpu.memref_slice %arg6[%dma_wait3A_179, %dma_wait3A_180] : memref<10000x128xf32, #tpu.memory_space<hbm>> -> memref<48x128xf32, #tpu.memory_space<hbm>>
      %dma_wait3A_182 = arith.constant 0 : i32
      %dma_wait3A_183 = arith.constant 0 : i32
      %dma_wait3A_184 = tpu.memref_slice %arg6[%dma_wait3A_182, %dma_wait3A_183] : memref<10000x128xf32, #tpu.memory_space<hbm>> -> memref<48x128xf32, #tpu.memory_space<hbm>>
      tpu.wait_dma2 semaphore(%run_scoped3A_172 : memref<!tpu.dma_semaphore, #tpu.memory_space<semaphore_mem>>) src(%dma_wait3A_184 : memref<48x128xf32, #tpu.memory_space<hbm>>) dst(%arg16 : memref<48x128xf32, #tpu.memory_space<vmem>>)
      tpu.yield
    }) : () -> ()
    %add3A_24 = arith.constant 0 : i32
    %add3A_25 = arith.addi %mul3A_2, %add3A_24 : i32
    "tpu.region"() ({
      %run_scoped3A_172 = tpu.sem_alloc : memref<!tpu.dma_semaphore, #tpu.memory_space<semaphore_mem>>
      %dma_start3A_173 = arith.constant 0 : i32
      %dma_start3A_174 = tpu.memref_slice %arg17[%add3A_25, %dma_start3A_173] : memref<10000x128xf32, #tpu.memory_space<vmem_shared>> -> memref<48x128xf32, #tpu.memory_space<vmem_shared>>
      %dma_start3A_175 = arith.constant 0 : i32
      %dma_start3A_176 = tpu.memref_slice %arg17[%add3A_25, %dma_start3A_175] : memref<10000x128xf32, #tpu.memory_space<vmem_shared>> -> memref<48x128xf32, #tpu.memory_space<vmem_shared>>
      tpu.enqueue_dma source(%arg16 : memref<48x128xf32, #tpu.memory_space<vmem>>) target(%dma_start3A_176 : memref<48x128xf32, #tpu.memory_space<vmem_shared>>) target_semaphore(%run_scoped3A_172 : memref<!tpu.dma_semaphore, #tpu.memory_space<semaphore_mem>>)
      %dma_wait3A_177 = arith.constant 0 : i32
      %dma_wait3A_178 = tpu.memref_slice %arg17[%add3A_25, %dma_wait3A_177] : memref<10000x128xf32, #tpu.memory_space<vmem_shared>> -> memref<48x128xf32, #tpu.memory_space<vmem_shared>>
      %dma_wait3A_179 = arith.constant 0 : i32
      %dma_wait3A_180 = tpu.memref_slice %arg17[%add3A_25, %dma_wait3A_179] : memref<10000x128xf32, #tpu.memory_space<vmem_shared>> -> memref<48x128xf32, #tpu.memory_space<vmem_shared>>
      tpu.wait_dma2 semaphore(%run_scoped3A_172 : memref<!tpu.dma_semaphore, #tpu.memory_space<semaphore_mem>>) src(%arg16 : memref<48x128xf32, #tpu.memory_space<vmem>>) dst(%dma_wait3A_180 : memref<48x128xf32, #tpu.memory_space<vmem_shared>>)
      tpu.yield
    }) : () -> ()
    %add3A_26 = arith.constant 48 : i32
    %add3A_27 = arith.addi %mul3A_2, %add3A_26 : i32
    "tpu.region"() ({
      %run_scoped3A_172 = tpu.sem_alloc : memref<!tpu.dma_semaphore, #tpu.memory_space<semaphore_mem>>
      %dma_start3A_173 = arith.constant 0 : i32
      %dma_start3A_174 = tpu.memref_slice %arg17[%add3A_27, %dma_start3A_173] : memref<10000x128xf32, #tpu.memory_space<vmem_shared>> -> memref<48x128xf32, #tpu.memory_space<vmem_shared>>
      %dma_start3A_175 = arith.constant 0 : i32
      %dma_start3A_176 = tpu.memref_slice %arg17[%add3A_27, %dma_start3A_175] : memref<10000x128xf32, #tpu.memory_space<vmem_shared>> -> memref<48x128xf32, #tpu.memory_space<vmem_shared>>
      tpu.enqueue_dma source(%arg16 : memref<48x128xf32, #tpu.memory_space<vmem>>) target(%dma_start3A_176 : memref<48x128xf32, #tpu.memory_space<vmem_shared>>) target_semaphore(%run_scoped3A_172 : memref<!tpu.dma_semaphore, #tpu.memory_space<semaphore_mem>>)
      %dma_wait3A_177 = arith.constant 0 : i32
      %dma_wait3A_178 = tpu.memref_slice %arg17[%add3A_27, %dma_wait3A_177] : memref<10000x128xf32, #tpu.memory_space<vmem_shared>> -> memref<48x128xf32, #tpu.memory_space<vmem_shared>>
      %dma_wait3A_179 = arith.constant 0 : i32
      %dma_wait3A_180 = tpu.memref_slice %arg17[%add3A_27, %dma_wait3A_179] : memref<10000x128xf32, #tpu.memory_space<vmem_shared>> -> memref<48x128xf32, #tpu.memory_space<vmem_shared>>
      tpu.wait_dma2 semaphore(%run_scoped3A_172 : memref<!tpu.dma_semaphore, #tpu.memory_space<semaphore_mem>>) src(%arg16 : memref<48x128xf32, #tpu.memory_space<vmem>>) dst(%dma_wait3A_180 : memref<48x128xf32, #tpu.memory_space<vmem_shared>>)
      tpu.yield
    }) : () -> ()
    %add3A_28 = arith.constant 96 : i32
    %add3A_29 = arith.addi %mul3A_2, %add3A_28 : i32
    "tpu.region"() ({
      %run_scoped3A_172 = tpu.sem_alloc : memref<!tpu.dma_semaphore, #tpu.memory_space<semaphore_mem>>
      %dma_start3A_173 = arith.constant 0 : i32
      %dma_start3A_174 = tpu.memref_slice %arg17[%add3A_29, %dma_start3A_173] : memref<10000x128xf32, #tpu.memory_space<vmem_shared>> -> memref<48x128xf32, #tpu.memory_space<vmem_shared>>
      %dma_start3A_175 = arith.constant 0 : i32
      %dma_start3A_176 = tpu.memref_slice %arg17[%add3A_29, %dma_start3A_175] : memref<10000x128xf32, #tpu.memory_space<vmem_shared>> -> memref<48x128xf32, #tpu.memory_space<vmem_shared>>
      tpu.enqueue_dma source(%arg16 : memref<48x128xf32, #tpu.memory_space<vmem>>) target(%dma_start3A_176 : memref<48x128xf32, #tpu.memory_space<vmem_shared>>) target_semaphore(%run_scoped3A_172 : memref<!tpu.dma_semaphore, #tpu.memory_space<semaphore_mem>>)
      %dma_wait3A_177 = arith.constant 0 : i32
      %dma_wait3A_178 = tpu.memref_slice %arg17[%add3A_29, %dma_wait3A_177] : memref<10000x128xf32, #tpu.memory_space<vmem_shared>> -> memref<48x128xf32, #tpu.memory_space<vmem_shared>>
      %dma_wait3A_179 = arith.constant 0 : i32
      %dma_wait3A_180 = tpu.memref_slice %arg17[%add3A_29, %dma_wait3A_179] : memref<10000x128xf32, #tpu.memory_space<vmem_shared>> -> memref<48x128xf32, #tpu.memory_space<vmem_shared>>
      tpu.wait_dma2 semaphore(%run_scoped3A_172 : memref<!tpu.dma_semaphore, #tpu.memory_space<semaphore_mem>>) src(%arg16 : memref<48x128xf32, #tpu.memory_space<vmem>>) dst(%dma_wait3A_180 : memref<48x128xf32, #tpu.memory_space<vmem_shared>>)
      tpu.yield
    }) : () -> ()
    %add3A_30 = arith.constant 144 : i32
    %add3A_31 = arith.addi %mul3A_2, %add3A_30 : i32
    "tpu.region"() ({
      %run_scoped3A_172 = tpu.sem_alloc : memref<!tpu.dma_semaphore, #tpu.memory_space<semaphore_mem>>
      %dma_start3A_173 = arith.constant 0 : i32
      %dma_start3A_174 = tpu.memref_slice %arg17[%add3A_31, %dma_start3A_173] : memref<10000x128xf32, #tpu.memory_space<vmem_shared>> -> memref<48x128xf32, #tpu.memory_space<vmem_shared>>
      %dma_start3A_175 = arith.constant 0 : i32
      %dma_start3A_176 = tpu.memref_slice %arg17[%add3A_31, %dma_start3A_175] : memref<10000x128xf32, #tpu.memory_space<vmem_shared>> -> memref<48x128xf32, #tpu.memory_space<vmem_shared>>
      tpu.enqueue_dma source(%arg16 : memref<48x128xf32, #tpu.memory_space<vmem>>) target(%dma_start3A_176 : memref<48x128xf32, #tpu.memory_space<vmem_shared>>) target_semaphore(%run_scoped3A_172 : memref<!tpu.dma_semaphore, #tpu.memory_space<semaphore_mem>>)
      %dma_wait3A_177 = arith.constant 0 : i32
      %dma_wait3A_178 = tpu.memref_slice %arg17[%add3A_31, %dma_wait3A_177] : memref<10000x128xf32, #tpu.memory_space<vmem_shared>> -> memref<48x128xf32, #tpu.memory_space<vmem_shared>>
      %dma_wait3A_179 = arith.constant 0 : i32
      %dma_wait3A_180 = tpu.memref_slice %arg17[%add3A_31, %dma_wait3A_179] : memref<10000x128xf32, #tpu.memory_space<vmem_shared>> -> memref<48x128xf32, #tpu.memory_space<vmem_shared>>
      tpu.wait_dma2 semaphore(%run_scoped3A_172 : memref<!tpu.dma_semaphore, #tpu.memory_space<semaphore_mem>>) src(%arg16 : memref<48x128xf32, #tpu.memory_space<vmem>>) dst(%dma_wait3A_180 : memref<48x128xf32, #tpu.memory_space<vmem_shared>>)
      tpu.yield
    }) : () -> ()
    %add3A_32 = arith.constant 192 : i32
    %add3A_33 = arith.addi %mul3A_2, %add3A_32 : i32
    "tpu.region"() ({
      %run_scoped3A_172 = tpu.sem_alloc : memref<!tpu.dma_semaphore, #tpu.memory_space<semaphore_mem>>
      %dma_start3A_173 = arith.constant 0 : i32
      %dma_start3A_174 = tpu.memref_slice %arg17[%add3A_33, %dma_start3A_173] : memref<10000x128xf32, #tpu.memory_space<vmem_shared>> -> memref<48x128xf32, #tpu.memory_space<vmem_shared>>
      %dma_start3A_175 = arith.constant 0 : i32
      %dma_start3A_176 = tpu.memref_slice %arg17[%add3A_33, %dma_start3A_175] : memref<10000x128xf32, #tpu.memory_space<vmem_shared>> -> memref<48x128xf32, #tpu.memory_space<vmem_shared>>
      tpu.enqueue_dma source(%arg16 : memref<48x128xf32, #tpu.memory_space<vmem>>) target(%dma_start3A_176 : memref<48x128xf32, #tpu.memory_space<vmem_shared>>) target_semaphore(%run_scoped3A_172 : memref<!tpu.dma_semaphore, #tpu.memory_space<semaphore_mem>>)
      %dma_wait3A_177 = arith.constant 0 : i32
      %dma_wait3A_178 = tpu.memref_slice %arg17[%add3A_33, %dma_wait3A_177] : memref<10000x128xf32, #tpu.memory_space<vmem_shared>> -> memref<48x128xf32, #tpu.memory_space<vmem_shared>>
      %dma_wait3A_179 = arith.constant 0 : i32
      %dma_wait3A_180 = tpu.memref_slice %arg17[%add3A_33, %dma_wait3A_179] : memref<10000x128xf32, #tpu.memory_space<vmem_shared>> -> memref<48x128xf32, #tpu.memory_space<vmem_shared>>
      tpu.wait_dma2 semaphore(%run_scoped3A_172 : memref<!tpu.dma_semaphore, #tpu.memory_space<semaphore_mem>>) src(%arg16 : memref<48x128xf32, #tpu.memory_space<vmem>>) dst(%dma_wait3A_180 : memref<48x128xf32, #tpu.memory_space<vmem_shared>>)
      tpu.yield
    }) : () -> ()
    %add3A_34 = arith.constant 240 : i32
    %add3A_35 = arith.addi %mul3A_2, %add3A_34 : i32
    "tpu.region"() ({
      %run_scoped3A_172 = tpu.sem_alloc : memref<!tpu.dma_semaphore, #tpu.memory_space<semaphore_mem>>
      %dma_start3A_173 = arith.constant 0 : i32
      %dma_start3A_174 = tpu.memref_slice %arg17[%add3A_35, %dma_start3A_173] : memref<10000x128xf32, #tpu.memory_space<vmem_shared>> -> memref<48x128xf32, #tpu.memory_space<vmem_shared>>
      %dma_start3A_175 = arith.constant 0 : i32
      %dma_start3A_176 = tpu.memref_slice %arg17[%add3A_35, %dma_start3A_175] : memref<10000x128xf32, #tpu.memory_space<vmem_shared>> -> memref<48x128xf32, #tpu.memory_space<vmem_shared>>
      tpu.enqueue_dma source(%arg16 : memref<48x128xf32, #tpu.memory_space<vmem>>) target(%dma_start3A_176 : memref<48x128xf32, #tpu.memory_space<vmem_shared>>) target_semaphore(%run_scoped3A_172 : memref<!tpu.dma_semaphore, #tpu.memory_space<semaphore_mem>>)
      %dma_wait3A_177 = arith.constant 0 : i32
      %dma_wait3A_178 = tpu.memref_slice %arg17[%add3A_35, %dma_wait3A_177] : memref<10000x128xf32, #tpu.memory_space<vmem_shared>> -> memref<48x128xf32, #tpu.memory_space<vmem_shared>>
      %dma_wait3A_179 = arith.constant 0 : i32
      %dma_wait3A_180 = tpu.memref_slice %arg17[%add3A_35, %dma_wait3A_179] : memref<10000x128xf32, #tpu.memory_space<vmem_shared>> -> memref<48x128xf32, #tpu.memory_space<vmem_shared>>
      tpu.wait_dma2 semaphore(%run_scoped3A_172 : memref<!tpu.dma_semaphore, #tpu.memory_space<semaphore_mem>>) src(%arg16 : memref<48x128xf32, #tpu.memory_space<vmem>>) dst(%dma_wait3A_180 : memref<48x128xf32, #tpu.memory_space<vmem_shared>>)
      tpu.yield
    }) : () -> ()
    %add3A_36 = arith.constant 288 : i32
    %add3A_37 = arith.addi %mul3A_2, %add3A_36 : i32
    "tpu.region"() ({
      %run_scoped3A_172 = tpu.sem_alloc : memref<!tpu.dma_semaphore, #tpu.memory_space<semaphore_mem>>
      %dma_start3A_173 = arith.constant 0 : i32
      %dma_start3A_174 = tpu.memref_slice %arg17[%add3A_37, %dma_start3A_173] : memref<10000x128xf32, #tpu.memory_space<vmem_shared>> -> memref<48x128xf32, #tpu.memory_space<vmem_shared>>
      %dma_start3A_175 = arith.constant 0 : i32
      %dma_start3A_176 = tpu.memref_slice %arg17[%add3A_37, %dma_start3A_175] : memref<10000x128xf32, #tpu.memory_space<vmem_shared>> -> memref<48x128xf32, #tpu.memory_space<vmem_shared>>
      tpu.enqueue_dma source(%arg16 : memref<48x128xf32, #tpu.memory_space<vmem>>) target(%dma_start3A_176 : memref<48x128xf32, #tpu.memory_space<vmem_shared>>) target_semaphore(%run_scoped3A_172 : memref<!tpu.dma_semaphore, #tpu.memory_space<semaphore_mem>>)
      %dma_wait3A_177 = arith.constant 0 : i32
      %dma_wait3A_178 = tpu.memref_slice %arg17[%add3A_37, %dma_wait3A_177] : memref<10000x128xf32, #tpu.memory_space<vmem_shared>> -> memref<48x128xf32, #tpu.memory_space<vmem_shared>>
      %dma_wait3A_179 = arith.constant 0 : i32
      %dma_wait3A_180 = tpu.memref_slice %arg17[%add3A_37, %dma_wait3A_179] : memref<10000x128xf32, #tpu.memory_space<vmem_shared>> -> memref<48x128xf32, #tpu.memory_space<vmem_shared>>
      tpu.wait_dma2 semaphore(%run_scoped3A_172 : memref<!tpu.dma_semaphore, #tpu.memory_space<semaphore_mem>>) src(%arg16 : memref<48x128xf32, #tpu.memory_space<vmem>>) dst(%dma_wait3A_180 : memref<48x128xf32, #tpu.memory_space<vmem_shared>>)
      tpu.yield
    }) : () -> ()
    %add3A_38 = arith.constant 336 : i32
    %add3A_39 = arith.addi %mul3A_2, %add3A_38 : i32
    "tpu.region"() ({
      %run_scoped3A_172 = tpu.sem_alloc : memref<!tpu.dma_semaphore, #tpu.memory_space<semaphore_mem>>
      %dma_start3A_173 = arith.constant 0 : i32
      %dma_start3A_174 = tpu.memref_slice %arg17[%add3A_39, %dma_start3A_173] : memref<10000x128xf32, #tpu.memory_space<vmem_shared>> -> memref<48x128xf32, #tpu.memory_space<vmem_shared>>
      %dma_start3A_175 = arith.constant 0 : i32
      %dma_start3A_176 = tpu.memref_slice %arg17[%add3A_39, %dma_start3A_175] : memref<10000x128xf32, #tpu.memory_space<vmem_shared>> -> memref<48x128xf32, #tpu.memory_space<vmem_shared>>
      tpu.enqueue_dma source(%arg16 : memref<48x128xf32, #tpu.memory_space<vmem>>) target(%dma_start3A_176 : memref<48x128xf32, #tpu.memory_space<vmem_shared>>) target_semaphore(%run_scoped3A_172 : memref<!tpu.dma_semaphore, #tpu.memory_space<semaphore_mem>>)
      %dma_wait3A_177 = arith.constant 0 : i32
      %dma_wait3A_178 = tpu.memref_slice %arg17[%add3A_39, %dma_wait3A_177] : memref<10000x128xf32, #tpu.memory_space<vmem_shared>> -> memref<48x128xf32, #tpu.memory_space<vmem_shared>>
      %dma_wait3A_179 = arith.constant 0 : i32
      %dma_wait3A_180 = tpu.memref_slice %arg17[%add3A_39, %dma_wait3A_179] : memref<10000x128xf32, #tpu.memory_space<vmem_shared>> -> memref<48x128xf32, #tpu.memory_space<vmem_shared>>
      tpu.wait_dma2 semaphore(%run_scoped3A_172 : memref<!tpu.dma_semaphore, #tpu.memory_space<semaphore_mem>>) src(%arg16 : memref<48x128xf32, #tpu.memory_space<vmem>>) dst(%dma_wait3A_180 : memref<48x128xf32, #tpu.memory_space<vmem_shared>>)
      tpu.yield
    }) : () -> ()
    %add3A_40 = arith.constant 384 : i32
    %add3A_41 = arith.addi %mul3A_2, %add3A_40 : i32
    "tpu.region"() ({
      %run_scoped3A_172 = tpu.sem_alloc : memref<!tpu.dma_semaphore, #tpu.memory_space<semaphore_mem>>
      %dma_start3A_173 = arith.constant 0 : i32
      %dma_start3A_174 = tpu.memref_slice %arg17[%add3A_41, %dma_start3A_173] : memref<10000x128xf32, #tpu.memory_space<vmem_shared>> -> memref<48x128xf32, #tpu.memory_space<vmem_shared>>
      %dma_start3A_175 = arith.constant 0 : i32
      %dma_start3A_176 = tpu.memref_slice %arg17[%add3A_41, %dma_start3A_175] : memref<10000x128xf32, #tpu.memory_space<vmem_shared>> -> memref<48x128xf32, #tpu.memory_space<vmem_shared>>
      tpu.enqueue_dma source(%arg16 : memref<48x128xf32, #tpu.memory_space<vmem>>) target(%dma_start3A_176 : memref<48x128xf32, #tpu.memory_space<vmem_shared>>) target_semaphore(%run_scoped3A_172 : memref<!tpu.dma_semaphore, #tpu.memory_space<semaphore_mem>>)
      %dma_wait3A_177 = arith.constant 0 : i32
      %dma_wait3A_178 = tpu.memref_slice %arg17[%add3A_41, %dma_wait3A_177] : memref<10000x128xf32, #tpu.memory_space<vmem_shared>> -> memref<48x128xf32, #tpu.memory_space<vmem_shared>>
      %dma_wait3A_179 = arith.constant 0 : i32
      %dma_wait3A_180 = tpu.memref_slice %arg17[%add3A_41, %dma_wait3A_179] : memref<10000x128xf32, #tpu.memory_space<vmem_shared>> -> memref<48x128xf32, #tpu.memory_space<vmem_shared>>
      tpu.wait_dma2 semaphore(%run_scoped3A_172 : memref<!tpu.dma_semaphore, #tpu.memory_space<semaphore_mem>>) src(%arg16 : memref<48x128xf32, #tpu.memory_space<vmem>>) dst(%dma_wait3A_180 : memref<48x128xf32, #tpu.memory_space<vmem_shared>>)
      tpu.yield
    }) : () -> ()
    %add3A_42 = arith.constant 432 : i32
    %add3A_43 = arith.addi %mul3A_2, %add3A_42 : i32
    "tpu.region"() ({
      %run_scoped3A_172 = tpu.sem_alloc : memref<!tpu.dma_semaphore, #tpu.memory_space<semaphore_mem>>
      %dma_start3A_173 = arith.constant 0 : i32
      %dma_start3A_174 = tpu.memref_slice %arg17[%add3A_43, %dma_start3A_173] : memref<10000x128xf32, #tpu.memory_space<vmem_shared>> -> memref<48x128xf32, #tpu.memory_space<vmem_shared>>
      %dma_start3A_175 = arith.constant 0 : i32
      %dma_start3A_176 = tpu.memref_slice %arg17[%add3A_43, %dma_start3A_175] : memref<10000x128xf32, #tpu.memory_space<vmem_shared>> -> memref<48x128xf32, #tpu.memory_space<vmem_shared>>
      tpu.enqueue_dma source(%arg16 : memref<48x128xf32, #tpu.memory_space<vmem>>) target(%dma_start3A_176 : memref<48x128xf32, #tpu.memory_space<vmem_shared>>) target_semaphore(%run_scoped3A_172 : memref<!tpu.dma_semaphore, #tpu.memory_space<semaphore_mem>>)
      %dma_wait3A_177 = arith.constant 0 : i32
      %dma_wait3A_178 = tpu.memref_slice %arg17[%add3A_43, %dma_wait3A_177] : memref<10000x128xf32, #tpu.memory_space<vmem_shared>> -> memref<48x128xf32, #tpu.memory_space<vmem_shared>>
      %dma_wait3A_179 = arith.constant 0 : i32
      %dma_wait3A_180 = tpu.memref_slice %arg17[%add3A_43, %dma_wait3A_179] : memref<10000x128xf32, #tpu.memory_space<vmem_shared>> -> memref<48x128xf32, #tpu.memory_space<vmem_shared>>
      tpu.wait_dma2 semaphore(%run_scoped3A_172 : memref<!tpu.dma_semaphore, #tpu.memory_space<semaphore_mem>>) src(%arg16 : memref<48x128xf32, #tpu.memory_space<vmem>>) dst(%dma_wait3A_180 : memref<48x128xf32, #tpu.memory_space<vmem_shared>>)
      tpu.yield
    }) : () -> ()
    %add3A_44 = arith.constant 480 : i32
    %add3A_45 = arith.addi %mul3A_2, %add3A_44 : i32
    "tpu.region"() ({
      %run_scoped3A_172 = tpu.sem_alloc : memref<!tpu.dma_semaphore, #tpu.memory_space<semaphore_mem>>
      %dma_start3A_173 = arith.constant 0 : i32
      %dma_start3A_174 = tpu.memref_slice %arg17[%add3A_45, %dma_start3A_173] : memref<10000x128xf32, #tpu.memory_space<vmem_shared>> -> memref<48x128xf32, #tpu.memory_space<vmem_shared>>
      %dma_start3A_175 = arith.constant 0 : i32
      %dma_start3A_176 = tpu.memref_slice %arg17[%add3A_45, %dma_start3A_175] : memref<10000x128xf32, #tpu.memory_space<vmem_shared>> -> memref<48x128xf32, #tpu.memory_space<vmem_shared>>
      tpu.enqueue_dma source(%arg16 : memref<48x128xf32, #tpu.memory_space<vmem>>) target(%dma_start3A_176 : memref<48x128xf32, #tpu.memory_space<vmem_shared>>) target_semaphore(%run_scoped3A_172 : memref<!tpu.dma_semaphore, #tpu.memory_space<semaphore_mem>>)
      %dma_wait3A_177 = arith.constant 0 : i32
      %dma_wait3A_178 = tpu.memref_slice %arg17[%add3A_45, %dma_wait3A_177] : memref<10000x128xf32, #tpu.memory_space<vmem_shared>> -> memref<48x128xf32, #tpu.memory_space<vmem_shared>>
      %dma_wait3A_179 = arith.constant 0 : i32
      %dma_wait3A_180 = tpu.memref_slice %arg17[%add3A_45, %dma_wait3A_179] : memref<10000x128xf32, #tpu.memory_space<vmem_shared>> -> memref<48x128xf32, #tpu.memory_space<vmem_shared>>
      tpu.wait_dma2 semaphore(%run_scoped3A_172 : memref<!tpu.dma_semaphore, #tpu.memory_space<semaphore_mem>>) src(%arg16 : memref<48x128xf32, #tpu.memory_space<vmem>>) dst(%dma_wait3A_180 : memref<48x128xf32, #tpu.memory_space<vmem_shared>>)
      tpu.yield
    }) : () -> ()
    %add3A_46 = arith.constant 528 : i32
    %add3A_47 = arith.addi %mul3A_2, %add3A_46 : i32
    "tpu.region"() ({
      %run_scoped3A_172 = tpu.sem_alloc : memref<!tpu.dma_semaphore, #tpu.memory_space<semaphore_mem>>
      %dma_start3A_173 = arith.constant 0 : i32
      %dma_start3A_174 = tpu.memref_slice %arg17[%add3A_47, %dma_start3A_173] : memref<10000x128xf32, #tpu.memory_space<vmem_shared>> -> memref<48x128xf32, #tpu.memory_space<vmem_shared>>
      %dma_start3A_175 = arith.constant 0 : i32
      %dma_start3A_176 = tpu.memref_slice %arg17[%add3A_47, %dma_start3A_175] : memref<10000x128xf32, #tpu.memory_space<vmem_shared>> -> memref<48x128xf32, #tpu.memory_space<vmem_shared>>
      tpu.enqueue_dma source(%arg16 : memref<48x128xf32, #tpu.memory_space<vmem>>) target(%dma_start3A_176 : memref<48x128xf32, #tpu.memory_space<vmem_shared>>) target_semaphore(%run_scoped3A_172 : memref<!tpu.dma_semaphore, #tpu.memory_space<semaphore_mem>>)
      %dma_wait3A_177 = arith.constant 0 : i32
      %dma_wait3A_178 = tpu.memref_slice %arg17[%add3A_47, %dma_wait3A_177] : memref<10000x128xf32, #tpu.memory_space<vmem_shared>> -> memref<48x128xf32, #tpu.memory_space<vmem_shared>>
      %dma_wait3A_179 = arith.constant 0 : i32
      %dma_wait3A_180 = tpu.memref_slice %arg17[%add3A_47, %dma_wait3A_179] : memref<10000x128xf32, #tpu.memory_space<vmem_shared>> -> memref<48x128xf32, #tpu.memory_space<vmem_shared>>
      tpu.wait_dma2 semaphore(%run_scoped3A_172 : memref<!tpu.dma_semaphore, #tpu.memory_space<semaphore_mem>>) src(%arg16 : memref<48x128xf32, #tpu.memory_space<vmem>>) dst(%dma_wait3A_180 : memref<48x128xf32, #tpu.memory_space<vmem_shared>>)
      tpu.yield
    }) : () -> ()
    %add3A_48 = arith.constant 576 : i32
    %add3A_49 = arith.addi %mul3A_2, %add3A_48 : i32
    "tpu.region"() ({
      %run_scoped3A_172 = tpu.sem_alloc : memref<!tpu.dma_semaphore, #tpu.memory_space<semaphore_mem>>
      %dma_start3A_173 = arith.constant 0 : i32
      %dma_start3A_174 = tpu.memref_slice %arg17[%add3A_49, %dma_start3A_173] : memref<10000x128xf32, #tpu.memory_space<vmem_shared>> -> memref<48x128xf32, #tpu.memory_space<vmem_shared>>
      %dma_start3A_175 = arith.constant 0 : i32
      %dma_start3A_176 = tpu.memref_slice %arg17[%add3A_49, %dma_start3A_175] : memref<10000x128xf32, #tpu.memory_space<vmem_shared>> -> memref<48x128xf32, #tpu.memory_space<vmem_shared>>
      tpu.enqueue_dma source(%arg16 : memref<48x128xf32, #tpu.memory_space<vmem>>) target(%dma_start3A_176 : memref<48x128xf32, #tpu.memory_space<vmem_shared>>) target_semaphore(%run_scoped3A_172 : memref<!tpu.dma_semaphore, #tpu.memory_space<semaphore_mem>>)
      %dma_wait3A_177 = arith.constant 0 : i32
      %dma_wait3A_178 = tpu.memref_slice %arg17[%add3A_49, %dma_wait3A_177] : memref<10000x128xf32, #tpu.memory_space<vmem_shared>> -> memref<48x128xf32, #tpu.memory_space<vmem_shared>>
      %dma_wait3A_179 = arith.constant 0 : i32
      %dma_wait3A_180 = tpu.memref_slice %arg17[%add3A_49, %dma_wait3A_179] : memref<10000x128xf32, #tpu.memory_space<vmem_shared>> -> memref<48x128xf32, #tpu.memory_space<vmem_shared>>
      tpu.wait_dma2 semaphore(%run_scoped3A_172 : memref<!tpu.dma_semaphore, #tpu.memory_space<semaphore_mem>>) src(%arg16 : memref<48x128xf32, #tpu.memory_space<vmem>>) dst(%dma_wait3A_180 : memref<48x128xf32, #tpu.memory_space<vmem_shared>>)
      tpu.yield
    }) : () -> ()
    %eq3A = arith.constant 15 : i32
    %eq3A_50 = arith.cmpi eq, %arg1, %eq3A : i32
    %convert_element_type3A = arith.extui %eq3A_50 : i1 to i32
    %cond3A = arith.constant 0 : i32
    %cond3A_51 = arith.cmpi ne, %convert_element_type3A, %cond3A : i32
    scf.if %cond3A_51 {
      "tpu.region"() ({
        %run_scoped3A_172 = tpu.sem_alloc : memref<!tpu.dma_semaphore, #tpu.memory_space<semaphore_mem>>
        %dma_start3A_173 = arith.constant 0 : i32
        %dma_start3A_174 = arith.constant 0 : i32
        %dma_start3A_175 = tpu.memref_slice %arg16[%dma_start3A_173, %dma_start3A_174] : memref<48x128xf32, #tpu.memory_space<vmem>> -> memref<16x128xf32, #tpu.memory_space<vmem>>
        %dma_start3A_176 = arith.constant 9984 : i32
        %dma_start3A_177 = arith.constant 0 : i32
        %dma_start3A_178 = tpu.memref_slice %arg17[%dma_start3A_176, %dma_start3A_177] : memref<10000x128xf32, #tpu.memory_space<vmem_shared>> -> memref<16x128xf32, #tpu.memory_space<vmem_shared>>
        %dma_start3A_179 = arith.constant 9984 : i32
        %dma_start3A_180 = arith.constant 0 : i32
        %dma_start3A_181 = tpu.memref_slice %arg17[%dma_start3A_179, %dma_start3A_180] : memref<10000x128xf32, #tpu.memory_space<vmem_shared>> -> memref<16x128xf32, #tpu.memory_space<vmem_shared>>
        %dma_start3A_182 = arith.constant 0 : i32
        %dma_start3A_183 = arith.constant 0 : i32
        %dma_start3A_184 = tpu.memref_slice %arg16[%dma_start3A_182, %dma_start3A_183] : memref<48x128xf32, #tpu.memory_space<vmem>> -> memref<16x128xf32, #tpu.memory_space<vmem>>
        tpu.enqueue_dma source(%dma_start3A_184 : memref<16x128xf32, #tpu.memory_space<vmem>>) target(%dma_start3A_181 : memref<16x128xf32, #tpu.memory_space<vmem_shared>>) target_semaphore(%run_scoped3A_172 : memref<!tpu.dma_semaphore, #tpu.memory_space<semaphore_mem>>)
        %dma_wait3A_185 = arith.constant 0 : i32
        %dma_wait3A_186 = arith.constant 0 : i32
        %dma_wait3A_187 = tpu.memref_slice %arg16[%dma_wait3A_185, %dma_wait3A_186] : memref<48x128xf32, #tpu.memory_space<vmem>> -> memref<16x128xf32, #tpu.memory_space<vmem>>
        %dma_wait3A_188 = arith.constant 9984 : i32
        %dma_wait3A_189 = arith.constant 0 : i32
        %dma_wait3A_190 = tpu.memref_slice %arg17[%dma_wait3A_188, %dma_wait3A_189] : memref<10000x128xf32, #tpu.memory_space<vmem_shared>> -> memref<16x128xf32, #tpu.memory_space<vmem_shared>>
        %dma_wait3A_191 = arith.constant 9984 : i32
        %dma_wait3A_192 = arith.constant 0 : i32
        %dma_wait3A_193 = tpu.memref_slice %arg17[%dma_wait3A_191, %dma_wait3A_192] : memref<10000x128xf32, #tpu.memory_space<vmem_shared>> -> memref<16x128xf32, #tpu.memory_space<vmem_shared>>
        %dma_wait3A_194 = arith.constant 0 : i32
        %dma_wait3A_195 = arith.constant 0 : i32
        %dma_wait3A_196 = tpu.memref_slice %arg16[%dma_wait3A_194, %dma_wait3A_195] : memref<48x128xf32, #tpu.memory_space<vmem>> -> memref<16x128xf32, #tpu.memory_space<vmem>>
        tpu.wait_dma2 semaphore(%run_scoped3A_172 : memref<!tpu.dma_semaphore, #tpu.memory_space<semaphore_mem>>) src(%dma_wait3A_196 : memref<16x128xf32, #tpu.memory_space<vmem>>) dst(%dma_wait3A_193 : memref<16x128xf32, #tpu.memory_space<vmem_shared>>)
        tpu.yield
      }) : () -> ()
    } else {
    }
    %barrier3A = arith.constant 0 : index
    tpu.barrier barrier_id(%barrier3A)
    %add3A_52 = arith.constant 0 : i32
    %add3A_53 = arith.addi %add3A_52, %add3A : i32
    %mul3A_54 = arith.constant 80 : i32
    %mul3A_55 = arith.muli %add3A_53, %mul3A_54 : i32
    %dma_wait3A = arith.constant 0 : i32
    %dma_wait3A_56 = arith.constant 0 : i32
    %dma_wait3A_57 = tpu.memref_slice %arg8[%dma_wait3A, %dma_wait3A_56] : memref<4x80xi32, #tpu.memory_space<vmem>> -> memref<1x80xi32, #tpu.memory_space<vmem>>
    %dma_wait3A_58 = tpu.memref_squeeze %dma_wait3A_57 : memref<1x80xi32, #tpu.memory_space<vmem>> -> memref<80xi32, #tpu.memory_space<vmem>>
    %dma_wait3A_59 = tpu.memref_slice %arg2[%mul3A_55] : memref<320000xi32, #tpu.memory_space<hbm>> -> memref<80xi32, #tpu.memory_space<hbm>>
    %dma_wait3A_60 = arith.constant 0 : i32
    %dma_wait3A_61 = tpu.memref_slice %arg8[%dma_wait3A, %dma_wait3A_60] : memref<4x80xi32, #tpu.memory_space<vmem>> -> memref<1x80xi32, #tpu.memory_space<vmem>>
    %dma_wait3A_62 = tpu.memref_squeeze %dma_wait3A_61 : memref<1x80xi32, #tpu.memory_space<vmem>> -> memref<80xi32, #tpu.memory_space<vmem>>
    %dma_wait3A_63 = tpu.memref_slice %arg2[%mul3A_55] : memref<320000xi32, #tpu.memory_space<hbm>> -> memref<80xi32, #tpu.memory_space<hbm>>
    tpu.wait_dma2 semaphore(%arg18 : memref<!tpu.dma_semaphore, #tpu.memory_space<semaphore_mem>>) src(%dma_wait3A_63 : memref<80xi32, #tpu.memory_space<hbm>>) dst(%dma_wait3A_62 : memref<80xi32, #tpu.memory_space<vmem>>)
    %dma_wait3A_64 = arith.constant 0 : i32
    %dma_wait3A_65 = arith.constant 0 : i32
    %dma_wait3A_66 = tpu.memref_slice %arg9[%dma_wait3A_64, %dma_wait3A_65] : memref<4x80xi32, #tpu.memory_space<vmem>> -> memref<1x80xi32, #tpu.memory_space<vmem>>
    %dma_wait3A_67 = tpu.memref_squeeze %dma_wait3A_66 : memref<1x80xi32, #tpu.memory_space<vmem>> -> memref<80xi32, #tpu.memory_space<vmem>>
    %dma_wait3A_68 = tpu.memref_slice %arg3[%mul3A_55] : memref<320000xi32, #tpu.memory_space<hbm>> -> memref<80xi32, #tpu.memory_space<hbm>>
    %dma_wait3A_69 = arith.constant 0 : i32
    %dma_wait3A_70 = tpu.memref_slice %arg9[%dma_wait3A_64, %dma_wait3A_69] : memref<4x80xi32, #tpu.memory_space<vmem>> -> memref<1x80xi32, #tpu.memory_space<vmem>>
    %dma_wait3A_71 = tpu.memref_squeeze %dma_wait3A_70 : memref<1x80xi32, #tpu.memory_space<vmem>> -> memref<80xi32, #tpu.memory_space<vmem>>
    %dma_wait3A_72 = tpu.memref_slice %arg3[%mul3A_55] : memref<320000xi32, #tpu.memory_space<hbm>> -> memref<80xi32, #tpu.memory_space<hbm>>
    tpu.wait_dma2 semaphore(%arg18 : memref<!tpu.dma_semaphore, #tpu.memory_space<semaphore_mem>>) src(%dma_wait3A_72 : memref<80xi32, #tpu.memory_space<hbm>>) dst(%dma_wait3A_71 : memref<80xi32, #tpu.memory_space<vmem>>)
    %dma_start3A_73 = arith.constant 0 : i32
    %dma_start3A_74 = arith.constant 0 : i32
    %dma_start3A_75 = tpu.memref_slice %arg8[%dma_start3A_73, %dma_start3A_74] : memref<4x80xi32, #tpu.memory_space<vmem>> -> memref<1x80xi32, #tpu.memory_space<vmem>>
    %dma_start3A_76 = tpu.memref_squeeze %dma_start3A_75 : memref<1x80xi32, #tpu.memory_space<vmem>> -> memref<80xi32, #tpu.memory_space<vmem>>
    %dma_start3A_77 = arith.constant 0 : i32
    %dma_start3A_78 = arith.constant 0 : i32
    %dma_start3A_79 = tpu.memref_slice %arg4[%dma_start3A_77, %dma_start3A_78] : memref<10000x64xi32, #tpu.memory_space<hbm>> -> memref<10000x64xi32, #tpu.memory_space<hbm>>
    tpu.enqueue_indirect_dma source(%dma_start3A_79 : memref<10000x64xi32, #tpu.memory_space<hbm>>) target(%arg10 : memref<80x64xi32, #tpu.memory_space<vmem>>) offsets(%dma_start3A_76 : memref<80xi32, #tpu.memory_space<vmem>>) semaphore(%arg20 : memref<!tpu.dma_semaphore, #tpu.memory_space<semaphore_mem>>)
    %dma_start3A_80 = arith.constant 0 : i32
    %dma_start3A_81 = arith.constant 0 : i32
    %dma_start3A_82 = tpu.memref_slice %arg9[%dma_start3A_80, %dma_start3A_81] : memref<4x80xi32, #tpu.memory_space<vmem>> -> memref<1x80xi32, #tpu.memory_space<vmem>>
    %dma_start3A_83 = tpu.memref_squeeze %dma_start3A_82 : memref<1x80xi32, #tpu.memory_space<vmem>> -> memref<80xi32, #tpu.memory_space<vmem>>
    %dma_start3A_84 = arith.constant 0 : i32
    %dma_start3A_85 = arith.constant 0 : i32
    %dma_start3A_86 = tpu.memref_slice %arg5[%dma_start3A_84, %dma_start3A_85] : memref<10000x64xi32, #tpu.memory_space<hbm>> -> memref<10000x64xi32, #tpu.memory_space<hbm>>
    tpu.enqueue_indirect_dma source(%dma_start3A_86 : memref<10000x64xi32, #tpu.memory_space<hbm>>) target(%arg11 : memref<80x64xi32, #tpu.memory_space<vmem>>) offsets(%dma_start3A_83 : memref<80xi32, #tpu.memory_space<vmem>>) semaphore(%arg20 : memref<!tpu.dma_semaphore, #tpu.memory_space<semaphore_mem>>)
    %add3A_87 = arith.constant 32 : i32
    %add3A_88 = arith.addi %add3A_87, %add3A : i32
    %mul3A_89 = arith.constant 80 : i32
    %mul3A_90 = arith.muli %add3A_88, %mul3A_89 : i32
    %dma_start3A_91 = arith.constant 1 : i32
    %dma_start3A_92 = arith.constant 0 : i32
    %dma_start3A_93 = tpu.memref_slice %arg8[%dma_start3A_91, %dma_start3A_92] : memref<4x80xi32, #tpu.memory_space<vmem>> -> memref<1x80xi32, #tpu.memory_space<vmem>>
    %dma_start3A_94 = tpu.memref_squeeze %dma_start3A_93 : memref<1x80xi32, #tpu.memory_space<vmem>> -> memref<80xi32, #tpu.memory_space<vmem>>
    %dma_start3A_95 = tpu.memref_slice %arg2[%mul3A_90] : memref<320000xi32, #tpu.memory_space<hbm>> -> memref<80xi32, #tpu.memory_space<hbm>>
    %dma_start3A_96 = arith.constant 0 : i32
    %dma_start3A_97 = tpu.memref_slice %arg8[%dma_start3A_91, %dma_start3A_96] : memref<4x80xi32, #tpu.memory_space<vmem>> -> memref<1x80xi32, #tpu.memory_space<vmem>>
    %dma_start3A_98 = tpu.memref_squeeze %dma_start3A_97 : memref<1x80xi32, #tpu.memory_space<vmem>> -> memref<80xi32, #tpu.memory_space<vmem>>
    %dma_start3A_99 = tpu.memref_slice %arg2[%mul3A_90] : memref<320000xi32, #tpu.memory_space<hbm>> -> memref<80xi32, #tpu.memory_space<hbm>>
    tpu.enqueue_dma source(%dma_start3A_99 : memref<80xi32, #tpu.memory_space<hbm>>) target(%dma_start3A_98 : memref<80xi32, #tpu.memory_space<vmem>>) target_semaphore(%arg19 : memref<!tpu.dma_semaphore, #tpu.memory_space<semaphore_mem>>)
    %dma_start3A_100 = arith.constant 1 : i32
    %dma_start3A_101 = arith.constant 0 : i32
    %dma_start3A_102 = tpu.memref_slice %arg9[%dma_start3A_100, %dma_start3A_101] : memref<4x80xi32, #tpu.memory_space<vmem>> -> memref<1x80xi32, #tpu.memory_space<vmem>>
    %dma_start3A_103 = tpu.memref_squeeze %dma_start3A_102 : memref<1x80xi32, #tpu.memory_space<vmem>> -> memref<80xi32, #tpu.memory_space<vmem>>
    %dma_start3A_104 = tpu.memref_slice %arg3[%mul3A_90] : memref<320000xi32, #tpu.memory_space<hbm>> -> memref<80xi32, #tpu.memory_space<hbm>>
    %dma_start3A_105 = arith.constant 0 : i32
    %dma_start3A_106 = tpu.memref_slice %arg9[%dma_start3A_100, %dma_start3A_105] : memref<4x80xi32, #tpu.memory_space<vmem>> -> memref<1x80xi32, #tpu.memory_space<vmem>>
    %dma_start3A_107 = tpu.memref_squeeze %dma_start3A_106 : memref<1x80xi32, #tpu.memory_space<vmem>> -> memref<80xi32, #tpu.memory_space<vmem>>
    %dma_start3A_108 = tpu.memref_slice %arg3[%mul3A_90] : memref<320000xi32, #tpu.memory_space<hbm>> -> memref<80xi32, #tpu.memory_space<hbm>>
    tpu.enqueue_dma source(%dma_start3A_108 : memref<80xi32, #tpu.memory_space<hbm>>) target(%dma_start3A_107 : memref<80xi32, #tpu.memory_space<vmem>>) target_semaphore(%arg19 : memref<!tpu.dma_semaphore, #tpu.memory_space<semaphore_mem>>)
    %scan3A = arith.constant 0 : i32
    %scan3A_109 = arith.constant 0 : i32
    %scan3A_110 = arith.constant 0 : i32
    %scan3A_111 = arith.constant 3 : i32
    %scan3A_112 = arith.constant 2 : i32
    %scan3A_113 = arith.constant 2 : i32
    %scan3A_114 = arith.constant 1 : i32
    %scan3A_115 = arith.constant 1 : i32
    %scan3A_116 = arith.constant 3 : i32
    %scan3A_117 = arith.constant 0 : i32
    %scan3A_118 = arith.constant 31 : i32
    %scan3A_119 = arith.addi %scan3A_117, %scan3A_118 : i32
    %scan3A_120 = arith.constant 1 : i32
    scf.for %scan3A_172 = %scan3A_117 to %scan3A_119 step %scan3A_120  : i32 {
      %mul3A_173 = arith.constant 4 : i32
      %mul3A_174 = arith.muli %scan3A_172, %mul3A_173 : i32
      %dma_wait3A_175 = arith.constant 0 : i32
      %dma_wait3A_176 = tpu.memref_slice %arg8[%scan3A_109, %dma_wait3A_175] : memref<4x80xi32, #tpu.memory_space<vmem>> -> memref<1x80xi32, #tpu.memory_space<vmem>>
      %dma_wait3A_177 = tpu.memref_squeeze %dma_wait3A_176 : memref<1x80xi32, #tpu.memory_space<vmem>> -> memref<80xi32, #tpu.memory_space<vmem>>
      %dma_wait3A_178 = arith.constant 0 : i32
      %dma_wait3A_179 = arith.constant 0 : i32
      %dma_wait3A_180 = tpu.memref_slice %arg4[%dma_wait3A_178, %dma_wait3A_179] : memref<10000x64xi32, #tpu.memory_space<hbm>> -> memref<10000x64xi32, #tpu.memory_space<hbm>>
      tpu.wait_indirect_dma semaphore(%arg20 : memref<!tpu.dma_semaphore, #tpu.memory_space<semaphore_mem>>) src(%dma_wait3A_180 : memref<10000x64xi32, #tpu.memory_space<hbm>>) dst(%arg10 : memref<80x64xi32, #tpu.memory_space<vmem>>)
      %dma_wait3A_181 = arith.constant 0 : i32
      %dma_wait3A_182 = tpu.memref_slice %arg9[%scan3A_110, %dma_wait3A_181] : memref<4x80xi32, #tpu.memory_space<vmem>> -> memref<1x80xi32, #tpu.memory_space<vmem>>
      %dma_wait3A_183 = tpu.memref_squeeze %dma_wait3A_182 : memref<1x80xi32, #tpu.memory_space<vmem>> -> memref<80xi32, #tpu.memory_space<vmem>>
      %dma_wait3A_184 = arith.constant 0 : i32
      %dma_wait3A_185 = arith.constant 0 : i32
      %dma_wait3A_186 = tpu.memref_slice %arg5[%dma_wait3A_184, %dma_wait3A_185] : memref<10000x64xi32, #tpu.memory_space<hbm>> -> memref<10000x64xi32, #tpu.memory_space<hbm>>
      tpu.wait_indirect_dma semaphore(%arg20 : memref<!tpu.dma_semaphore, #tpu.memory_space<semaphore_mem>>) src(%dma_wait3A_186 : memref<10000x64xi32, #tpu.memory_space<hbm>>) dst(%arg11 : memref<80x64xi32, #tpu.memory_space<vmem>>)
      %gt3A = arith.constant 0 : i32
      %gt3A_187 = arith.cmpi sgt, %mul3A_174, %gt3A : i32
      %convert_element_type3A_188 = arith.extui %gt3A_187 : i1 to i32
      %cond3A_189 = arith.constant 0 : i32
      %cond3A_190 = arith.cmpi ne, %convert_element_type3A_188, %cond3A_189 : i32
      scf.if %cond3A_190 {
        "tpu.region"() ({
          %run_scoped3A_423 = tpu.sem_alloc : memref<!tpu.dma_semaphore, #tpu.memory_space<semaphore_mem>>
          %dma_start3A_424 = arith.constant 0 : i32
          %dma_start3A_425 = tpu.memref_slice %arg8[%scan3A_111, %dma_start3A_424] : memref<4x80xi32, #tpu.memory_space<vmem>> -> memref<1x80xi32, #tpu.memory_space<vmem>>
          %dma_start3A_426 = tpu.memref_squeeze %dma_start3A_425 : memref<1x80xi32, #tpu.memory_space<vmem>> -> memref<80xi32, #tpu.memory_space<vmem>>
          %dma_start3A_427 = arith.constant 0 : i32
          %dma_start3A_428 = arith.constant 0 : i32
          %dma_start3A_429 = tpu.memref_slice %arg17[%dma_start3A_427, %dma_start3A_428] : memref<10000x128xf32, #tpu.memory_space<vmem_shared>> -> memref<10000x128xf32, #tpu.memory_space<vmem_shared>>
          tpu.enqueue_indirect_dma source(%arg15 : memref<80x128xf32, #tpu.memory_space<vmem>>) target(%dma_start3A_429 : memref<10000x128xf32, #tpu.memory_space<vmem_shared>>) offsets(%dma_start3A_426 : memref<80xi32, #tpu.memory_space<vmem>>) semaphore(%run_scoped3A_423 : memref<!tpu.dma_semaphore, #tpu.memory_space<semaphore_mem>>) {add = true}
          %dma_wait3A_430 = arith.constant 0 : i32
          %dma_wait3A_431 = tpu.memref_slice %arg8[%scan3A_111, %dma_wait3A_430] : memref<4x80xi32, #tpu.memory_space<vmem>> -> memref<1x80xi32, #tpu.memory_space<vmem>>
          %dma_wait3A_432 = tpu.memref_squeeze %dma_wait3A_431 : memref<1x80xi32, #tpu.memory_space<vmem>> -> memref<80xi32, #tpu.memory_space<vmem>>
          %dma_wait3A_433 = arith.constant 0 : i32
          %dma_wait3A_434 = arith.constant 0 : i32
          %dma_wait3A_435 = tpu.memref_slice %arg17[%dma_wait3A_433, %dma_wait3A_434] : memref<10000x128xf32, #tpu.memory_space<vmem_shared>> -> memref<10000x128xf32, #tpu.memory_space<vmem_shared>>
          tpu.wait_indirect_dma semaphore(%run_scoped3A_423 : memref<!tpu.dma_semaphore, #tpu.memory_space<semaphore_mem>>) src(%arg15 : memref<80x128xf32, #tpu.memory_space<vmem>>) dst(%dma_wait3A_435 : memref<10000x128xf32, #tpu.memory_space<vmem_shared>>)
          tpu.yield
        }) : () -> ()
      } else {
      }
      %lt3A = arith.constant 123 : i32
      %lt3A_191 = arith.cmpi slt, %mul3A_174, %lt3A : i32
      %convert_element_type3A_192 = arith.extui %lt3A_191 : i1 to i32
      %cond3A_193 = arith.constant 0 : i32
      %cond3A_194 = arith.cmpi ne, %convert_element_type3A_192, %cond3A_193 : i32
      scf.if %cond3A_194 {
        %add3A_423 = arith.constant 2 : i32
        %add3A_424 = arith.addi %mul3A_174, %add3A_423 : i32
        %mul3A_425 = arith.constant 32 : i32
        %mul3A_426 = arith.muli %add3A_424, %mul3A_425 : i32
        %add3A_427 = arith.addi %mul3A_426, %add3A : i32
        %mul3A_428 = arith.constant 80 : i32
        %mul3A_429 = arith.muli %add3A_427, %mul3A_428 : i32
        %dma_start3A_430 = arith.constant 0 : i32
        %dma_start3A_431 = tpu.memref_slice %arg8[%scan3A_112, %dma_start3A_430] : memref<4x80xi32, #tpu.memory_space<vmem>> -> memref<1x80xi32, #tpu.memory_space<vmem>>
        %dma_start3A_432 = tpu.memref_squeeze %dma_start3A_431 : memref<1x80xi32, #tpu.memory_space<vmem>> -> memref<80xi32, #tpu.memory_space<vmem>>
        %dma_start3A_433 = tpu.memref_slice %arg2[%mul3A_429] : memref<320000xi32, #tpu.memory_space<hbm>> -> memref<80xi32, #tpu.memory_space<hbm>>
        %dma_start3A_434 = arith.constant 0 : i32
        %dma_start3A_435 = tpu.memref_slice %arg8[%scan3A_112, %dma_start3A_434] : memref<4x80xi32, #tpu.memory_space<vmem>> -> memref<1x80xi32, #tpu.memory_space<vmem>>
        %dma_start3A_436 = tpu.memref_squeeze %dma_start3A_435 : memref<1x80xi32, #tpu.memory_space<vmem>> -> memref<80xi32, #tpu.memory_space<vmem>>
        %dma_start3A_437 = tpu.memref_slice %arg2[%mul3A_429] : memref<320000xi32, #tpu.memory_space<hbm>> -> memref<80xi32, #tpu.memory_space<hbm>>
        tpu.enqueue_dma source(%dma_start3A_437 : memref<80xi32, #tpu.memory_space<hbm>>) target(%dma_start3A_436 : memref<80xi32, #tpu.memory_space<vmem>>) target_semaphore(%arg18 : memref<!tpu.dma_semaphore, #tpu.memory_space<semaphore_mem>>)
        %dma_start3A_438 = arith.constant 0 : i32
        %dma_start3A_439 = tpu.memref_slice %arg9[%scan3A_113, %dma_start3A_438] : memref<4x80xi32, #tpu.memory_space<vmem>> -> memref<1x80xi32, #tpu.memory_space<vmem>>
        %dma_start3A_440 = tpu.memref_squeeze %dma_start3A_439 : memref<1x80xi32, #tpu.memory_space<vmem>> -> memref<80xi32, #tpu.memory_space<vmem>>
        %dma_start3A_441 = tpu.memref_slice %arg3[%mul3A_429] : memref<320000xi32, #tpu.memory_space<hbm>> -> memref<80xi32, #tpu.memory_space<hbm>>
        %dma_start3A_442 = arith.constant 0 : i32
        %dma_start3A_443 = tpu.memref_slice %arg9[%scan3A_113, %dma_start3A_442] : memref<4x80xi32, #tpu.memory_space<vmem>> -> memref<1x80xi32, #tpu.memory_space<vmem>>
        %dma_start3A_444 = tpu.memref_squeeze %dma_start3A_443 : memref<1x80xi32, #tpu.memory_space<vmem>> -> memref<80xi32, #tpu.memory_space<vmem>>
        %dma_start3A_445 = tpu.memref_slice %arg3[%mul3A_429] : memref<320000xi32, #tpu.memory_space<hbm>> -> memref<80xi32, #tpu.memory_space<hbm>>
        tpu.enqueue_dma source(%dma_start3A_445 : memref<80xi32, #tpu.memory_space<hbm>>) target(%dma_start3A_444 : memref<80xi32, #tpu.memory_space<vmem>>) target_semaphore(%arg18 : memref<!tpu.dma_semaphore, #tpu.memory_space<semaphore_mem>>)
      } else {
      }
      %add3A_195 = arith.constant 1 : i32
      %add3A_196 = arith.addi %mul3A_174, %add3A_195 : i32
      %mul3A_197 = arith.constant 32 : i32
      %mul3A_198 = arith.muli %add3A_196, %mul3A_197 : i32
      %add3A_199 = arith.addi %mul3A_198, %add3A : i32
      %mul3A_200 = arith.constant 80 : i32
      %mul3A_201 = arith.muli %add3A_199, %mul3A_200 : i32
      %dma_wait3A_202 = arith.constant 0 : i32
      %dma_wait3A_203 = tpu.memref_slice %arg8[%scan3A_114, %dma_wait3A_202] : memref<4x80xi32, #tpu.memory_space<vmem>> -> memref<1x80xi32, #tpu.memory_space<vmem>>
      %dma_wait3A_204 = tpu.memref_squeeze %dma_wait3A_203 : memref<1x80xi32, #tpu.memory_space<vmem>> -> memref<80xi32, #tpu.memory_space<vmem>>
      %dma_wait3A_205 = tpu.memref_slice %arg2[%mul3A_201] : memref<320000xi32, #tpu.memory_space<hbm>> -> memref<80xi32, #tpu.memory_space<hbm>>
      %dma_wait3A_206 = arith.constant 0 : i32
      %dma_wait3A_207 = tpu.memref_slice %arg8[%scan3A_114, %dma_wait3A_206] : memref<4x80xi32, #tpu.memory_space<vmem>> -> memref<1x80xi32, #tpu.memory_space<vmem>>
      %dma_wait3A_208 = tpu.memref_squeeze %dma_wait3A_207 : memref<1x80xi32, #tpu.memory_space<vmem>> -> memref<80xi32, #tpu.memory_space<vmem>>
      %dma_wait3A_209 = tpu.memref_slice %arg2[%mul3A_201] : memref<320000xi32, #tpu.memory_space<hbm>> -> memref<80xi32, #tpu.memory_space<hbm>>
      tpu.wait_dma2 semaphore(%arg19 : memref<!tpu.dma_semaphore, #tpu.memory_space<semaphore_mem>>) src(%dma_wait3A_209 : memref<80xi32, #tpu.memory_space<hbm>>) dst(%dma_wait3A_208 : memref<80xi32, #tpu.memory_space<vmem>>)
      %dma_wait3A_210 = arith.constant 0 : i32
      %dma_wait3A_211 = tpu.memref_slice %arg9[%scan3A_115, %dma_wait3A_210] : memref<4x80xi32, #tpu.memory_space<vmem>> -> memref<1x80xi32, #tpu.memory_space<vmem>>
      %dma_wait3A_212 = tpu.memref_squeeze %dma_wait3A_211 : memref<1x80xi32, #tpu.memory_space<vmem>> -> memref<80xi32, #tpu.memory_space<vmem>>
      %dma_wait3A_213 = tpu.memref_slice %arg3[%mul3A_201] : memref<320000xi32, #tpu.memory_space<hbm>> -> memref<80xi32, #tpu.memory_space<hbm>>
      %dma_wait3A_214 = arith.constant 0 : i32
      %dma_wait3A_215 = tpu.memref_slice %arg9[%scan3A_115, %dma_wait3A_214] : memref<4x80xi32, #tpu.memory_space<vmem>> -> memref<1x80xi32, #tpu.memory_space<vmem>>
      %dma_wait3A_216 = tpu.memref_squeeze %dma_wait3A_215 : memref<1x80xi32, #tpu.memory_space<vmem>> -> memref<80xi32, #tpu.memory_space<vmem>>
      %dma_wait3A_217 = tpu.memref_slice %arg3[%mul3A_201] : memref<320000xi32, #tpu.memory_space<hbm>> -> memref<80xi32, #tpu.memory_space<hbm>>
      tpu.wait_dma2 semaphore(%arg19 : memref<!tpu.dma_semaphore, #tpu.memory_space<semaphore_mem>>) src(%dma_wait3A_217 : memref<80xi32, #tpu.memory_space<hbm>>) dst(%dma_wait3A_216 : memref<80xi32, #tpu.memory_space<vmem>>)
      %dma_start3A_218 = arith.constant 0 : i32
      %dma_start3A_219 = tpu.memref_slice %arg8[%scan3A_114, %dma_start3A_218] : memref<4x80xi32, #tpu.memory_space<vmem>> -> memref<1x80xi32, #tpu.memory_space<vmem>>
      %dma_start3A_220 = tpu.memref_squeeze %dma_start3A_219 : memref<1x80xi32, #tpu.memory_space<vmem>> -> memref<80xi32, #tpu.memory_space<vmem>>
      %dma_start3A_221 = arith.constant 0 : i32
      %dma_start3A_222 = arith.constant 0 : i32
      %dma_start3A_223 = tpu.memref_slice %arg4[%dma_start3A_221, %dma_start3A_222] : memref<10000x64xi32, #tpu.memory_space<hbm>> -> memref<10000x64xi32, #tpu.memory_space<hbm>>
      tpu.enqueue_indirect_dma source(%dma_start3A_223 : memref<10000x64xi32, #tpu.memory_space<hbm>>) target(%arg12 : memref<80x64xi32, #tpu.memory_space<vmem>>) offsets(%dma_start3A_220 : memref<80xi32, #tpu.memory_space<vmem>>) semaphore(%arg21 : memref<!tpu.dma_semaphore, #tpu.memory_space<semaphore_mem>>)
      %dma_start3A_224 = arith.constant 0 : i32
      %dma_start3A_225 = tpu.memref_slice %arg9[%scan3A_115, %dma_start3A_224] : memref<4x80xi32, #tpu.memory_space<vmem>> -> memref<1x80xi32, #tpu.memory_space<vmem>>
      %dma_start3A_226 = tpu.memref_squeeze %dma_start3A_225 : memref<1x80xi32, #tpu.memory_space<vmem>> -> memref<80xi32, #tpu.memory_space<vmem>>
      %dma_start3A_227 = arith.constant 0 : i32
      %dma_start3A_228 = arith.constant 0 : i32
      %dma_start3A_229 = tpu.memref_slice %arg5[%dma_start3A_227, %dma_start3A_228] : memref<10000x64xi32, #tpu.memory_space<hbm>> -> memref<10000x64xi32, #tpu.memory_space<hbm>>
      tpu.enqueue_indirect_dma source(%dma_start3A_229 : memref<10000x64xi32, #tpu.memory_space<hbm>>) target(%arg13 : memref<80x64xi32, #tpu.memory_space<vmem>>) offsets(%dma_start3A_226 : memref<80xi32, #tpu.memory_space<vmem>>) semaphore(%arg21 : memref<!tpu.dma_semaphore, #tpu.memory_space<semaphore_mem>>)
      %parallel_loop3A_230 = arith.constant 0 : i32
      %parallel_loop3A_231 = arith.constant 80 : i32
      %parallel_loop3A_232 = arith.constant 1 : i32
      %parallel_loop3A_233 = arith.constant -65536 : i32
      scf.for %parallel_loop3A_423 = %parallel_loop3A_230 to %parallel_loop3A_231 step %parallel_loop3A_232  : i32 {
        %parallel_loop3A_424 = arith.index_cast %parallel_loop3A_423 : i32 to index
        %parallel_loop3A_425 = arith.constant 0 : index
        %parallel_loop3A_426 = tpu.vector_load %arg10[%parallel_loop3A_424, %parallel_loop3A_425] {strides = array<i32>} : memref<80x64xi32, #tpu.memory_space<vmem>>, vector<1x16xi32>,
        %parallel_loop3A_427 = vector.shape_cast %parallel_loop3A_426 : vector<1x16xi32> to vector<16xi32>
        %parallel_loop3A_428 = arith.index_cast %parallel_loop3A_423 : i32 to index
        %parallel_loop3A_429 = arith.constant 0 : index
        %parallel_loop3A_430 = tpu.vector_load %arg11[%parallel_loop3A_428, %parallel_loop3A_429] {strides = array<i32>} : memref<80x64xi32, #tpu.memory_space<vmem>>, vector<1x16xi32>,
        %parallel_loop3A_431 = vector.shape_cast %parallel_loop3A_430 : vector<1x16xi32> to vector<16xi32>
        %parallel_loop3A_432 = arith.constant 16 : i32
        %parallel_loop3A_433 = vector.broadcast %parallel_loop3A_432 : i32 to vector<16xi32>
        %parallel_loop3A_434 = arith.shli %parallel_loop3A_427, %parallel_loop3A_433 : vector<16xi32>
        %parallel_loop3A_435 = tpu.bitcast %parallel_loop3A_434 : vector<16xi32> -> vector<16xf32>
        %parallel_loop3A_436 = arith.constant 16 : i32
        %parallel_loop3A_437 = vector.broadcast %parallel_loop3A_436 : i32 to vector<16xi32>
        %parallel_loop3A_438 = arith.shli %parallel_loop3A_431, %parallel_loop3A_437 : vector<16xi32>
        %parallel_loop3A_439 = tpu.bitcast %parallel_loop3A_438 : vector<16xi32> -> vector<16xf32>
        %parallel_loop3A_440 = vector.broadcast %parallel_loop3A_233 : i32 to vector<16xi32>
        %parallel_loop3A_441 = arith.andi %parallel_loop3A_427, %parallel_loop3A_440 : vector<16xi32>
        %parallel_loop3A_442 = tpu.bitcast %parallel_loop3A_441 : vector<16xi32> -> vector<16xf32>
        %parallel_loop3A_443 = vector.broadcast %parallel_loop3A_233 : i32 to vector<16xi32>
        %parallel_loop3A_444 = arith.andi %parallel_loop3A_431, %parallel_loop3A_443 : vector<16xi32>
        %parallel_loop3A_445 = tpu.bitcast %parallel_loop3A_444 : vector<16xi32> -> vector<16xf32>
        %parallel_loop3A_446 = arith.addf %parallel_loop3A_435, %parallel_loop3A_439 : vector<16xf32>
        %parallel_loop3A_447 = arith.constant 0.000000e+00 : f32
        %parallel_loop3A_448 = vector.broadcast %parallel_loop3A_447 : f32 to vector<16xf32>
        %parallel_loop3A_449 = arith.maximumf %parallel_loop3A_446, %parallel_loop3A_448 : vector<16xf32>
        %parallel_loop3A_450 = arith.index_cast %parallel_loop3A_423 : i32 to index
        %parallel_loop3A_451 = arith.constant 0 : index
        %parallel_loop3A_452 = tpu.vector_load %arg14[%parallel_loop3A_450, %parallel_loop3A_451] {strides = array<i32>} : memref<80x128xf32, #tpu.memory_space<vmem>>, vector<1x16xf32>,
        %parallel_loop3A_453 = vector.shape_cast %parallel_loop3A_452 : vector<1x16xf32> to vector<16xf32>
        %parallel_loop3A_454 = vector.shape_cast %parallel_loop3A_449 : vector<16xf32> to vector<1x16xf32>
        tpu.vector_store %arg14[%parallel_loop3A_450, %parallel_loop3A_451], %parallel_loop3A_454 {strides = array<i32>} : memref<80x128xf32, #tpu.memory_space<vmem>>, vector<1x16xf32>,
        %parallel_loop3A_455 = arith.addf %parallel_loop3A_442, %parallel_loop3A_445 : vector<16xf32>
        %parallel_loop3A_456 = arith.constant 0.000000e+00 : f32
        %parallel_loop3A_457 = vector.broadcast %parallel_loop3A_456 : f32 to vector<16xf32>
        %parallel_loop3A_458 = arith.maximumf %parallel_loop3A_455, %parallel_loop3A_457 : vector<16xf32>
        %parallel_loop3A_459 = arith.index_cast %parallel_loop3A_423 : i32 to index
        %parallel_loop3A_460 = arith.constant 64 : index
        %parallel_loop3A_461 = tpu.vector_load %arg14[%parallel_loop3A_459, %parallel_loop3A_460] {strides = array<i32>} : memref<80x128xf32, #tpu.memory_space<vmem>>, vector<1x16xf32>,
        %parallel_loop3A_462 = vector.shape_cast %parallel_loop3A_461 : vector<1x16xf32> to vector<16xf32>
        %parallel_loop3A_463 = vector.shape_cast %parallel_loop3A_458 : vector<16xf32> to vector<1x16xf32>
        tpu.vector_store %arg14[%parallel_loop3A_459, %parallel_loop3A_460], %parallel_loop3A_463 {strides = array<i32>} : memref<80x128xf32, #tpu.memory_space<vmem>>, vector<1x16xf32>,
        %parallel_loop3A_464 = arith.index_cast %parallel_loop3A_423 : i32 to index
        %parallel_loop3A_465 = arith.constant 16 : index
        %parallel_loop3A_466 = tpu.vector_load %arg10[%parallel_loop3A_464, %parallel_loop3A_465] {strides = array<i32>} : memref<80x64xi32, #tpu.memory_space<vmem>>, vector<1x16xi32>,
        %parallel_loop3A_467 = vector.shape_cast %parallel_loop3A_466 : vector<1x16xi32> to vector<16xi32>
        %parallel_loop3A_468 = arith.index_cast %parallel_loop3A_423 : i32 to index
        %parallel_loop3A_469 = arith.constant 16 : index
        %parallel_loop3A_470 = tpu.vector_load %arg11[%parallel_loop3A_468, %parallel_loop3A_469] {strides = array<i32>} : memref<80x64xi32, #tpu.memory_space<vmem>>, vector<1x16xi32>,
        %parallel_loop3A_471 = vector.shape_cast %parallel_loop3A_470 : vector<1x16xi32> to vector<16xi32>
        %parallel_loop3A_472 = arith.constant 16 : i32
        %parallel_loop3A_473 = vector.broadcast %parallel_loop3A_472 : i32 to vector<16xi32>
        %parallel_loop3A_474 = arith.shli %parallel_loop3A_467, %parallel_loop3A_473 : vector<16xi32>
        %parallel_loop3A_475 = tpu.bitcast %parallel_loop3A_474 : vector<16xi32> -> vector<16xf32>
        %parallel_loop3A_476 = arith.constant 16 : i32
        %parallel_loop3A_477 = vector.broadcast %parallel_loop3A_476 : i32 to vector<16xi32>
        %parallel_loop3A_478 = arith.shli %parallel_loop3A_471, %parallel_loop3A_477 : vector<16xi32>
        %parallel_loop3A_479 = tpu.bitcast %parallel_loop3A_478 : vector<16xi32> -> vector<16xf32>
        %parallel_loop3A_480 = vector.broadcast %parallel_loop3A_233 : i32 to vector<16xi32>
        %parallel_loop3A_481 = arith.andi %parallel_loop3A_467, %parallel_loop3A_480 : vector<16xi32>
        %parallel_loop3A_482 = tpu.bitcast %parallel_loop3A_481 : vector<16xi32> -> vector<16xf32>
        %parallel_loop3A_483 = vector.broadcast %parallel_loop3A_233 : i32 to vector<16xi32>
        %parallel_loop3A_484 = arith.andi %parallel_loop3A_471, %parallel_loop3A_483 : vector<16xi32>
        %parallel_loop3A_485 = tpu.bitcast %parallel_loop3A_484 : vector<16xi32> -> vector<16xf32>
        %parallel_loop3A_486 = arith.addf %parallel_loop3A_475, %parallel_loop3A_479 : vector<16xf32>
        %parallel_loop3A_487 = arith.constant 0.000000e+00 : f32
        %parallel_loop3A_488 = vector.broadcast %parallel_loop3A_487 : f32 to vector<16xf32>
        %parallel_loop3A_489 = arith.maximumf %parallel_loop3A_486, %parallel_loop3A_488 : vector<16xf32>
        %parallel_loop3A_490 = arith.index_cast %parallel_loop3A_423 : i32 to index
        %parallel_loop3A_491 = arith.constant 16 : index
        %parallel_loop3A_492 = tpu.vector_load %arg14[%parallel_loop3A_490, %parallel_loop3A_491] {strides = array<i32>} : memref<80x128xf32, #tpu.memory_space<vmem>>, vector<1x16xf32>,
        %parallel_loop3A_493 = vector.shape_cast %parallel_loop3A_492 : vector<1x16xf32> to vector<16xf32>
        %parallel_loop3A_494 = vector.shape_cast %parallel_loop3A_489 : vector<16xf32> to vector<1x16xf32>
        tpu.vector_store %arg14[%parallel_loop3A_490, %parallel_loop3A_491], %parallel_loop3A_494 {strides = array<i32>} : memref<80x128xf32, #tpu.memory_space<vmem>>, vector<1x16xf32>,
        %parallel_loop3A_495 = arith.addf %parallel_loop3A_482, %parallel_loop3A_485 : vector<16xf32>
        %parallel_loop3A_496 = arith.constant 0.000000e+00 : f32
        %parallel_loop3A_497 = vector.broadcast %parallel_loop3A_496 : f32 to vector<16xf32>
        %parallel_loop3A_498 = arith.maximumf %parallel_loop3A_495, %parallel_loop3A_497 : vector<16xf32>
        %parallel_loop3A_499 = arith.index_cast %parallel_loop3A_423 : i32 to index
        %parallel_loop3A_500 = arith.constant 80 : index
        %parallel_loop3A_501 = tpu.vector_load %arg14[%parallel_loop3A_499, %parallel_loop3A_500] {strides = array<i32>} : memref<80x128xf32, #tpu.memory_space<vmem>>, vector<1x16xf32>,
        %parallel_loop3A_502 = vector.shape_cast %parallel_loop3A_501 : vector<1x16xf32> to vector<16xf32>
        %parallel_loop3A_503 = vector.shape_cast %parallel_loop3A_498 : vector<16xf32> to vector<1x16xf32>
        tpu.vector_store %arg14[%parallel_loop3A_499, %parallel_loop3A_500], %parallel_loop3A_503 {strides = array<i32>} : memref<80x128xf32, #tpu.memory_space<vmem>>, vector<1x16xf32>,
        %parallel_loop3A_504 = arith.index_cast %parallel_loop3A_423 : i32 to index
        %parallel_loop3A_505 = arith.constant 32 : index
        %parallel_loop3A_506 = tpu.vector_load %arg10[%parallel_loop3A_504, %parallel_loop3A_505] {strides = array<i32>} : memref<80x64xi32, #tpu.memory_space<vmem>>, vector<1x16xi32>,
        %parallel_loop3A_507 = vector.shape_cast %parallel_loop3A_506 : vector<1x16xi32> to vector<16xi32>
        %parallel_loop3A_508 = arith.index_cast %parallel_loop3A_423 : i32 to index
        %parallel_loop3A_509 = arith.constant 32 : index
        %parallel_loop3A_510 = tpu.vector_load %arg11[%parallel_loop3A_508, %parallel_loop3A_509] {strides = array<i32>} : memref<80x64xi32, #tpu.memory_space<vmem>>, vector<1x16xi32>,
        %parallel_loop3A_511 = vector.shape_cast %parallel_loop3A_510 : vector<1x16xi32> to vector<16xi32>
        %parallel_loop3A_512 = arith.constant 16 : i32
        %parallel_loop3A_513 = vector.broadcast %parallel_loop3A_512 : i32 to vector<16xi32>
        %parallel_loop3A_514 = arith.shli %parallel_loop3A_507, %parallel_loop3A_513 : vector<16xi32>
        %parallel_loop3A_515 = tpu.bitcast %parallel_loop3A_514 : vector<16xi32> -> vector<16xf32>
        %parallel_loop3A_516 = arith.constant 16 : i32
        %parallel_loop3A_517 = vector.broadcast %parallel_loop3A_516 : i32 to vector<16xi32>
        %parallel_loop3A_518 = arith.shli %parallel_loop3A_511, %parallel_loop3A_517 : vector<16xi32>
        %parallel_loop3A_519 = tpu.bitcast %parallel_loop3A_518 : vector<16xi32> -> vector<16xf32>
        %parallel_loop3A_520 = vector.broadcast %parallel_loop3A_233 : i32 to vector<16xi32>
        %parallel_loop3A_521 = arith.andi %parallel_loop3A_507, %parallel_loop3A_520 : vector<16xi32>
        %parallel_loop3A_522 = tpu.bitcast %parallel_loop3A_521 : vector<16xi32> -> vector<16xf32>
        %parallel_loop3A_523 = vector.broadcast %parallel_loop3A_233 : i32 to vector<16xi32>
        %parallel_loop3A_524 = arith.andi %parallel_loop3A_511, %parallel_loop3A_523 : vector<16xi32>
        %parallel_loop3A_525 = tpu.bitcast %parallel_loop3A_524 : vector<16xi32> -> vector<16xf32>
        %parallel_loop3A_526 = arith.addf %parallel_loop3A_515, %parallel_loop3A_519 : vector<16xf32>
        %parallel_loop3A_527 = arith.constant 0.000000e+00 : f32
        %parallel_loop3A_528 = vector.broadcast %parallel_loop3A_527 : f32 to vector<16xf32>
        %parallel_loop3A_529 = arith.maximumf %parallel_loop3A_526, %parallel_loop3A_528 : vector<16xf32>
        %parallel_loop3A_530 = arith.index_cast %parallel_loop3A_423 : i32 to index
        %parallel_loop3A_531 = arith.constant 32 : index
        %parallel_loop3A_532 = tpu.vector_load %arg14[%parallel_loop3A_530, %parallel_loop3A_531] {strides = array<i32>} : memref<80x128xf32, #tpu.memory_space<vmem>>, vector<1x16xf32>,
        %parallel_loop3A_533 = vector.shape_cast %parallel_loop3A_532 : vector<1x16xf32> to vector<16xf32>
        %parallel_loop3A_534 = vector.shape_cast %parallel_loop3A_529 : vector<16xf32> to vector<1x16xf32>
        tpu.vector_store %arg14[%parallel_loop3A_530, %parallel_loop3A_531], %parallel_loop3A_534 {strides = array<i32>} : memref<80x128xf32, #tpu.memory_space<vmem>>, vector<1x16xf32>,
        %parallel_loop3A_535 = arith.addf %parallel_loop3A_522, %parallel_loop3A_525 : vector<16xf32>
        %parallel_loop3A_536 = arith.constant 0.000000e+00 : f32
        %parallel_loop3A_537 = vector.broadcast %parallel_loop3A_536 : f32 to vector<16xf32>
        %parallel_loop3A_538 = arith.maximumf %parallel_loop3A_535, %parallel_loop3A_537 : vector<16xf32>
        %parallel_loop3A_539 = arith.index_cast %parallel_loop3A_423 : i32 to index
        %parallel_loop3A_540 = arith.constant 96 : index
        %parallel_loop3A_541 = tpu.vector_load %arg14[%parallel_loop3A_539, %parallel_loop3A_540] {strides = array<i32>} : memref<80x128xf32, #tpu.memory_space<vmem>>, vector<1x16xf32>,
        %parallel_loop3A_542 = vector.shape_cast %parallel_loop3A_541 : vector<1x16xf32> to vector<16xf32>
        %parallel_loop3A_543 = vector.shape_cast %parallel_loop3A_538 : vector<16xf32> to vector<1x16xf32>
        tpu.vector_store %arg14[%parallel_loop3A_539, %parallel_loop3A_540], %parallel_loop3A_543 {strides = array<i32>} : memref<80x128xf32, #tpu.memory_space<vmem>>, vector<1x16xf32>,
        %parallel_loop3A_544 = arith.index_cast %parallel_loop3A_423 : i32 to index
        %parallel_loop3A_545 = arith.constant 48 : index
        %parallel_loop3A_546 = tpu.vector_load %arg10[%parallel_loop3A_544, %parallel_loop3A_545] {strides = array<i32>} : memref<80x64xi32, #tpu.memory_space<vmem>>, vector<1x16xi32>,
        %parallel_loop3A_547 = vector.shape_cast %parallel_loop3A_546 : vector<1x16xi32> to vector<16xi32>
        %parallel_loop3A_548 = arith.index_cast %parallel_loop3A_423 : i32 to index
        %parallel_loop3A_549 = arith.constant 48 : index
        %parallel_loop3A_550 = tpu.vector_load %arg11[%parallel_loop3A_548, %parallel_loop3A_549] {strides = array<i32>} : memref<80x64xi32, #tpu.memory_space<vmem>>, vector<1x16xi32>,
        %parallel_loop3A_551 = vector.shape_cast %parallel_loop3A_550 : vector<1x16xi32> to vector<16xi32>
        %parallel_loop3A_552 = arith.constant 16 : i32
        %parallel_loop3A_553 = vector.broadcast %parallel_loop3A_552 : i32 to vector<16xi32>
        %parallel_loop3A_554 = arith.shli %parallel_loop3A_547, %parallel_loop3A_553 : vector<16xi32>
        %parallel_loop3A_555 = tpu.bitcast %parallel_loop3A_554 : vector<16xi32> -> vector<16xf32>
        %parallel_loop3A_556 = arith.constant 16 : i32
        %parallel_loop3A_557 = vector.broadcast %parallel_loop3A_556 : i32 to vector<16xi32>
        %parallel_loop3A_558 = arith.shli %parallel_loop3A_551, %parallel_loop3A_557 : vector<16xi32>
        %parallel_loop3A_559 = tpu.bitcast %parallel_loop3A_558 : vector<16xi32> -> vector<16xf32>
        %parallel_loop3A_560 = vector.broadcast %parallel_loop3A_233 : i32 to vector<16xi32>
        %parallel_loop3A_561 = arith.andi %parallel_loop3A_547, %parallel_loop3A_560 : vector<16xi32>
        %parallel_loop3A_562 = tpu.bitcast %parallel_loop3A_561 : vector<16xi32> -> vector<16xf32>
        %parallel_loop3A_563 = vector.broadcast %parallel_loop3A_233 : i32 to vector<16xi32>
        %parallel_loop3A_564 = arith.andi %parallel_loop3A_551, %parallel_loop3A_563 : vector<16xi32>
        %parallel_loop3A_565 = tpu.bitcast %parallel_loop3A_564 : vector<16xi32> -> vector<16xf32>
        %parallel_loop3A_566 = arith.addf %parallel_loop3A_555, %parallel_loop3A_559 : vector<16xf32>
        %parallel_loop3A_567 = arith.constant 0.000000e+00 : f32
        %parallel_loop3A_568 = vector.broadcast %parallel_loop3A_567 : f32 to vector<16xf32>
        %parallel_loop3A_569 = arith.maximumf %parallel_loop3A_566, %parallel_loop3A_568 : vector<16xf32>
        %parallel_loop3A_570 = arith.index_cast %parallel_loop3A_423 : i32 to index
        %parallel_loop3A_571 = arith.constant 48 : index
        %parallel_loop3A_572 = tpu.vector_load %arg14[%parallel_loop3A_570, %parallel_loop3A_571] {strides = array<i32>} : memref<80x128xf32, #tpu.memory_space<vmem>>, vector<1x16xf32>,
        %parallel_loop3A_573 = vector.shape_cast %parallel_loop3A_572 : vector<1x16xf32> to vector<16xf32>
        %parallel_loop3A_574 = vector.shape_cast %parallel_loop3A_569 : vector<16xf32> to vector<1x16xf32>
        tpu.vector_store %arg14[%parallel_loop3A_570, %parallel_loop3A_571], %parallel_loop3A_574 {strides = array<i32>} : memref<80x128xf32, #tpu.memory_space<vmem>>, vector<1x16xf32>,
        %parallel_loop3A_575 = arith.addf %parallel_loop3A_562, %parallel_loop3A_565 : vector<16xf32>
        %parallel_loop3A_576 = arith.constant 0.000000e+00 : f32
        %parallel_loop3A_577 = vector.broadcast %parallel_loop3A_576 : f32 to vector<16xf32>
        %parallel_loop3A_578 = arith.maximumf %parallel_loop3A_575, %parallel_loop3A_577 : vector<16xf32>
        %parallel_loop3A_579 = arith.index_cast %parallel_loop3A_423 : i32 to index
        %parallel_loop3A_580 = arith.constant 112 : index
        %parallel_loop3A_581 = tpu.vector_load %arg14[%parallel_loop3A_579, %parallel_loop3A_580] {strides = array<i32>} : memref<80x128xf32, #tpu.memory_space<vmem>>, vector<1x16xf32>,
        %parallel_loop3A_582 = vector.shape_cast %parallel_loop3A_581 : vector<1x16xf32> to vector<16xf32>
        %parallel_loop3A_583 = vector.shape_cast %parallel_loop3A_578 : vector<16xf32> to vector<1x16xf32>
        tpu.vector_store %arg14[%parallel_loop3A_579, %parallel_loop3A_580], %parallel_loop3A_583 {strides = array<i32>} : memref<80x128xf32, #tpu.memory_space<vmem>>, vector<1x16xf32>,
      } {sc.loop_unroll_factor = 4 : i64, sc.parallel_access}
      %add3A_234 = arith.constant 1 : i32
      %add3A_235 = arith.addi %mul3A_174, %add3A_234 : i32
      %dma_wait3A_236 = arith.constant 0 : i32
      %dma_wait3A_237 = tpu.memref_slice %arg8[%scan3A_114, %dma_wait3A_236] : memref<4x80xi32, #tpu.memory_space<vmem>> -> memref<1x80xi32, #tpu.memory_space<vmem>>
      %dma_wait3A_238 = tpu.memref_squeeze %dma_wait3A_237 : memref<1x80xi32, #tpu.memory_space<vmem>> -> memref<80xi32, #tpu.memory_space<vmem>>
      %dma_wait3A_239 = arith.constant 0 : i32
      %dma_wait3A_240 = arith.constant 0 : i32
      %dma_wait3A_241 = tpu.memref_slice %arg4[%dma_wait3A_239, %dma_wait3A_240] : memref<10000x64xi32, #tpu.memory_space<hbm>> -> memref<10000x64xi32, #tpu.memory_space<hbm>>
      tpu.wait_indirect_dma semaphore(%arg21 : memref<!tpu.dma_semaphore, #tpu.memory_space<semaphore_mem>>) src(%dma_wait3A_241 : memref<10000x64xi32, #tpu.memory_space<hbm>>) dst(%arg12 : memref<80x64xi32, #tpu.memory_space<vmem>>)
      %dma_wait3A_242 = arith.constant 0 : i32
      %dma_wait3A_243 = tpu.memref_slice %arg9[%scan3A_115, %dma_wait3A_242] : memref<4x80xi32, #tpu.memory_space<vmem>> -> memref<1x80xi32, #tpu.memory_space<vmem>>
      %dma_wait3A_244 = tpu.memref_squeeze %dma_wait3A_243 : memref<1x80xi32, #tpu.memory_space<vmem>> -> memref<80xi32, #tpu.memory_space<vmem>>
      %dma_wait3A_245 = arith.constant 0 : i32
      %dma_wait3A_246 = arith.constant 0 : i32
      %dma_wait3A_247 = tpu.memref_slice %arg5[%dma_wait3A_245, %dma_wait3A_246] : memref<10000x64xi32, #tpu.memory_space<hbm>> -> memref<10000x64xi32, #tpu.memory_space<hbm>>
      tpu.wait_indirect_dma semaphore(%arg21 : memref<!tpu.dma_semaphore, #tpu.memory_space<semaphore_mem>>) src(%dma_wait3A_247 : memref<10000x64xi32, #tpu.memory_space<hbm>>) dst(%arg13 : memref<80x64xi32, #tpu.memory_space<vmem>>)
      %gt3A_248 = arith.constant 0 : i32
      %gt3A_249 = arith.cmpi sgt, %add3A_235, %gt3A_248 : i32
      %convert_element_type3A_250 = arith.extui %gt3A_249 : i1 to i32
      %cond3A_251 = arith.constant 0 : i32
      %cond3A_252 = arith.cmpi ne, %convert_element_type3A_250, %cond3A_251 : i32
      scf.if %cond3A_252 {
        "tpu.region"() ({
          %run_scoped3A_423 = tpu.sem_alloc : memref<!tpu.dma_semaphore, #tpu.memory_space<semaphore_mem>>
          %dma_start3A_424 = arith.constant 0 : i32
          %dma_start3A_425 = tpu.memref_slice %arg8[%scan3A_109, %dma_start3A_424] : memref<4x80xi32, #tpu.memory_space<vmem>> -> memref<1x80xi32, #tpu.memory_space<vmem>>
          %dma_start3A_426 = tpu.memref_squeeze %dma_start3A_425 : memref<1x80xi32, #tpu.memory_space<vmem>> -> memref<80xi32, #tpu.memory_space<vmem>>
          %dma_start3A_427 = arith.constant 0 : i32
          %dma_start3A_428 = arith.constant 0 : i32
          %dma_start3A_429 = tpu.memref_slice %arg17[%dma_start3A_427, %dma_start3A_428] : memref<10000x128xf32, #tpu.memory_space<vmem_shared>> -> memref<10000x128xf32, #tpu.memory_space<vmem_shared>>
          tpu.enqueue_indirect_dma source(%arg14 : memref<80x128xf32, #tpu.memory_space<vmem>>) target(%dma_start3A_429 : memref<10000x128xf32, #tpu.memory_space<vmem_shared>>) offsets(%dma_start3A_426 : memref<80xi32, #tpu.memory_space<vmem>>) semaphore(%run_scoped3A_423 : memref<!tpu.dma_semaphore, #tpu.memory_space<semaphore_mem>>) {add = true}
          %dma_wait3A_430 = arith.constant 0 : i32
          %dma_wait3A_431 = tpu.memref_slice %arg8[%scan3A_109, %dma_wait3A_430] : memref<4x80xi32, #tpu.memory_space<vmem>> -> memref<1x80xi32, #tpu.memory_space<vmem>>
          %dma_wait3A_432 = tpu.memref_squeeze %dma_wait3A_431 : memref<1x80xi32, #tpu.memory_space<vmem>> -> memref<80xi32, #tpu.memory_space<vmem>>
          %dma_wait3A_433 = arith.constant 0 : i32
          %dma_wait3A_434 = arith.constant 0 : i32
          %dma_wait3A_435 = tpu.memref_slice %arg17[%dma_wait3A_433, %dma_wait3A_434] : memref<10000x128xf32, #tpu.memory_space<vmem_shared>> -> memref<10000x128xf32, #tpu.memory_space<vmem_shared>>
          tpu.wait_indirect_dma semaphore(%run_scoped3A_423 : memref<!tpu.dma_semaphore, #tpu.memory_space<semaphore_mem>>) src(%arg14 : memref<80x128xf32, #tpu.memory_space<vmem>>) dst(%dma_wait3A_435 : memref<10000x128xf32, #tpu.memory_space<vmem_shared>>)
          tpu.yield
        }) : () -> ()
      } else {
      }
      %lt3A_253 = arith.constant 123 : i32
      %lt3A_254 = arith.cmpi slt, %add3A_235, %lt3A_253 : i32
      %convert_element_type3A_255 = arith.extui %lt3A_254 : i1 to i32
      %cond3A_256 = arith.constant 0 : i32
      %cond3A_257 = arith.cmpi ne, %convert_element_type3A_255, %cond3A_256 : i32
      scf.if %cond3A_257 {
        %add3A_423 = arith.constant 2 : i32
        %add3A_424 = arith.addi %add3A_235, %add3A_423 : i32
        %mul3A_425 = arith.constant 32 : i32
        %mul3A_426 = arith.muli %add3A_424, %mul3A_425 : i32
        %add3A_427 = arith.addi %mul3A_426, %add3A : i32
        %mul3A_428 = arith.constant 80 : i32
        %mul3A_429 = arith.muli %add3A_427, %mul3A_428 : i32
        %dma_start3A_430 = arith.constant 0 : i32
        %dma_start3A_431 = tpu.memref_slice %arg8[%scan3A_111, %dma_start3A_430] : memref<4x80xi32, #tpu.memory_space<vmem>> -> memref<1x80xi32, #tpu.memory_space<vmem>>
        %dma_start3A_432 = tpu.memref_squeeze %dma_start3A_431 : memref<1x80xi32, #tpu.memory_space<vmem>> -> memref<80xi32, #tpu.memory_space<vmem>>
        %dma_start3A_433 = tpu.memref_slice %arg2[%mul3A_429] : memref<320000xi32, #tpu.memory_space<hbm>> -> memref<80xi32, #tpu.memory_space<hbm>>
        %dma_start3A_434 = arith.constant 0 : i32
        %dma_start3A_435 = tpu.memref_slice %arg8[%scan3A_111, %dma_start3A_434] : memref<4x80xi32, #tpu.memory_space<vmem>> -> memref<1x80xi32, #tpu.memory_space<vmem>>
        %dma_start3A_436 = tpu.memref_squeeze %dma_start3A_435 : memref<1x80xi32, #tpu.memory_space<vmem>> -> memref<80xi32, #tpu.memory_space<vmem>>
        %dma_start3A_437 = tpu.memref_slice %arg2[%mul3A_429] : memref<320000xi32, #tpu.memory_space<hbm>> -> memref<80xi32, #tpu.memory_space<hbm>>
        tpu.enqueue_dma source(%dma_start3A_437 : memref<80xi32, #tpu.memory_space<hbm>>) target(%dma_start3A_436 : memref<80xi32, #tpu.memory_space<vmem>>) target_semaphore(%arg19 : memref<!tpu.dma_semaphore, #tpu.memory_space<semaphore_mem>>)
        %dma_start3A_438 = arith.constant 0 : i32
        %dma_start3A_439 = tpu.memref_slice %arg9[%scan3A_116, %dma_start3A_438] : memref<4x80xi32, #tpu.memory_space<vmem>> -> memref<1x80xi32, #tpu.memory_space<vmem>>
        %dma_start3A_440 = tpu.memref_squeeze %dma_start3A_439 : memref<1x80xi32, #tpu.memory_space<vmem>> -> memref<80xi32, #tpu.memory_space<vmem>>
        %dma_start3A_441 = tpu.memref_slice %arg3[%mul3A_429] : memref<320000xi32, #tpu.memory_space<hbm>> -> memref<80xi32, #tpu.memory_space<hbm>>
        %dma_start3A_442 = arith.constant 0 : i32
        %dma_start3A_443 = tpu.memref_slice %arg9[%scan3A_116, %dma_start3A_442] : memref<4x80xi32, #tpu.memory_space<vmem>> -> memref<1x80xi32, #tpu.memory_space<vmem>>
        %dma_start3A_444 = tpu.memref_squeeze %dma_start3A_443 : memref<1x80xi32, #tpu.memory_space<vmem>> -> memref<80xi32, #tpu.memory_space<vmem>>
        %dma_start3A_445 = tpu.memref_slice %arg3[%mul3A_429] : memref<320000xi32, #tpu.memory_space<hbm>> -> memref<80xi32, #tpu.memory_space<hbm>>
        tpu.enqueue_dma source(%dma_start3A_445 : memref<80xi32, #tpu.memory_space<hbm>>) target(%dma_start3A_444 : memref<80xi32, #tpu.memory_space<vmem>>) target_semaphore(%arg19 : memref<!tpu.dma_semaphore, #tpu.memory_space<semaphore_mem>>)
      } else {
      }
      %add3A_258 = arith.constant 1 : i32
      %add3A_259 = arith.addi %add3A_235, %add3A_258 : i32
      %mul3A_260 = arith.constant 32 : i32
      %mul3A_261 = arith.muli %add3A_259, %mul3A_260 : i32
      %add3A_262 = arith.addi %mul3A_261, %add3A : i32
      %mul3A_263 = arith.constant 80 : i32
      %mul3A_264 = arith.muli %add3A_262, %mul3A_263 : i32
      %dma_wait3A_265 = arith.constant 0 : i32
      %dma_wait3A_266 = tpu.memref_slice %arg8[%scan3A_112, %dma_wait3A_265] : memref<4x80xi32, #tpu.memory_space<vmem>> -> memref<1x80xi32, #tpu.memory_space<vmem>>
      %dma_wait3A_267 = tpu.memref_squeeze %dma_wait3A_266 : memref<1x80xi32, #tpu.memory_space<vmem>> -> memref<80xi32, #tpu.memory_space<vmem>>
      %dma_wait3A_268 = tpu.memref_slice %arg2[%mul3A_264] : memref<320000xi32, #tpu.memory_space<hbm>> -> memref<80xi32, #tpu.memory_space<hbm>>
      %dma_wait3A_269 = arith.constant 0 : i32
      %dma_wait3A_270 = tpu.memref_slice %arg8[%scan3A_112, %dma_wait3A_269] : memref<4x80xi32, #tpu.memory_space<vmem>> -> memref<1x80xi32, #tpu.memory_space<vmem>>
      %dma_wait3A_271 = tpu.memref_squeeze %dma_wait3A_270 : memref<1x80xi32, #tpu.memory_space<vmem>> -> memref<80xi32, #tpu.memory_space<vmem>>
      %dma_wait3A_272 = tpu.memref_slice %arg2[%mul3A_264] : memref<320000xi32, #tpu.memory_space<hbm>> -> memref<80xi32, #tpu.memory_space<hbm>>
      tpu.wait_dma2 semaphore(%arg18 : memref<!tpu.dma_semaphore, #tpu.memory_space<semaphore_mem>>) src(%dma_wait3A_272 : memref<80xi32, #tpu.memory_space<hbm>>) dst(%dma_wait3A_271 : memref<80xi32, #tpu.memory_space<vmem>>)
      %dma_wait3A_273 = arith.constant 0 : i32
      %dma_wait3A_274 = tpu.memref_slice %arg9[%scan3A_113, %dma_wait3A_273] : memref<4x80xi32, #tpu.memory_space<vmem>> -> memref<1x80xi32, #tpu.memory_space<vmem>>
      %dma_wait3A_275 = tpu.memref_squeeze %dma_wait3A_274 : memref<1x80xi32, #tpu.memory_space<vmem>> -> memref<80xi32, #tpu.memory_space<vmem>>
      %dma_wait3A_276 = tpu.memref_slice %arg3[%mul3A_264] : memref<320000xi32, #tpu.memory_space<hbm>> -> memref<80xi32, #tpu.memory_space<hbm>>
      %dma_wait3A_277 = arith.constant 0 : i32
      %dma_wait3A_278 = tpu.memref_slice %arg9[%scan3A_113, %dma_wait3A_277] : memref<4x80xi32, #tpu.memory_space<vmem>> -> memref<1x80xi32, #tpu.memory_space<vmem>>
      %dma_wait3A_279 = tpu.memref_squeeze %dma_wait3A_278 : memref<1x80xi32, #tpu.memory_space<vmem>> -> memref<80xi32, #tpu.memory_space<vmem>>
      %dma_wait3A_280 = tpu.memref_slice %arg3[%mul3A_264] : memref<320000xi32, #tpu.memory_space<hbm>> -> memref<80xi32, #tpu.memory_space<hbm>>
      tpu.wait_dma2 semaphore(%arg18 : memref<!tpu.dma_semaphore, #tpu.memory_space<semaphore_mem>>) src(%dma_wait3A_280 : memref<80xi32, #tpu.memory_space<hbm>>) dst(%dma_wait3A_279 : memref<80xi32, #tpu.memory_space<vmem>>)
      %dma_start3A_281 = arith.constant 0 : i32
      %dma_start3A_282 = tpu.memref_slice %arg8[%scan3A_112, %dma_start3A_281] : memref<4x80xi32, #tpu.memory_space<vmem>> -> memref<1x80xi32, #tpu.memory_space<vmem>>
      %dma_start3A_283 = tpu.memref_squeeze %dma_start3A_282 : memref<1x80xi32, #tpu.memory_space<vmem>> -> memref<80xi32, #tpu.memory_space<vmem>>
      %dma_start3A_284 = arith.constant 0 : i32
      %dma_start3A_285 = arith.constant 0 : i32
      %dma_start3A_286 = tpu.memref_slice %arg4[%dma_start3A_284, %dma_start3A_285] : memref<10000x64xi32, #tpu.memory_space<hbm>> -> memref<10000x64xi32, #tpu.memory_space<hbm>>
      tpu.enqueue_indirect_dma source(%dma_start3A_286 : memref<10000x64xi32, #tpu.memory_space<hbm>>) target(%arg10 : memref<80x64xi32, #tpu.memory_space<vmem>>) offsets(%dma_start3A_283 : memref<80xi32, #tpu.memory_space<vmem>>) semaphore(%arg20 : memref<!tpu.dma_semaphore, #tpu.memory_space<semaphore_mem>>)
      %dma_start3A_287 = arith.constant 0 : i32
      %dma_start3A_288 = tpu.memref_slice %arg9[%scan3A_113, %dma_start3A_287] : memref<4x80xi32, #tpu.memory_space<vmem>> -> memref<1x80xi32, #tpu.memory_space<vmem>>
      %dma_start3A_289 = tpu.memref_squeeze %dma_start3A_288 : memref<1x80xi32, #tpu.memory_space<vmem>> -> memref<80xi32, #tpu.memory_space<vmem>>
      %dma_start3A_290 = arith.constant 0 : i32
      %dma_start3A_291 = arith.constant 0 : i32
      %dma_start3A_292 = tpu.memref_slice %arg5[%dma_start3A_290, %dma_start3A_291] : memref<10000x64xi32, #tpu.memory_space<hbm>> -> memref<10000x64xi32, #tpu.memory_space<hbm>>
      tpu.enqueue_indirect_dma source(%dma_start3A_292 : memref<10000x64xi32, #tpu.memory_space<hbm>>) target(%arg11 : memref<80x64xi32, #tpu.memory_space<vmem>>) offsets(%dma_start3A_289 : memref<80xi32, #tpu.memory_space<vmem>>) semaphore(%arg20 : memref<!tpu.dma_semaphore, #tpu.memory_space<semaphore_mem>>)
      %parallel_loop3A_293 = arith.constant 0 : i32
      %parallel_loop3A_294 = arith.constant 80 : i32
      %parallel_loop3A_295 = arith.constant 1 : i32
      %parallel_loop3A_296 = arith.constant -65536 : i32
      scf.for %parallel_loop3A_423 = %parallel_loop3A_293 to %parallel_loop3A_294 step %parallel_loop3A_295  : i32 {
        %parallel_loop3A_424 = arith.index_cast %parallel_loop3A_423 : i32 to index
        %parallel_loop3A_425 = arith.constant 0 : index
        %parallel_loop3A_426 = tpu.vector_load %arg12[%parallel_loop3A_424, %parallel_loop3A_425] {strides = array<i32>} : memref<80x64xi32, #tpu.memory_space<vmem>>, vector<1x16xi32>,
        %parallel_loop3A_427 = vector.shape_cast %parallel_loop3A_426 : vector<1x16xi32> to vector<16xi32>
        %parallel_loop3A_428 = arith.index_cast %parallel_loop3A_423 : i32 to index
        %parallel_loop3A_429 = arith.constant 0 : index
        %parallel_loop3A_430 = tpu.vector_load %arg13[%parallel_loop3A_428, %parallel_loop3A_429] {strides = array<i32>} : memref<80x64xi32, #tpu.memory_space<vmem>>, vector<1x16xi32>,
        %parallel_loop3A_431 = vector.shape_cast %parallel_loop3A_430 : vector<1x16xi32> to vector<16xi32>
        %parallel_loop3A_432 = arith.constant 16 : i32
        %parallel_loop3A_433 = vector.broadcast %parallel_loop3A_432 : i32 to vector<16xi32>
        %parallel_loop3A_434 = arith.shli %parallel_loop3A_427, %parallel_loop3A_433 : vector<16xi32>
        %parallel_loop3A_435 = tpu.bitcast %parallel_loop3A_434 : vector<16xi32> -> vector<16xf32>
        %parallel_loop3A_436 = arith.constant 16 : i32
        %parallel_loop3A_437 = vector.broadcast %parallel_loop3A_436 : i32 to vector<16xi32>
        %parallel_loop3A_438 = arith.shli %parallel_loop3A_431, %parallel_loop3A_437 : vector<16xi32>
        %parallel_loop3A_439 = tpu.bitcast %parallel_loop3A_438 : vector<16xi32> -> vector<16xf32>
        %parallel_loop3A_440 = vector.broadcast %parallel_loop3A_296 : i32 to vector<16xi32>
        %parallel_loop3A_441 = arith.andi %parallel_loop3A_427, %parallel_loop3A_440 : vector<16xi32>
        %parallel_loop3A_442 = tpu.bitcast %parallel_loop3A_441 : vector<16xi32> -> vector<16xf32>
        %parallel_loop3A_443 = vector.broadcast %parallel_loop3A_296 : i32 to vector<16xi32>
        %parallel_loop3A_444 = arith.andi %parallel_loop3A_431, %parallel_loop3A_443 : vector<16xi32>
        %parallel_loop3A_445 = tpu.bitcast %parallel_loop3A_444 : vector<16xi32> -> vector<16xf32>
        %parallel_loop3A_446 = arith.addf %parallel_loop3A_435, %parallel_loop3A_439 : vector<16xf32>
        %parallel_loop3A_447 = arith.constant 0.000000e+00 : f32
        %parallel_loop3A_448 = vector.broadcast %parallel_loop3A_447 : f32 to vector<16xf32>
        %parallel_loop3A_449 = arith.maximumf %parallel_loop3A_446, %parallel_loop3A_448 : vector<16xf32>
        %parallel_loop3A_450 = arith.index_cast %parallel_loop3A_423 : i32 to index
        %parallel_loop3A_451 = arith.constant 0 : index
        %parallel_loop3A_452 = tpu.vector_load %arg15[%parallel_loop3A_450, %parallel_loop3A_451] {strides = array<i32>} : memref<80x128xf32, #tpu.memory_space<vmem>>, vector<1x16xf32>,
        %parallel_loop3A_453 = vector.shape_cast %parallel_loop3A_452 : vector<1x16xf32> to vector<16xf32>
        %parallel_loop3A_454 = vector.shape_cast %parallel_loop3A_449 : vector<16xf32> to vector<1x16xf32>
        tpu.vector_store %arg15[%parallel_loop3A_450, %parallel_loop3A_451], %parallel_loop3A_454 {strides = array<i32>} : memref<80x128xf32, #tpu.memory_space<vmem>>, vector<1x16xf32>,
        %parallel_loop3A_455 = arith.addf %parallel_loop3A_442, %parallel_loop3A_445 : vector<16xf32>
        %parallel_loop3A_456 = arith.constant 0.000000e+00 : f32
        %parallel_loop3A_457 = vector.broadcast %parallel_loop3A_456 : f32 to vector<16xf32>
        %parallel_loop3A_458 = arith.maximumf %parallel_loop3A_455, %parallel_loop3A_457 : vector<16xf32>
        %parallel_loop3A_459 = arith.index_cast %parallel_loop3A_423 : i32 to index
        %parallel_loop3A_460 = arith.constant 64 : index
        %parallel_loop3A_461 = tpu.vector_load %arg15[%parallel_loop3A_459, %parallel_loop3A_460] {strides = array<i32>} : memref<80x128xf32, #tpu.memory_space<vmem>>, vector<1x16xf32>,
        %parallel_loop3A_462 = vector.shape_cast %parallel_loop3A_461 : vector<1x16xf32> to vector<16xf32>
        %parallel_loop3A_463 = vector.shape_cast %parallel_loop3A_458 : vector<16xf32> to vector<1x16xf32>
        tpu.vector_store %arg15[%parallel_loop3A_459, %parallel_loop3A_460], %parallel_loop3A_463 {strides = array<i32>} : memref<80x128xf32, #tpu.memory_space<vmem>>, vector<1x16xf32>,
        %parallel_loop3A_464 = arith.index_cast %parallel_loop3A_423 : i32 to index
        %parallel_loop3A_465 = arith.constant 16 : index
        %parallel_loop3A_466 = tpu.vector_load %arg12[%parallel_loop3A_464, %parallel_loop3A_465] {strides = array<i32>} : memref<80x64xi32, #tpu.memory_space<vmem>>, vector<1x16xi32>,
        %parallel_loop3A_467 = vector.shape_cast %parallel_loop3A_466 : vector<1x16xi32> to vector<16xi32>
        %parallel_loop3A_468 = arith.index_cast %parallel_loop3A_423 : i32 to index
        %parallel_loop3A_469 = arith.constant 16 : index
        %parallel_loop3A_470 = tpu.vector_load %arg13[%parallel_loop3A_468, %parallel_loop3A_469] {strides = array<i32>} : memref<80x64xi32, #tpu.memory_space<vmem>>, vector<1x16xi32>,
        %parallel_loop3A_471 = vector.shape_cast %parallel_loop3A_470 : vector<1x16xi32> to vector<16xi32>
        %parallel_loop3A_472 = arith.constant 16 : i32
        %parallel_loop3A_473 = vector.broadcast %parallel_loop3A_472 : i32 to vector<16xi32>
        %parallel_loop3A_474 = arith.shli %parallel_loop3A_467, %parallel_loop3A_473 : vector<16xi32>
        %parallel_loop3A_475 = tpu.bitcast %parallel_loop3A_474 : vector<16xi32> -> vector<16xf32>
        %parallel_loop3A_476 = arith.constant 16 : i32
        %parallel_loop3A_477 = vector.broadcast %parallel_loop3A_476 : i32 to vector<16xi32>
        %parallel_loop3A_478 = arith.shli %parallel_loop3A_471, %parallel_loop3A_477 : vector<16xi32>
        %parallel_loop3A_479 = tpu.bitcast %parallel_loop3A_478 : vector<16xi32> -> vector<16xf32>
        %parallel_loop3A_480 = vector.broadcast %parallel_loop3A_296 : i32 to vector<16xi32>
        %parallel_loop3A_481 = arith.andi %parallel_loop3A_467, %parallel_loop3A_480 : vector<16xi32>
        %parallel_loop3A_482 = tpu.bitcast %parallel_loop3A_481 : vector<16xi32> -> vector<16xf32>
        %parallel_loop3A_483 = vector.broadcast %parallel_loop3A_296 : i32 to vector<16xi32>
        %parallel_loop3A_484 = arith.andi %parallel_loop3A_471, %parallel_loop3A_483 : vector<16xi32>
        %parallel_loop3A_485 = tpu.bitcast %parallel_loop3A_484 : vector<16xi32> -> vector<16xf32>
        %parallel_loop3A_486 = arith.addf %parallel_loop3A_475, %parallel_loop3A_479 : vector<16xf32>
        %parallel_loop3A_487 = arith.constant 0.000000e+00 : f32
        %parallel_loop3A_488 = vector.broadcast %parallel_loop3A_487 : f32 to vector<16xf32>
        %parallel_loop3A_489 = arith.maximumf %parallel_loop3A_486, %parallel_loop3A_488 : vector<16xf32>
        %parallel_loop3A_490 = arith.index_cast %parallel_loop3A_423 : i32 to index
        %parallel_loop3A_491 = arith.constant 16 : index
        %parallel_loop3A_492 = tpu.vector_load %arg15[%parallel_loop3A_490, %parallel_loop3A_491] {strides = array<i32>} : memref<80x128xf32, #tpu.memory_space<vmem>>, vector<1x16xf32>,
        %parallel_loop3A_493 = vector.shape_cast %parallel_loop3A_492 : vector<1x16xf32> to vector<16xf32>
        %parallel_loop3A_494 = vector.shape_cast %parallel_loop3A_489 : vector<16xf32> to vector<1x16xf32>
        tpu.vector_store %arg15[%parallel_loop3A_490, %parallel_loop3A_491], %parallel_loop3A_494 {strides = array<i32>} : memref<80x128xf32, #tpu.memory_space<vmem>>, vector<1x16xf32>,
        %parallel_loop3A_495 = arith.addf %parallel_loop3A_482, %parallel_loop3A_485 : vector<16xf32>
        %parallel_loop3A_496 = arith.constant 0.000000e+00 : f32
        %parallel_loop3A_497 = vector.broadcast %parallel_loop3A_496 : f32 to vector<16xf32>
        %parallel_loop3A_498 = arith.maximumf %parallel_loop3A_495, %parallel_loop3A_497 : vector<16xf32>
        %parallel_loop3A_499 = arith.index_cast %parallel_loop3A_423 : i32 to index
        %parallel_loop3A_500 = arith.constant 80 : index
        %parallel_loop3A_501 = tpu.vector_load %arg15[%parallel_loop3A_499, %parallel_loop3A_500] {strides = array<i32>} : memref<80x128xf32, #tpu.memory_space<vmem>>, vector<1x16xf32>,
        %parallel_loop3A_502 = vector.shape_cast %parallel_loop3A_501 : vector<1x16xf32> to vector<16xf32>
        %parallel_loop3A_503 = vector.shape_cast %parallel_loop3A_498 : vector<16xf32> to vector<1x16xf32>
        tpu.vector_store %arg15[%parallel_loop3A_499, %parallel_loop3A_500], %parallel_loop3A_503 {strides = array<i32>} : memref<80x128xf32, #tpu.memory_space<vmem>>, vector<1x16xf32>,
        %parallel_loop3A_504 = arith.index_cast %parallel_loop3A_423 : i32 to index
        %parallel_loop3A_505 = arith.constant 32 : index
        %parallel_loop3A_506 = tpu.vector_load %arg12[%parallel_loop3A_504, %parallel_loop3A_505] {strides = array<i32>} : memref<80x64xi32, #tpu.memory_space<vmem>>, vector<1x16xi32>,
        %parallel_loop3A_507 = vector.shape_cast %parallel_loop3A_506 : vector<1x16xi32> to vector<16xi32>
        %parallel_loop3A_508 = arith.index_cast %parallel_loop3A_423 : i32 to index
        %parallel_loop3A_509 = arith.constant 32 : index
        %parallel_loop3A_510 = tpu.vector_load %arg13[%parallel_loop3A_508, %parallel_loop3A_509] {strides = array<i32>} : memref<80x64xi32, #tpu.memory_space<vmem>>, vector<1x16xi32>,
        %parallel_loop3A_511 = vector.shape_cast %parallel_loop3A_510 : vector<1x16xi32> to vector<16xi32>
        %parallel_loop3A_512 = arith.constant 16 : i32
        %parallel_loop3A_513 = vector.broadcast %parallel_loop3A_512 : i32 to vector<16xi32>
        %parallel_loop3A_514 = arith.shli %parallel_loop3A_507, %parallel_loop3A_513 : vector<16xi32>
        %parallel_loop3A_515 = tpu.bitcast %parallel_loop3A_514 : vector<16xi32> -> vector<16xf32>
        %parallel_loop3A_516 = arith.constant 16 : i32
        %parallel_loop3A_517 = vector.broadcast %parallel_loop3A_516 : i32 to vector<16xi32>
        %parallel_loop3A_518 = arith.shli %parallel_loop3A_511, %parallel_loop3A_517 : vector<16xi32>
        %parallel_loop3A_519 = tpu.bitcast %parallel_loop3A_518 : vector<16xi32> -> vector<16xf32>
        %parallel_loop3A_520 = vector.broadcast %parallel_loop3A_296 : i32 to vector<16xi32>
        %parallel_loop3A_521 = arith.andi %parallel_loop3A_507, %parallel_loop3A_520 : vector<16xi32>
        %parallel_loop3A_522 = tpu.bitcast %parallel_loop3A_521 : vector<16xi32> -> vector<16xf32>
        %parallel_loop3A_523 = vector.broadcast %parallel_loop3A_296 : i32 to vector<16xi32>
        %parallel_loop3A_524 = arith.andi %parallel_loop3A_511, %parallel_loop3A_523 : vector<16xi32>
        %parallel_loop3A_525 = tpu.bitcast %parallel_loop3A_524 : vector<16xi32> -> vector<16xf32>
        %parallel_loop3A_526 = arith.addf %parallel_loop3A_515, %parallel_loop3A_519 : vector<16xf32>
        %parallel_loop3A_527 = arith.constant 0.000000e+00 : f32
        %parallel_loop3A_528 = vector.broadcast %parallel_loop3A_527 : f32 to vector<16xf32>
        %parallel_loop3A_529 = arith.maximumf %parallel_loop3A_526, %parallel_loop3A_528 : vector<16xf32>
        %parallel_loop3A_530 = arith.index_cast %parallel_loop3A_423 : i32 to index
        %parallel_loop3A_531 = arith.constant 32 : index
        %parallel_loop3A_532 = tpu.vector_load %arg15[%parallel_loop3A_530, %parallel_loop3A_531] {strides = array<i32>} : memref<80x128xf32, #tpu.memory_space<vmem>>, vector<1x16xf32>,
        %parallel_loop3A_533 = vector.shape_cast %parallel_loop3A_532 : vector<1x16xf32> to vector<16xf32>
        %parallel_loop3A_534 = vector.shape_cast %parallel_loop3A_529 : vector<16xf32> to vector<1x16xf32>
        tpu.vector_store %arg15[%parallel_loop3A_530, %parallel_loop3A_531], %parallel_loop3A_534 {strides = array<i32>} : memref<80x128xf32, #tpu.memory_space<vmem>>, vector<1x16xf32>,
        %parallel_loop3A_535 = arith.addf %parallel_loop3A_522, %parallel_loop3A_525 : vector<16xf32>
        %parallel_loop3A_536 = arith.constant 0.000000e+00 : f32
        %parallel_loop3A_537 = vector.broadcast %parallel_loop3A_536 : f32 to vector<16xf32>
        %parallel_loop3A_538 = arith.maximumf %parallel_loop3A_535, %parallel_loop3A_537 : vector<16xf32>
        %parallel_loop3A_539 = arith.index_cast %parallel_loop3A_423 : i32 to index
        %parallel_loop3A_540 = arith.constant 96 : index
        %parallel_loop3A_541 = tpu.vector_load %arg15[%parallel_loop3A_539, %parallel_loop3A_540] {strides = array<i32>} : memref<80x128xf32, #tpu.memory_space<vmem>>, vector<1x16xf32>,
        %parallel_loop3A_542 = vector.shape_cast %parallel_loop3A_541 : vector<1x16xf32> to vector<16xf32>
        %parallel_loop3A_543 = vector.shape_cast %parallel_loop3A_538 : vector<16xf32> to vector<1x16xf32>
        tpu.vector_store %arg15[%parallel_loop3A_539, %parallel_loop3A_540], %parallel_loop3A_543 {strides = array<i32>} : memref<80x128xf32, #tpu.memory_space<vmem>>, vector<1x16xf32>,
        %parallel_loop3A_544 = arith.index_cast %parallel_loop3A_423 : i32 to index
        %parallel_loop3A_545 = arith.constant 48 : index
        %parallel_loop3A_546 = tpu.vector_load %arg12[%parallel_loop3A_544, %parallel_loop3A_545] {strides = array<i32>} : memref<80x64xi32, #tpu.memory_space<vmem>>, vector<1x16xi32>,
        %parallel_loop3A_547 = vector.shape_cast %parallel_loop3A_546 : vector<1x16xi32> to vector<16xi32>
        %parallel_loop3A_548 = arith.index_cast %parallel_loop3A_423 : i32 to index
        %parallel_loop3A_549 = arith.constant 48 : index
        %parallel_loop3A_550 = tpu.vector_load %arg13[%parallel_loop3A_548, %parallel_loop3A_549] {strides = array<i32>} : memref<80x64xi32, #tpu.memory_space<vmem>>, vector<1x16xi32>,
        %parallel_loop3A_551 = vector.shape_cast %parallel_loop3A_550 : vector<1x16xi32> to vector<16xi32>
        %parallel_loop3A_552 = arith.constant 16 : i32
        %parallel_loop3A_553 = vector.broadcast %parallel_loop3A_552 : i32 to vector<16xi32>
        %parallel_loop3A_554 = arith.shli %parallel_loop3A_547, %parallel_loop3A_553 : vector<16xi32>
        %parallel_loop3A_555 = tpu.bitcast %parallel_loop3A_554 : vector<16xi32> -> vector<16xf32>
        %parallel_loop3A_556 = arith.constant 16 : i32
        %parallel_loop3A_557 = vector.broadcast %parallel_loop3A_556 : i32 to vector<16xi32>
        %parallel_loop3A_558 = arith.shli %parallel_loop3A_551, %parallel_loop3A_557 : vector<16xi32>
        %parallel_loop3A_559 = tpu.bitcast %parallel_loop3A_558 : vector<16xi32> -> vector<16xf32>
        %parallel_loop3A_560 = vector.broadcast %parallel_loop3A_296 : i32 to vector<16xi32>
        %parallel_loop3A_561 = arith.andi %parallel_loop3A_547, %parallel_loop3A_560 : vector<16xi32>
        %parallel_loop3A_562 = tpu.bitcast %parallel_loop3A_561 : vector<16xi32> -> vector<16xf32>
        %parallel_loop3A_563 = vector.broadcast %parallel_loop3A_296 : i32 to vector<16xi32>
        %parallel_loop3A_564 = arith.andi %parallel_loop3A_551, %parallel_loop3A_563 : vector<16xi32>
        %parallel_loop3A_565 = tpu.bitcast %parallel_loop3A_564 : vector<16xi32> -> vector<16xf32>
        %parallel_loop3A_566 = arith.addf %parallel_loop3A_555, %parallel_loop3A_559 : vector<16xf32>
        %parallel_loop3A_567 = arith.constant 0.000000e+00 : f32
        %parallel_loop3A_568 = vector.broadcast %parallel_loop3A_567 : f32 to vector<16xf32>
        %parallel_loop3A_569 = arith.maximumf %parallel_loop3A_566, %parallel_loop3A_568 : vector<16xf32>
        %parallel_loop3A_570 = arith.index_cast %parallel_loop3A_423 : i32 to index
        %parallel_loop3A_571 = arith.constant 48 : index
        %parallel_loop3A_572 = tpu.vector_load %arg15[%parallel_loop3A_570, %parallel_loop3A_571] {strides = array<i32>} : memref<80x128xf32, #tpu.memory_space<vmem>>, vector<1x16xf32>,
        %parallel_loop3A_573 = vector.shape_cast %parallel_loop3A_572 : vector<1x16xf32> to vector<16xf32>
        %parallel_loop3A_574 = vector.shape_cast %parallel_loop3A_569 : vector<16xf32> to vector<1x16xf32>
        tpu.vector_store %arg15[%parallel_loop3A_570, %parallel_loop3A_571], %parallel_loop3A_574 {strides = array<i32>} : memref<80x128xf32, #tpu.memory_space<vmem>>, vector<1x16xf32>,
        %parallel_loop3A_575 = arith.addf %parallel_loop3A_562, %parallel_loop3A_565 : vector<16xf32>
        %parallel_loop3A_576 = arith.constant 0.000000e+00 : f32
        %parallel_loop3A_577 = vector.broadcast %parallel_loop3A_576 : f32 to vector<16xf32>
        %parallel_loop3A_578 = arith.maximumf %parallel_loop3A_575, %parallel_loop3A_577 : vector<16xf32>
        %parallel_loop3A_579 = arith.index_cast %parallel_loop3A_423 : i32 to index
        %parallel_loop3A_580 = arith.constant 112 : index
        %parallel_loop3A_581 = tpu.vector_load %arg15[%parallel_loop3A_579, %parallel_loop3A_580] {strides = array<i32>} : memref<80x128xf32, #tpu.memory_space<vmem>>, vector<1x16xf32>,
        %parallel_loop3A_582 = vector.shape_cast %parallel_loop3A_581 : vector<1x16xf32> to vector<16xf32>
        %parallel_loop3A_583 = vector.shape_cast %parallel_loop3A_578 : vector<16xf32> to vector<1x16xf32>
        tpu.vector_store %arg15[%parallel_loop3A_579, %parallel_loop3A_580], %parallel_loop3A_583 {strides = array<i32>} : memref<80x128xf32, #tpu.memory_space<vmem>>, vector<1x16xf32>,
      } {sc.loop_unroll_factor = 4 : i64, sc.parallel_access}
      %add3A_297 = arith.constant 2 : i32
      %add3A_298 = arith.addi %mul3A_174, %add3A_297 : i32
      %dma_wait3A_299 = arith.constant 0 : i32
      %dma_wait3A_300 = tpu.memref_slice %arg8[%scan3A_112, %dma_wait3A_299] : memref<4x80xi32, #tpu.memory_space<vmem>> -> memref<1x80xi32, #tpu.memory_space<vmem>>
      %dma_wait3A_301 = tpu.memref_squeeze %dma_wait3A_300 : memref<1x80xi32, #tpu.memory_space<vmem>> -> memref<80xi32, #tpu.memory_space<vmem>>
      %dma_wait3A_302 = arith.constant 0 : i32
      %dma_wait3A_303 = arith.constant 0 : i32
      %dma_wait3A_304 = tpu.memref_slice %arg4[%dma_wait3A_302, %dma_wait3A_303] : memref<10000x64xi32, #tpu.memory_space<hbm>> -> memref<10000x64xi32, #tpu.memory_space<hbm>>
      tpu.wait_indirect_dma semaphore(%arg20 : memref<!tpu.dma_semaphore, #tpu.memory_space<semaphore_mem>>) src(%dma_wait3A_304 : memref<10000x64xi32, #tpu.memory_space<hbm>>) dst(%arg10 : memref<80x64xi32, #tpu.memory_space<vmem>>)
      %dma_wait3A_305 = arith.constant 0 : i32
      %dma_wait3A_306 = tpu.memref_slice %arg9[%scan3A_113, %dma_wait3A_305] : memref<4x80xi32, #tpu.memory_space<vmem>> -> memref<1x80xi32, #tpu.memory_space<vmem>>
      %dma_wait3A_307 = tpu.memref_squeeze %dma_wait3A_306 : memref<1x80xi32, #tpu.memory_space<vmem>> -> memref<80xi32, #tpu.memory_space<vmem>>
      %dma_wait3A_308 = arith.constant 0 : i32
      %dma_wait3A_309 = arith.constant 0 : i32
      %dma_wait3A_310 = tpu.memref_slice %arg5[%dma_wait3A_308, %dma_wait3A_309] : memref<10000x64xi32, #tpu.memory_space<hbm>> -> memref<10000x64xi32, #tpu.memory_space<hbm>>
      tpu.wait_indirect_dma semaphore(%arg20 : memref<!tpu.dma_semaphore, #tpu.memory_space<semaphore_mem>>) src(%dma_wait3A_310 : memref<10000x64xi32, #tpu.memory_space<hbm>>) dst(%arg11 : memref<80x64xi32, #tpu.memory_space<vmem>>)
      %gt3A_311 = arith.constant 0 : i32
      %gt3A_312 = arith.cmpi sgt, %add3A_298, %gt3A_311 : i32
      %convert_element_type3A_313 = arith.extui %gt3A_312 : i1 to i32
      %cond3A_314 = arith.constant 0 : i32
      %cond3A_315 = arith.cmpi ne, %convert_element_type3A_313, %cond3A_314 : i32
      scf.if %cond3A_315 {
        "tpu.region"() ({
          %run_scoped3A_423 = tpu.sem_alloc : memref<!tpu.dma_semaphore, #tpu.memory_space<semaphore_mem>>
          %dma_start3A_424 = arith.constant 0 : i32
          %dma_start3A_425 = tpu.memref_slice %arg8[%scan3A_114, %dma_start3A_424] : memref<4x80xi32, #tpu.memory_space<vmem>> -> memref<1x80xi32, #tpu.memory_space<vmem>>
          %dma_start3A_426 = tpu.memref_squeeze %dma_start3A_425 : memref<1x80xi32, #tpu.memory_space<vmem>> -> memref<80xi32, #tpu.memory_space<vmem>>
          %dma_start3A_427 = arith.constant 0 : i32
          %dma_start3A_428 = arith.constant 0 : i32
          %dma_start3A_429 = tpu.memref_slice %arg17[%dma_start3A_427, %dma_start3A_428] : memref<10000x128xf32, #tpu.memory_space<vmem_shared>> -> memref<10000x128xf32, #tpu.memory_space<vmem_shared>>
          tpu.enqueue_indirect_dma source(%arg15 : memref<80x128xf32, #tpu.memory_space<vmem>>) target(%dma_start3A_429 : memref<10000x128xf32, #tpu.memory_space<vmem_shared>>) offsets(%dma_start3A_426 : memref<80xi32, #tpu.memory_space<vmem>>) semaphore(%run_scoped3A_423 : memref<!tpu.dma_semaphore, #tpu.memory_space<semaphore_mem>>) {add = true}
          %dma_wait3A_430 = arith.constant 0 : i32
          %dma_wait3A_431 = tpu.memref_slice %arg8[%scan3A_114, %dma_wait3A_430] : memref<4x80xi32, #tpu.memory_space<vmem>> -> memref<1x80xi32, #tpu.memory_space<vmem>>
          %dma_wait3A_432 = tpu.memref_squeeze %dma_wait3A_431 : memref<1x80xi32, #tpu.memory_space<vmem>> -> memref<80xi32, #tpu.memory_space<vmem>>
          %dma_wait3A_433 = arith.constant 0 : i32
          %dma_wait3A_434 = arith.constant 0 : i32
          %dma_wait3A_435 = tpu.memref_slice %arg17[%dma_wait3A_433, %dma_wait3A_434] : memref<10000x128xf32, #tpu.memory_space<vmem_shared>> -> memref<10000x128xf32, #tpu.memory_space<vmem_shared>>
          tpu.wait_indirect_dma semaphore(%run_scoped3A_423 : memref<!tpu.dma_semaphore, #tpu.memory_space<semaphore_mem>>) src(%arg15 : memref<80x128xf32, #tpu.memory_space<vmem>>) dst(%dma_wait3A_435 : memref<10000x128xf32, #tpu.memory_space<vmem_shared>>)
          tpu.yield
        }) : () -> ()
      } else {
      }
      %lt3A_316 = arith.constant 123 : i32
      %lt3A_317 = arith.cmpi slt, %add3A_298, %lt3A_316 : i32
      %convert_element_type3A_318 = arith.extui %lt3A_317 : i1 to i32
      %cond3A_319 = arith.constant 0 : i32
      %cond3A_320 = arith.cmpi ne, %convert_element_type3A_318, %cond3A_319 : i32
      scf.if %cond3A_320 {
        %add3A_423 = arith.constant 2 : i32
        %add3A_424 = arith.addi %add3A_298, %add3A_423 : i32
        %mul3A_425 = arith.constant 32 : i32
        %mul3A_426 = arith.muli %add3A_424, %mul3A_425 : i32
        %add3A_427 = arith.addi %mul3A_426, %add3A : i32
        %mul3A_428 = arith.constant 80 : i32
        %mul3A_429 = arith.muli %add3A_427, %mul3A_428 : i32
        %dma_start3A_430 = arith.constant 0 : i32
        %dma_start3A_431 = tpu.memref_slice %arg8[%scan3A_109, %dma_start3A_430] : memref<4x80xi32, #tpu.memory_space<vmem>> -> memref<1x80xi32, #tpu.memory_space<vmem>>
        %dma_start3A_432 = tpu.memref_squeeze %dma_start3A_431 : memref<1x80xi32, #tpu.memory_space<vmem>> -> memref<80xi32, #tpu.memory_space<vmem>>
        %dma_start3A_433 = tpu.memref_slice %arg2[%mul3A_429] : memref<320000xi32, #tpu.memory_space<hbm>> -> memref<80xi32, #tpu.memory_space<hbm>>
        %dma_start3A_434 = arith.constant 0 : i32
        %dma_start3A_435 = tpu.memref_slice %arg8[%scan3A_109, %dma_start3A_434] : memref<4x80xi32, #tpu.memory_space<vmem>> -> memref<1x80xi32, #tpu.memory_space<vmem>>
        %dma_start3A_436 = tpu.memref_squeeze %dma_start3A_435 : memref<1x80xi32, #tpu.memory_space<vmem>> -> memref<80xi32, #tpu.memory_space<vmem>>
        %dma_start3A_437 = tpu.memref_slice %arg2[%mul3A_429] : memref<320000xi32, #tpu.memory_space<hbm>> -> memref<80xi32, #tpu.memory_space<hbm>>
        tpu.enqueue_dma source(%dma_start3A_437 : memref<80xi32, #tpu.memory_space<hbm>>) target(%dma_start3A_436 : memref<80xi32, #tpu.memory_space<vmem>>) target_semaphore(%arg18 : memref<!tpu.dma_semaphore, #tpu.memory_space<semaphore_mem>>)
        %dma_start3A_438 = arith.constant 0 : i32
        %dma_start3A_439 = tpu.memref_slice %arg9[%scan3A_110, %dma_start3A_438] : memref<4x80xi32, #tpu.memory_space<vmem>> -> memref<1x80xi32, #tpu.memory_space<vmem>>
        %dma_start3A_440 = tpu.memref_squeeze %dma_start3A_439 : memref<1x80xi32, #tpu.memory_space<vmem>> -> memref<80xi32, #tpu.memory_space<vmem>>
        %dma_start3A_441 = tpu.memref_slice %arg3[%mul3A_429] : memref<320000xi32, #tpu.memory_space<hbm>> -> memref<80xi32, #tpu.memory_space<hbm>>
        %dma_start3A_442 = arith.constant 0 : i32
        %dma_start3A_443 = tpu.memref_slice %arg9[%scan3A_110, %dma_start3A_442] : memref<4x80xi32, #tpu.memory_space<vmem>> -> memref<1x80xi32, #tpu.memory_space<vmem>>
        %dma_start3A_444 = tpu.memref_squeeze %dma_start3A_443 : memref<1x80xi32, #tpu.memory_space<vmem>> -> memref<80xi32, #tpu.memory_space<vmem>>
        %dma_start3A_445 = tpu.memref_slice %arg3[%mul3A_429] : memref<320000xi32, #tpu.memory_space<hbm>> -> memref<80xi32, #tpu.memory_space<hbm>>
        tpu.enqueue_dma source(%dma_start3A_445 : memref<80xi32, #tpu.memory_space<hbm>>) target(%dma_start3A_444 : memref<80xi32, #tpu.memory_space<vmem>>) target_semaphore(%arg18 : memref<!tpu.dma_semaphore, #tpu.memory_space<semaphore_mem>>)
      } else {
      }
      %add3A_321 = arith.constant 1 : i32
      %add3A_322 = arith.addi %add3A_298, %add3A_321 : i32
      %mul3A_323 = arith.constant 32 : i32
      %mul3A_324 = arith.muli %add3A_322, %mul3A_323 : i32
      %add3A_325 = arith.addi %mul3A_324, %add3A : i32
      %mul3A_326 = arith.constant 80 : i32
      %mul3A_327 = arith.muli %add3A_325, %mul3A_326 : i32
      %dma_wait3A_328 = arith.constant 0 : i32
      %dma_wait3A_329 = tpu.memref_slice %arg8[%scan3A_111, %dma_wait3A_328] : memref<4x80xi32, #tpu.memory_space<vmem>> -> memref<1x80xi32, #tpu.memory_space<vmem>>
      %dma_wait3A_330 = tpu.memref_squeeze %dma_wait3A_329 : memref<1x80xi32, #tpu.memory_space<vmem>> -> memref<80xi32, #tpu.memory_space<vmem>>
      %dma_wait3A_331 = tpu.memref_slice %arg2[%mul3A_327] : memref<320000xi32, #tpu.memory_space<hbm>> -> memref<80xi32, #tpu.memory_space<hbm>>
      %dma_wait3A_332 = arith.constant 0 : i32
      %dma_wait3A_333 = tpu.memref_slice %arg8[%scan3A_111, %dma_wait3A_332] : memref<4x80xi32, #tpu.memory_space<vmem>> -> memref<1x80xi32, #tpu.memory_space<vmem>>
      %dma_wait3A_334 = tpu.memref_squeeze %dma_wait3A_333 : memref<1x80xi32, #tpu.memory_space<vmem>> -> memref<80xi32, #tpu.memory_space<vmem>>
      %dma_wait3A_335 = tpu.memref_slice %arg2[%mul3A_327] : memref<320000xi32, #tpu.memory_space<hbm>> -> memref<80xi32, #tpu.memory_space<hbm>>
      tpu.wait_dma2 semaphore(%arg19 : memref<!tpu.dma_semaphore, #tpu.memory_space<semaphore_mem>>) src(%dma_wait3A_335 : memref<80xi32, #tpu.memory_space<hbm>>) dst(%dma_wait3A_334 : memref<80xi32, #tpu.memory_space<vmem>>)
      %dma_wait3A_336 = arith.constant 0 : i32
      %dma_wait3A_337 = tpu.memref_slice %arg9[%scan3A_116, %dma_wait3A_336] : memref<4x80xi32, #tpu.memory_space<vmem>> -> memref<1x80xi32, #tpu.memory_space<vmem>>
      %dma_wait3A_338 = tpu.memref_squeeze %dma_wait3A_337 : memref<1x80xi32, #tpu.memory_space<vmem>> -> memref<80xi32, #tpu.memory_space<vmem>>
      %dma_wait3A_339 = tpu.memref_slice %arg3[%mul3A_327] : memref<320000xi32, #tpu.memory_space<hbm>> -> memref<80xi32, #tpu.memory_space<hbm>>
      %dma_wait3A_340 = arith.constant 0 : i32
      %dma_wait3A_341 = tpu.memref_slice %arg9[%scan3A_116, %dma_wait3A_340] : memref<4x80xi32, #tpu.memory_space<vmem>> -> memref<1x80xi32, #tpu.memory_space<vmem>>
      %dma_wait3A_342 = tpu.memref_squeeze %dma_wait3A_341 : memref<1x80xi32, #tpu.memory_space<vmem>> -> memref<80xi32, #tpu.memory_space<vmem>>
      %dma_wait3A_343 = tpu.memref_slice %arg3[%mul3A_327] : memref<320000xi32, #tpu.memory_space<hbm>> -> memref<80xi32, #tpu.memory_space<hbm>>
      tpu.wait_dma2 semaphore(%arg19 : memref<!tpu.dma_semaphore, #tpu.memory_space<semaphore_mem>>) src(%dma_wait3A_343 : memref<80xi32, #tpu.memory_space<hbm>>) dst(%dma_wait3A_342 : memref<80xi32, #tpu.memory_space<vmem>>)
      %dma_start3A_344 = arith.constant 0 : i32
      %dma_start3A_345 = tpu.memref_slice %arg8[%scan3A_111, %dma_start3A_344] : memref<4x80xi32, #tpu.memory_space<vmem>> -> memref<1x80xi32, #tpu.memory_space<vmem>>
      %dma_start3A_346 = tpu.memref_squeeze %dma_start3A_345 : memref<1x80xi32, #tpu.memory_space<vmem>> -> memref<80xi32, #tpu.memory_space<vmem>>
      %dma_start3A_347 = arith.constant 0 : i32
      %dma_start3A_348 = arith.constant 0 : i32
      %dma_start3A_349 = tpu.memref_slice %arg4[%dma_start3A_347, %dma_start3A_348] : memref<10000x64xi32, #tpu.memory_space<hbm>> -> memref<10000x64xi32, #tpu.memory_space<hbm>>
      tpu.enqueue_indirect_dma source(%dma_start3A_349 : memref<10000x64xi32, #tpu.memory_space<hbm>>) target(%arg12 : memref<80x64xi32, #tpu.memory_space<vmem>>) offsets(%dma_start3A_346 : memref<80xi32, #tpu.memory_space<vmem>>) semaphore(%arg21 : memref<!tpu.dma_semaphore, #tpu.memory_space<semaphore_mem>>)
      %dma_start3A_350 = arith.constant 0 : i32
      %dma_start3A_351 = tpu.memref_slice %arg9[%scan3A_116, %dma_start3A_350] : memref<4x80xi32, #tpu.memory_space<vmem>> -> memref<1x80xi32, #tpu.memory_space<vmem>>
      %dma_start3A_352 = tpu.memref_squeeze %dma_start3A_351 : memref<1x80xi32, #tpu.memory_space<vmem>> -> memref<80xi32, #tpu.memory_space<vmem>>
      %dma_start3A_353 = arith.constant 0 : i32
      %dma_start3A_354 = arith.constant 0 : i32
      %dma_start3A_355 = tpu.memref_slice %arg5[%dma_start3A_353, %dma_start3A_354] : memref<10000x64xi32, #tpu.memory_space<hbm>> -> memref<10000x64xi32, #tpu.memory_space<hbm>>
      tpu.enqueue_indirect_dma source(%dma_start3A_355 : memref<10000x64xi32, #tpu.memory_space<hbm>>) target(%arg13 : memref<80x64xi32, #tpu.memory_space<vmem>>) offsets(%dma_start3A_352 : memref<80xi32, #tpu.memory_space<vmem>>) semaphore(%arg21 : memref<!tpu.dma_semaphore, #tpu.memory_space<semaphore_mem>>)
      %parallel_loop3A_356 = arith.constant 0 : i32
      %parallel_loop3A_357 = arith.constant 80 : i32
      %parallel_loop3A_358 = arith.constant 1 : i32
      %parallel_loop3A_359 = arith.constant -65536 : i32
      scf.for %parallel_loop3A_423 = %parallel_loop3A_356 to %parallel_loop3A_357 step %parallel_loop3A_358  : i32 {
        %parallel_loop3A_424 = arith.index_cast %parallel_loop3A_423 : i32 to index
        %parallel_loop3A_425 = arith.constant 0 : index
        %parallel_loop3A_426 = tpu.vector_load %arg10[%parallel_loop3A_424, %parallel_loop3A_425] {strides = array<i32>} : memref<80x64xi32, #tpu.memory_space<vmem>>, vector<1x16xi32>,
        %parallel_loop3A_427 = vector.shape_cast %parallel_loop3A_426 : vector<1x16xi32> to vector<16xi32>
        %parallel_loop3A_428 = arith.index_cast %parallel_loop3A_423 : i32 to index
        %parallel_loop3A_429 = arith.constant 0 : index
        %parallel_loop3A_430 = tpu.vector_load %arg11[%parallel_loop3A_428, %parallel_loop3A_429] {strides = array<i32>} : memref<80x64xi32, #tpu.memory_space<vmem>>, vector<1x16xi32>,
        %parallel_loop3A_431 = vector.shape_cast %parallel_loop3A_430 : vector<1x16xi32> to vector<16xi32>
        %parallel_loop3A_432 = arith.constant 16 : i32
        %parallel_loop3A_433 = vector.broadcast %parallel_loop3A_432 : i32 to vector<16xi32>
        %parallel_loop3A_434 = arith.shli %parallel_loop3A_427, %parallel_loop3A_433 : vector<16xi32>
        %parallel_loop3A_435 = tpu.bitcast %parallel_loop3A_434 : vector<16xi32> -> vector<16xf32>
        %parallel_loop3A_436 = arith.constant 16 : i32
        %parallel_loop3A_437 = vector.broadcast %parallel_loop3A_436 : i32 to vector<16xi32>
        %parallel_loop3A_438 = arith.shli %parallel_loop3A_431, %parallel_loop3A_437 : vector<16xi32>
        %parallel_loop3A_439 = tpu.bitcast %parallel_loop3A_438 : vector<16xi32> -> vector<16xf32>
        %parallel_loop3A_440 = vector.broadcast %parallel_loop3A_359 : i32 to vector<16xi32>
        %parallel_loop3A_441 = arith.andi %parallel_loop3A_427, %parallel_loop3A_440 : vector<16xi32>
        %parallel_loop3A_442 = tpu.bitcast %parallel_loop3A_441 : vector<16xi32> -> vector<16xf32>
        %parallel_loop3A_443 = vector.broadcast %parallel_loop3A_359 : i32 to vector<16xi32>
        %parallel_loop3A_444 = arith.andi %parallel_loop3A_431, %parallel_loop3A_443 : vector<16xi32>
        %parallel_loop3A_445 = tpu.bitcast %parallel_loop3A_444 : vector<16xi32> -> vector<16xf32>
        %parallel_loop3A_446 = arith.addf %parallel_loop3A_435, %parallel_loop3A_439 : vector<16xf32>
        %parallel_loop3A_447 = arith.constant 0.000000e+00 : f32
        %parallel_loop3A_448 = vector.broadcast %parallel_loop3A_447 : f32 to vector<16xf32>
        %parallel_loop3A_449 = arith.maximumf %parallel_loop3A_446, %parallel_loop3A_448 : vector<16xf32>
        %parallel_loop3A_450 = arith.index_cast %parallel_loop3A_423 : i32 to index
        %parallel_loop3A_451 = arith.constant 0 : index
        %parallel_loop3A_452 = tpu.vector_load %arg14[%parallel_loop3A_450, %parallel_loop3A_451] {strides = array<i32>} : memref<80x128xf32, #tpu.memory_space<vmem>>, vector<1x16xf32>,
        %parallel_loop3A_453 = vector.shape_cast %parallel_loop3A_452 : vector<1x16xf32> to vector<16xf32>
        %parallel_loop3A_454 = vector.shape_cast %parallel_loop3A_449 : vector<16xf32> to vector<1x16xf32>
        tpu.vector_store %arg14[%parallel_loop3A_450, %parallel_loop3A_451], %parallel_loop3A_454 {strides = array<i32>} : memref<80x128xf32, #tpu.memory_space<vmem>>, vector<1x16xf32>,
        %parallel_loop3A_455 = arith.addf %parallel_loop3A_442, %parallel_loop3A_445 : vector<16xf32>
        %parallel_loop3A_456 = arith.constant 0.000000e+00 : f32
        %parallel_loop3A_457 = vector.broadcast %parallel_loop3A_456 : f32 to vector<16xf32>
        %parallel_loop3A_458 = arith.maximumf %parallel_loop3A_455, %parallel_loop3A_457 : vector<16xf32>
        %parallel_loop3A_459 = arith.index_cast %parallel_loop3A_423 : i32 to index
        %parallel_loop3A_460 = arith.constant 64 : index
        %parallel_loop3A_461 = tpu.vector_load %arg14[%parallel_loop3A_459, %parallel_loop3A_460] {strides = array<i32>} : memref<80x128xf32, #tpu.memory_space<vmem>>, vector<1x16xf32>,
        %parallel_loop3A_462 = vector.shape_cast %parallel_loop3A_461 : vector<1x16xf32> to vector<16xf32>
        %parallel_loop3A_463 = vector.shape_cast %parallel_loop3A_458 : vector<16xf32> to vector<1x16xf32>
        tpu.vector_store %arg14[%parallel_loop3A_459, %parallel_loop3A_460], %parallel_loop3A_463 {strides = array<i32>} : memref<80x128xf32, #tpu.memory_space<vmem>>, vector<1x16xf32>,
        %parallel_loop3A_464 = arith.index_cast %parallel_loop3A_423 : i32 to index
        %parallel_loop3A_465 = arith.constant 16 : index
        %parallel_loop3A_466 = tpu.vector_load %arg10[%parallel_loop3A_464, %parallel_loop3A_465] {strides = array<i32>} : memref<80x64xi32, #tpu.memory_space<vmem>>, vector<1x16xi32>,
        %parallel_loop3A_467 = vector.shape_cast %parallel_loop3A_466 : vector<1x16xi32> to vector<16xi32>
        %parallel_loop3A_468 = arith.index_cast %parallel_loop3A_423 : i32 to index
        %parallel_loop3A_469 = arith.constant 16 : index
        %parallel_loop3A_470 = tpu.vector_load %arg11[%parallel_loop3A_468, %parallel_loop3A_469] {strides = array<i32>} : memref<80x64xi32, #tpu.memory_space<vmem>>, vector<1x16xi32>,
        %parallel_loop3A_471 = vector.shape_cast %parallel_loop3A_470 : vector<1x16xi32> to vector<16xi32>
        %parallel_loop3A_472 = arith.constant 16 : i32
        %parallel_loop3A_473 = vector.broadcast %parallel_loop3A_472 : i32 to vector<16xi32>
        %parallel_loop3A_474 = arith.shli %parallel_loop3A_467, %parallel_loop3A_473 : vector<16xi32>
        %parallel_loop3A_475 = tpu.bitcast %parallel_loop3A_474 : vector<16xi32> -> vector<16xf32>
        %parallel_loop3A_476 = arith.constant 16 : i32
        %parallel_loop3A_477 = vector.broadcast %parallel_loop3A_476 : i32 to vector<16xi32>
        %parallel_loop3A_478 = arith.shli %parallel_loop3A_471, %parallel_loop3A_477 : vector<16xi32>
        %parallel_loop3A_479 = tpu.bitcast %parallel_loop3A_478 : vector<16xi32> -> vector<16xf32>
        %parallel_loop3A_480 = vector.broadcast %parallel_loop3A_359 : i32 to vector<16xi32>
        %parallel_loop3A_481 = arith.andi %parallel_loop3A_467, %parallel_loop3A_480 : vector<16xi32>
        %parallel_loop3A_482 = tpu.bitcast %parallel_loop3A_481 : vector<16xi32> -> vector<16xf32>
        %parallel_loop3A_483 = vector.broadcast %parallel_loop3A_359 : i32 to vector<16xi32>
        %parallel_loop3A_484 = arith.andi %parallel_loop3A_471, %parallel_loop3A_483 : vector<16xi32>
        %parallel_loop3A_485 = tpu.bitcast %parallel_loop3A_484 : vector<16xi32> -> vector<16xf32>
        %parallel_loop3A_486 = arith.addf %parallel_loop3A_475, %parallel_loop3A_479 : vector<16xf32>
        %parallel_loop3A_487 = arith.constant 0.000000e+00 : f32
        %parallel_loop3A_488 = vector.broadcast %parallel_loop3A_487 : f32 to vector<16xf32>
        %parallel_loop3A_489 = arith.maximumf %parallel_loop3A_486, %parallel_loop3A_488 : vector<16xf32>
        %parallel_loop3A_490 = arith.index_cast %parallel_loop3A_423 : i32 to index
        %parallel_loop3A_491 = arith.constant 16 : index
        %parallel_loop3A_492 = tpu.vector_load %arg14[%parallel_loop3A_490, %parallel_loop3A_491] {strides = array<i32>} : memref<80x128xf32, #tpu.memory_space<vmem>>, vector<1x16xf32>,
        %parallel_loop3A_493 = vector.shape_cast %parallel_loop3A_492 : vector<1x16xf32> to vector<16xf32>
        %parallel_loop3A_494 = vector.shape_cast %parallel_loop3A_489 : vector<16xf32> to vector<1x16xf32>
        tpu.vector_store %arg14[%parallel_loop3A_490, %parallel_loop3A_491], %parallel_loop3A_494 {strides = array<i32>} : memref<80x128xf32, #tpu.memory_space<vmem>>, vector<1x16xf32>,
        %parallel_loop3A_495 = arith.addf %parallel_loop3A_482, %parallel_loop3A_485 : vector<16xf32>
        %parallel_loop3A_496 = arith.constant 0.000000e+00 : f32
        %parallel_loop3A_497 = vector.broadcast %parallel_loop3A_496 : f32 to vector<16xf32>
        %parallel_loop3A_498 = arith.maximumf %parallel_loop3A_495, %parallel_loop3A_497 : vector<16xf32>
        %parallel_loop3A_499 = arith.index_cast %parallel_loop3A_423 : i32 to index
        %parallel_loop3A_500 = arith.constant 80 : index
        %parallel_loop3A_501 = tpu.vector_load %arg14[%parallel_loop3A_499, %parallel_loop3A_500] {strides = array<i32>} : memref<80x128xf32, #tpu.memory_space<vmem>>, vector<1x16xf32>,
        %parallel_loop3A_502 = vector.shape_cast %parallel_loop3A_501 : vector<1x16xf32> to vector<16xf32>
        %parallel_loop3A_503 = vector.shape_cast %parallel_loop3A_498 : vector<16xf32> to vector<1x16xf32>
        tpu.vector_store %arg14[%parallel_loop3A_499, %parallel_loop3A_500], %parallel_loop3A_503 {strides = array<i32>} : memref<80x128xf32, #tpu.memory_space<vmem>>, vector<1x16xf32>,
        %parallel_loop3A_504 = arith.index_cast %parallel_loop3A_423 : i32 to index
        %parallel_loop3A_505 = arith.constant 32 : index
        %parallel_loop3A_506 = tpu.vector_load %arg10[%parallel_loop3A_504, %parallel_loop3A_505] {strides = array<i32>} : memref<80x64xi32, #tpu.memory_space<vmem>>, vector<1x16xi32>,
        %parallel_loop3A_507 = vector.shape_cast %parallel_loop3A_506 : vector<1x16xi32> to vector<16xi32>
        %parallel_loop3A_508 = arith.index_cast %parallel_loop3A_423 : i32 to index
        %parallel_loop3A_509 = arith.constant 32 : index
        %parallel_loop3A_510 = tpu.vector_load %arg11[%parallel_loop3A_508, %parallel_loop3A_509] {strides = array<i32>} : memref<80x64xi32, #tpu.memory_space<vmem>>, vector<1x16xi32>,
        %parallel_loop3A_511 = vector.shape_cast %parallel_loop3A_510 : vector<1x16xi32> to vector<16xi32>
        %parallel_loop3A_512 = arith.constant 16 : i32
        %parallel_loop3A_513 = vector.broadcast %parallel_loop3A_512 : i32 to vector<16xi32>
        %parallel_loop3A_514 = arith.shli %parallel_loop3A_507, %parallel_loop3A_513 : vector<16xi32>
        %parallel_loop3A_515 = tpu.bitcast %parallel_loop3A_514 : vector<16xi32> -> vector<16xf32>
        %parallel_loop3A_516 = arith.constant 16 : i32
        %parallel_loop3A_517 = vector.broadcast %parallel_loop3A_516 : i32 to vector<16xi32>
        %parallel_loop3A_518 = arith.shli %parallel_loop3A_511, %parallel_loop3A_517 : vector<16xi32>
        %parallel_loop3A_519 = tpu.bitcast %parallel_loop3A_518 : vector<16xi32> -> vector<16xf32>
        %parallel_loop3A_520 = vector.broadcast %parallel_loop3A_359 : i32 to vector<16xi32>
        %parallel_loop3A_521 = arith.andi %parallel_loop3A_507, %parallel_loop3A_520 : vector<16xi32>
        %parallel_loop3A_522 = tpu.bitcast %parallel_loop3A_521 : vector<16xi32> -> vector<16xf32>
        %parallel_loop3A_523 = vector.broadcast %parallel_loop3A_359 : i32 to vector<16xi32>
        %parallel_loop3A_524 = arith.andi %parallel_loop3A_511, %parallel_loop3A_523 : vector<16xi32>
        %parallel_loop3A_525 = tpu.bitcast %parallel_loop3A_524 : vector<16xi32> -> vector<16xf32>
        %parallel_loop3A_526 = arith.addf %parallel_loop3A_515, %parallel_loop3A_519 : vector<16xf32>
        %parallel_loop3A_527 = arith.constant 0.000000e+00 : f32
        %parallel_loop3A_528 = vector.broadcast %parallel_loop3A_527 : f32 to vector<16xf32>
        %parallel_loop3A_529 = arith.maximumf %parallel_loop3A_526, %parallel_loop3A_528 : vector<16xf32>
        %parallel_loop3A_530 = arith.index_cast %parallel_loop3A_423 : i32 to index
        %parallel_loop3A_531 = arith.constant 32 : index
        %parallel_loop3A_532 = tpu.vector_load %arg14[%parallel_loop3A_530, %parallel_loop3A_531] {strides = array<i32>} : memref<80x128xf32, #tpu.memory_space<vmem>>, vector<1x16xf32>,
        %parallel_loop3A_533 = vector.shape_cast %parallel_loop3A_532 : vector<1x16xf32> to vector<16xf32>
        %parallel_loop3A_534 = vector.shape_cast %parallel_loop3A_529 : vector<16xf32> to vector<1x16xf32>
        tpu.vector_store %arg14[%parallel_loop3A_530, %parallel_loop3A_531], %parallel_loop3A_534 {strides = array<i32>} : memref<80x128xf32, #tpu.memory_space<vmem>>, vector<1x16xf32>,
        %parallel_loop3A_535 = arith.addf %parallel_loop3A_522, %parallel_loop3A_525 : vector<16xf32>
        %parallel_loop3A_536 = arith.constant 0.000000e+00 : f32
        %parallel_loop3A_537 = vector.broadcast %parallel_loop3A_536 : f32 to vector<16xf32>
        %parallel_loop3A_538 = arith.maximumf %parallel_loop3A_535, %parallel_loop3A_537 : vector<16xf32>
        %parallel_loop3A_539 = arith.index_cast %parallel_loop3A_423 : i32 to index
        %parallel_loop3A_540 = arith.constant 96 : index
        %parallel_loop3A_541 = tpu.vector_load %arg14[%parallel_loop3A_539, %parallel_loop3A_540] {strides = array<i32>} : memref<80x128xf32, #tpu.memory_space<vmem>>, vector<1x16xf32>,
        %parallel_loop3A_542 = vector.shape_cast %parallel_loop3A_541 : vector<1x16xf32> to vector<16xf32>
        %parallel_loop3A_543 = vector.shape_cast %parallel_loop3A_538 : vector<16xf32> to vector<1x16xf32>
        tpu.vector_store %arg14[%parallel_loop3A_539, %parallel_loop3A_540], %parallel_loop3A_543 {strides = array<i32>} : memref<80x128xf32, #tpu.memory_space<vmem>>, vector<1x16xf32>,
        %parallel_loop3A_544 = arith.index_cast %parallel_loop3A_423 : i32 to index
        %parallel_loop3A_545 = arith.constant 48 : index
        %parallel_loop3A_546 = tpu.vector_load %arg10[%parallel_loop3A_544, %parallel_loop3A_545] {strides = array<i32>} : memref<80x64xi32, #tpu.memory_space<vmem>>, vector<1x16xi32>,
        %parallel_loop3A_547 = vector.shape_cast %parallel_loop3A_546 : vector<1x16xi32> to vector<16xi32>
        %parallel_loop3A_548 = arith.index_cast %parallel_loop3A_423 : i32 to index
        %parallel_loop3A_549 = arith.constant 48 : index
        %parallel_loop3A_550 = tpu.vector_load %arg11[%parallel_loop3A_548, %parallel_loop3A_549] {strides = array<i32>} : memref<80x64xi32, #tpu.memory_space<vmem>>, vector<1x16xi32>,
        %parallel_loop3A_551 = vector.shape_cast %parallel_loop3A_550 : vector<1x16xi32> to vector<16xi32>
        %parallel_loop3A_552 = arith.constant 16 : i32
        %parallel_loop3A_553 = vector.broadcast %parallel_loop3A_552 : i32 to vector<16xi32>
        %parallel_loop3A_554 = arith.shli %parallel_loop3A_547, %parallel_loop3A_553 : vector<16xi32>
        %parallel_loop3A_555 = tpu.bitcast %parallel_loop3A_554 : vector<16xi32> -> vector<16xf32>
        %parallel_loop3A_556 = arith.constant 16 : i32
        %parallel_loop3A_557 = vector.broadcast %parallel_loop3A_556 : i32 to vector<16xi32>
        %parallel_loop3A_558 = arith.shli %parallel_loop3A_551, %parallel_loop3A_557 : vector<16xi32>
        %parallel_loop3A_559 = tpu.bitcast %parallel_loop3A_558 : vector<16xi32> -> vector<16xf32>
        %parallel_loop3A_560 = vector.broadcast %parallel_loop3A_359 : i32 to vector<16xi32>
        %parallel_loop3A_561 = arith.andi %parallel_loop3A_547, %parallel_loop3A_560 : vector<16xi32>
        %parallel_loop3A_562 = tpu.bitcast %parallel_loop3A_561 : vector<16xi32> -> vector<16xf32>
        %parallel_loop3A_563 = vector.broadcast %parallel_loop3A_359 : i32 to vector<16xi32>
        %parallel_loop3A_564 = arith.andi %parallel_loop3A_551, %parallel_loop3A_563 : vector<16xi32>
        %parallel_loop3A_565 = tpu.bitcast %parallel_loop3A_564 : vector<16xi32> -> vector<16xf32>
        %parallel_loop3A_566 = arith.addf %parallel_loop3A_555, %parallel_loop3A_559 : vector<16xf32>
        %parallel_loop3A_567 = arith.constant 0.000000e+00 : f32
        %parallel_loop3A_568 = vector.broadcast %parallel_loop3A_567 : f32 to vector<16xf32>
        %parallel_loop3A_569 = arith.maximumf %parallel_loop3A_566, %parallel_loop3A_568 : vector<16xf32>
        %parallel_loop3A_570 = arith.index_cast %parallel_loop3A_423 : i32 to index
        %parallel_loop3A_571 = arith.constant 48 : index
        %parallel_loop3A_572 = tpu.vector_load %arg14[%parallel_loop3A_570, %parallel_loop3A_571] {strides = array<i32>} : memref<80x128xf32, #tpu.memory_space<vmem>>, vector<1x16xf32>,
        %parallel_loop3A_573 = vector.shape_cast %parallel_loop3A_572 : vector<1x16xf32> to vector<16xf32>
        %parallel_loop3A_574 = vector.shape_cast %parallel_loop3A_569 : vector<16xf32> to vector<1x16xf32>
        tpu.vector_store %arg14[%parallel_loop3A_570, %parallel_loop3A_571], %parallel_loop3A_574 {strides = array<i32>} : memref<80x128xf32, #tpu.memory_space<vmem>>, vector<1x16xf32>,
        %parallel_loop3A_575 = arith.addf %parallel_loop3A_562, %parallel_loop3A_565 : vector<16xf32>
        %parallel_loop3A_576 = arith.constant 0.000000e+00 : f32
        %parallel_loop3A_577 = vector.broadcast %parallel_loop3A_576 : f32 to vector<16xf32>
        %parallel_loop3A_578 = arith.maximumf %parallel_loop3A_575, %parallel_loop3A_577 : vector<16xf32>
        %parallel_loop3A_579 = arith.index_cast %parallel_loop3A_423 : i32 to index
        %parallel_loop3A_580 = arith.constant 112 : index
        %parallel_loop3A_581 = tpu.vector_load %arg14[%parallel_loop3A_579, %parallel_loop3A_580] {strides = array<i32>} : memref<80x128xf32, #tpu.memory_space<vmem>>, vector<1x16xf32>,
        %parallel_loop3A_582 = vector.shape_cast %parallel_loop3A_581 : vector<1x16xf32> to vector<16xf32>
        %parallel_loop3A_583 = vector.shape_cast %parallel_loop3A_578 : vector<16xf32> to vector<1x16xf32>
        tpu.vector_store %arg14[%parallel_loop3A_579, %parallel_loop3A_580], %parallel_loop3A_583 {strides = array<i32>} : memref<80x128xf32, #tpu.memory_space<vmem>>, vector<1x16xf32>,
      } {sc.loop_unroll_factor = 4 : i64, sc.parallel_access}
      %add3A_360 = arith.constant 3 : i32
      %add3A_361 = arith.addi %mul3A_174, %add3A_360 : i32
      %dma_wait3A_362 = arith.constant 0 : i32
      %dma_wait3A_363 = tpu.memref_slice %arg8[%scan3A_111, %dma_wait3A_362] : memref<4x80xi32, #tpu.memory_space<vmem>> -> memref<1x80xi32, #tpu.memory_space<vmem>>
      %dma_wait3A_364 = tpu.memref_squeeze %dma_wait3A_363 : memref<1x80xi32, #tpu.memory_space<vmem>> -> memref<80xi32, #tpu.memory_space<vmem>>
      %dma_wait3A_365 = arith.constant 0 : i32
      %dma_wait3A_366 = arith.constant 0 : i32
      %dma_wait3A_367 = tpu.memref_slice %arg4[%dma_wait3A_365, %dma_wait3A_366] : memref<10000x64xi32, #tpu.memory_space<hbm>> -> memref<10000x64xi32, #tpu.memory_space<hbm>>
      tpu.wait_indirect_dma semaphore(%arg21 : memref<!tpu.dma_semaphore, #tpu.memory_space<semaphore_mem>>) src(%dma_wait3A_367 : memref<10000x64xi32, #tpu.memory_space<hbm>>) dst(%arg12 : memref<80x64xi32, #tpu.memory_space<vmem>>)
      %dma_wait3A_368 = arith.constant 0 : i32
      %dma_wait3A_369 = tpu.memref_slice %arg9[%scan3A_116, %dma_wait3A_368] : memref<4x80xi32, #tpu.memory_space<vmem>> -> memref<1x80xi32, #tpu.memory_space<vmem>>
      %dma_wait3A_370 = tpu.memref_squeeze %dma_wait3A_369 : memref<1x80xi32, #tpu.memory_space<vmem>> -> memref<80xi32, #tpu.memory_space<vmem>>
      %dma_wait3A_371 = arith.constant 0 : i32
      %dma_wait3A_372 = arith.constant 0 : i32
      %dma_wait3A_373 = tpu.memref_slice %arg5[%dma_wait3A_371, %dma_wait3A_372] : memref<10000x64xi32, #tpu.memory_space<hbm>> -> memref<10000x64xi32, #tpu.memory_space<hbm>>
      tpu.wait_indirect_dma semaphore(%arg21 : memref<!tpu.dma_semaphore, #tpu.memory_space<semaphore_mem>>) src(%dma_wait3A_373 : memref<10000x64xi32, #tpu.memory_space<hbm>>) dst(%arg13 : memref<80x64xi32, #tpu.memory_space<vmem>>)
      %gt3A_374 = arith.constant 0 : i32
      %gt3A_375 = arith.cmpi sgt, %add3A_361, %gt3A_374 : i32
      %convert_element_type3A_376 = arith.extui %gt3A_375 : i1 to i32
      %cond3A_377 = arith.constant 0 : i32
      %cond3A_378 = arith.cmpi ne, %convert_element_type3A_376, %cond3A_377 : i32
      scf.if %cond3A_378 {
        "tpu.region"() ({
          %run_scoped3A_423 = tpu.sem_alloc : memref<!tpu.dma_semaphore, #tpu.memory_space<semaphore_mem>>
          %dma_start3A_424 = arith.constant 0 : i32
          %dma_start3A_425 = tpu.memref_slice %arg8[%scan3A_112, %dma_start3A_424] : memref<4x80xi32, #tpu.memory_space<vmem>> -> memref<1x80xi32, #tpu.memory_space<vmem>>
          %dma_start3A_426 = tpu.memref_squeeze %dma_start3A_425 : memref<1x80xi32, #tpu.memory_space<vmem>> -> memref<80xi32, #tpu.memory_space<vmem>>
          %dma_start3A_427 = arith.constant 0 : i32
          %dma_start3A_428 = arith.constant 0 : i32
          %dma_start3A_429 = tpu.memref_slice %arg17[%dma_start3A_427, %dma_start3A_428] : memref<10000x128xf32, #tpu.memory_space<vmem_shared>> -> memref<10000x128xf32, #tpu.memory_space<vmem_shared>>
          tpu.enqueue_indirect_dma source(%arg14 : memref<80x128xf32, #tpu.memory_space<vmem>>) target(%dma_start3A_429 : memref<10000x128xf32, #tpu.memory_space<vmem_shared>>) offsets(%dma_start3A_426 : memref<80xi32, #tpu.memory_space<vmem>>) semaphore(%run_scoped3A_423 : memref<!tpu.dma_semaphore, #tpu.memory_space<semaphore_mem>>) {add = true}
          %dma_wait3A_430 = arith.constant 0 : i32
          %dma_wait3A_431 = tpu.memref_slice %arg8[%scan3A_112, %dma_wait3A_430] : memref<4x80xi32, #tpu.memory_space<vmem>> -> memref<1x80xi32, #tpu.memory_space<vmem>>
          %dma_wait3A_432 = tpu.memref_squeeze %dma_wait3A_431 : memref<1x80xi32, #tpu.memory_space<vmem>> -> memref<80xi32, #tpu.memory_space<vmem>>
          %dma_wait3A_433 = arith.constant 0 : i32
          %dma_wait3A_434 = arith.constant 0 : i32
          %dma_wait3A_435 = tpu.memref_slice %arg17[%dma_wait3A_433, %dma_wait3A_434] : memref<10000x128xf32, #tpu.memory_space<vmem_shared>> -> memref<10000x128xf32, #tpu.memory_space<vmem_shared>>
          tpu.wait_indirect_dma semaphore(%run_scoped3A_423 : memref<!tpu.dma_semaphore, #tpu.memory_space<semaphore_mem>>) src(%arg14 : memref<80x128xf32, #tpu.memory_space<vmem>>) dst(%dma_wait3A_435 : memref<10000x128xf32, #tpu.memory_space<vmem_shared>>)
          tpu.yield
        }) : () -> ()
      } else {
      }
      %lt3A_379 = arith.constant 123 : i32
      %lt3A_380 = arith.cmpi slt, %add3A_361, %lt3A_379 : i32
      %convert_element_type3A_381 = arith.extui %lt3A_380 : i1 to i32
      %cond3A_382 = arith.constant 0 : i32
      %cond3A_383 = arith.cmpi ne, %convert_element_type3A_381, %cond3A_382 : i32
      scf.if %cond3A_383 {
        %add3A_423 = arith.constant 2 : i32
        %add3A_424 = arith.addi %add3A_361, %add3A_423 : i32
        %mul3A_425 = arith.constant 32 : i32
        %mul3A_426 = arith.muli %add3A_424, %mul3A_425 : i32
        %add3A_427 = arith.addi %mul3A_426, %add3A : i32
        %mul3A_428 = arith.constant 80 : i32
        %mul3A_429 = arith.muli %add3A_427, %mul3A_428 : i32
        %dma_start3A_430 = arith.constant 0 : i32
        %dma_start3A_431 = tpu.memref_slice %arg8[%scan3A_114, %dma_start3A_430] : memref<4x80xi32, #tpu.memory_space<vmem>> -> memref<1x80xi32, #tpu.memory_space<vmem>>
        %dma_start3A_432 = tpu.memref_squeeze %dma_start3A_431 : memref<1x80xi32, #tpu.memory_space<vmem>> -> memref<80xi32, #tpu.memory_space<vmem>>
        %dma_start3A_433 = tpu.memref_slice %arg2[%mul3A_429] : memref<320000xi32, #tpu.memory_space<hbm>> -> memref<80xi32, #tpu.memory_space<hbm>>
        %dma_start3A_434 = arith.constant 0 : i32
        %dma_start3A_435 = tpu.memref_slice %arg8[%scan3A_114, %dma_start3A_434] : memref<4x80xi32, #tpu.memory_space<vmem>> -> memref<1x80xi32, #tpu.memory_space<vmem>>
        %dma_start3A_436 = tpu.memref_squeeze %dma_start3A_435 : memref<1x80xi32, #tpu.memory_space<vmem>> -> memref<80xi32, #tpu.memory_space<vmem>>
        %dma_start3A_437 = tpu.memref_slice %arg2[%mul3A_429] : memref<320000xi32, #tpu.memory_space<hbm>> -> memref<80xi32, #tpu.memory_space<hbm>>
        tpu.enqueue_dma source(%dma_start3A_437 : memref<80xi32, #tpu.memory_space<hbm>>) target(%dma_start3A_436 : memref<80xi32, #tpu.memory_space<vmem>>) target_semaphore(%arg19 : memref<!tpu.dma_semaphore, #tpu.memory_space<semaphore_mem>>)
        %dma_start3A_438 = arith.constant 0 : i32
        %dma_start3A_439 = tpu.memref_slice %arg9[%scan3A_115, %dma_start3A_438] : memref<4x80xi32, #tpu.memory_space<vmem>> -> memref<1x80xi32, #tpu.memory_space<vmem>>
        %dma_start3A_440 = tpu.memref_squeeze %dma_start3A_439 : memref<1x80xi32, #tpu.memory_space<vmem>> -> memref<80xi32, #tpu.memory_space<vmem>>
        %dma_start3A_441 = tpu.memref_slice %arg3[%mul3A_429] : memref<320000xi32, #tpu.memory_space<hbm>> -> memref<80xi32, #tpu.memory_space<hbm>>
        %dma_start3A_442 = arith.constant 0 : i32
        %dma_start3A_443 = tpu.memref_slice %arg9[%scan3A_115, %dma_start3A_442] : memref<4x80xi32, #tpu.memory_space<vmem>> -> memref<1x80xi32, #tpu.memory_space<vmem>>
        %dma_start3A_444 = tpu.memref_squeeze %dma_start3A_443 : memref<1x80xi32, #tpu.memory_space<vmem>> -> memref<80xi32, #tpu.memory_space<vmem>>
        %dma_start3A_445 = tpu.memref_slice %arg3[%mul3A_429] : memref<320000xi32, #tpu.memory_space<hbm>> -> memref<80xi32, #tpu.memory_space<hbm>>
        tpu.enqueue_dma source(%dma_start3A_445 : memref<80xi32, #tpu.memory_space<hbm>>) target(%dma_start3A_444 : memref<80xi32, #tpu.memory_space<vmem>>) target_semaphore(%arg19 : memref<!tpu.dma_semaphore, #tpu.memory_space<semaphore_mem>>)
      } else {
      }
      %add3A_384 = arith.constant 1 : i32
      %add3A_385 = arith.addi %add3A_361, %add3A_384 : i32
      %mul3A_386 = arith.constant 32 : i32
      %mul3A_387 = arith.muli %add3A_385, %mul3A_386 : i32
      %add3A_388 = arith.addi %mul3A_387, %add3A : i32
      %mul3A_389 = arith.constant 80 : i32
      %mul3A_390 = arith.muli %add3A_388, %mul3A_389 : i32
      %dma_wait3A_391 = arith.constant 0 : i32
      %dma_wait3A_392 = tpu.memref_slice %arg8[%scan3A_109, %dma_wait3A_391] : memref<4x80xi32, #tpu.memory_space<vmem>> -> memref<1x80xi32, #tpu.memory_space<vmem>>
      %dma_wait3A_393 = tpu.memref_squeeze %dma_wait3A_392 : memref<1x80xi32, #tpu.memory_space<vmem>> -> memref<80xi32, #tpu.memory_space<vmem>>
      %dma_wait3A_394 = tpu.memref_slice %arg2[%mul3A_390] : memref<320000xi32, #tpu.memory_space<hbm>> -> memref<80xi32, #tpu.memory_space<hbm>>
      %dma_wait3A_395 = arith.constant 0 : i32
      %dma_wait3A_396 = tpu.memref_slice %arg8[%scan3A_109, %dma_wait3A_395] : memref<4x80xi32, #tpu.memory_space<vmem>> -> memref<1x80xi32, #tpu.memory_space<vmem>>
      %dma_wait3A_397 = tpu.memref_squeeze %dma_wait3A_396 : memref<1x80xi32, #tpu.memory_space<vmem>> -> memref<80xi32, #tpu.memory_space<vmem>>
      %dma_wait3A_398 = tpu.memref_slice %arg2[%mul3A_390] : memref<320000xi32, #tpu.memory_space<hbm>> -> memref<80xi32, #tpu.memory_space<hbm>>
      tpu.wait_dma2 semaphore(%arg18 : memref<!tpu.dma_semaphore, #tpu.memory_space<semaphore_mem>>) src(%dma_wait3A_398 : memref<80xi32, #tpu.memory_space<hbm>>) dst(%dma_wait3A_397 : memref<80xi32, #tpu.memory_space<vmem>>)
      %dma_wait3A_399 = arith.constant 0 : i32
      %dma_wait3A_400 = tpu.memref_slice %arg9[%scan3A_110, %dma_wait3A_399] : memref<4x80xi32, #tpu.memory_space<vmem>> -> memref<1x80xi32, #tpu.memory_space<vmem>>
      %dma_wait3A_401 = tpu.memref_squeeze %dma_wait3A_400 : memref<1x80xi32, #tpu.memory_space<vmem>> -> memref<80xi32, #tpu.memory_space<vmem>>
      %dma_wait3A_402 = tpu.memref_slice %arg3[%mul3A_390] : memref<320000xi32, #tpu.memory_space<hbm>> -> memref<80xi32, #tpu.memory_space<hbm>>
      %dma_wait3A_403 = arith.constant 0 : i32
      %dma_wait3A_404 = tpu.memref_slice %arg9[%scan3A_110, %dma_wait3A_403] : memref<4x80xi32, #tpu.memory_space<vmem>> -> memref<1x80xi32, #tpu.memory_space<vmem>>
      %dma_wait3A_405 = tpu.memref_squeeze %dma_wait3A_404 : memref<1x80xi32, #tpu.memory_space<vmem>> -> memref<80xi32, #tpu.memory_space<vmem>>
      %dma_wait3A_406 = tpu.memref_slice %arg3[%mul3A_390] : memref<320000xi32, #tpu.memory_space<hbm>> -> memref<80xi32, #tpu.memory_space<hbm>>
      tpu.wait_dma2 semaphore(%arg18 : memref<!tpu.dma_semaphore, #tpu.memory_space<semaphore_mem>>) src(%dma_wait3A_406 : memref<80xi32, #tpu.memory_space<hbm>>) dst(%dma_wait3A_405 : memref<80xi32, #tpu.memory_space<vmem>>)
      %dma_start3A_407 = arith.constant 0 : i32
      %dma_start3A_408 = tpu.memref_slice %arg8[%scan3A_109, %dma_start3A_407] : memref<4x80xi32, #tpu.memory_space<vmem>> -> memref<1x80xi32, #tpu.memory_space<vmem>>
      %dma_start3A_409 = tpu.memref_squeeze %dma_start3A_408 : memref<1x80xi32, #tpu.memory_space<vmem>> -> memref<80xi32, #tpu.memory_space<vmem>>
      %dma_start3A_410 = arith.constant 0 : i32
      %dma_start3A_411 = arith.constant 0 : i32
      %dma_start3A_412 = tpu.memref_slice %arg4[%dma_start3A_410, %dma_start3A_411] : memref<10000x64xi32, #tpu.memory_space<hbm>> -> memref<10000x64xi32, #tpu.memory_space<hbm>>
      tpu.enqueue_indirect_dma source(%dma_start3A_412 : memref<10000x64xi32, #tpu.memory_space<hbm>>) target(%arg10 : memref<80x64xi32, #tpu.memory_space<vmem>>) offsets(%dma_start3A_409 : memref<80xi32, #tpu.memory_space<vmem>>) semaphore(%arg20 : memref<!tpu.dma_semaphore, #tpu.memory_space<semaphore_mem>>)
      %dma_start3A_413 = arith.constant 0 : i32
      %dma_start3A_414 = tpu.memref_slice %arg9[%scan3A_110, %dma_start3A_413] : memref<4x80xi32, #tpu.memory_space<vmem>> -> memref<1x80xi32, #tpu.memory_space<vmem>>
      %dma_start3A_415 = tpu.memref_squeeze %dma_start3A_414 : memref<1x80xi32, #tpu.memory_space<vmem>> -> memref<80xi32, #tpu.memory_space<vmem>>
      %dma_start3A_416 = arith.constant 0 : i32
      %dma_start3A_417 = arith.constant 0 : i32
      %dma_start3A_418 = tpu.memref_slice %arg5[%dma_start3A_416, %dma_start3A_417] : memref<10000x64xi32, #tpu.memory_space<hbm>> -> memref<10000x64xi32, #tpu.memory_space<hbm>>
      tpu.enqueue_indirect_dma source(%dma_start3A_418 : memref<10000x64xi32, #tpu.memory_space<hbm>>) target(%arg11 : memref<80x64xi32, #tpu.memory_space<vmem>>) offsets(%dma_start3A_415 : memref<80xi32, #tpu.memory_space<vmem>>) semaphore(%arg20 : memref<!tpu.dma_semaphore, #tpu.memory_space<semaphore_mem>>)
      %parallel_loop3A_419 = arith.constant 0 : i32
      %parallel_loop3A_420 = arith.constant 80 : i32
      %parallel_loop3A_421 = arith.constant 1 : i32
      %parallel_loop3A_422 = arith.constant -65536 : i32
      scf.for %parallel_loop3A_423 = %parallel_loop3A_419 to %parallel_loop3A_420 step %parallel_loop3A_421  : i32 {
        %parallel_loop3A_424 = arith.index_cast %parallel_loop3A_423 : i32 to index
        %parallel_loop3A_425 = arith.constant 0 : index
        %parallel_loop3A_426 = tpu.vector_load %arg12[%parallel_loop3A_424, %parallel_loop3A_425] {strides = array<i32>} : memref<80x64xi32, #tpu.memory_space<vmem>>, vector<1x16xi32>,
        %parallel_loop3A_427 = vector.shape_cast %parallel_loop3A_426 : vector<1x16xi32> to vector<16xi32>
        %parallel_loop3A_428 = arith.index_cast %parallel_loop3A_423 : i32 to index
        %parallel_loop3A_429 = arith.constant 0 : index
        %parallel_loop3A_430 = tpu.vector_load %arg13[%parallel_loop3A_428, %parallel_loop3A_429] {strides = array<i32>} : memref<80x64xi32, #tpu.memory_space<vmem>>, vector<1x16xi32>,
        %parallel_loop3A_431 = vector.shape_cast %parallel_loop3A_430 : vector<1x16xi32> to vector<16xi32>
        %parallel_loop3A_432 = arith.constant 16 : i32
        %parallel_loop3A_433 = vector.broadcast %parallel_loop3A_432 : i32 to vector<16xi32>
        %parallel_loop3A_434 = arith.shli %parallel_loop3A_427, %parallel_loop3A_433 : vector<16xi32>
        %parallel_loop3A_435 = tpu.bitcast %parallel_loop3A_434 : vector<16xi32> -> vector<16xf32>
        %parallel_loop3A_436 = arith.constant 16 : i32
        %parallel_loop3A_437 = vector.broadcast %parallel_loop3A_436 : i32 to vector<16xi32>
        %parallel_loop3A_438 = arith.shli %parallel_loop3A_431, %parallel_loop3A_437 : vector<16xi32>
        %parallel_loop3A_439 = tpu.bitcast %parallel_loop3A_438 : vector<16xi32> -> vector<16xf32>
        %parallel_loop3A_440 = vector.broadcast %parallel_loop3A_422 : i32 to vector<16xi32>
        %parallel_loop3A_441 = arith.andi %parallel_loop3A_427, %parallel_loop3A_440 : vector<16xi32>
        %parallel_loop3A_442 = tpu.bitcast %parallel_loop3A_441 : vector<16xi32> -> vector<16xf32>
        %parallel_loop3A_443 = vector.broadcast %parallel_loop3A_422 : i32 to vector<16xi32>
        %parallel_loop3A_444 = arith.andi %parallel_loop3A_431, %parallel_loop3A_443 : vector<16xi32>
        %parallel_loop3A_445 = tpu.bitcast %parallel_loop3A_444 : vector<16xi32> -> vector<16xf32>
        %parallel_loop3A_446 = arith.addf %parallel_loop3A_435, %parallel_loop3A_439 : vector<16xf32>
        %parallel_loop3A_447 = arith.constant 0.000000e+00 : f32
        %parallel_loop3A_448 = vector.broadcast %parallel_loop3A_447 : f32 to vector<16xf32>
        %parallel_loop3A_449 = arith.maximumf %parallel_loop3A_446, %parallel_loop3A_448 : vector<16xf32>
        %parallel_loop3A_450 = arith.index_cast %parallel_loop3A_423 : i32 to index
        %parallel_loop3A_451 = arith.constant 0 : index
        %parallel_loop3A_452 = tpu.vector_load %arg15[%parallel_loop3A_450, %parallel_loop3A_451] {strides = array<i32>} : memref<80x128xf32, #tpu.memory_space<vmem>>, vector<1x16xf32>,
        %parallel_loop3A_453 = vector.shape_cast %parallel_loop3A_452 : vector<1x16xf32> to vector<16xf32>
        %parallel_loop3A_454 = vector.shape_cast %parallel_loop3A_449 : vector<16xf32> to vector<1x16xf32>
        tpu.vector_store %arg15[%parallel_loop3A_450, %parallel_loop3A_451], %parallel_loop3A_454 {strides = array<i32>} : memref<80x128xf32, #tpu.memory_space<vmem>>, vector<1x16xf32>,
        %parallel_loop3A_455 = arith.addf %parallel_loop3A_442, %parallel_loop3A_445 : vector<16xf32>
        %parallel_loop3A_456 = arith.constant 0.000000e+00 : f32
        %parallel_loop3A_457 = vector.broadcast %parallel_loop3A_456 : f32 to vector<16xf32>
        %parallel_loop3A_458 = arith.maximumf %parallel_loop3A_455, %parallel_loop3A_457 : vector<16xf32>
        %parallel_loop3A_459 = arith.index_cast %parallel_loop3A_423 : i32 to index
        %parallel_loop3A_460 = arith.constant 64 : index
        %parallel_loop3A_461 = tpu.vector_load %arg15[%parallel_loop3A_459, %parallel_loop3A_460] {strides = array<i32>} : memref<80x128xf32, #tpu.memory_space<vmem>>, vector<1x16xf32>,
        %parallel_loop3A_462 = vector.shape_cast %parallel_loop3A_461 : vector<1x16xf32> to vector<16xf32>
        %parallel_loop3A_463 = vector.shape_cast %parallel_loop3A_458 : vector<16xf32> to vector<1x16xf32>
        tpu.vector_store %arg15[%parallel_loop3A_459, %parallel_loop3A_460], %parallel_loop3A_463 {strides = array<i32>} : memref<80x128xf32, #tpu.memory_space<vmem>>, vector<1x16xf32>,
        %parallel_loop3A_464 = arith.index_cast %parallel_loop3A_423 : i32 to index
        %parallel_loop3A_465 = arith.constant 16 : index
        %parallel_loop3A_466 = tpu.vector_load %arg12[%parallel_loop3A_464, %parallel_loop3A_465] {strides = array<i32>} : memref<80x64xi32, #tpu.memory_space<vmem>>, vector<1x16xi32>,
        %parallel_loop3A_467 = vector.shape_cast %parallel_loop3A_466 : vector<1x16xi32> to vector<16xi32>
        %parallel_loop3A_468 = arith.index_cast %parallel_loop3A_423 : i32 to index
        %parallel_loop3A_469 = arith.constant 16 : index
        %parallel_loop3A_470 = tpu.vector_load %arg13[%parallel_loop3A_468, %parallel_loop3A_469] {strides = array<i32>} : memref<80x64xi32, #tpu.memory_space<vmem>>, vector<1x16xi32>,
        %parallel_loop3A_471 = vector.shape_cast %parallel_loop3A_470 : vector<1x16xi32> to vector<16xi32>
        %parallel_loop3A_472 = arith.constant 16 : i32
        %parallel_loop3A_473 = vector.broadcast %parallel_loop3A_472 : i32 to vector<16xi32>
        %parallel_loop3A_474 = arith.shli %parallel_loop3A_467, %parallel_loop3A_473 : vector<16xi32>
        %parallel_loop3A_475 = tpu.bitcast %parallel_loop3A_474 : vector<16xi32> -> vector<16xf32>
        %parallel_loop3A_476 = arith.constant 16 : i32
        %parallel_loop3A_477 = vector.broadcast %parallel_loop3A_476 : i32 to vector<16xi32>
        %parallel_loop3A_478 = arith.shli %parallel_loop3A_471, %parallel_loop3A_477 : vector<16xi32>
        %parallel_loop3A_479 = tpu.bitcast %parallel_loop3A_478 : vector<16xi32> -> vector<16xf32>
        %parallel_loop3A_480 = vector.broadcast %parallel_loop3A_422 : i32 to vector<16xi32>
        %parallel_loop3A_481 = arith.andi %parallel_loop3A_467, %parallel_loop3A_480 : vector<16xi32>
        %parallel_loop3A_482 = tpu.bitcast %parallel_loop3A_481 : vector<16xi32> -> vector<16xf32>
        %parallel_loop3A_483 = vector.broadcast %parallel_loop3A_422 : i32 to vector<16xi32>
        %parallel_loop3A_484 = arith.andi %parallel_loop3A_471, %parallel_loop3A_483 : vector<16xi32>
        %parallel_loop3A_485 = tpu.bitcast %parallel_loop3A_484 : vector<16xi32> -> vector<16xf32>
        %parallel_loop3A_486 = arith.addf %parallel_loop3A_475, %parallel_loop3A_479 : vector<16xf32>
        %parallel_loop3A_487 = arith.constant 0.000000e+00 : f32
        %parallel_loop3A_488 = vector.broadcast %parallel_loop3A_487 : f32 to vector<16xf32>
        %parallel_loop3A_489 = arith.maximumf %parallel_loop3A_486, %parallel_loop3A_488 : vector<16xf32>
        %parallel_loop3A_490 = arith.index_cast %parallel_loop3A_423 : i32 to index
        %parallel_loop3A_491 = arith.constant 16 : index
        %parallel_loop3A_492 = tpu.vector_load %arg15[%parallel_loop3A_490, %parallel_loop3A_491] {strides = array<i32>} : memref<80x128xf32, #tpu.memory_space<vmem>>, vector<1x16xf32>,
        %parallel_loop3A_493 = vector.shape_cast %parallel_loop3A_492 : vector<1x16xf32> to vector<16xf32>
        %parallel_loop3A_494 = vector.shape_cast %parallel_loop3A_489 : vector<16xf32> to vector<1x16xf32>
        tpu.vector_store %arg15[%parallel_loop3A_490, %parallel_loop3A_491], %parallel_loop3A_494 {strides = array<i32>} : memref<80x128xf32, #tpu.memory_space<vmem>>, vector<1x16xf32>,
        %parallel_loop3A_495 = arith.addf %parallel_loop3A_482, %parallel_loop3A_485 : vector<16xf32>
        %parallel_loop3A_496 = arith.constant 0.000000e+00 : f32
        %parallel_loop3A_497 = vector.broadcast %parallel_loop3A_496 : f32 to vector<16xf32>
        %parallel_loop3A_498 = arith.maximumf %parallel_loop3A_495, %parallel_loop3A_497 : vector<16xf32>
        %parallel_loop3A_499 = arith.index_cast %parallel_loop3A_423 : i32 to index
        %parallel_loop3A_500 = arith.constant 80 : index
        %parallel_loop3A_501 = tpu.vector_load %arg15[%parallel_loop3A_499, %parallel_loop3A_500] {strides = array<i32>} : memref<80x128xf32, #tpu.memory_space<vmem>>, vector<1x16xf32>,
        %parallel_loop3A_502 = vector.shape_cast %parallel_loop3A_501 : vector<1x16xf32> to vector<16xf32>
        %parallel_loop3A_503 = vector.shape_cast %parallel_loop3A_498 : vector<16xf32> to vector<1x16xf32>
        tpu.vector_store %arg15[%parallel_loop3A_499, %parallel_loop3A_500], %parallel_loop3A_503 {strides = array<i32>} : memref<80x128xf32, #tpu.memory_space<vmem>>, vector<1x16xf32>,
        %parallel_loop3A_504 = arith.index_cast %parallel_loop3A_423 : i32 to index
        %parallel_loop3A_505 = arith.constant 32 : index
        %parallel_loop3A_506 = tpu.vector_load %arg12[%parallel_loop3A_504, %parallel_loop3A_505] {strides = array<i32>} : memref<80x64xi32, #tpu.memory_space<vmem>>, vector<1x16xi32>,
        %parallel_loop3A_507 = vector.shape_cast %parallel_loop3A_506 : vector<1x16xi32> to vector<16xi32>
        %parallel_loop3A_508 = arith.index_cast %parallel_loop3A_423 : i32 to index
        %parallel_loop3A_509 = arith.constant 32 : index
        %parallel_loop3A_510 = tpu.vector_load %arg13[%parallel_loop3A_508, %parallel_loop3A_509] {strides = array<i32>} : memref<80x64xi32, #tpu.memory_space<vmem>>, vector<1x16xi32>,
        %parallel_loop3A_511 = vector.shape_cast %parallel_loop3A_510 : vector<1x16xi32> to vector<16xi32>
        %parallel_loop3A_512 = arith.constant 16 : i32
        %parallel_loop3A_513 = vector.broadcast %parallel_loop3A_512 : i32 to vector<16xi32>
        %parallel_loop3A_514 = arith.shli %parallel_loop3A_507, %parallel_loop3A_513 : vector<16xi32>
        %parallel_loop3A_515 = tpu.bitcast %parallel_loop3A_514 : vector<16xi32> -> vector<16xf32>
        %parallel_loop3A_516 = arith.constant 16 : i32
        %parallel_loop3A_517 = vector.broadcast %parallel_loop3A_516 : i32 to vector<16xi32>
        %parallel_loop3A_518 = arith.shli %parallel_loop3A_511, %parallel_loop3A_517 : vector<16xi32>
        %parallel_loop3A_519 = tpu.bitcast %parallel_loop3A_518 : vector<16xi32> -> vector<16xf32>
        %parallel_loop3A_520 = vector.broadcast %parallel_loop3A_422 : i32 to vector<16xi32>
        %parallel_loop3A_521 = arith.andi %parallel_loop3A_507, %parallel_loop3A_520 : vector<16xi32>
        %parallel_loop3A_522 = tpu.bitcast %parallel_loop3A_521 : vector<16xi32> -> vector<16xf32>
        %parallel_loop3A_523 = vector.broadcast %parallel_loop3A_422 : i32 to vector<16xi32>
        %parallel_loop3A_524 = arith.andi %parallel_loop3A_511, %parallel_loop3A_523 : vector<16xi32>
        %parallel_loop3A_525 = tpu.bitcast %parallel_loop3A_524 : vector<16xi32> -> vector<16xf32>
        %parallel_loop3A_526 = arith.addf %parallel_loop3A_515, %parallel_loop3A_519 : vector<16xf32>
        %parallel_loop3A_527 = arith.constant 0.000000e+00 : f32
        %parallel_loop3A_528 = vector.broadcast %parallel_loop3A_527 : f32 to vector<16xf32>
        %parallel_loop3A_529 = arith.maximumf %parallel_loop3A_526, %parallel_loop3A_528 : vector<16xf32>
        %parallel_loop3A_530 = arith.index_cast %parallel_loop3A_423 : i32 to index
        %parallel_loop3A_531 = arith.constant 32 : index
        %parallel_loop3A_532 = tpu.vector_load %arg15[%parallel_loop3A_530, %parallel_loop3A_531] {strides = array<i32>} : memref<80x128xf32, #tpu.memory_space<vmem>>, vector<1x16xf32>,
        %parallel_loop3A_533 = vector.shape_cast %parallel_loop3A_532 : vector<1x16xf32> to vector<16xf32>
        %parallel_loop3A_534 = vector.shape_cast %parallel_loop3A_529 : vector<16xf32> to vector<1x16xf32>
        tpu.vector_store %arg15[%parallel_loop3A_530, %parallel_loop3A_531], %parallel_loop3A_534 {strides = array<i32>} : memref<80x128xf32, #tpu.memory_space<vmem>>, vector<1x16xf32>,
        %parallel_loop3A_535 = arith.addf %parallel_loop3A_522, %parallel_loop3A_525 : vector<16xf32>
        %parallel_loop3A_536 = arith.constant 0.000000e+00 : f32
        %parallel_loop3A_537 = vector.broadcast %parallel_loop3A_536 : f32 to vector<16xf32>
        %parallel_loop3A_538 = arith.maximumf %parallel_loop3A_535, %parallel_loop3A_537 : vector<16xf32>
        %parallel_loop3A_539 = arith.index_cast %parallel_loop3A_423 : i32 to index
        %parallel_loop3A_540 = arith.constant 96 : index
        %parallel_loop3A_541 = tpu.vector_load %arg15[%parallel_loop3A_539, %parallel_loop3A_540] {strides = array<i32>} : memref<80x128xf32, #tpu.memory_space<vmem>>, vector<1x16xf32>,
        %parallel_loop3A_542 = vector.shape_cast %parallel_loop3A_541 : vector<1x16xf32> to vector<16xf32>
        %parallel_loop3A_543 = vector.shape_cast %parallel_loop3A_538 : vector<16xf32> to vector<1x16xf32>
        tpu.vector_store %arg15[%parallel_loop3A_539, %parallel_loop3A_540], %parallel_loop3A_543 {strides = array<i32>} : memref<80x128xf32, #tpu.memory_space<vmem>>, vector<1x16xf32>,
        %parallel_loop3A_544 = arith.index_cast %parallel_loop3A_423 : i32 to index
        %parallel_loop3A_545 = arith.constant 48 : index
        %parallel_loop3A_546 = tpu.vector_load %arg12[%parallel_loop3A_544, %parallel_loop3A_545] {strides = array<i32>} : memref<80x64xi32, #tpu.memory_space<vmem>>, vector<1x16xi32>,
        %parallel_loop3A_547 = vector.shape_cast %parallel_loop3A_546 : vector<1x16xi32> to vector<16xi32>
        %parallel_loop3A_548 = arith.index_cast %parallel_loop3A_423 : i32 to index
        %parallel_loop3A_549 = arith.constant 48 : index
        %parallel_loop3A_550 = tpu.vector_load %arg13[%parallel_loop3A_548, %parallel_loop3A_549] {strides = array<i32>} : memref<80x64xi32, #tpu.memory_space<vmem>>, vector<1x16xi32>,
        %parallel_loop3A_551 = vector.shape_cast %parallel_loop3A_550 : vector<1x16xi32> to vector<16xi32>
        %parallel_loop3A_552 = arith.constant 16 : i32
        %parallel_loop3A_553 = vector.broadcast %parallel_loop3A_552 : i32 to vector<16xi32>
        %parallel_loop3A_554 = arith.shli %parallel_loop3A_547, %parallel_loop3A_553 : vector<16xi32>
        %parallel_loop3A_555 = tpu.bitcast %parallel_loop3A_554 : vector<16xi32> -> vector<16xf32>
        %parallel_loop3A_556 = arith.constant 16 : i32
        %parallel_loop3A_557 = vector.broadcast %parallel_loop3A_556 : i32 to vector<16xi32>
        %parallel_loop3A_558 = arith.shli %parallel_loop3A_551, %parallel_loop3A_557 : vector<16xi32>
        %parallel_loop3A_559 = tpu.bitcast %parallel_loop3A_558 : vector<16xi32> -> vector<16xf32>
        %parallel_loop3A_560 = vector.broadcast %parallel_loop3A_422 : i32 to vector<16xi32>
        %parallel_loop3A_561 = arith.andi %parallel_loop3A_547, %parallel_loop3A_560 : vector<16xi32>
        %parallel_loop3A_562 = tpu.bitcast %parallel_loop3A_561 : vector<16xi32> -> vector<16xf32>
        %parallel_loop3A_563 = vector.broadcast %parallel_loop3A_422 : i32 to vector<16xi32>
        %parallel_loop3A_564 = arith.andi %parallel_loop3A_551, %parallel_loop3A_563 : vector<16xi32>
        %parallel_loop3A_565 = tpu.bitcast %parallel_loop3A_564 : vector<16xi32> -> vector<16xf32>
        %parallel_loop3A_566 = arith.addf %parallel_loop3A_555, %parallel_loop3A_559 : vector<16xf32>
        %parallel_loop3A_567 = arith.constant 0.000000e+00 : f32
        %parallel_loop3A_568 = vector.broadcast %parallel_loop3A_567 : f32 to vector<16xf32>
        %parallel_loop3A_569 = arith.maximumf %parallel_loop3A_566, %parallel_loop3A_568 : vector<16xf32>
        %parallel_loop3A_570 = arith.index_cast %parallel_loop3A_423 : i32 to index
        %parallel_loop3A_571 = arith.constant 48 : index
        %parallel_loop3A_572 = tpu.vector_load %arg15[%parallel_loop3A_570, %parallel_loop3A_571] {strides = array<i32>} : memref<80x128xf32, #tpu.memory_space<vmem>>, vector<1x16xf32>,
        %parallel_loop3A_573 = vector.shape_cast %parallel_loop3A_572 : vector<1x16xf32> to vector<16xf32>
        %parallel_loop3A_574 = vector.shape_cast %parallel_loop3A_569 : vector<16xf32> to vector<1x16xf32>
        tpu.vector_store %arg15[%parallel_loop3A_570, %parallel_loop3A_571], %parallel_loop3A_574 {strides = array<i32>} : memref<80x128xf32, #tpu.memory_space<vmem>>, vector<1x16xf32>,
        %parallel_loop3A_575 = arith.addf %parallel_loop3A_562, %parallel_loop3A_565 : vector<16xf32>
        %parallel_loop3A_576 = arith.constant 0.000000e+00 : f32
        %parallel_loop3A_577 = vector.broadcast %parallel_loop3A_576 : f32 to vector<16xf32>
        %parallel_loop3A_578 = arith.maximumf %parallel_loop3A_575, %parallel_loop3A_577 : vector<16xf32>
        %parallel_loop3A_579 = arith.index_cast %parallel_loop3A_423 : i32 to index
        %parallel_loop3A_580 = arith.constant 112 : index
        %parallel_loop3A_581 = tpu.vector_load %arg15[%parallel_loop3A_579, %parallel_loop3A_580] {strides = array<i32>} : memref<80x128xf32, #tpu.memory_space<vmem>>, vector<1x16xf32>,
        %parallel_loop3A_582 = vector.shape_cast %parallel_loop3A_581 : vector<1x16xf32> to vector<16xf32>
        %parallel_loop3A_583 = vector.shape_cast %parallel_loop3A_578 : vector<16xf32> to vector<1x16xf32>
        tpu.vector_store %arg15[%parallel_loop3A_579, %parallel_loop3A_580], %parallel_loop3A_583 {strides = array<i32>} : memref<80x128xf32, #tpu.memory_space<vmem>>, vector<1x16xf32>,
      } {sc.loop_unroll_factor = 4 : i64, sc.parallel_access}
    }
    %scan3A_121 = arith.constant 31 : i32
    %dma_wait3A_122 = arith.constant 0 : i32
    %dma_wait3A_123 = arith.constant 0 : i32
    %dma_wait3A_124 = tpu.memref_slice %arg8[%dma_wait3A_122, %dma_wait3A_123] : memref<4x80xi32, #tpu.memory_space<vmem>> -> memref<1x80xi32, #tpu.memory_space<vmem>>
    %dma_wait3A_125 = tpu.memref_squeeze %dma_wait3A_124 : memref<1x80xi32, #tpu.memory_space<vmem>> -> memref<80xi32, #tpu.memory_space<vmem>>
    %dma_wait3A_126 = arith.constant 0 : i32
    %dma_wait3A_127 = arith.constant 0 : i32
    %dma_wait3A_128 = tpu.memref_slice %arg4[%dma_wait3A_126, %dma_wait3A_127] : memref<10000x64xi32, #tpu.memory_space<hbm>> -> memref<10000x64xi32, #tpu.memory_space<hbm>>
    tpu.wait_indirect_dma semaphore(%arg20 : memref<!tpu.dma_semaphore, #tpu.memory_space<semaphore_mem>>) src(%dma_wait3A_128 : memref<10000x64xi32, #tpu.memory_space<hbm>>) dst(%arg10 : memref<80x64xi32, #tpu.memory_space<vmem>>)
    %dma_wait3A_129 = arith.constant 0 : i32
    %dma_wait3A_130 = arith.constant 0 : i32
    %dma_wait3A_131 = tpu.memref_slice %arg9[%dma_wait3A_129, %dma_wait3A_130] : memref<4x80xi32, #tpu.memory_space<vmem>> -> memref<1x80xi32, #tpu.memory_space<vmem>>
    %dma_wait3A_132 = tpu.memref_squeeze %dma_wait3A_131 : memref<1x80xi32, #tpu.memory_space<vmem>> -> memref<80xi32, #tpu.memory_space<vmem>>
    %dma_wait3A_133 = arith.constant 0 : i32
    %dma_wait3A_134 = arith.constant 0 : i32
    %dma_wait3A_135 = tpu.memref_slice %arg5[%dma_wait3A_133, %dma_wait3A_134] : memref<10000x64xi32, #tpu.memory_space<hbm>> -> memref<10000x64xi32, #tpu.memory_space<hbm>>
    tpu.wait_indirect_dma semaphore(%arg20 : memref<!tpu.dma_semaphore, #tpu.memory_space<semaphore_mem>>) src(%dma_wait3A_135 : memref<10000x64xi32, #tpu.memory_space<hbm>>) dst(%arg11 : memref<80x64xi32, #tpu.memory_space<vmem>>)
    %run_scoped3A = arith.constant 3 : i32
    "tpu.region"() ({
      %run_scoped3A_172 = tpu.sem_alloc : memref<!tpu.dma_semaphore, #tpu.memory_space<semaphore_mem>>
      %dma_start3A_173 = arith.constant 0 : i32
      %dma_start3A_174 = tpu.memref_slice %arg8[%run_scoped3A, %dma_start3A_173] : memref<4x80xi32, #tpu.memory_space<vmem>> -> memref<1x80xi32, #tpu.memory_space<vmem>>
      %dma_start3A_175 = tpu.memref_squeeze %dma_start3A_174 : memref<1x80xi32, #tpu.memory_space<vmem>> -> memref<80xi32, #tpu.memory_space<vmem>>
      %dma_start3A_176 = arith.constant 0 : i32
      %dma_start3A_177 = arith.constant 0 : i32
      %dma_start3A_178 = tpu.memref_slice %arg17[%dma_start3A_176, %dma_start3A_177] : memref<10000x128xf32, #tpu.memory_space<vmem_shared>> -> memref<10000x128xf32, #tpu.memory_space<vmem_shared>>
      tpu.enqueue_indirect_dma source(%arg15 : memref<80x128xf32, #tpu.memory_space<vmem>>) target(%dma_start3A_178 : memref<10000x128xf32, #tpu.memory_space<vmem_shared>>) offsets(%dma_start3A_175 : memref<80xi32, #tpu.memory_space<vmem>>) semaphore(%run_scoped3A_172 : memref<!tpu.dma_semaphore, #tpu.memory_space<semaphore_mem>>) {add = true}
      %dma_wait3A_179 = arith.constant 0 : i32
      %dma_wait3A_180 = tpu.memref_slice %arg8[%run_scoped3A, %dma_wait3A_179] : memref<4x80xi32, #tpu.memory_space<vmem>> -> memref<1x80xi32, #tpu.memory_space<vmem>>
      %dma_wait3A_181 = tpu.memref_squeeze %dma_wait3A_180 : memref<1x80xi32, #tpu.memory_space<vmem>> -> memref<80xi32, #tpu.memory_space<vmem>>
      %dma_wait3A_182 = arith.constant 0 : i32
      %dma_wait3A_183 = arith.constant 0 : i32
      %dma_wait3A_184 = tpu.memref_slice %arg17[%dma_wait3A_182, %dma_wait3A_183] : memref<10000x128xf32, #tpu.memory_space<vmem_shared>> -> memref<10000x128xf32, #tpu.memory_space<vmem_shared>>
      tpu.wait_indirect_dma semaphore(%run_scoped3A_172 : memref<!tpu.dma_semaphore, #tpu.memory_space<semaphore_mem>>) src(%arg15 : memref<80x128xf32, #tpu.memory_space<vmem>>) dst(%dma_wait3A_184 : memref<10000x128xf32, #tpu.memory_space<vmem_shared>>)
      tpu.yield
    }) : () -> ()
    %parallel_loop3A = arith.constant 0 : i32
    %parallel_loop3A_136 = arith.constant 80 : i32
    %parallel_loop3A_137 = arith.constant 1 : i32
    %parallel_loop3A_138 = arith.constant -65536 : i32
    scf.for %parallel_loop3A_172 = %parallel_loop3A to %parallel_loop3A_136 step %parallel_loop3A_137  : i32 {
      %parallel_loop3A_173 = arith.index_cast %parallel_loop3A_172 : i32 to index
      %parallel_loop3A_174 = arith.constant 0 : index
      %parallel_loop3A_175 = tpu.vector_load %arg10[%parallel_loop3A_173, %parallel_loop3A_174] {strides = array<i32>} : memref<80x64xi32, #tpu.memory_space<vmem>>, vector<1x16xi32>,
      %parallel_loop3A_176 = vector.shape_cast %parallel_loop3A_175 : vector<1x16xi32> to vector<16xi32>
      %parallel_loop3A_177 = arith.index_cast %parallel_loop3A_172 : i32 to index
      %parallel_loop3A_178 = arith.constant 0 : index
      %parallel_loop3A_179 = tpu.vector_load %arg11[%parallel_loop3A_177, %parallel_loop3A_178] {strides = array<i32>} : memref<80x64xi32, #tpu.memory_space<vmem>>, vector<1x16xi32>,
      %parallel_loop3A_180 = vector.shape_cast %parallel_loop3A_179 : vector<1x16xi32> to vector<16xi32>
      %parallel_loop3A_181 = arith.constant 16 : i32
      %parallel_loop3A_182 = vector.broadcast %parallel_loop3A_181 : i32 to vector<16xi32>
      %parallel_loop3A_183 = arith.shli %parallel_loop3A_176, %parallel_loop3A_182 : vector<16xi32>
      %parallel_loop3A_184 = tpu.bitcast %parallel_loop3A_183 : vector<16xi32> -> vector<16xf32>
      %parallel_loop3A_185 = arith.constant 16 : i32
      %parallel_loop3A_186 = vector.broadcast %parallel_loop3A_185 : i32 to vector<16xi32>
      %parallel_loop3A_187 = arith.shli %parallel_loop3A_180, %parallel_loop3A_186 : vector<16xi32>
      %parallel_loop3A_188 = tpu.bitcast %parallel_loop3A_187 : vector<16xi32> -> vector<16xf32>
      %parallel_loop3A_189 = vector.broadcast %parallel_loop3A_138 : i32 to vector<16xi32>
      %parallel_loop3A_190 = arith.andi %parallel_loop3A_176, %parallel_loop3A_189 : vector<16xi32>
      %parallel_loop3A_191 = tpu.bitcast %parallel_loop3A_190 : vector<16xi32> -> vector<16xf32>
      %parallel_loop3A_192 = vector.broadcast %parallel_loop3A_138 : i32 to vector<16xi32>
      %parallel_loop3A_193 = arith.andi %parallel_loop3A_180, %parallel_loop3A_192 : vector<16xi32>
      %parallel_loop3A_194 = tpu.bitcast %parallel_loop3A_193 : vector<16xi32> -> vector<16xf32>
      %parallel_loop3A_195 = arith.addf %parallel_loop3A_184, %parallel_loop3A_188 : vector<16xf32>
      %parallel_loop3A_196 = arith.constant 0.000000e+00 : f32
      %parallel_loop3A_197 = vector.broadcast %parallel_loop3A_196 : f32 to vector<16xf32>
      %parallel_loop3A_198 = arith.maximumf %parallel_loop3A_195, %parallel_loop3A_197 : vector<16xf32>
      %parallel_loop3A_199 = arith.index_cast %parallel_loop3A_172 : i32 to index
      %parallel_loop3A_200 = arith.constant 0 : index
      %parallel_loop3A_201 = tpu.vector_load %arg14[%parallel_loop3A_199, %parallel_loop3A_200] {strides = array<i32>} : memref<80x128xf32, #tpu.memory_space<vmem>>, vector<1x16xf32>,
      %parallel_loop3A_202 = vector.shape_cast %parallel_loop3A_201 : vector<1x16xf32> to vector<16xf32>
      %parallel_loop3A_203 = vector.shape_cast %parallel_loop3A_198 : vector<16xf32> to vector<1x16xf32>
      tpu.vector_store %arg14[%parallel_loop3A_199, %parallel_loop3A_200], %parallel_loop3A_203 {strides = array<i32>} : memref<80x128xf32, #tpu.memory_space<vmem>>, vector<1x16xf32>,
      %parallel_loop3A_204 = arith.addf %parallel_loop3A_191, %parallel_loop3A_194 : vector<16xf32>
      %parallel_loop3A_205 = arith.constant 0.000000e+00 : f32
      %parallel_loop3A_206 = vector.broadcast %parallel_loop3A_205 : f32 to vector<16xf32>
      %parallel_loop3A_207 = arith.maximumf %parallel_loop3A_204, %parallel_loop3A_206 : vector<16xf32>
      %parallel_loop3A_208 = arith.index_cast %parallel_loop3A_172 : i32 to index
      %parallel_loop3A_209 = arith.constant 64 : index
      %parallel_loop3A_210 = tpu.vector_load %arg14[%parallel_loop3A_208, %parallel_loop3A_209] {strides = array<i32>} : memref<80x128xf32, #tpu.memory_space<vmem>>, vector<1x16xf32>,
      %parallel_loop3A_211 = vector.shape_cast %parallel_loop3A_210 : vector<1x16xf32> to vector<16xf32>
      %parallel_loop3A_212 = vector.shape_cast %parallel_loop3A_207 : vector<16xf32> to vector<1x16xf32>
      tpu.vector_store %arg14[%parallel_loop3A_208, %parallel_loop3A_209], %parallel_loop3A_212 {strides = array<i32>} : memref<80x128xf32, #tpu.memory_space<vmem>>, vector<1x16xf32>,
      %parallel_loop3A_213 = arith.index_cast %parallel_loop3A_172 : i32 to index
      %parallel_loop3A_214 = arith.constant 16 : index
      %parallel_loop3A_215 = tpu.vector_load %arg10[%parallel_loop3A_213, %parallel_loop3A_214] {strides = array<i32>} : memref<80x64xi32, #tpu.memory_space<vmem>>, vector<1x16xi32>,
      %parallel_loop3A_216 = vector.shape_cast %parallel_loop3A_215 : vector<1x16xi32> to vector<16xi32>
      %parallel_loop3A_217 = arith.index_cast %parallel_loop3A_172 : i32 to index
      %parallel_loop3A_218 = arith.constant 16 : index
      %parallel_loop3A_219 = tpu.vector_load %arg11[%parallel_loop3A_217, %parallel_loop3A_218] {strides = array<i32>} : memref<80x64xi32, #tpu.memory_space<vmem>>, vector<1x16xi32>,
      %parallel_loop3A_220 = vector.shape_cast %parallel_loop3A_219 : vector<1x16xi32> to vector<16xi32>
      %parallel_loop3A_221 = arith.constant 16 : i32
      %parallel_loop3A_222 = vector.broadcast %parallel_loop3A_221 : i32 to vector<16xi32>
      %parallel_loop3A_223 = arith.shli %parallel_loop3A_216, %parallel_loop3A_222 : vector<16xi32>
      %parallel_loop3A_224 = tpu.bitcast %parallel_loop3A_223 : vector<16xi32> -> vector<16xf32>
      %parallel_loop3A_225 = arith.constant 16 : i32
      %parallel_loop3A_226 = vector.broadcast %parallel_loop3A_225 : i32 to vector<16xi32>
      %parallel_loop3A_227 = arith.shli %parallel_loop3A_220, %parallel_loop3A_226 : vector<16xi32>
      %parallel_loop3A_228 = tpu.bitcast %parallel_loop3A_227 : vector<16xi32> -> vector<16xf32>
      %parallel_loop3A_229 = vector.broadcast %parallel_loop3A_138 : i32 to vector<16xi32>
      %parallel_loop3A_230 = arith.andi %parallel_loop3A_216, %parallel_loop3A_229 : vector<16xi32>
      %parallel_loop3A_231 = tpu.bitcast %parallel_loop3A_230 : vector<16xi32> -> vector<16xf32>
      %parallel_loop3A_232 = vector.broadcast %parallel_loop3A_138 : i32 to vector<16xi32>
      %parallel_loop3A_233 = arith.andi %parallel_loop3A_220, %parallel_loop3A_232 : vector<16xi32>
      %parallel_loop3A_234 = tpu.bitcast %parallel_loop3A_233 : vector<16xi32> -> vector<16xf32>
      %parallel_loop3A_235 = arith.addf %parallel_loop3A_224, %parallel_loop3A_228 : vector<16xf32>
      %parallel_loop3A_236 = arith.constant 0.000000e+00 : f32
      %parallel_loop3A_237 = vector.broadcast %parallel_loop3A_236 : f32 to vector<16xf32>
      %parallel_loop3A_238 = arith.maximumf %parallel_loop3A_235, %parallel_loop3A_237 : vector<16xf32>
      %parallel_loop3A_239 = arith.index_cast %parallel_loop3A_172 : i32 to index
      %parallel_loop3A_240 = arith.constant 16 : index
      %parallel_loop3A_241 = tpu.vector_load %arg14[%parallel_loop3A_239, %parallel_loop3A_240] {strides = array<i32>} : memref<80x128xf32, #tpu.memory_space<vmem>>, vector<1x16xf32>,
      %parallel_loop3A_242 = vector.shape_cast %parallel_loop3A_241 : vector<1x16xf32> to vector<16xf32>
      %parallel_loop3A_243 = vector.shape_cast %parallel_loop3A_238 : vector<16xf32> to vector<1x16xf32>
      tpu.vector_store %arg14[%parallel_loop3A_239, %parallel_loop3A_240], %parallel_loop3A_243 {strides = array<i32>} : memref<80x128xf32, #tpu.memory_space<vmem>>, vector<1x16xf32>,
      %parallel_loop3A_244 = arith.addf %parallel_loop3A_231, %parallel_loop3A_234 : vector<16xf32>
      %parallel_loop3A_245 = arith.constant 0.000000e+00 : f32
      %parallel_loop3A_246 = vector.broadcast %parallel_loop3A_245 : f32 to vector<16xf32>
      %parallel_loop3A_247 = arith.maximumf %parallel_loop3A_244, %parallel_loop3A_246 : vector<16xf32>
      %parallel_loop3A_248 = arith.index_cast %parallel_loop3A_172 : i32 to index
      %parallel_loop3A_249 = arith.constant 80 : index
      %parallel_loop3A_250 = tpu.vector_load %arg14[%parallel_loop3A_248, %parallel_loop3A_249] {strides = array<i32>} : memref<80x128xf32, #tpu.memory_space<vmem>>, vector<1x16xf32>,
      %parallel_loop3A_251 = vector.shape_cast %parallel_loop3A_250 : vector<1x16xf32> to vector<16xf32>
      %parallel_loop3A_252 = vector.shape_cast %parallel_loop3A_247 : vector<16xf32> to vector<1x16xf32>
      tpu.vector_store %arg14[%parallel_loop3A_248, %parallel_loop3A_249], %parallel_loop3A_252 {strides = array<i32>} : memref<80x128xf32, #tpu.memory_space<vmem>>, vector<1x16xf32>,
      %parallel_loop3A_253 = arith.index_cast %parallel_loop3A_172 : i32 to index
      %parallel_loop3A_254 = arith.constant 32 : index
      %parallel_loop3A_255 = tpu.vector_load %arg10[%parallel_loop3A_253, %parallel_loop3A_254] {strides = array<i32>} : memref<80x64xi32, #tpu.memory_space<vmem>>, vector<1x16xi32>,
      %parallel_loop3A_256 = vector.shape_cast %parallel_loop3A_255 : vector<1x16xi32> to vector<16xi32>
      %parallel_loop3A_257 = arith.index_cast %parallel_loop3A_172 : i32 to index
      %parallel_loop3A_258 = arith.constant 32 : index
      %parallel_loop3A_259 = tpu.vector_load %arg11[%parallel_loop3A_257, %parallel_loop3A_258] {strides = array<i32>} : memref<80x64xi32, #tpu.memory_space<vmem>>, vector<1x16xi32>,
      %parallel_loop3A_260 = vector.shape_cast %parallel_loop3A_259 : vector<1x16xi32> to vector<16xi32>
      %parallel_loop3A_261 = arith.constant 16 : i32
      %parallel_loop3A_262 = vector.broadcast %parallel_loop3A_261 : i32 to vector<16xi32>
      %parallel_loop3A_263 = arith.shli %parallel_loop3A_256, %parallel_loop3A_262 : vector<16xi32>
      %parallel_loop3A_264 = tpu.bitcast %parallel_loop3A_263 : vector<16xi32> -> vector<16xf32>
      %parallel_loop3A_265 = arith.constant 16 : i32
      %parallel_loop3A_266 = vector.broadcast %parallel_loop3A_265 : i32 to vector<16xi32>
      %parallel_loop3A_267 = arith.shli %parallel_loop3A_260, %parallel_loop3A_266 : vector<16xi32>
      %parallel_loop3A_268 = tpu.bitcast %parallel_loop3A_267 : vector<16xi32> -> vector<16xf32>
      %parallel_loop3A_269 = vector.broadcast %parallel_loop3A_138 : i32 to vector<16xi32>
      %parallel_loop3A_270 = arith.andi %parallel_loop3A_256, %parallel_loop3A_269 : vector<16xi32>
      %parallel_loop3A_271 = tpu.bitcast %parallel_loop3A_270 : vector<16xi32> -> vector<16xf32>
      %parallel_loop3A_272 = vector.broadcast %parallel_loop3A_138 : i32 to vector<16xi32>
      %parallel_loop3A_273 = arith.andi %parallel_loop3A_260, %parallel_loop3A_272 : vector<16xi32>
      %parallel_loop3A_274 = tpu.bitcast %parallel_loop3A_273 : vector<16xi32> -> vector<16xf32>
      %parallel_loop3A_275 = arith.addf %parallel_loop3A_264, %parallel_loop3A_268 : vector<16xf32>
      %parallel_loop3A_276 = arith.constant 0.000000e+00 : f32
      %parallel_loop3A_277 = vector.broadcast %parallel_loop3A_276 : f32 to vector<16xf32>
      %parallel_loop3A_278 = arith.maximumf %parallel_loop3A_275, %parallel_loop3A_277 : vector<16xf32>
      %parallel_loop3A_279 = arith.index_cast %parallel_loop3A_172 : i32 to index
      %parallel_loop3A_280 = arith.constant 32 : index
      %parallel_loop3A_281 = tpu.vector_load %arg14[%parallel_loop3A_279, %parallel_loop3A_280] {strides = array<i32>} : memref<80x128xf32, #tpu.memory_space<vmem>>, vector<1x16xf32>,
      %parallel_loop3A_282 = vector.shape_cast %parallel_loop3A_281 : vector<1x16xf32> to vector<16xf32>
      %parallel_loop3A_283 = vector.shape_cast %parallel_loop3A_278 : vector<16xf32> to vector<1x16xf32>
      tpu.vector_store %arg14[%parallel_loop3A_279, %parallel_loop3A_280], %parallel_loop3A_283 {strides = array<i32>} : memref<80x128xf32, #tpu.memory_space<vmem>>, vector<1x16xf32>,
      %parallel_loop3A_284 = arith.addf %parallel_loop3A_271, %parallel_loop3A_274 : vector<16xf32>
      %parallel_loop3A_285 = arith.constant 0.000000e+00 : f32
      %parallel_loop3A_286 = vector.broadcast %parallel_loop3A_285 : f32 to vector<16xf32>
      %parallel_loop3A_287 = arith.maximumf %parallel_loop3A_284, %parallel_loop3A_286 : vector<16xf32>
      %parallel_loop3A_288 = arith.index_cast %parallel_loop3A_172 : i32 to index
      %parallel_loop3A_289 = arith.constant 96 : index
      %parallel_loop3A_290 = tpu.vector_load %arg14[%parallel_loop3A_288, %parallel_loop3A_289] {strides = array<i32>} : memref<80x128xf32, #tpu.memory_space<vmem>>, vector<1x16xf32>,
      %parallel_loop3A_291 = vector.shape_cast %parallel_loop3A_290 : vector<1x16xf32> to vector<16xf32>
      %parallel_loop3A_292 = vector.shape_cast %parallel_loop3A_287 : vector<16xf32> to vector<1x16xf32>
      tpu.vector_store %arg14[%parallel_loop3A_288, %parallel_loop3A_289], %parallel_loop3A_292 {strides = array<i32>} : memref<80x128xf32, #tpu.memory_space<vmem>>, vector<1x16xf32>,
      %parallel_loop3A_293 = arith.index_cast %parallel_loop3A_172 : i32 to index
      %parallel_loop3A_294 = arith.constant 48 : index
      %parallel_loop3A_295 = tpu.vector_load %arg10[%parallel_loop3A_293, %parallel_loop3A_294] {strides = array<i32>} : memref<80x64xi32, #tpu.memory_space<vmem>>, vector<1x16xi32>,
      %parallel_loop3A_296 = vector.shape_cast %parallel_loop3A_295 : vector<1x16xi32> to vector<16xi32>
      %parallel_loop3A_297 = arith.index_cast %parallel_loop3A_172 : i32 to index
      %parallel_loop3A_298 = arith.constant 48 : index
      %parallel_loop3A_299 = tpu.vector_load %arg11[%parallel_loop3A_297, %parallel_loop3A_298] {strides = array<i32>} : memref<80x64xi32, #tpu.memory_space<vmem>>, vector<1x16xi32>,
      %parallel_loop3A_300 = vector.shape_cast %parallel_loop3A_299 : vector<1x16xi32> to vector<16xi32>
      %parallel_loop3A_301 = arith.constant 16 : i32
      %parallel_loop3A_302 = vector.broadcast %parallel_loop3A_301 : i32 to vector<16xi32>
      %parallel_loop3A_303 = arith.shli %parallel_loop3A_296, %parallel_loop3A_302 : vector<16xi32>
      %parallel_loop3A_304 = tpu.bitcast %parallel_loop3A_303 : vector<16xi32> -> vector<16xf32>
      %parallel_loop3A_305 = arith.constant 16 : i32
      %parallel_loop3A_306 = vector.broadcast %parallel_loop3A_305 : i32 to vector<16xi32>
      %parallel_loop3A_307 = arith.shli %parallel_loop3A_300, %parallel_loop3A_306 : vector<16xi32>
      %parallel_loop3A_308 = tpu.bitcast %parallel_loop3A_307 : vector<16xi32> -> vector<16xf32>
      %parallel_loop3A_309 = vector.broadcast %parallel_loop3A_138 : i32 to vector<16xi32>
      %parallel_loop3A_310 = arith.andi %parallel_loop3A_296, %parallel_loop3A_309 : vector<16xi32>
      %parallel_loop3A_311 = tpu.bitcast %parallel_loop3A_310 : vector<16xi32> -> vector<16xf32>
      %parallel_loop3A_312 = vector.broadcast %parallel_loop3A_138 : i32 to vector<16xi32>
      %parallel_loop3A_313 = arith.andi %parallel_loop3A_300, %parallel_loop3A_312 : vector<16xi32>
      %parallel_loop3A_314 = tpu.bitcast %parallel_loop3A_313 : vector<16xi32> -> vector<16xf32>
      %parallel_loop3A_315 = arith.addf %parallel_loop3A_304, %parallel_loop3A_308 : vector<16xf32>
      %parallel_loop3A_316 = arith.constant 0.000000e+00 : f32
      %parallel_loop3A_317 = vector.broadcast %parallel_loop3A_316 : f32 to vector<16xf32>
      %parallel_loop3A_318 = arith.maximumf %parallel_loop3A_315, %parallel_loop3A_317 : vector<16xf32>
      %parallel_loop3A_319 = arith.index_cast %parallel_loop3A_172 : i32 to index
      %parallel_loop3A_320 = arith.constant 48 : index
      %parallel_loop3A_321 = tpu.vector_load %arg14[%parallel_loop3A_319, %parallel_loop3A_320] {strides = array<i32>} : memref<80x128xf32, #tpu.memory_space<vmem>>, vector<1x16xf32>,
      %parallel_loop3A_322 = vector.shape_cast %parallel_loop3A_321 : vector<1x16xf32> to vector<16xf32>
      %parallel_loop3A_323 = vector.shape_cast %parallel_loop3A_318 : vector<16xf32> to vector<1x16xf32>
      tpu.vector_store %arg14[%parallel_loop3A_319, %parallel_loop3A_320], %parallel_loop3A_323 {strides = array<i32>} : memref<80x128xf32, #tpu.memory_space<vmem>>, vector<1x16xf32>,
      %parallel_loop3A_324 = arith.addf %parallel_loop3A_311, %parallel_loop3A_314 : vector<16xf32>
      %parallel_loop3A_325 = arith.constant 0.000000e+00 : f32
      %parallel_loop3A_326 = vector.broadcast %parallel_loop3A_325 : f32 to vector<16xf32>
      %parallel_loop3A_327 = arith.maximumf %parallel_loop3A_324, %parallel_loop3A_326 : vector<16xf32>
      %parallel_loop3A_328 = arith.index_cast %parallel_loop3A_172 : i32 to index
      %parallel_loop3A_329 = arith.constant 112 : index
      %parallel_loop3A_330 = tpu.vector_load %arg14[%parallel_loop3A_328, %parallel_loop3A_329] {strides = array<i32>} : memref<80x128xf32, #tpu.memory_space<vmem>>, vector<1x16xf32>,
      %parallel_loop3A_331 = vector.shape_cast %parallel_loop3A_330 : vector<1x16xf32> to vector<16xf32>
      %parallel_loop3A_332 = vector.shape_cast %parallel_loop3A_327 : vector<16xf32> to vector<1x16xf32>
      tpu.vector_store %arg14[%parallel_loop3A_328, %parallel_loop3A_329], %parallel_loop3A_332 {strides = array<i32>} : memref<80x128xf32, #tpu.memory_space<vmem>>, vector<1x16xf32>,
    } {sc.loop_unroll_factor = 4 : i64, sc.parallel_access}
    %run_scoped3A_139 = arith.constant 0 : i32
    "tpu.region"() ({
      %run_scoped3A_172 = tpu.sem_alloc : memref<!tpu.dma_semaphore, #tpu.memory_space<semaphore_mem>>
      %dma_start3A_173 = arith.constant 0 : i32
      %dma_start3A_174 = tpu.memref_slice %arg8[%run_scoped3A_139, %dma_start3A_173] : memref<4x80xi32, #tpu.memory_space<vmem>> -> memref<1x80xi32, #tpu.memory_space<vmem>>
      %dma_start3A_175 = tpu.memref_squeeze %dma_start3A_174 : memref<1x80xi32, #tpu.memory_space<vmem>> -> memref<80xi32, #tpu.memory_space<vmem>>
      %dma_start3A_176 = arith.constant 0 : i32
      %dma_start3A_177 = arith.constant 0 : i32
      %dma_start3A_178 = tpu.memref_slice %arg17[%dma_start3A_176, %dma_start3A_177] : memref<10000x128xf32, #tpu.memory_space<vmem_shared>> -> memref<10000x128xf32, #tpu.memory_space<vmem_shared>>
      tpu.enqueue_indirect_dma source(%arg14 : memref<80x128xf32, #tpu.memory_space<vmem>>) target(%dma_start3A_178 : memref<10000x128xf32, #tpu.memory_space<vmem_shared>>) offsets(%dma_start3A_175 : memref<80xi32, #tpu.memory_space<vmem>>) semaphore(%run_scoped3A_172 : memref<!tpu.dma_semaphore, #tpu.memory_space<semaphore_mem>>) {add = true}
      %dma_wait3A_179 = arith.constant 0 : i32
      %dma_wait3A_180 = tpu.memref_slice %arg8[%run_scoped3A_139, %dma_wait3A_179] : memref<4x80xi32, #tpu.memory_space<vmem>> -> memref<1x80xi32, #tpu.memory_space<vmem>>
      %dma_wait3A_181 = tpu.memref_squeeze %dma_wait3A_180 : memref<1x80xi32, #tpu.memory_space<vmem>> -> memref<80xi32, #tpu.memory_space<vmem>>
      %dma_wait3A_182 = arith.constant 0 : i32
      %dma_wait3A_183 = arith.constant 0 : i32
      %dma_wait3A_184 = tpu.memref_slice %arg17[%dma_wait3A_182, %dma_wait3A_183] : memref<10000x128xf32, #tpu.memory_space<vmem_shared>> -> memref<10000x128xf32, #tpu.memory_space<vmem_shared>>
      tpu.wait_indirect_dma semaphore(%run_scoped3A_172 : memref<!tpu.dma_semaphore, #tpu.memory_space<semaphore_mem>>) src(%arg14 : memref<80x128xf32, #tpu.memory_space<vmem>>) dst(%dma_wait3A_184 : memref<10000x128xf32, #tpu.memory_space<vmem_shared>>)
      tpu.yield
    }) : () -> ()
    %barrier3A_140 = arith.constant 0 : index
    tpu.barrier barrier_id(%barrier3A_140)
    %add3A_141 = arith.constant 0 : i32
    %add3A_142 = arith.addi %mul3A_2, %add3A_141 : i32
    "tpu.region"() ({
      %run_scoped3A_172 = tpu.sem_alloc : memref<!tpu.dma_semaphore, #tpu.memory_space<semaphore_mem>>
      %dma_start3A_173 = arith.constant 0 : i32
      %dma_start3A_174 = tpu.memref_slice %arg17[%add3A_142, %dma_start3A_173] : memref<10000x128xf32, #tpu.memory_space<vmem_shared>> -> memref<48x128xf32, #tpu.memory_space<vmem_shared>>
      %dma_start3A_175 = arith.constant 0 : i32
      %dma_start3A_176 = tpu.memref_slice %arg17[%add3A_142, %dma_start3A_175] : memref<10000x128xf32, #tpu.memory_space<vmem_shared>> -> memref<48x128xf32, #tpu.memory_space<vmem_shared>>
      tpu.enqueue_dma source(%dma_start3A_176 : memref<48x128xf32, #tpu.memory_space<vmem_shared>>) target(%arg16 : memref<48x128xf32, #tpu.memory_space<vmem>>) target_semaphore(%run_scoped3A_172 : memref<!tpu.dma_semaphore, #tpu.memory_space<semaphore_mem>>)
      %dma_wait3A_177 = arith.constant 0 : i32
      %dma_wait3A_178 = tpu.memref_slice %arg17[%add3A_142, %dma_wait3A_177] : memref<10000x128xf32, #tpu.memory_space<vmem_shared>> -> memref<48x128xf32, #tpu.memory_space<vmem_shared>>
      %dma_wait3A_179 = arith.constant 0 : i32
      %dma_wait3A_180 = tpu.memref_slice %arg17[%add3A_142, %dma_wait3A_179] : memref<10000x128xf32, #tpu.memory_space<vmem_shared>> -> memref<48x128xf32, #tpu.memory_space<vmem_shared>>
      tpu.wait_dma2 semaphore(%run_scoped3A_172 : memref<!tpu.dma_semaphore, #tpu.memory_space<semaphore_mem>>) src(%dma_wait3A_180 : memref<48x128xf32, #tpu.memory_space<vmem_shared>>) dst(%arg16 : memref<48x128xf32, #tpu.memory_space<vmem>>)
      tpu.yield
    }) : () -> ()
    "tpu.region"() ({
      %run_scoped3A_172 = tpu.sem_alloc : memref<!tpu.dma_semaphore, #tpu.memory_space<semaphore_mem>>
      %dma_start3A_173 = arith.constant 0 : i32
      %dma_start3A_174 = tpu.memref_slice %arg7[%arg0, %add3A_142, %dma_start3A_173] : memref<2x10000x128xf32, #tpu.memory_space<hbm>> -> memref<1x48x128xf32, #tpu.memory_space<hbm>>
      %dma_start3A_175 = tpu.memref_squeeze %dma_start3A_174 : memref<1x48x128xf32, #tpu.memory_space<hbm>> -> memref<48x128xf32, #tpu.memory_space<hbm>>
      %dma_start3A_176 = arith.constant 0 : i32
      %dma_start3A_177 = tpu.memref_slice %arg7[%arg0, %add3A_142, %dma_start3A_176] : memref<2x10000x128xf32, #tpu.memory_space<hbm>> -> memref<1x48x128xf32, #tpu.memory_space<hbm>>
      %dma_start3A_178 = tpu.memref_squeeze %dma_start3A_177 : memref<1x48x128xf32, #tpu.memory_space<hbm>> -> memref<48x128xf32, #tpu.memory_space<hbm>>
      tpu.enqueue_dma source(%arg16 : memref<48x128xf32, #tpu.memory_space<vmem>>) target(%dma_start3A_178 : memref<48x128xf32, #tpu.memory_space<hbm>>) target_semaphore(%run_scoped3A_172 : memref<!tpu.dma_semaphore, #tpu.memory_space<semaphore_mem>>)
      %dma_wait3A_179 = arith.constant 0 : i32
      %dma_wait3A_180 = tpu.memref_slice %arg7[%arg0, %add3A_142, %dma_wait3A_179] : memref<2x10000x128xf32, #tpu.memory_space<hbm>> -> memref<1x48x128xf32, #tpu.memory_space<hbm>>
      %dma_wait3A_181 = tpu.memref_squeeze %dma_wait3A_180 : memref<1x48x128xf32, #tpu.memory_space<hbm>> -> memref<48x128xf32, #tpu.memory_space<hbm>>
      %dma_wait3A_182 = arith.constant 0 : i32
      %dma_wait3A_183 = tpu.memref_slice %arg7[%arg0, %add3A_142, %dma_wait3A_182] : memref<2x10000x128xf32, #tpu.memory_space<hbm>> -> memref<1x48x128xf32, #tpu.memory_space<hbm>>
      %dma_wait3A_184 = tpu.memref_squeeze %dma_wait3A_183 : memref<1x48x128xf32, #tpu.memory_space<hbm>> -> memref<48x128xf32, #tpu.memory_space<hbm>>
      tpu.wait_dma2 semaphore(%run_scoped3A_172 : memref<!tpu.dma_semaphore, #tpu.memory_space<semaphore_mem>>) src(%arg16 : memref<48x128xf32, #tpu.memory_space<vmem>>) dst(%dma_wait3A_184 : memref<48x128xf32, #tpu.memory_space<hbm>>)
      tpu.yield
    }) : () -> ()
    %add3A_143 = arith.constant 48 : i32
    %add3A_144 = arith.addi %mul3A_2, %add3A_143 : i32
    "tpu.region"() ({
      %run_scoped3A_172 = tpu.sem_alloc : memref<!tpu.dma_semaphore, #tpu.memory_space<semaphore_mem>>
      %dma_start3A_173 = arith.constant 0 : i32
      %dma_start3A_174 = tpu.memref_slice %arg17[%add3A_144, %dma_start3A_173] : memref<10000x128xf32, #tpu.memory_space<vmem_shared>> -> memref<48x128xf32, #tpu.memory_space<vmem_shared>>
      %dma_start3A_175 = arith.constant 0 : i32
      %dma_start3A_176 = tpu.memref_slice %arg17[%add3A_144, %dma_start3A_175] : memref<10000x128xf32, #tpu.memory_space<vmem_shared>> -> memref<48x128xf32, #tpu.memory_space<vmem_shared>>
      tpu.enqueue_dma source(%dma_start3A_176 : memref<48x128xf32, #tpu.memory_space<vmem_shared>>) target(%arg16 : memref<48x128xf32, #tpu.memory_space<vmem>>) target_semaphore(%run_scoped3A_172 : memref<!tpu.dma_semaphore, #tpu.memory_space<semaphore_mem>>)
      %dma_wait3A_177 = arith.constant 0 : i32
      %dma_wait3A_178 = tpu.memref_slice %arg17[%add3A_144, %dma_wait3A_177] : memref<10000x128xf32, #tpu.memory_space<vmem_shared>> -> memref<48x128xf32, #tpu.memory_space<vmem_shared>>
      %dma_wait3A_179 = arith.constant 0 : i32
      %dma_wait3A_180 = tpu.memref_slice %arg17[%add3A_144, %dma_wait3A_179] : memref<10000x128xf32, #tpu.memory_space<vmem_shared>> -> memref<48x128xf32, #tpu.memory_space<vmem_shared>>
      tpu.wait_dma2 semaphore(%run_scoped3A_172 : memref<!tpu.dma_semaphore, #tpu.memory_space<semaphore_mem>>) src(%dma_wait3A_180 : memref<48x128xf32, #tpu.memory_space<vmem_shared>>) dst(%arg16 : memref<48x128xf32, #tpu.memory_space<vmem>>)
      tpu.yield
    }) : () -> ()
    "tpu.region"() ({
      %run_scoped3A_172 = tpu.sem_alloc : memref<!tpu.dma_semaphore, #tpu.memory_space<semaphore_mem>>
      %dma_start3A_173 = arith.constant 0 : i32
      %dma_start3A_174 = tpu.memref_slice %arg7[%arg0, %add3A_144, %dma_start3A_173] : memref<2x10000x128xf32, #tpu.memory_space<hbm>> -> memref<1x48x128xf32, #tpu.memory_space<hbm>>
      %dma_start3A_175 = tpu.memref_squeeze %dma_start3A_174 : memref<1x48x128xf32, #tpu.memory_space<hbm>> -> memref<48x128xf32, #tpu.memory_space<hbm>>
      %dma_start3A_176 = arith.constant 0 : i32
      %dma_start3A_177 = tpu.memref_slice %arg7[%arg0, %add3A_144, %dma_start3A_176] : memref<2x10000x128xf32, #tpu.memory_space<hbm>> -> memref<1x48x128xf32, #tpu.memory_space<hbm>>
      %dma_start3A_178 = tpu.memref_squeeze %dma_start3A_177 : memref<1x48x128xf32, #tpu.memory_space<hbm>> -> memref<48x128xf32, #tpu.memory_space<hbm>>
      tpu.enqueue_dma source(%arg16 : memref<48x128xf32, #tpu.memory_space<vmem>>) target(%dma_start3A_178 : memref<48x128xf32, #tpu.memory_space<hbm>>) target_semaphore(%run_scoped3A_172 : memref<!tpu.dma_semaphore, #tpu.memory_space<semaphore_mem>>)
      %dma_wait3A_179 = arith.constant 0 : i32
      %dma_wait3A_180 = tpu.memref_slice %arg7[%arg0, %add3A_144, %dma_wait3A_179] : memref<2x10000x128xf32, #tpu.memory_space<hbm>> -> memref<1x48x128xf32, #tpu.memory_space<hbm>>
      %dma_wait3A_181 = tpu.memref_squeeze %dma_wait3A_180 : memref<1x48x128xf32, #tpu.memory_space<hbm>> -> memref<48x128xf32, #tpu.memory_space<hbm>>
      %dma_wait3A_182 = arith.constant 0 : i32
      %dma_wait3A_183 = tpu.memref_slice %arg7[%arg0, %add3A_144, %dma_wait3A_182] : memref<2x10000x128xf32, #tpu.memory_space<hbm>> -> memref<1x48x128xf32, #tpu.memory_space<hbm>>
      %dma_wait3A_184 = tpu.memref_squeeze %dma_wait3A_183 : memref<1x48x128xf32, #tpu.memory_space<hbm>> -> memref<48x128xf32, #tpu.memory_space<hbm>>
      tpu.wait_dma2 semaphore(%run_scoped3A_172 : memref<!tpu.dma_semaphore, #tpu.memory_space<semaphore_mem>>) src(%arg16 : memref<48x128xf32, #tpu.memory_space<vmem>>) dst(%dma_wait3A_184 : memref<48x128xf32, #tpu.memory_space<hbm>>)
      tpu.yield
    }) : () -> ()
    %add3A_145 = arith.constant 96 : i32
    %add3A_146 = arith.addi %mul3A_2, %add3A_145 : i32
    "tpu.region"() ({
      %run_scoped3A_172 = tpu.sem_alloc : memref<!tpu.dma_semaphore, #tpu.memory_space<semaphore_mem>>
      %dma_start3A_173 = arith.constant 0 : i32
      %dma_start3A_174 = tpu.memref_slice %arg17[%add3A_146, %dma_start3A_173] : memref<10000x128xf32, #tpu.memory_space<vmem_shared>> -> memref<48x128xf32, #tpu.memory_space<vmem_shared>>
      %dma_start3A_175 = arith.constant 0 : i32
      %dma_start3A_176 = tpu.memref_slice %arg17[%add3A_146, %dma_start3A_175] : memref<10000x128xf32, #tpu.memory_space<vmem_shared>> -> memref<48x128xf32, #tpu.memory_space<vmem_shared>>
      tpu.enqueue_dma source(%dma_start3A_176 : memref<48x128xf32, #tpu.memory_space<vmem_shared>>) target(%arg16 : memref<48x128xf32, #tpu.memory_space<vmem>>) target_semaphore(%run_scoped3A_172 : memref<!tpu.dma_semaphore, #tpu.memory_space<semaphore_mem>>)
      %dma_wait3A_177 = arith.constant 0 : i32
      %dma_wait3A_178 = tpu.memref_slice %arg17[%add3A_146, %dma_wait3A_177] : memref<10000x128xf32, #tpu.memory_space<vmem_shared>> -> memref<48x128xf32, #tpu.memory_space<vmem_shared>>
      %dma_wait3A_179 = arith.constant 0 : i32
      %dma_wait3A_180 = tpu.memref_slice %arg17[%add3A_146, %dma_wait3A_179] : memref<10000x128xf32, #tpu.memory_space<vmem_shared>> -> memref<48x128xf32, #tpu.memory_space<vmem_shared>>
      tpu.wait_dma2 semaphore(%run_scoped3A_172 : memref<!tpu.dma_semaphore, #tpu.memory_space<semaphore_mem>>) src(%dma_wait3A_180 : memref<48x128xf32, #tpu.memory_space<vmem_shared>>) dst(%arg16 : memref<48x128xf32, #tpu.memory_space<vmem>>)
      tpu.yield
    }) : () -> ()
    "tpu.region"() ({
      %run_scoped3A_172 = tpu.sem_alloc : memref<!tpu.dma_semaphore, #tpu.memory_space<semaphore_mem>>
      %dma_start3A_173 = arith.constant 0 : i32
      %dma_start3A_174 = tpu.memref_slice %arg7[%arg0, %add3A_146, %dma_start3A_173] : memref<2x10000x128xf32, #tpu.memory_space<hbm>> -> memref<1x48x128xf32, #tpu.memory_space<hbm>>
      %dma_start3A_175 = tpu.memref_squeeze %dma_start3A_174 : memref<1x48x128xf32, #tpu.memory_space<hbm>> -> memref<48x128xf32, #tpu.memory_space<hbm>>
      %dma_start3A_176 = arith.constant 0 : i32
      %dma_start3A_177 = tpu.memref_slice %arg7[%arg0, %add3A_146, %dma_start3A_176] : memref<2x10000x128xf32, #tpu.memory_space<hbm>> -> memref<1x48x128xf32, #tpu.memory_space<hbm>>
      %dma_start3A_178 = tpu.memref_squeeze %dma_start3A_177 : memref<1x48x128xf32, #tpu.memory_space<hbm>> -> memref<48x128xf32, #tpu.memory_space<hbm>>
      tpu.enqueue_dma source(%arg16 : memref<48x128xf32, #tpu.memory_space<vmem>>) target(%dma_start3A_178 : memref<48x128xf32, #tpu.memory_space<hbm>>) target_semaphore(%run_scoped3A_172 : memref<!tpu.dma_semaphore, #tpu.memory_space<semaphore_mem>>)
      %dma_wait3A_179 = arith.constant 0 : i32
      %dma_wait3A_180 = tpu.memref_slice %arg7[%arg0, %add3A_146, %dma_wait3A_179] : memref<2x10000x128xf32, #tpu.memory_space<hbm>> -> memref<1x48x128xf32, #tpu.memory_space<hbm>>
      %dma_wait3A_181 = tpu.memref_squeeze %dma_wait3A_180 : memref<1x48x128xf32, #tpu.memory_space<hbm>> -> memref<48x128xf32, #tpu.memory_space<hbm>>
      %dma_wait3A_182 = arith.constant 0 : i32
      %dma_wait3A_183 = tpu.memref_slice %arg7[%arg0, %add3A_146, %dma_wait3A_182] : memref<2x10000x128xf32, #tpu.memory_space<hbm>> -> memref<1x48x128xf32, #tpu.memory_space<hbm>>
      %dma_wait3A_184 = tpu.memref_squeeze %dma_wait3A_183 : memref<1x48x128xf32, #tpu.memory_space<hbm>> -> memref<48x128xf32, #tpu.memory_space<hbm>>
      tpu.wait_dma2 semaphore(%run_scoped3A_172 : memref<!tpu.dma_semaphore, #tpu.memory_space<semaphore_mem>>) src(%arg16 : memref<48x128xf32, #tpu.memory_space<vmem>>) dst(%dma_wait3A_184 : memref<48x128xf32, #tpu.memory_space<hbm>>)
      tpu.yield
    }) : () -> ()
    %add3A_147 = arith.constant 144 : i32
    %add3A_148 = arith.addi %mul3A_2, %add3A_147 : i32
    "tpu.region"() ({
      %run_scoped3A_172 = tpu.sem_alloc : memref<!tpu.dma_semaphore, #tpu.memory_space<semaphore_mem>>
      %dma_start3A_173 = arith.constant 0 : i32
      %dma_start3A_174 = tpu.memref_slice %arg17[%add3A_148, %dma_start3A_173] : memref<10000x128xf32, #tpu.memory_space<vmem_shared>> -> memref<48x128xf32, #tpu.memory_space<vmem_shared>>
      %dma_start3A_175 = arith.constant 0 : i32
      %dma_start3A_176 = tpu.memref_slice %arg17[%add3A_148, %dma_start3A_175] : memref<10000x128xf32, #tpu.memory_space<vmem_shared>> -> memref<48x128xf32, #tpu.memory_space<vmem_shared>>
      tpu.enqueue_dma source(%dma_start3A_176 : memref<48x128xf32, #tpu.memory_space<vmem_shared>>) target(%arg16 : memref<48x128xf32, #tpu.memory_space<vmem>>) target_semaphore(%run_scoped3A_172 : memref<!tpu.dma_semaphore, #tpu.memory_space<semaphore_mem>>)
      %dma_wait3A_177 = arith.constant 0 : i32
      %dma_wait3A_178 = tpu.memref_slice %arg17[%add3A_148, %dma_wait3A_177] : memref<10000x128xf32, #tpu.memory_space<vmem_shared>> -> memref<48x128xf32, #tpu.memory_space<vmem_shared>>
      %dma_wait3A_179 = arith.constant 0 : i32
      %dma_wait3A_180 = tpu.memref_slice %arg17[%add3A_148, %dma_wait3A_179] : memref<10000x128xf32, #tpu.memory_space<vmem_shared>> -> memref<48x128xf32, #tpu.memory_space<vmem_shared>>
      tpu.wait_dma2 semaphore(%run_scoped3A_172 : memref<!tpu.dma_semaphore, #tpu.memory_space<semaphore_mem>>) src(%dma_wait3A_180 : memref<48x128xf32, #tpu.memory_space<vmem_shared>>) dst(%arg16 : memref<48x128xf32, #tpu.memory_space<vmem>>)
      tpu.yield
    }) : () -> ()
    "tpu.region"() ({
      %run_scoped3A_172 = tpu.sem_alloc : memref<!tpu.dma_semaphore, #tpu.memory_space<semaphore_mem>>
      %dma_start3A_173 = arith.constant 0 : i32
      %dma_start3A_174 = tpu.memref_slice %arg7[%arg0, %add3A_148, %dma_start3A_173] : memref<2x10000x128xf32, #tpu.memory_space<hbm>> -> memref<1x48x128xf32, #tpu.memory_space<hbm>>
      %dma_start3A_175 = tpu.memref_squeeze %dma_start3A_174 : memref<1x48x128xf32, #tpu.memory_space<hbm>> -> memref<48x128xf32, #tpu.memory_space<hbm>>
      %dma_start3A_176 = arith.constant 0 : i32
      %dma_start3A_177 = tpu.memref_slice %arg7[%arg0, %add3A_148, %dma_start3A_176] : memref<2x10000x128xf32, #tpu.memory_space<hbm>> -> memref<1x48x128xf32, #tpu.memory_space<hbm>>
      %dma_start3A_178 = tpu.memref_squeeze %dma_start3A_177 : memref<1x48x128xf32, #tpu.memory_space<hbm>> -> memref<48x128xf32, #tpu.memory_space<hbm>>
      tpu.enqueue_dma source(%arg16 : memref<48x128xf32, #tpu.memory_space<vmem>>) target(%dma_start3A_178 : memref<48x128xf32, #tpu.memory_space<hbm>>) target_semaphore(%run_scoped3A_172 : memref<!tpu.dma_semaphore, #tpu.memory_space<semaphore_mem>>)
      %dma_wait3A_179 = arith.constant 0 : i32
      %dma_wait3A_180 = tpu.memref_slice %arg7[%arg0, %add3A_148, %dma_wait3A_179] : memref<2x10000x128xf32, #tpu.memory_space<hbm>> -> memref<1x48x128xf32, #tpu.memory_space<hbm>>
      %dma_wait3A_181 = tpu.memref_squeeze %dma_wait3A_180 : memref<1x48x128xf32, #tpu.memory_space<hbm>> -> memref<48x128xf32, #tpu.memory_space<hbm>>
      %dma_wait3A_182 = arith.constant 0 : i32
      %dma_wait3A_183 = tpu.memref_slice %arg7[%arg0, %add3A_148, %dma_wait3A_182] : memref<2x10000x128xf32, #tpu.memory_space<hbm>> -> memref<1x48x128xf32, #tpu.memory_space<hbm>>
      %dma_wait3A_184 = tpu.memref_squeeze %dma_wait3A_183 : memref<1x48x128xf32, #tpu.memory_space<hbm>> -> memref<48x128xf32, #tpu.memory_space<hbm>>
      tpu.wait_dma2 semaphore(%run_scoped3A_172 : memref<!tpu.dma_semaphore, #tpu.memory_space<semaphore_mem>>) src(%arg16 : memref<48x128xf32, #tpu.memory_space<vmem>>) dst(%dma_wait3A_184 : memref<48x128xf32, #tpu.memory_space<hbm>>)
      tpu.yield
    }) : () -> ()
    %add3A_149 = arith.constant 192 : i32
    %add3A_150 = arith.addi %mul3A_2, %add3A_149 : i32
    "tpu.region"() ({
      %run_scoped3A_172 = tpu.sem_alloc : memref<!tpu.dma_semaphore, #tpu.memory_space<semaphore_mem>>
      %dma_start3A_173 = arith.constant 0 : i32
      %dma_start3A_174 = tpu.memref_slice %arg17[%add3A_150, %dma_start3A_173] : memref<10000x128xf32, #tpu.memory_space<vmem_shared>> -> memref<48x128xf32, #tpu.memory_space<vmem_shared>>
      %dma_start3A_175 = arith.constant 0 : i32
      %dma_start3A_176 = tpu.memref_slice %arg17[%add3A_150, %dma_start3A_175] : memref<10000x128xf32, #tpu.memory_space<vmem_shared>> -> memref<48x128xf32, #tpu.memory_space<vmem_shared>>
      tpu.enqueue_dma source(%dma_start3A_176 : memref<48x128xf32, #tpu.memory_space<vmem_shared>>) target(%arg16 : memref<48x128xf32, #tpu.memory_space<vmem>>) target_semaphore(%run_scoped3A_172 : memref<!tpu.dma_semaphore, #tpu.memory_space<semaphore_mem>>)
      %dma_wait3A_177 = arith.constant 0 : i32
      %dma_wait3A_178 = tpu.memref_slice %arg17[%add3A_150, %dma_wait3A_177] : memref<10000x128xf32, #tpu.memory_space<vmem_shared>> -> memref<48x128xf32, #tpu.memory_space<vmem_shared>>
      %dma_wait3A_179 = arith.constant 0 : i32
      %dma_wait3A_180 = tpu.memref_slice %arg17[%add3A_150, %dma_wait3A_179] : memref<10000x128xf32, #tpu.memory_space<vmem_shared>> -> memref<48x128xf32, #tpu.memory_space<vmem_shared>>
      tpu.wait_dma2 semaphore(%run_scoped3A_172 : memref<!tpu.dma_semaphore, #tpu.memory_space<semaphore_mem>>) src(%dma_wait3A_180 : memref<48x128xf32, #tpu.memory_space<vmem_shared>>) dst(%arg16 : memref<48x128xf32, #tpu.memory_space<vmem>>)
      tpu.yield
    }) : () -> ()
    "tpu.region"() ({
      %run_scoped3A_172 = tpu.sem_alloc : memref<!tpu.dma_semaphore, #tpu.memory_space<semaphore_mem>>
      %dma_start3A_173 = arith.constant 0 : i32
      %dma_start3A_174 = tpu.memref_slice %arg7[%arg0, %add3A_150, %dma_start3A_173] : memref<2x10000x128xf32, #tpu.memory_space<hbm>> -> memref<1x48x128xf32, #tpu.memory_space<hbm>>
      %dma_start3A_175 = tpu.memref_squeeze %dma_start3A_174 : memref<1x48x128xf32, #tpu.memory_space<hbm>> -> memref<48x128xf32, #tpu.memory_space<hbm>>
      %dma_start3A_176 = arith.constant 0 : i32
      %dma_start3A_177 = tpu.memref_slice %arg7[%arg0, %add3A_150, %dma_start3A_176] : memref<2x10000x128xf32, #tpu.memory_space<hbm>> -> memref<1x48x128xf32, #tpu.memory_space<hbm>>
      %dma_start3A_178 = tpu.memref_squeeze %dma_start3A_177 : memref<1x48x128xf32, #tpu.memory_space<hbm>> -> memref<48x128xf32, #tpu.memory_space<hbm>>
      tpu.enqueue_dma source(%arg16 : memref<48x128xf32, #tpu.memory_space<vmem>>) target(%dma_start3A_178 : memref<48x128xf32, #tpu.memory_space<hbm>>) target_semaphore(%run_scoped3A_172 : memref<!tpu.dma_semaphore, #tpu.memory_space<semaphore_mem>>)
      %dma_wait3A_179 = arith.constant 0 : i32
      %dma_wait3A_180 = tpu.memref_slice %arg7[%arg0, %add3A_150, %dma_wait3A_179] : memref<2x10000x128xf32, #tpu.memory_space<hbm>> -> memref<1x48x128xf32, #tpu.memory_space<hbm>>
      %dma_wait3A_181 = tpu.memref_squeeze %dma_wait3A_180 : memref<1x48x128xf32, #tpu.memory_space<hbm>> -> memref<48x128xf32, #tpu.memory_space<hbm>>
      %dma_wait3A_182 = arith.constant 0 : i32
      %dma_wait3A_183 = tpu.memref_slice %arg7[%arg0, %add3A_150, %dma_wait3A_182] : memref<2x10000x128xf32, #tpu.memory_space<hbm>> -> memref<1x48x128xf32, #tpu.memory_space<hbm>>
      %dma_wait3A_184 = tpu.memref_squeeze %dma_wait3A_183 : memref<1x48x128xf32, #tpu.memory_space<hbm>> -> memref<48x128xf32, #tpu.memory_space<hbm>>
      tpu.wait_dma2 semaphore(%run_scoped3A_172 : memref<!tpu.dma_semaphore, #tpu.memory_space<semaphore_mem>>) src(%arg16 : memref<48x128xf32, #tpu.memory_space<vmem>>) dst(%dma_wait3A_184 : memref<48x128xf32, #tpu.memory_space<hbm>>)
      tpu.yield
    }) : () -> ()
    %add3A_151 = arith.constant 240 : i32
    %add3A_152 = arith.addi %mul3A_2, %add3A_151 : i32
    "tpu.region"() ({
      %run_scoped3A_172 = tpu.sem_alloc : memref<!tpu.dma_semaphore, #tpu.memory_space<semaphore_mem>>
      %dma_start3A_173 = arith.constant 0 : i32
      %dma_start3A_174 = tpu.memref_slice %arg17[%add3A_152, %dma_start3A_173] : memref<10000x128xf32, #tpu.memory_space<vmem_shared>> -> memref<48x128xf32, #tpu.memory_space<vmem_shared>>
      %dma_start3A_175 = arith.constant 0 : i32
      %dma_start3A_176 = tpu.memref_slice %arg17[%add3A_152, %dma_start3A_175] : memref<10000x128xf32, #tpu.memory_space<vmem_shared>> -> memref<48x128xf32, #tpu.memory_space<vmem_shared>>
      tpu.enqueue_dma source(%dma_start3A_176 : memref<48x128xf32, #tpu.memory_space<vmem_shared>>) target(%arg16 : memref<48x128xf32, #tpu.memory_space<vmem>>) target_semaphore(%run_scoped3A_172 : memref<!tpu.dma_semaphore, #tpu.memory_space<semaphore_mem>>)
      %dma_wait3A_177 = arith.constant 0 : i32
      %dma_wait3A_178 = tpu.memref_slice %arg17[%add3A_152, %dma_wait3A_177] : memref<10000x128xf32, #tpu.memory_space<vmem_shared>> -> memref<48x128xf32, #tpu.memory_space<vmem_shared>>
      %dma_wait3A_179 = arith.constant 0 : i32
      %dma_wait3A_180 = tpu.memref_slice %arg17[%add3A_152, %dma_wait3A_179] : memref<10000x128xf32, #tpu.memory_space<vmem_shared>> -> memref<48x128xf32, #tpu.memory_space<vmem_shared>>
      tpu.wait_dma2 semaphore(%run_scoped3A_172 : memref<!tpu.dma_semaphore, #tpu.memory_space<semaphore_mem>>) src(%dma_wait3A_180 : memref<48x128xf32, #tpu.memory_space<vmem_shared>>) dst(%arg16 : memref<48x128xf32, #tpu.memory_space<vmem>>)
      tpu.yield
    }) : () -> ()
    "tpu.region"() ({
      %run_scoped3A_172 = tpu.sem_alloc : memref<!tpu.dma_semaphore, #tpu.memory_space<semaphore_mem>>
      %dma_start3A_173 = arith.constant 0 : i32
      %dma_start3A_174 = tpu.memref_slice %arg7[%arg0, %add3A_152, %dma_start3A_173] : memref<2x10000x128xf32, #tpu.memory_space<hbm>> -> memref<1x48x128xf32, #tpu.memory_space<hbm>>
      %dma_start3A_175 = tpu.memref_squeeze %dma_start3A_174 : memref<1x48x128xf32, #tpu.memory_space<hbm>> -> memref<48x128xf32, #tpu.memory_space<hbm>>
      %dma_start3A_176 = arith.constant 0 : i32
      %dma_start3A_177 = tpu.memref_slice %arg7[%arg0, %add3A_152, %dma_start3A_176] : memref<2x10000x128xf32, #tpu.memory_space<hbm>> -> memref<1x48x128xf32, #tpu.memory_space<hbm>>
      %dma_start3A_178 = tpu.memref_squeeze %dma_start3A_177 : memref<1x48x128xf32, #tpu.memory_space<hbm>> -> memref<48x128xf32, #tpu.memory_space<hbm>>
      tpu.enqueue_dma source(%arg16 : memref<48x128xf32, #tpu.memory_space<vmem>>) target(%dma_start3A_178 : memref<48x128xf32, #tpu.memory_space<hbm>>) target_semaphore(%run_scoped3A_172 : memref<!tpu.dma_semaphore, #tpu.memory_space<semaphore_mem>>)
      %dma_wait3A_179 = arith.constant 0 : i32
      %dma_wait3A_180 = tpu.memref_slice %arg7[%arg0, %add3A_152, %dma_wait3A_179] : memref<2x10000x128xf32, #tpu.memory_space<hbm>> -> memref<1x48x128xf32, #tpu.memory_space<hbm>>
      %dma_wait3A_181 = tpu.memref_squeeze %dma_wait3A_180 : memref<1x48x128xf32, #tpu.memory_space<hbm>> -> memref<48x128xf32, #tpu.memory_space<hbm>>
      %dma_wait3A_182 = arith.constant 0 : i32
      %dma_wait3A_183 = tpu.memref_slice %arg7[%arg0, %add3A_152, %dma_wait3A_182] : memref<2x10000x128xf32, #tpu.memory_space<hbm>> -> memref<1x48x128xf32, #tpu.memory_space<hbm>>
      %dma_wait3A_184 = tpu.memref_squeeze %dma_wait3A_183 : memref<1x48x128xf32, #tpu.memory_space<hbm>> -> memref<48x128xf32, #tpu.memory_space<hbm>>
      tpu.wait_dma2 semaphore(%run_scoped3A_172 : memref<!tpu.dma_semaphore, #tpu.memory_space<semaphore_mem>>) src(%arg16 : memref<48x128xf32, #tpu.memory_space<vmem>>) dst(%dma_wait3A_184 : memref<48x128xf32, #tpu.memory_space<hbm>>)
      tpu.yield
    }) : () -> ()
    %add3A_153 = arith.constant 288 : i32
    %add3A_154 = arith.addi %mul3A_2, %add3A_153 : i32
    "tpu.region"() ({
      %run_scoped3A_172 = tpu.sem_alloc : memref<!tpu.dma_semaphore, #tpu.memory_space<semaphore_mem>>
      %dma_start3A_173 = arith.constant 0 : i32
      %dma_start3A_174 = tpu.memref_slice %arg17[%add3A_154, %dma_start3A_173] : memref<10000x128xf32, #tpu.memory_space<vmem_shared>> -> memref<48x128xf32, #tpu.memory_space<vmem_shared>>
      %dma_start3A_175 = arith.constant 0 : i32
      %dma_start3A_176 = tpu.memref_slice %arg17[%add3A_154, %dma_start3A_175] : memref<10000x128xf32, #tpu.memory_space<vmem_shared>> -> memref<48x128xf32, #tpu.memory_space<vmem_shared>>
      tpu.enqueue_dma source(%dma_start3A_176 : memref<48x128xf32, #tpu.memory_space<vmem_shared>>) target(%arg16 : memref<48x128xf32, #tpu.memory_space<vmem>>) target_semaphore(%run_scoped3A_172 : memref<!tpu.dma_semaphore, #tpu.memory_space<semaphore_mem>>)
      %dma_wait3A_177 = arith.constant 0 : i32
      %dma_wait3A_178 = tpu.memref_slice %arg17[%add3A_154, %dma_wait3A_177] : memref<10000x128xf32, #tpu.memory_space<vmem_shared>> -> memref<48x128xf32, #tpu.memory_space<vmem_shared>>
      %dma_wait3A_179 = arith.constant 0 : i32
      %dma_wait3A_180 = tpu.memref_slice %arg17[%add3A_154, %dma_wait3A_179] : memref<10000x128xf32, #tpu.memory_space<vmem_shared>> -> memref<48x128xf32, #tpu.memory_space<vmem_shared>>
      tpu.wait_dma2 semaphore(%run_scoped3A_172 : memref<!tpu.dma_semaphore, #tpu.memory_space<semaphore_mem>>) src(%dma_wait3A_180 : memref<48x128xf32, #tpu.memory_space<vmem_shared>>) dst(%arg16 : memref<48x128xf32, #tpu.memory_space<vmem>>)
      tpu.yield
    }) : () -> ()
    "tpu.region"() ({
      %run_scoped3A_172 = tpu.sem_alloc : memref<!tpu.dma_semaphore, #tpu.memory_space<semaphore_mem>>
      %dma_start3A_173 = arith.constant 0 : i32
      %dma_start3A_174 = tpu.memref_slice %arg7[%arg0, %add3A_154, %dma_start3A_173] : memref<2x10000x128xf32, #tpu.memory_space<hbm>> -> memref<1x48x128xf32, #tpu.memory_space<hbm>>
      %dma_start3A_175 = tpu.memref_squeeze %dma_start3A_174 : memref<1x48x128xf32, #tpu.memory_space<hbm>> -> memref<48x128xf32, #tpu.memory_space<hbm>>
      %dma_start3A_176 = arith.constant 0 : i32
      %dma_start3A_177 = tpu.memref_slice %arg7[%arg0, %add3A_154, %dma_start3A_176] : memref<2x10000x128xf32, #tpu.memory_space<hbm>> -> memref<1x48x128xf32, #tpu.memory_space<hbm>>
      %dma_start3A_178 = tpu.memref_squeeze %dma_start3A_177 : memref<1x48x128xf32, #tpu.memory_space<hbm>> -> memref<48x128xf32, #tpu.memory_space<hbm>>
      tpu.enqueue_dma source(%arg16 : memref<48x128xf32, #tpu.memory_space<vmem>>) target(%dma_start3A_178 : memref<48x128xf32, #tpu.memory_space<hbm>>) target_semaphore(%run_scoped3A_172 : memref<!tpu.dma_semaphore, #tpu.memory_space<semaphore_mem>>)
      %dma_wait3A_179 = arith.constant 0 : i32
      %dma_wait3A_180 = tpu.memref_slice %arg7[%arg0, %add3A_154, %dma_wait3A_179] : memref<2x10000x128xf32, #tpu.memory_space<hbm>> -> memref<1x48x128xf32, #tpu.memory_space<hbm>>
      %dma_wait3A_181 = tpu.memref_squeeze %dma_wait3A_180 : memref<1x48x128xf32, #tpu.memory_space<hbm>> -> memref<48x128xf32, #tpu.memory_space<hbm>>
      %dma_wait3A_182 = arith.constant 0 : i32
      %dma_wait3A_183 = tpu.memref_slice %arg7[%arg0, %add3A_154, %dma_wait3A_182] : memref<2x10000x128xf32, #tpu.memory_space<hbm>> -> memref<1x48x128xf32, #tpu.memory_space<hbm>>
      %dma_wait3A_184 = tpu.memref_squeeze %dma_wait3A_183 : memref<1x48x128xf32, #tpu.memory_space<hbm>> -> memref<48x128xf32, #tpu.memory_space<hbm>>
      tpu.wait_dma2 semaphore(%run_scoped3A_172 : memref<!tpu.dma_semaphore, #tpu.memory_space<semaphore_mem>>) src(%arg16 : memref<48x128xf32, #tpu.memory_space<vmem>>) dst(%dma_wait3A_184 : memref<48x128xf32, #tpu.memory_space<hbm>>)
      tpu.yield
    }) : () -> ()
    %add3A_155 = arith.constant 336 : i32
    %add3A_156 = arith.addi %mul3A_2, %add3A_155 : i32
    "tpu.region"() ({
      %run_scoped3A_172 = tpu.sem_alloc : memref<!tpu.dma_semaphore, #tpu.memory_space<semaphore_mem>>
      %dma_start3A_173 = arith.constant 0 : i32
      %dma_start3A_174 = tpu.memref_slice %arg17[%add3A_156, %dma_start3A_173] : memref<10000x128xf32, #tpu.memory_space<vmem_shared>> -> memref<48x128xf32, #tpu.memory_space<vmem_shared>>
      %dma_start3A_175 = arith.constant 0 : i32
      %dma_start3A_176 = tpu.memref_slice %arg17[%add3A_156, %dma_start3A_175] : memref<10000x128xf32, #tpu.memory_space<vmem_shared>> -> memref<48x128xf32, #tpu.memory_space<vmem_shared>>
      tpu.enqueue_dma source(%dma_start3A_176 : memref<48x128xf32, #tpu.memory_space<vmem_shared>>) target(%arg16 : memref<48x128xf32, #tpu.memory_space<vmem>>) target_semaphore(%run_scoped3A_172 : memref<!tpu.dma_semaphore, #tpu.memory_space<semaphore_mem>>)
      %dma_wait3A_177 = arith.constant 0 : i32
      %dma_wait3A_178 = tpu.memref_slice %arg17[%add3A_156, %dma_wait3A_177] : memref<10000x128xf32, #tpu.memory_space<vmem_shared>> -> memref<48x128xf32, #tpu.memory_space<vmem_shared>>
      %dma_wait3A_179 = arith.constant 0 : i32
      %dma_wait3A_180 = tpu.memref_slice %arg17[%add3A_156, %dma_wait3A_179] : memref<10000x128xf32, #tpu.memory_space<vmem_shared>> -> memref<48x128xf32, #tpu.memory_space<vmem_shared>>
      tpu.wait_dma2 semaphore(%run_scoped3A_172 : memref<!tpu.dma_semaphore, #tpu.memory_space<semaphore_mem>>) src(%dma_wait3A_180 : memref<48x128xf32, #tpu.memory_space<vmem_shared>>) dst(%arg16 : memref<48x128xf32, #tpu.memory_space<vmem>>)
      tpu.yield
    }) : () -> ()
    "tpu.region"() ({
      %run_scoped3A_172 = tpu.sem_alloc : memref<!tpu.dma_semaphore, #tpu.memory_space<semaphore_mem>>
      %dma_start3A_173 = arith.constant 0 : i32
      %dma_start3A_174 = tpu.memref_slice %arg7[%arg0, %add3A_156, %dma_start3A_173] : memref<2x10000x128xf32, #tpu.memory_space<hbm>> -> memref<1x48x128xf32, #tpu.memory_space<hbm>>
      %dma_start3A_175 = tpu.memref_squeeze %dma_start3A_174 : memref<1x48x128xf32, #tpu.memory_space<hbm>> -> memref<48x128xf32, #tpu.memory_space<hbm>>
      %dma_start3A_176 = arith.constant 0 : i32
      %dma_start3A_177 = tpu.memref_slice %arg7[%arg0, %add3A_156, %dma_start3A_176] : memref<2x10000x128xf32, #tpu.memory_space<hbm>> -> memref<1x48x128xf32, #tpu.memory_space<hbm>>
      %dma_start3A_178 = tpu.memref_squeeze %dma_start3A_177 : memref<1x48x128xf32, #tpu.memory_space<hbm>> -> memref<48x128xf32, #tpu.memory_space<hbm>>
      tpu.enqueue_dma source(%arg16 : memref<48x128xf32, #tpu.memory_space<vmem>>) target(%dma_start3A_178 : memref<48x128xf32, #tpu.memory_space<hbm>>) target_semaphore(%run_scoped3A_172 : memref<!tpu.dma_semaphore, #tpu.memory_space<semaphore_mem>>)
      %dma_wait3A_179 = arith.constant 0 : i32
      %dma_wait3A_180 = tpu.memref_slice %arg7[%arg0, %add3A_156, %dma_wait3A_179] : memref<2x10000x128xf32, #tpu.memory_space<hbm>> -> memref<1x48x128xf32, #tpu.memory_space<hbm>>
      %dma_wait3A_181 = tpu.memref_squeeze %dma_wait3A_180 : memref<1x48x128xf32, #tpu.memory_space<hbm>> -> memref<48x128xf32, #tpu.memory_space<hbm>>
      %dma_wait3A_182 = arith.constant 0 : i32
      %dma_wait3A_183 = tpu.memref_slice %arg7[%arg0, %add3A_156, %dma_wait3A_182] : memref<2x10000x128xf32, #tpu.memory_space<hbm>> -> memref<1x48x128xf32, #tpu.memory_space<hbm>>
      %dma_wait3A_184 = tpu.memref_squeeze %dma_wait3A_183 : memref<1x48x128xf32, #tpu.memory_space<hbm>> -> memref<48x128xf32, #tpu.memory_space<hbm>>
      tpu.wait_dma2 semaphore(%run_scoped3A_172 : memref<!tpu.dma_semaphore, #tpu.memory_space<semaphore_mem>>) src(%arg16 : memref<48x128xf32, #tpu.memory_space<vmem>>) dst(%dma_wait3A_184 : memref<48x128xf32, #tpu.memory_space<hbm>>)
      tpu.yield
    }) : () -> ()
    %add3A_157 = arith.constant 384 : i32
    %add3A_158 = arith.addi %mul3A_2, %add3A_157 : i32
    "tpu.region"() ({
      %run_scoped3A_172 = tpu.sem_alloc : memref<!tpu.dma_semaphore, #tpu.memory_space<semaphore_mem>>
      %dma_start3A_173 = arith.constant 0 : i32
      %dma_start3A_174 = tpu.memref_slice %arg17[%add3A_158, %dma_start3A_173] : memref<10000x128xf32, #tpu.memory_space<vmem_shared>> -> memref<48x128xf32, #tpu.memory_space<vmem_shared>>
      %dma_start3A_175 = arith.constant 0 : i32
      %dma_start3A_176 = tpu.memref_slice %arg17[%add3A_158, %dma_start3A_175] : memref<10000x128xf32, #tpu.memory_space<vmem_shared>> -> memref<48x128xf32, #tpu.memory_space<vmem_shared>>
      tpu.enqueue_dma source(%dma_start3A_176 : memref<48x128xf32, #tpu.memory_space<vmem_shared>>) target(%arg16 : memref<48x128xf32, #tpu.memory_space<vmem>>) target_semaphore(%run_scoped3A_172 : memref<!tpu.dma_semaphore, #tpu.memory_space<semaphore_mem>>)
      %dma_wait3A_177 = arith.constant 0 : i32
      %dma_wait3A_178 = tpu.memref_slice %arg17[%add3A_158, %dma_wait3A_177] : memref<10000x128xf32, #tpu.memory_space<vmem_shared>> -> memref<48x128xf32, #tpu.memory_space<vmem_shared>>
      %dma_wait3A_179 = arith.constant 0 : i32
      %dma_wait3A_180 = tpu.memref_slice %arg17[%add3A_158, %dma_wait3A_179] : memref<10000x128xf32, #tpu.memory_space<vmem_shared>> -> memref<48x128xf32, #tpu.memory_space<vmem_shared>>
      tpu.wait_dma2 semaphore(%run_scoped3A_172 : memref<!tpu.dma_semaphore, #tpu.memory_space<semaphore_mem>>) src(%dma_wait3A_180 : memref<48x128xf32, #tpu.memory_space<vmem_shared>>) dst(%arg16 : memref<48x128xf32, #tpu.memory_space<vmem>>)
      tpu.yield
    }) : () -> ()
    "tpu.region"() ({
      %run_scoped3A_172 = tpu.sem_alloc : memref<!tpu.dma_semaphore, #tpu.memory_space<semaphore_mem>>
      %dma_start3A_173 = arith.constant 0 : i32
      %dma_start3A_174 = tpu.memref_slice %arg7[%arg0, %add3A_158, %dma_start3A_173] : memref<2x10000x128xf32, #tpu.memory_space<hbm>> -> memref<1x48x128xf32, #tpu.memory_space<hbm>>
      %dma_start3A_175 = tpu.memref_squeeze %dma_start3A_174 : memref<1x48x128xf32, #tpu.memory_space<hbm>> -> memref<48x128xf32, #tpu.memory_space<hbm>>
      %dma_start3A_176 = arith.constant 0 : i32
      %dma_start3A_177 = tpu.memref_slice %arg7[%arg0, %add3A_158, %dma_start3A_176] : memref<2x10000x128xf32, #tpu.memory_space<hbm>> -> memref<1x48x128xf32, #tpu.memory_space<hbm>>
      %dma_start3A_178 = tpu.memref_squeeze %dma_start3A_177 : memref<1x48x128xf32, #tpu.memory_space<hbm>> -> memref<48x128xf32, #tpu.memory_space<hbm>>
      tpu.enqueue_dma source(%arg16 : memref<48x128xf32, #tpu.memory_space<vmem>>) target(%dma_start3A_178 : memref<48x128xf32, #tpu.memory_space<hbm>>) target_semaphore(%run_scoped3A_172 : memref<!tpu.dma_semaphore, #tpu.memory_space<semaphore_mem>>)
      %dma_wait3A_179 = arith.constant 0 : i32
      %dma_wait3A_180 = tpu.memref_slice %arg7[%arg0, %add3A_158, %dma_wait3A_179] : memref<2x10000x128xf32, #tpu.memory_space<hbm>> -> memref<1x48x128xf32, #tpu.memory_space<hbm>>
      %dma_wait3A_181 = tpu.memref_squeeze %dma_wait3A_180 : memref<1x48x128xf32, #tpu.memory_space<hbm>> -> memref<48x128xf32, #tpu.memory_space<hbm>>
      %dma_wait3A_182 = arith.constant 0 : i32
      %dma_wait3A_183 = tpu.memref_slice %arg7[%arg0, %add3A_158, %dma_wait3A_182] : memref<2x10000x128xf32, #tpu.memory_space<hbm>> -> memref<1x48x128xf32, #tpu.memory_space<hbm>>
      %dma_wait3A_184 = tpu.memref_squeeze %dma_wait3A_183 : memref<1x48x128xf32, #tpu.memory_space<hbm>> -> memref<48x128xf32, #tpu.memory_space<hbm>>
      tpu.wait_dma2 semaphore(%run_scoped3A_172 : memref<!tpu.dma_semaphore, #tpu.memory_space<semaphore_mem>>) src(%arg16 : memref<48x128xf32, #tpu.memory_space<vmem>>) dst(%dma_wait3A_184 : memref<48x128xf32, #tpu.memory_space<hbm>>)
      tpu.yield
    }) : () -> ()
    %add3A_159 = arith.constant 432 : i32
    %add3A_160 = arith.addi %mul3A_2, %add3A_159 : i32
    "tpu.region"() ({
      %run_scoped3A_172 = tpu.sem_alloc : memref<!tpu.dma_semaphore, #tpu.memory_space<semaphore_mem>>
      %dma_start3A_173 = arith.constant 0 : i32
      %dma_start3A_174 = tpu.memref_slice %arg17[%add3A_160, %dma_start3A_173] : memref<10000x128xf32, #tpu.memory_space<vmem_shared>> -> memref<48x128xf32, #tpu.memory_space<vmem_shared>>
      %dma_start3A_175 = arith.constant 0 : i32
      %dma_start3A_176 = tpu.memref_slice %arg17[%add3A_160, %dma_start3A_175] : memref<10000x128xf32, #tpu.memory_space<vmem_shared>> -> memref<48x128xf32, #tpu.memory_space<vmem_shared>>
      tpu.enqueue_dma source(%dma_start3A_176 : memref<48x128xf32, #tpu.memory_space<vmem_shared>>) target(%arg16 : memref<48x128xf32, #tpu.memory_space<vmem>>) target_semaphore(%run_scoped3A_172 : memref<!tpu.dma_semaphore, #tpu.memory_space<semaphore_mem>>)
      %dma_wait3A_177 = arith.constant 0 : i32
      %dma_wait3A_178 = tpu.memref_slice %arg17[%add3A_160, %dma_wait3A_177] : memref<10000x128xf32, #tpu.memory_space<vmem_shared>> -> memref<48x128xf32, #tpu.memory_space<vmem_shared>>
      %dma_wait3A_179 = arith.constant 0 : i32
      %dma_wait3A_180 = tpu.memref_slice %arg17[%add3A_160, %dma_wait3A_179] : memref<10000x128xf32, #tpu.memory_space<vmem_shared>> -> memref<48x128xf32, #tpu.memory_space<vmem_shared>>
      tpu.wait_dma2 semaphore(%run_scoped3A_172 : memref<!tpu.dma_semaphore, #tpu.memory_space<semaphore_mem>>) src(%dma_wait3A_180 : memref<48x128xf32, #tpu.memory_space<vmem_shared>>) dst(%arg16 : memref<48x128xf32, #tpu.memory_space<vmem>>)
      tpu.yield
    }) : () -> ()
    "tpu.region"() ({
      %run_scoped3A_172 = tpu.sem_alloc : memref<!tpu.dma_semaphore, #tpu.memory_space<semaphore_mem>>
      %dma_start3A_173 = arith.constant 0 : i32
      %dma_start3A_174 = tpu.memref_slice %arg7[%arg0, %add3A_160, %dma_start3A_173] : memref<2x10000x128xf32, #tpu.memory_space<hbm>> -> memref<1x48x128xf32, #tpu.memory_space<hbm>>
      %dma_start3A_175 = tpu.memref_squeeze %dma_start3A_174 : memref<1x48x128xf32, #tpu.memory_space<hbm>> -> memref<48x128xf32, #tpu.memory_space<hbm>>
      %dma_start3A_176 = arith.constant 0 : i32
      %dma_start3A_177 = tpu.memref_slice %arg7[%arg0, %add3A_160, %dma_start3A_176] : memref<2x10000x128xf32, #tpu.memory_space<hbm>> -> memref<1x48x128xf32, #tpu.memory_space<hbm>>
      %dma_start3A_178 = tpu.memref_squeeze %dma_start3A_177 : memref<1x48x128xf32, #tpu.memory_space<hbm>> -> memref<48x128xf32, #tpu.memory_space<hbm>>
      tpu.enqueue_dma source(%arg16 : memref<48x128xf32, #tpu.memory_space<vmem>>) target(%dma_start3A_178 : memref<48x128xf32, #tpu.memory_space<hbm>>) target_semaphore(%run_scoped3A_172 : memref<!tpu.dma_semaphore, #tpu.memory_space<semaphore_mem>>)
      %dma_wait3A_179 = arith.constant 0 : i32
      %dma_wait3A_180 = tpu.memref_slice %arg7[%arg0, %add3A_160, %dma_wait3A_179] : memref<2x10000x128xf32, #tpu.memory_space<hbm>> -> memref<1x48x128xf32, #tpu.memory_space<hbm>>
      %dma_wait3A_181 = tpu.memref_squeeze %dma_wait3A_180 : memref<1x48x128xf32, #tpu.memory_space<hbm>> -> memref<48x128xf32, #tpu.memory_space<hbm>>
      %dma_wait3A_182 = arith.constant 0 : i32
      %dma_wait3A_183 = tpu.memref_slice %arg7[%arg0, %add3A_160, %dma_wait3A_182] : memref<2x10000x128xf32, #tpu.memory_space<hbm>> -> memref<1x48x128xf32, #tpu.memory_space<hbm>>
      %dma_wait3A_184 = tpu.memref_squeeze %dma_wait3A_183 : memref<1x48x128xf32, #tpu.memory_space<hbm>> -> memref<48x128xf32, #tpu.memory_space<hbm>>
      tpu.wait_dma2 semaphore(%run_scoped3A_172 : memref<!tpu.dma_semaphore, #tpu.memory_space<semaphore_mem>>) src(%arg16 : memref<48x128xf32, #tpu.memory_space<vmem>>) dst(%dma_wait3A_184 : memref<48x128xf32, #tpu.memory_space<hbm>>)
      tpu.yield
    }) : () -> ()
    %add3A_161 = arith.constant 480 : i32
    %add3A_162 = arith.addi %mul3A_2, %add3A_161 : i32
    "tpu.region"() ({
      %run_scoped3A_172 = tpu.sem_alloc : memref<!tpu.dma_semaphore, #tpu.memory_space<semaphore_mem>>
      %dma_start3A_173 = arith.constant 0 : i32
      %dma_start3A_174 = tpu.memref_slice %arg17[%add3A_162, %dma_start3A_173] : memref<10000x128xf32, #tpu.memory_space<vmem_shared>> -> memref<48x128xf32, #tpu.memory_space<vmem_shared>>
      %dma_start3A_175 = arith.constant 0 : i32
      %dma_start3A_176 = tpu.memref_slice %arg17[%add3A_162, %dma_start3A_175] : memref<10000x128xf32, #tpu.memory_space<vmem_shared>> -> memref<48x128xf32, #tpu.memory_space<vmem_shared>>
      tpu.enqueue_dma source(%dma_start3A_176 : memref<48x128xf32, #tpu.memory_space<vmem_shared>>) target(%arg16 : memref<48x128xf32, #tpu.memory_space<vmem>>) target_semaphore(%run_scoped3A_172 : memref<!tpu.dma_semaphore, #tpu.memory_space<semaphore_mem>>)
      %dma_wait3A_177 = arith.constant 0 : i32
      %dma_wait3A_178 = tpu.memref_slice %arg17[%add3A_162, %dma_wait3A_177] : memref<10000x128xf32, #tpu.memory_space<vmem_shared>> -> memref<48x128xf32, #tpu.memory_space<vmem_shared>>
      %dma_wait3A_179 = arith.constant 0 : i32
      %dma_wait3A_180 = tpu.memref_slice %arg17[%add3A_162, %dma_wait3A_179] : memref<10000x128xf32, #tpu.memory_space<vmem_shared>> -> memref<48x128xf32, #tpu.memory_space<vmem_shared>>
      tpu.wait_dma2 semaphore(%run_scoped3A_172 : memref<!tpu.dma_semaphore, #tpu.memory_space<semaphore_mem>>) src(%dma_wait3A_180 : memref<48x128xf32, #tpu.memory_space<vmem_shared>>) dst(%arg16 : memref<48x128xf32, #tpu.memory_space<vmem>>)
      tpu.yield
    }) : () -> ()
    "tpu.region"() ({
      %run_scoped3A_172 = tpu.sem_alloc : memref<!tpu.dma_semaphore, #tpu.memory_space<semaphore_mem>>
      %dma_start3A_173 = arith.constant 0 : i32
      %dma_start3A_174 = tpu.memref_slice %arg7[%arg0, %add3A_162, %dma_start3A_173] : memref<2x10000x128xf32, #tpu.memory_space<hbm>> -> memref<1x48x128xf32, #tpu.memory_space<hbm>>
      %dma_start3A_175 = tpu.memref_squeeze %dma_start3A_174 : memref<1x48x128xf32, #tpu.memory_space<hbm>> -> memref<48x128xf32, #tpu.memory_space<hbm>>
      %dma_start3A_176 = arith.constant 0 : i32
      %dma_start3A_177 = tpu.memref_slice %arg7[%arg0, %add3A_162, %dma_start3A_176] : memref<2x10000x128xf32, #tpu.memory_space<hbm>> -> memref<1x48x128xf32, #tpu.memory_space<hbm>>
      %dma_start3A_178 = tpu.memref_squeeze %dma_start3A_177 : memref<1x48x128xf32, #tpu.memory_space<hbm>> -> memref<48x128xf32, #tpu.memory_space<hbm>>
      tpu.enqueue_dma source(%arg16 : memref<48x128xf32, #tpu.memory_space<vmem>>) target(%dma_start3A_178 : memref<48x128xf32, #tpu.memory_space<hbm>>) target_semaphore(%run_scoped3A_172 : memref<!tpu.dma_semaphore, #tpu.memory_space<semaphore_mem>>)
      %dma_wait3A_179 = arith.constant 0 : i32
      %dma_wait3A_180 = tpu.memref_slice %arg7[%arg0, %add3A_162, %dma_wait3A_179] : memref<2x10000x128xf32, #tpu.memory_space<hbm>> -> memref<1x48x128xf32, #tpu.memory_space<hbm>>
      %dma_wait3A_181 = tpu.memref_squeeze %dma_wait3A_180 : memref<1x48x128xf32, #tpu.memory_space<hbm>> -> memref<48x128xf32, #tpu.memory_space<hbm>>
      %dma_wait3A_182 = arith.constant 0 : i32
      %dma_wait3A_183 = tpu.memref_slice %arg7[%arg0, %add3A_162, %dma_wait3A_182] : memref<2x10000x128xf32, #tpu.memory_space<hbm>> -> memref<1x48x128xf32, #tpu.memory_space<hbm>>
      %dma_wait3A_184 = tpu.memref_squeeze %dma_wait3A_183 : memref<1x48x128xf32, #tpu.memory_space<hbm>> -> memref<48x128xf32, #tpu.memory_space<hbm>>
      tpu.wait_dma2 semaphore(%run_scoped3A_172 : memref<!tpu.dma_semaphore, #tpu.memory_space<semaphore_mem>>) src(%arg16 : memref<48x128xf32, #tpu.memory_space<vmem>>) dst(%dma_wait3A_184 : memref<48x128xf32, #tpu.memory_space<hbm>>)
      tpu.yield
    }) : () -> ()
    %add3A_163 = arith.constant 528 : i32
    %add3A_164 = arith.addi %mul3A_2, %add3A_163 : i32
    "tpu.region"() ({
      %run_scoped3A_172 = tpu.sem_alloc : memref<!tpu.dma_semaphore, #tpu.memory_space<semaphore_mem>>
      %dma_start3A_173 = arith.constant 0 : i32
      %dma_start3A_174 = tpu.memref_slice %arg17[%add3A_164, %dma_start3A_173] : memref<10000x128xf32, #tpu.memory_space<vmem_shared>> -> memref<48x128xf32, #tpu.memory_space<vmem_shared>>
      %dma_start3A_175 = arith.constant 0 : i32
      %dma_start3A_176 = tpu.memref_slice %arg17[%add3A_164, %dma_start3A_175] : memref<10000x128xf32, #tpu.memory_space<vmem_shared>> -> memref<48x128xf32, #tpu.memory_space<vmem_shared>>
      tpu.enqueue_dma source(%dma_start3A_176 : memref<48x128xf32, #tpu.memory_space<vmem_shared>>) target(%arg16 : memref<48x128xf32, #tpu.memory_space<vmem>>) target_semaphore(%run_scoped3A_172 : memref<!tpu.dma_semaphore, #tpu.memory_space<semaphore_mem>>)
      %dma_wait3A_177 = arith.constant 0 : i32
      %dma_wait3A_178 = tpu.memref_slice %arg17[%add3A_164, %dma_wait3A_177] : memref<10000x128xf32, #tpu.memory_space<vmem_shared>> -> memref<48x128xf32, #tpu.memory_space<vmem_shared>>
      %dma_wait3A_179 = arith.constant 0 : i32
      %dma_wait3A_180 = tpu.memref_slice %arg17[%add3A_164, %dma_wait3A_179] : memref<10000x128xf32, #tpu.memory_space<vmem_shared>> -> memref<48x128xf32, #tpu.memory_space<vmem_shared>>
      tpu.wait_dma2 semaphore(%run_scoped3A_172 : memref<!tpu.dma_semaphore, #tpu.memory_space<semaphore_mem>>) src(%dma_wait3A_180 : memref<48x128xf32, #tpu.memory_space<vmem_shared>>) dst(%arg16 : memref<48x128xf32, #tpu.memory_space<vmem>>)
      tpu.yield
    }) : () -> ()
    "tpu.region"() ({
      %run_scoped3A_172 = tpu.sem_alloc : memref<!tpu.dma_semaphore, #tpu.memory_space<semaphore_mem>>
      %dma_start3A_173 = arith.constant 0 : i32
      %dma_start3A_174 = tpu.memref_slice %arg7[%arg0, %add3A_164, %dma_start3A_173] : memref<2x10000x128xf32, #tpu.memory_space<hbm>> -> memref<1x48x128xf32, #tpu.memory_space<hbm>>
      %dma_start3A_175 = tpu.memref_squeeze %dma_start3A_174 : memref<1x48x128xf32, #tpu.memory_space<hbm>> -> memref<48x128xf32, #tpu.memory_space<hbm>>
      %dma_start3A_176 = arith.constant 0 : i32
      %dma_start3A_177 = tpu.memref_slice %arg7[%arg0, %add3A_164, %dma_start3A_176] : memref<2x10000x128xf32, #tpu.memory_space<hbm>> -> memref<1x48x128xf32, #tpu.memory_space<hbm>>
      %dma_start3A_178 = tpu.memref_squeeze %dma_start3A_177 : memref<1x48x128xf32, #tpu.memory_space<hbm>> -> memref<48x128xf32, #tpu.memory_space<hbm>>
      tpu.enqueue_dma source(%arg16 : memref<48x128xf32, #tpu.memory_space<vmem>>) target(%dma_start3A_178 : memref<48x128xf32, #tpu.memory_space<hbm>>) target_semaphore(%run_scoped3A_172 : memref<!tpu.dma_semaphore, #tpu.memory_space<semaphore_mem>>)
      %dma_wait3A_179 = arith.constant 0 : i32
      %dma_wait3A_180 = tpu.memref_slice %arg7[%arg0, %add3A_164, %dma_wait3A_179] : memref<2x10000x128xf32, #tpu.memory_space<hbm>> -> memref<1x48x128xf32, #tpu.memory_space<hbm>>
      %dma_wait3A_181 = tpu.memref_squeeze %dma_wait3A_180 : memref<1x48x128xf32, #tpu.memory_space<hbm>> -> memref<48x128xf32, #tpu.memory_space<hbm>>
      %dma_wait3A_182 = arith.constant 0 : i32
      %dma_wait3A_183 = tpu.memref_slice %arg7[%arg0, %add3A_164, %dma_wait3A_182] : memref<2x10000x128xf32, #tpu.memory_space<hbm>> -> memref<1x48x128xf32, #tpu.memory_space<hbm>>
      %dma_wait3A_184 = tpu.memref_squeeze %dma_wait3A_183 : memref<1x48x128xf32, #tpu.memory_space<hbm>> -> memref<48x128xf32, #tpu.memory_space<hbm>>
      tpu.wait_dma2 semaphore(%run_scoped3A_172 : memref<!tpu.dma_semaphore, #tpu.memory_space<semaphore_mem>>) src(%arg16 : memref<48x128xf32, #tpu.memory_space<vmem>>) dst(%dma_wait3A_184 : memref<48x128xf32, #tpu.memory_space<hbm>>)
      tpu.yield
    }) : () -> ()
    %add3A_165 = arith.constant 576 : i32
    %add3A_166 = arith.addi %mul3A_2, %add3A_165 : i32
    "tpu.region"() ({
      %run_scoped3A_172 = tpu.sem_alloc : memref<!tpu.dma_semaphore, #tpu.memory_space<semaphore_mem>>
      %dma_start3A_173 = arith.constant 0 : i32
      %dma_start3A_174 = tpu.memref_slice %arg17[%add3A_166, %dma_start3A_173] : memref<10000x128xf32, #tpu.memory_space<vmem_shared>> -> memref<48x128xf32, #tpu.memory_space<vmem_shared>>
      %dma_start3A_175 = arith.constant 0 : i32
      %dma_start3A_176 = tpu.memref_slice %arg17[%add3A_166, %dma_start3A_175] : memref<10000x128xf32, #tpu.memory_space<vmem_shared>> -> memref<48x128xf32, #tpu.memory_space<vmem_shared>>
      tpu.enqueue_dma source(%dma_start3A_176 : memref<48x128xf32, #tpu.memory_space<vmem_shared>>) target(%arg16 : memref<48x128xf32, #tpu.memory_space<vmem>>) target_semaphore(%run_scoped3A_172 : memref<!tpu.dma_semaphore, #tpu.memory_space<semaphore_mem>>)
      %dma_wait3A_177 = arith.constant 0 : i32
      %dma_wait3A_178 = tpu.memref_slice %arg17[%add3A_166, %dma_wait3A_177] : memref<10000x128xf32, #tpu.memory_space<vmem_shared>> -> memref<48x128xf32, #tpu.memory_space<vmem_shared>>
      %dma_wait3A_179 = arith.constant 0 : i32
      %dma_wait3A_180 = tpu.memref_slice %arg17[%add3A_166, %dma_wait3A_179] : memref<10000x128xf32, #tpu.memory_space<vmem_shared>> -> memref<48x128xf32, #tpu.memory_space<vmem_shared>>
      tpu.wait_dma2 semaphore(%run_scoped3A_172 : memref<!tpu.dma_semaphore, #tpu.memory_space<semaphore_mem>>) src(%dma_wait3A_180 : memref<48x128xf32, #tpu.memory_space<vmem_shared>>) dst(%arg16 : memref<48x128xf32, #tpu.memory_space<vmem>>)
      tpu.yield
    }) : () -> ()
    "tpu.region"() ({
      %run_scoped3A_172 = tpu.sem_alloc : memref<!tpu.dma_semaphore, #tpu.memory_space<semaphore_mem>>
      %dma_start3A_173 = arith.constant 0 : i32
      %dma_start3A_174 = tpu.memref_slice %arg7[%arg0, %add3A_166, %dma_start3A_173] : memref<2x10000x128xf32, #tpu.memory_space<hbm>> -> memref<1x48x128xf32, #tpu.memory_space<hbm>>
      %dma_start3A_175 = tpu.memref_squeeze %dma_start3A_174 : memref<1x48x128xf32, #tpu.memory_space<hbm>> -> memref<48x128xf32, #tpu.memory_space<hbm>>
      %dma_start3A_176 = arith.constant 0 : i32
      %dma_start3A_177 = tpu.memref_slice %arg7[%arg0, %add3A_166, %dma_start3A_176] : memref<2x10000x128xf32, #tpu.memory_space<hbm>> -> memref<1x48x128xf32, #tpu.memory_space<hbm>>
      %dma_start3A_178 = tpu.memref_squeeze %dma_start3A_177 : memref<1x48x128xf32, #tpu.memory_space<hbm>> -> memref<48x128xf32, #tpu.memory_space<hbm>>
      tpu.enqueue_dma source(%arg16 : memref<48x128xf32, #tpu.memory_space<vmem>>) target(%dma_start3A_178 : memref<48x128xf32, #tpu.memory_space<hbm>>) target_semaphore(%run_scoped3A_172 : memref<!tpu.dma_semaphore, #tpu.memory_space<semaphore_mem>>)
      %dma_wait3A_179 = arith.constant 0 : i32
      %dma_wait3A_180 = tpu.memref_slice %arg7[%arg0, %add3A_166, %dma_wait3A_179] : memref<2x10000x128xf32, #tpu.memory_space<hbm>> -> memref<1x48x128xf32, #tpu.memory_space<hbm>>
      %dma_wait3A_181 = tpu.memref_squeeze %dma_wait3A_180 : memref<1x48x128xf32, #tpu.memory_space<hbm>> -> memref<48x128xf32, #tpu.memory_space<hbm>>
      %dma_wait3A_182 = arith.constant 0 : i32
      %dma_wait3A_183 = tpu.memref_slice %arg7[%arg0, %add3A_166, %dma_wait3A_182] : memref<2x10000x128xf32, #tpu.memory_space<hbm>> -> memref<1x48x128xf32, #tpu.memory_space<hbm>>
      %dma_wait3A_184 = tpu.memref_squeeze %dma_wait3A_183 : memref<1x48x128xf32, #tpu.memory_space<hbm>> -> memref<48x128xf32, #tpu.memory_space<hbm>>
      tpu.wait_dma2 semaphore(%run_scoped3A_172 : memref<!tpu.dma_semaphore, #tpu.memory_space<semaphore_mem>>) src(%arg16 : memref<48x128xf32, #tpu.memory_space<vmem>>) dst(%dma_wait3A_184 : memref<48x128xf32, #tpu.memory_space<hbm>>)
      tpu.yield
    }) : () -> ()
    %eq3A_167 = arith.constant 15 : i32
    %eq3A_168 = arith.cmpi eq, %arg1, %eq3A_167 : i32
    %convert_element_type3A_169 = arith.extui %eq3A_168 : i1 to i32
    %cond3A_170 = arith.constant 0 : i32
    %cond3A_171 = arith.cmpi ne, %convert_element_type3A_169, %cond3A_170 : i32
    scf.if %cond3A_171 {
      "tpu.region"() ({
        %run_scoped3A_172 = tpu.sem_alloc : memref<!tpu.dma_semaphore, #tpu.memory_space<semaphore_mem>>
        %dma_start3A_173 = arith.constant 0 : i32
        %dma_start3A_174 = arith.constant 0 : i32
        %dma_start3A_175 = tpu.memref_slice %arg16[%dma_start3A_173, %dma_start3A_174] : memref<48x128xf32, #tpu.memory_space<vmem>> -> memref<16x128xf32, #tpu.memory_space<vmem>>
        %dma_start3A_176 = arith.constant 9984 : i32
        %dma_start3A_177 = arith.constant 0 : i32
        %dma_start3A_178 = tpu.memref_slice %arg17[%dma_start3A_176, %dma_start3A_177] : memref<10000x128xf32, #tpu.memory_space<vmem_shared>> -> memref<16x128xf32, #tpu.memory_space<vmem_shared>>
        %dma_start3A_179 = arith.constant 0 : i32
        %dma_start3A_180 = arith.constant 0 : i32
        %dma_start3A_181 = tpu.memref_slice %arg16[%dma_start3A_179, %dma_start3A_180] : memref<48x128xf32, #tpu.memory_space<vmem>> -> memref<16x128xf32, #tpu.memory_space<vmem>>
        %dma_start3A_182 = arith.constant 9984 : i32
        %dma_start3A_183 = arith.constant 0 : i32
        %dma_start3A_184 = tpu.memref_slice %arg17[%dma_start3A_182, %dma_start3A_183] : memref<10000x128xf32, #tpu.memory_space<vmem_shared>> -> memref<16x128xf32, #tpu.memory_space<vmem_shared>>
        tpu.enqueue_dma source(%dma_start3A_184 : memref<16x128xf32, #tpu.memory_space<vmem_shared>>) target(%dma_start3A_181 : memref<16x128xf32, #tpu.memory_space<vmem>>) target_semaphore(%run_scoped3A_172 : memref<!tpu.dma_semaphore, #tpu.memory_space<semaphore_mem>>)
        %dma_wait3A_185 = arith.constant 0 : i32
        %dma_wait3A_186 = arith.constant 0 : i32
        %dma_wait3A_187 = tpu.memref_slice %arg16[%dma_wait3A_185, %dma_wait3A_186] : memref<48x128xf32, #tpu.memory_space<vmem>> -> memref<16x128xf32, #tpu.memory_space<vmem>>
        %dma_wait3A_188 = arith.constant 9984 : i32
        %dma_wait3A_189 = arith.constant 0 : i32
        %dma_wait3A_190 = tpu.memref_slice %arg17[%dma_wait3A_188, %dma_wait3A_189] : memref<10000x128xf32, #tpu.memory_space<vmem_shared>> -> memref<16x128xf32, #tpu.memory_space<vmem_shared>>
        %dma_wait3A_191 = arith.constant 0 : i32
        %dma_wait3A_192 = arith.constant 0 : i32
        %dma_wait3A_193 = tpu.memref_slice %arg16[%dma_wait3A_191, %dma_wait3A_192] : memref<48x128xf32, #tpu.memory_space<vmem>> -> memref<16x128xf32, #tpu.memory_space<vmem>>
        %dma_wait3A_194 = arith.constant 9984 : i32
        %dma_wait3A_195 = arith.constant 0 : i32
        %dma_wait3A_196 = tpu.memref_slice %arg17[%dma_wait3A_194, %dma_wait3A_195] : memref<10000x128xf32, #tpu.memory_space<vmem_shared>> -> memref<16x128xf32, #tpu.memory_space<vmem_shared>>
        tpu.wait_dma2 semaphore(%run_scoped3A_172 : memref<!tpu.dma_semaphore, #tpu.memory_space<semaphore_mem>>) src(%dma_wait3A_196 : memref<16x128xf32, #tpu.memory_space<vmem_shared>>) dst(%dma_wait3A_193 : memref<16x128xf32, #tpu.memory_space<vmem>>)
        tpu.yield
      }) : () -> ()
      "tpu.region"() ({
        %run_scoped3A_172 = tpu.sem_alloc : memref<!tpu.dma_semaphore, #tpu.memory_space<semaphore_mem>>
        %dma_start3A_173 = arith.constant 0 : i32
        %dma_start3A_174 = arith.constant 0 : i32
        %dma_start3A_175 = tpu.memref_slice %arg16[%dma_start3A_173, %dma_start3A_174] : memref<48x128xf32, #tpu.memory_space<vmem>> -> memref<16x128xf32, #tpu.memory_space<vmem>>
        %dma_start3A_176 = arith.constant 9984 : i32
        %dma_start3A_177 = arith.constant 0 : i32
        %dma_start3A_178 = tpu.memref_slice %arg7[%arg0, %dma_start3A_176, %dma_start3A_177] : memref<2x10000x128xf32, #tpu.memory_space<hbm>> -> memref<1x16x128xf32, #tpu.memory_space<hbm>>
        %dma_start3A_179 = tpu.memref_squeeze %dma_start3A_178 : memref<1x16x128xf32, #tpu.memory_space<hbm>> -> memref<16x128xf32, #tpu.memory_space<hbm>>
        %dma_start3A_180 = arith.constant 9984 : i32
        %dma_start3A_181 = arith.constant 0 : i32
        %dma_start3A_182 = tpu.memref_slice %arg7[%arg0, %dma_start3A_180, %dma_start3A_181] : memref<2x10000x128xf32, #tpu.memory_space<hbm>> -> memref<1x16x128xf32, #tpu.memory_space<hbm>>
        %dma_start3A_183 = tpu.memref_squeeze %dma_start3A_182 : memref<1x16x128xf32, #tpu.memory_space<hbm>> -> memref<16x128xf32, #tpu.memory_space<hbm>>
        %dma_start3A_184 = arith.constant 0 : i32
        %dma_start3A_185 = arith.constant 0 : i32
        %dma_start3A_186 = tpu.memref_slice %arg16[%dma_start3A_184, %dma_start3A_185] : memref<48x128xf32, #tpu.memory_space<vmem>> -> memref<16x128xf32, #tpu.memory_space<vmem>>
        tpu.enqueue_dma source(%dma_start3A_186 : memref<16x128xf32, #tpu.memory_space<vmem>>) target(%dma_start3A_183 : memref<16x128xf32, #tpu.memory_space<hbm>>) target_semaphore(%run_scoped3A_172 : memref<!tpu.dma_semaphore, #tpu.memory_space<semaphore_mem>>)
        %dma_wait3A_187 = arith.constant 0 : i32
        %dma_wait3A_188 = arith.constant 0 : i32
        %dma_wait3A_189 = tpu.memref_slice %arg16[%dma_wait3A_187, %dma_wait3A_188] : memref<48x128xf32, #tpu.memory_space<vmem>> -> memref<16x128xf32, #tpu.memory_space<vmem>>
        %dma_wait3A_190 = arith.constant 9984 : i32
        %dma_wait3A_191 = arith.constant 0 : i32
        %dma_wait3A_192 = tpu.memref_slice %arg7[%arg0, %dma_wait3A_190, %dma_wait3A_191] : memref<2x10000x128xf32, #tpu.memory_space<hbm>> -> memref<1x16x128xf32, #tpu.memory_space<hbm>>
        %dma_wait3A_193 = tpu.memref_squeeze %dma_wait3A_192 : memref<1x16x128xf32, #tpu.memory_space<hbm>> -> memref<16x128xf32, #tpu.memory_space<hbm>>
        %dma_wait3A_194 = arith.constant 9984 : i32
        %dma_wait3A_195 = arith.constant 0 : i32
        %dma_wait3A_196 = tpu.memref_slice %arg7[%arg0, %dma_wait3A_194, %dma_wait3A_195] : memref<2x10000x128xf32, #tpu.memory_space<hbm>> -> memref<1x16x128xf32, #tpu.memory_space<hbm>>
        %dma_wait3A_197 = tpu.memref_squeeze %dma_wait3A_196 : memref<1x16x128xf32, #tpu.memory_space<hbm>> -> memref<16x128xf32, #tpu.memory_space<hbm>>
        %dma_wait3A_198 = arith.constant 0 : i32
        %dma_wait3A_199 = arith.constant 0 : i32
        %dma_wait3A_200 = tpu.memref_slice %arg16[%dma_wait3A_198, %dma_wait3A_199] : memref<48x128xf32, #tpu.memory_space<vmem>> -> memref<16x128xf32, #tpu.memory_space<vmem>>
        tpu.wait_dma2 semaphore(%run_scoped3A_172 : memref<!tpu.dma_semaphore, #tpu.memory_space<semaphore_mem>>) src(%dma_wait3A_200 : memref<16x128xf32, #tpu.memory_space<vmem>>) dst(%dma_wait3A_197 : memref<16x128xf32, #tpu.memory_space<hbm>>)
        tpu.yield
      }) : () -> ()
    } else {
    }
    return
  }
}

module attributes {stable_mosaic.version = 14 : i64} {
  func.func @_node_body(%arg0: i32, %arg1: memref<2000x128xf32, #tpu.memory_space<vmem>>, %arg2: memref<128x128xf32, #tpu.memory_space<vmem>>, %arg3: memref<128x128xf32, #tpu.memory_space<vmem>>, %arg4: memref<1x128xf32, #tpu.memory_space<vmem>>, %arg5: memref<2000x128xbf16, #tpu.memory_space<vmem>>, %arg6: memref<2000x128xbf16, #tpu.memory_space<vmem>>) attributes {dimension_semantics = [#tpu.dimension_semantics<arbitrary>], iteration_bounds = array<i64: 5>, scalar_prefetch = 0 : i64, scratch_operands = 0 : i64, tpu.core_type = #tpu.core_type<tc>, window_params = [{transform_indices = @transform_0, window_bounds = array<i64: 2000, 128>}, {pipeline_mode = #tpu.pipeline_mode<synchronous>, transform_indices = @transform_1, window_bounds = array<i64: 128, 128>}, {pipeline_mode = #tpu.pipeline_mode<synchronous>, transform_indices = @transform_2, window_bounds = array<i64: 128, 128>}, {pipeline_mode = #tpu.pipeline_mode<synchronous>, transform_indices = @transform_3, window_bounds = array<i64: 1, 128>}, {transform_indices = @transform_4, window_bounds = array<i64: 2000, 128>}, {transform_indices = @transform_5, window_bounds = array<i64: 2000, 128>}]} {
    %get3A = arith.constant 0 : index
    %get3A_0 = arith.constant 0 : index
    %get3A_1 = vector.load %arg1[%get3A, %get3A_0] : memref<2000x128xf32, #tpu.memory_space<vmem>>, vector<2000x128xf32>
    %get3A_2 = arith.constant 0 : index
    %get3A_3 = arith.constant 0 : index
    %get3A_4 = vector.load %arg2[%get3A_2, %get3A_3] : memref<128x128xf32, #tpu.memory_space<vmem>>, vector<128x128xf32>
    %dot_general3A = arith.constant dense<0.000000e+00> : vector<2000x128xf32>
    %dot_general3A_5 = tpu.matmul %get3A_1, %get3A_4, %dot_general3A {dimension_numbers = #tpu.dot_dimension_numbers<[1], [0], [0], [1], [0, 0, 1, 1], [], []>, precision = #tpu.contract_precision<fp32>, transpose_lhs_hint = false} : vector<2000x128xf32>, vector<128x128xf32>, vector<2000x128xf32> -> vector<2000x128xf32>
    %convert_element_type3A = arith.truncf %dot_general3A_5 : vector<2000x128xf32> to vector<2000x128xbf16>
    %swap3A = arith.constant 0 : index
    %swap3A_6 = arith.constant 0 : index
    %swap3A_7 = vector.load %arg5[%swap3A, %swap3A_6] : memref<2000x128xbf16, #tpu.memory_space<vmem>>, vector<2000x128xbf16>
    tpu.vector_store %arg5[%swap3A, %swap3A_6], %convert_element_type3A {strides = array<i32>} : memref<2000x128xbf16, #tpu.memory_space<vmem>>, vector<2000x128xbf16>,
    %get3A_8 = arith.constant 0 : index
    %get3A_9 = arith.constant 0 : index
    %get3A_10 = vector.load %arg3[%get3A_8, %get3A_9] : memref<128x128xf32, #tpu.memory_space<vmem>>, vector<128x128xf32>
    %dot_general3A_11 = arith.constant dense<0.000000e+00> : vector<2000x128xf32>
    %dot_general3A_12 = tpu.matmul %get3A_1, %get3A_10, %dot_general3A_11 {dimension_numbers = #tpu.dot_dimension_numbers<[1], [0], [0], [1], [0, 0, 1, 1], [], []>, precision = #tpu.contract_precision<fp32>, transpose_lhs_hint = false} : vector<2000x128xf32>, vector<128x128xf32>, vector<2000x128xf32> -> vector<2000x128xf32>
    %get3A_13 = arith.constant 0 : index
    %get3A_14 = arith.constant 0 : index
    %get3A_15 = vector.load %arg4[%get3A_13, %get3A_14] : memref<1x128xf32, #tpu.memory_space<vmem>>, vector<1x128xf32>
    %add3A = vector.broadcast %get3A_15 : vector<1x128xf32> to vector<2000x128xf32>
    %add3A_16 = arith.addf %dot_general3A_12, %add3A : vector<2000x128xf32>
    %convert_element_type3A_17 = arith.truncf %add3A_16 : vector<2000x128xf32> to vector<2000x128xbf16>
    %swap3A_18 = arith.constant 0 : index
    %swap3A_19 = arith.constant 0 : index
    %swap3A_20 = vector.load %arg6[%swap3A_18, %swap3A_19] : memref<2000x128xbf16, #tpu.memory_space<vmem>>, vector<2000x128xbf16>
    tpu.vector_store %arg6[%swap3A_18, %swap3A_19], %convert_element_type3A_17 {strides = array<i32>} : memref<2000x128xbf16, #tpu.memory_space<vmem>>, vector<2000x128xbf16>,
    return
  }
  func.func @transform_0(%arg0: i32) -> (i32, i32) {
    %c0_i32 = arith.constant 0 : i32
    %c0_i32_0 = arith.constant 0 : i32
    return %arg0, %c0_i32 : i32, i32
  }
  func.func @transform_1(%arg0: i32) -> (i32, i32) {
    %c0_i32 = arith.constant 0 : i32
    %c0_i32_0 = arith.constant 0 : i32
    %c0_i32_1 = arith.constant 0 : i32
    return %c0_i32, %c0_i32_0 : i32, i32
  }
  func.func @transform_2(%arg0: i32) -> (i32, i32) {
    %c0_i32 = arith.constant 0 : i32
    %c0_i32_0 = arith.constant 0 : i32
    %c0_i32_1 = arith.constant 0 : i32
    return %c0_i32, %c0_i32_0 : i32, i32
  }
  func.func @transform_3(%arg0: i32) -> (i32, i32) {
    %c0_i32 = arith.constant 0 : i32
    %c0_i32_0 = arith.constant 0 : i32
    %c0_i32_1 = arith.constant 0 : i32
    return %c0_i32, %c0_i32_0 : i32, i32
  }
  func.func @transform_4(%arg0: i32) -> (i32, i32) {
    %c0_i32 = arith.constant 0 : i32
    %c0_i32_0 = arith.constant 0 : i32
    return %arg0, %c0_i32 : i32, i32
  }
  func.func @transform_5(%arg0: i32) -> (i32, i32) {
    %c0_i32 = arith.constant 0 : i32
    %c0_i32_0 = arith.constant 0 : i32
    return %arg0, %c0_i32 : i32, i32
  }
}

module attributes {stable_mosaic.version = 14 : i64} {
  func.func @_update_body(%arg0: i32, %arg1: memref<1000x128xf32, #tpu.memory_space<vmem>>, %arg2: memref<2x1000x128xf32, #tpu.memory_space<vmem>>, %arg3: memref<128x128xf32, #tpu.memory_space<vmem>>, %arg4: memref<1x128xf32, #tpu.memory_space<vmem>>, %arg5: memref<1000x128xf32, #tpu.memory_space<vmem>>) attributes {dimension_semantics = [#tpu.dimension_semantics<arbitrary>], iteration_bounds = array<i64: 10>, scalar_prefetch = 0 : i64, scratch_operands = 0 : i64, tpu.core_type = #tpu.core_type<tc>, window_params = [{transform_indices = @transform_0, window_bounds = array<i64: 1000, 128>}, {transform_indices = @transform_1, window_bounds = array<i64: 2, 1000, 128>}, {pipeline_mode = #tpu.pipeline_mode<synchronous>, transform_indices = @transform_2, window_bounds = array<i64: 128, 128>}, {pipeline_mode = #tpu.pipeline_mode<synchronous>, transform_indices = @transform_3, window_bounds = array<i64: 1, 128>}, {transform_indices = @transform_4, window_bounds = array<i64: 1000, 128>}]} {
    %get3A = arith.constant 0 : index
    %get3A_0 = arith.constant 0 : index
    %get3A_1 = vector.load %arg1[%get3A, %get3A_0] : memref<1000x128xf32, #tpu.memory_space<vmem>>, vector<1000x128xf32>
    %get3A_2 = arith.constant 0 : index
    %get3A_3 = arith.constant 0 : index
    %get3A_4 = arith.constant 0 : index
    %get3A_5 = vector.load %arg2[%get3A_2, %get3A_3, %get3A_4] : memref<2x1000x128xf32, #tpu.memory_space<vmem>>, vector<1x1000x128xf32>
    %get3A_6 = vector.shape_cast %get3A_5 : vector<1x1000x128xf32> to vector<1000x128xf32>
    %get3A_7 = arith.constant 1 : index
    %get3A_8 = arith.constant 0 : index
    %get3A_9 = arith.constant 0 : index
    %get3A_10 = vector.load %arg2[%get3A_7, %get3A_8, %get3A_9] : memref<2x1000x128xf32, #tpu.memory_space<vmem>>, vector<1x1000x128xf32>
    %get3A_11 = vector.shape_cast %get3A_10 : vector<1x1000x128xf32> to vector<1000x128xf32>
    %add3A = arith.addf %get3A_6, %get3A_11 : vector<1000x128xf32>
    %mul3A = arith.constant 0.176776692 : f32
    %mul3A_12 = vector.broadcast %mul3A : f32 to vector<1000x128xf32>
    %mul3A_13 = arith.mulf %add3A, %mul3A_12 : vector<1000x128xf32>
    %add3A_14 = arith.addf %get3A_1, %mul3A_13 : vector<1000x128xf32>
    %get3A_15 = arith.constant 0 : index
    %get3A_16 = arith.constant 0 : index
    %get3A_17 = vector.load %arg3[%get3A_15, %get3A_16] : memref<128x128xf32, #tpu.memory_space<vmem>>, vector<128x128xf32>
    %dot_general3A = arith.constant dense<0.000000e+00> : vector<1000x128xf32>
    %dot_general3A_18 = tpu.matmul %add3A_14, %get3A_17, %dot_general3A {dimension_numbers = #tpu.dot_dimension_numbers<[1], [0], [0], [1], [0, 0, 1, 1], [], []>, precision = #tpu.contract_precision<fp32>, transpose_lhs_hint = false} : vector<1000x128xf32>, vector<128x128xf32>, vector<1000x128xf32> -> vector<1000x128xf32>
    %get3A_19 = arith.constant 0 : index
    %get3A_20 = arith.constant 0 : index
    %get3A_21 = vector.load %arg4[%get3A_19, %get3A_20] : memref<1x128xf32, #tpu.memory_space<vmem>>, vector<1x128xf32>
    %add3A_22 = vector.broadcast %get3A_21 : vector<1x128xf32> to vector<1000x128xf32>
    %add3A_23 = arith.addf %dot_general3A_18, %add3A_22 : vector<1000x128xf32>
    %max3A = arith.constant 0.000000e+00 : f32
    %max3A_24 = vector.broadcast %max3A : f32 to vector<1000x128xf32>
    %max3A_25 = arith.maximumf %add3A_23, %max3A_24 : vector<1000x128xf32>
    %add3A_26 = arith.addf %get3A_1, %max3A_25 : vector<1000x128xf32>
    %swap3A = arith.constant 0 : index
    %swap3A_27 = arith.constant 0 : index
    %swap3A_28 = vector.load %arg5[%swap3A, %swap3A_27] : memref<1000x128xf32, #tpu.memory_space<vmem>>, vector<1000x128xf32>
    tpu.vector_store %arg5[%swap3A, %swap3A_27], %add3A_26 {strides = array<i32>} : memref<1000x128xf32, #tpu.memory_space<vmem>>, vector<1000x128xf32>,
    return
  }
  func.func @transform_0(%arg0: i32) -> (i32, i32) {
    %c0_i32 = arith.constant 0 : i32
    %c0_i32_0 = arith.constant 0 : i32
    return %arg0, %c0_i32 : i32, i32
  }
  func.func @transform_1(%arg0: i32) -> (i32, i32, i32) {
    %c0_i32 = arith.constant 0 : i32
    %c0_i32_0 = arith.constant 0 : i32
    %c0_i32_1 = arith.constant 0 : i32
    return %c0_i32, %arg0, %c0_i32_0 : i32, i32, i32
  }
  func.func @transform_2(%arg0: i32) -> (i32, i32) {
    %c0_i32 = arith.constant 0 : i32
    %c0_i32_0 = arith.constant 0 : i32
    %c0_i32_1 = arith.constant 0 : i32
    return %c0_i32, %c0_i32_0 : i32, i32
  }
  func.func @transform_3(%arg0: i32) -> (i32, i32) {
    %c0_i32 = arith.constant 0 : i32
    %c0_i32_0 = arith.constant 0 : i32
    %c0_i32_1 = arith.constant 0 : i32
    return %c0_i32, %c0_i32_0 : i32, i32
  }
  func.func @transform_4(%arg0: i32) -> (i32, i32) {
    %c0_i32 = arith.constant 0 : i32
    %c0_i32_0 = arith.constant 0 : i32
    return %arg0, %c0_i32 : i32, i32
  }
}

</mosaic_0001>

<sc_bundles>
// kernel: kernel.5.cloned.1.call-start
scs
__scs_entry_jumppad:
0x0: {  	(pc) =	sbr.rel $0x88, $3  }
0x1: {  	(tag) =	ssettag $0x0;
	lr =	simm.s32 $0x1  }
0x2: {  	[smem:$0x3F9B] =	sst lr;
	_ =	strace $0xD0000000  }
0x3: {  	_ = 	snop  }
0x4: {  	_ = 	snop  }
0x5: {  	_ = 	snop  }
0x6: {  	_ = 	snop  }
0x7: {  	_ = 	snop  }
__scs_overlays_trampoline_lowered:
0x8: {  	[smem:$0x3FAA] =	sst s0  }
0x9: {  	[smem:$0x3FAB] =	sst s1  }
0xa: {  	[smem:$0x3FAC] =	sst s2  }
0xb: {  	[smem:$0x3FAD] =	sst s3  }
0xc: {  	[smem:$0x3FAE] =	sst s4  }
0xd: {  	[smem:$0x3FAF] =	sst s5  }
0xe: {  	[smem:$0x3FB0] =	sst s6  }
0xf: {  	[smem:$0x3FB1] =	sst s7  }
0x10: {  	[smem:$0x3FB2] =	sst s8  }
0x11: {  	[smem:$0x3FB3] =	sst s9;
	s0 =	simm.s32 @!p0 $0x0  }
0x12: {  	s1 =	sld [smem:$0x3F99];
	s0 =	simm.s32 @p0 $0x1  }
0x13: {  	[smem:$0x3FB4] =	sst s0;
	s0 =	simm.s32 @!p1 $0x0  }
0x14: {  	s2 =	sld [smem:$0x3F98];
	s0 =	simm.s32 @p1 $0x1  }
0x15: {  	[smem:$0x3FB5] =	sst s0;
	s0 =	simm.s32 @!p2 $0x0  }
0x16: {  	s3 =	sld [smem:$0x3FDB];
	s0 =	simm.s32 @p2 $0x1  }
0x17: {  	s4 =	simm.s32 $0x1BF5;
	[smem:$0x3FB7] =	sst s0  }
0x18: {  	s0 =	sld [smem:$0x3F9A];
	_ =	swait.ge [sflag:s4], $0x0  }
0x19: {  	s7 =	sld [smem:$0x3F9B]  }
0x1a: {  	s8 =	sadd.s32 $0xFFFFE003, lr  }
0x1b: {  	s9 =	sadd.s32 $0xFFFFFEF7, lr;
	s5 =	simm.s32 $0xFFFFFFFF;
	p2 =	slt.u32 s8, $0xFFFFF086  }
0x1c: {  	p1 =	slt.u32 s9, $0xF7A;
	s5 =	simm.s32 @!p2 $0x0  }
0x1d: {  	s5 =	simm.s32 @p1 $0x1;
	p0 =	seq.s32 s7, s2  }
0x1e: {  	s7 =	smul.u32 @!p0 $0xF7A, s2;
	p2 =	seq.s32 @!p0 s5, $0x0  }
0x1f: {  	s9 =	smul.u32 $0xF7A, s1;
	s8 =	simm.s32 @!p0 $0x1BF5;
	p2 =	por !p2, p0  }
0x20: {  	[sflag:s8] =	ssyncset.s32 @!p0 $0xFFFFF086;
	s6 =	sadd.s32 @!p0 s3, s7;
	s7 =	simm.s32 @!p0 $0x108  }
0x21: {  	s3 =	sadd.s32 s3, s9;
	s6 =	sadd.s32 @!p0 $0x88, s6;
	s7 =	simm.s32 @p2 $0x1082  }
0x22: {  	[simem:s7], [sflag:s8] =	dma.local @!p0 [hbm:s6], $0xF7A  }
0x23: {  	s9 =	sor.u32 $0xD0000000, s2;
	s6 =	simm.s32 $0x108;
	_ =	swait.ge @!p0 [sflag:s8], $0x0  }
0x24: {  	s3 =	sadd.s32 $0x88, s3;
	s6 =	simm.s32 @!p1 $0x1082;
	[sflag:s4] =	ssyncset.s32 $0xFFFFF086  }
0x25: {  	[simem:s6], [sflag:s4] =	dma.local [hbm:s3], $0xF7A  }
0x26: {  	[smem:$0x3F9B] =	sst s1;
	(tag) =	ssettag s2;
	_ =	strace s9  }
0x27: {  	s1 =	sld [smem:$0x3FAB]  }
0x28: {  	s2 =	sld [smem:$0x3FAC]  }
0x29: {  	s4 =	sld [smem:$0x3FAE]  }
0x2a: {  	p0 =	seq.s32 s5, $0x0;
	s5 =	sld [smem:$0x3FAF]  }
0x2b: {  	s6 =	sld [smem:$0x3FB0]  }
0x2c: {  	s7 =	sld [smem:$0x3FB1]  }
0x2d: {  	s3 =	simm.s32 $0x108;
	s8 =	sld [smem:$0x3FB2]  }
0x2e: {  	s3 =	simm.s32 @!p0 $0x1082;
	s9 =	sld [smem:$0x3FB3]  }
0x2f: {  	lr =	sadd.s32 s0, s3;
	s0 =	sld [smem:$0x3FAA]  }
0x30: {  	s3 =	sld [smem:$0x3FAD]  }
0x31: {  	[smem:$0x3FB6] =	sst s10  }
0x32: {  	s10 =	sld [smem:$0x3FB4];
	_ =	sdelay $0x3  }
0x33: {  	p0 =	seq.s32 s10, $0x1;
	s10 =	sld [smem:$0x3FB6];
	_ =	sdelay $0x3  }
0x34: {  	[smem:$0x3FB6] =	sst s10  }
0x35: {  	s10 =	sld [smem:$0x3FB5];
	_ =	sdelay $0x3  }
0x36: {  	p1 =	seq.s32 s10, $0x1;
	s10 =	sld [smem:$0x3FB6];
	_ =	sdelay $0x3  }
0x37: {  	[smem:$0x3FB6] =	sst s10  }
0x38: {  	s10 =	sld [smem:$0x3FB7]  }
0x39: {  	_ = 	snop;
	(pc) =	sbr.ind lr, $3  }
0x3a: {  	_ = 	snop  }
0x3b: {  	_ = 	snop  }
0x3c: {  	p2 =	seq.s32 s10, $0x1;
	s10 =	sld [smem:$0x3FB6]  }
0x3d: {  	_ =	shalt  }
0x3e: {  	_ =	shalt  }
0x3f: {  	_ =	shalt  }
0x40: {  	_ =	shalt  }
0x41: {  	_ =	shalt  }
0x42: {  	_ =	shalt  }
0x43: {  	_ =	shalt  }
0x44: {  	_ =	shalt  }
0x45: {  	_ =	shalt  }
0x46: {  	_ =	shalt  }
0x47: {  	_ =	shalt  }
0x48: {  	_ =	shalt  }
0x49: {  	_ =	shalt  }
0x4a: {  	_ =	shalt  }
0x4b: {  	_ =	shalt  }
0x4c: {  	_ =	shalt  }
0x4d: {  	_ =	shalt  }
0x4e: {  	_ =	shalt  }
0x4f: {  	_ =	shalt  }
0x50: {  	_ =	shalt  }
0x51: {  	_ =	shalt  }
0x52: {  	_ =	shalt  }
0x53: {  	_ =	shalt  }
0x54: {  	_ =	shalt  }
0x55: {  	_ =	shalt  }
0x56: {  	_ =	shalt  }
0x57: {  	_ =	shalt  }
0x58: {  	_ =	shalt  }
0x59: {  	_ =	shalt  }
0x5a: {  	_ =	shalt  }
0x5b: {  	_ =	shalt  }
0x5c: {  	_ =	shalt  }
0x5d: {  	_ =	shalt  }
0x5e: {  	_ =	shalt  }
0x5f: {  	_ =	shalt  }
0x60: {  	_ =	shalt  }
0x61: {  	_ =	shalt  }
0x62: {  	_ =	shalt  }
0x63: {  	_ =	shalt  }
0x64: {  	_ =	shalt  }
0x65: {  	_ =	shalt  }
0x66: {  	_ =	shalt  }
0x67: {  	_ =	shalt  }
0x68: {  	_ =	shalt  }
0x69: {  	_ =	shalt  }
0x6a: {  	_ =	shalt  }
0x6b: {  	_ =	shalt  }
0x6c: {  	_ =	shalt  }
0x6d: {  	_ =	shalt  }
0x6e: {  	_ =	shalt  }
0x6f: {  	_ =	shalt  }
0x70: {  	_ =	shalt  }
0x71: {  	_ =	shalt  }
0x72: {  	_ =	shalt  }
0x73: {  	_ =	shalt  }
0x74: {  	_ =	shalt  }
0x75: {  	_ =	shalt  }
0x76: {  	_ =	shalt  }
0x77: {  	_ =	shalt  }
0x78: {  	_ =	shalt  }
0x79: {  	_ =	shalt  }
0x7a: {  	_ =	shalt  }
0x7b: {  	_ =	shalt  }
0x7c: {  	_ =	shalt  }
0x7d: {  	_ =	shalt  }
0x7e: {  	_ =	shalt  }
0x7f: {  	_ =	shalt  }
0x80: {  	_ =	shalt  }
0x81: {  	_ =	shalt  }
0x82: {  	_ =	shalt  }
0x83: {  	_ =	shalt  }
0x84: {  	_ =	shalt  }
0x85: {  	_ =	shalt  }
0x86: {  	_ =	shalt  }
0x87: {  	_ =	shalt  }
.Lfunc_end0:
.L_simem_size_0:
called_computation_lowered:
.L_overlay_start_0:
0x88: {  	s2 =	sld [smem:$0x3FD9]  }
0x89: {  	s3 =	sld [smem:$0x3FFE];
	_ =	sdelay $0x1  }
0x8a: {  	s1 =	srdreg.scid  }
0x8b: {  	s0 =	sand.u32 $0x1, s1  }
0x8c: {  	s17 =	sshll.u32 s0, $0xA;
	s2 =	sadd.s32 s3, s2  }
0x8d: {  	s2 =	sadd.s32 s2, s17  }
0x8e: {  	[smem:$0x3FC2] =	sst s2  }
0x8f: {  	_ = 	snop  }
0x90: {  	s2 =	sld [smem:$0x3FD0];
	(tm) =	ssettm $0x1  }
0x91: {  	s18 =	sld [smem:$0x3FFB];
	_ =	sdelay $0x3  }
0x92: {  	_ =	strace s18  }
0x93: {  	s3 =	sld [smem:$0x3FFC];
	_ =	sdelay $0x3  }
0x94: {  	_ =	strace s3  }
0x95: {  	s3 =	sld [smem:$0x3FFD];
	_ =	sdelay $0x3  }
0x96: {  	_ =	strace s3  }
0x97: {  	_ =	strace $0x8FFFFFFF  }
0x98: {  	s19 =	sld [smem:$0x3FDB];
	_ =	sdelay $0x1  }
0x99: {  	s4 =	simm.s32 $_scs_section_size  }
0x9a: {  	s5 =	simm.s32 $_size__tile_overlayer_lowered;
	s6 =	simm.s32 $_tile_overlayer_lowered  }
0x9b: {  	s22 =	simm.s32 $0x1BFF;
	s21 =	sshll.u32 s6, $0x1;
	s3 =	sadd.s32 s4, s19  }
0x9c: {  	s7 =	simm.s32 $0x0;
	s20 =	sshll.u32 s5, $0x1;
	s5 =	sadd.s32 s21, s3  }
0x9d: {  	[timem:s7], [sflag:s22] =	dma.local [hbm:s5], s20  }
0x9e: {  	_ =	swait.ge [sflag:s22], s20  }
0x9f: {  	s4 =	ssub.s32 $0x0, s20;
	[sflag:s22] =	ssyncset.done $0x0  }
0xa0: {  	[sflag:s22] =	ssyncadd.s32 s4;
	_ =	sdelay $0x1  }
0xa1: {  	s23 =	simm.s32 $0x1B8B  }
0xa2: {  	_ =	swait.ge [sflag:s23], $0x1  }
0xa3: {  	[sflag:s23] =	ssyncset.done $0x0  }
0xa4: {  	s25 =	simm.s32 $0x1B8E;
	s24 =	sld [smem:$0x3FFE];
	[sflag:s23] =	ssyncadd.s32 $0xFFFFFFFF  }
0xa5: {  	s26 =	simm.s32 $execute0_lowered;
	[smem:$0x3FD2] =	sst s25  }
0xa6: {  	s5 =	sshll.u32 s26, $0x1;
	_ =	strace $0x80000046;
	[dreg:$0x1] =	wrdreg $0xFFFFFFFF  }
0xa7: {  	s28 =	simm.s32 $_size_execute0_lowered;
	s3 =	sadd.s32 s3, s5;
	[dreg:$0x0] =	wrdreg $0x0  }
0xa8: {  	s5 =	sshll.u32 s28, $0x1;
	[dreg:$0x2] =	wrdreg s3  }
0xa9: {  	[dreg:$0x3] =	wrdreg s5  }
0xaa: {  	[dreg:$0x4] =	wrdreg $0xC0  }
0xab: {  	_ =	task [dreg:s7], $0x5FFFF  }
0xac: {  	[dreg:$0x1] =	wrdreg $0xFFFFFFFF  }
0xad: {  	[dreg:$0x0] =	wrdreg $0x60  }
0xae: {  	[dreg:$0x2] =	wrdreg s24  }
0xaf: {  	[dreg:$0x3] =	wrdreg s2  }
0xb0: {  	[dreg:$0x4] =	wrdreg $0xBA800  }
0xb1: {  	[dreg:$0x5] =	wrdreg $0x9  }
0xb2: {  	_ =	task.clear_ibuf [dreg:s7], $0x6FFFF;
	_ =	strace $0x90000046  }
0xb3: {  	s29 =	simm.s32 $0x9;
	_ =	strace $0x80000048  }
0xb4: {  	_ =	swait.ge [sflag:s29], $0x1  }
0xb5: {  	[sflag:s29] =	ssyncadd.s32 $0xFFFFFFFF  }
0xb6: {  	_ =	strace $0x90000048  }
0xb7: {  	_ =	sfence  }
0xb8: {  	s30 =	sld [smem:$0x0];
	_ =	sdelay $0x2  }
0xb9: {  	s31 =	sshll.u32 s1, $0xD;
	s1 =	sshrl.u32 s1, $0x2  }
0xba: {  	s3 =	sand.u32 $0x4000, s31;
	s1 =	sadd.s32 s1, s30  }
0xbb: {  	s0 =	sor.u32 s3, s0;
	s1 =	sshll.u32 s1, $0x11  }
0xbc: {  	s0 =	sor.u32 s1, s0  }
0xbd: {  	s0 =	sadd.s32 $0x8F2B, s0  }
0xbe: {  	[sflag:s0] =	ssyncadd.remote.s32 $0x1  }
0xbf: {  	_ =	sfence.sel $0xFFFF  }
0xc0: {  	[dreg:$0x0] =	wrdreg $0xFFFFFFFF;
	(pc) =	sbr.abs _section_cstart, $3  }
0xc1: {  	[dreg:$0x1] =	wrdreg $0xFFFFFFFF  }
0xc2: {  	_ =	task.clear_ibuf [dreg:s7], $0x2FFFF;
	_ =	strace $0x9FFFFFFF  }
0xc3: {  	(tm) =	ssettm $0x7FFFFFFF  }
tec
execute0_lowered:
.L_overlay_start_1:
0x0: {  	(tag) =	ssettag $0x1  }
0x1: {  	s2 =	rddreg [dreg:$0x0];
	s0 =	srdreg.scid;
	s1 =	simm.s32 $0x0  }
0x2: {  	s24 =	stileid.u32;
	s7 =	sand.u32 $0x1, s0;
	[smem:$0x7FF] =	sst s1  }
0x3: {  	s3 =	smul.u32 $0x13800, s24;
	s13 =	sadd.s32 $0x3BC00, s2;
	s5 =	sshll.u32 s24, $0x1  }
0x4: {  	s0 =	ssub.s32 $0x2, s7;
	s25 =	sor.u32 s7, s5;
	s14 =	smul.u32 $0x138800, s7  }
0x5: {  	s4 =	sshrl.u32 s0, $0x1;
	s5 =	sadd.s32 $0x3000, s3;
	s6 =	sadd.s32 $0x4800, s3  }
0x6: {  	s7 =	sadd.s32 $0x6000, s3;
	s8 =	sadd.s32 $0x7800, s3;
	s9 =	sadd.s32 $0x9000, s3  }
0x7: {  	s10 =	sadd.s32 $0xA800, s3;
	s11 =	sadd.s32 $0xC000, s3;
	s12 =	sadd.s32 $0xD800, s3  }
0x8: {  	s0 =	ssub.s32 s0, s4;
	s4 =	sadd.s32 $0x1800, s3;
	s15 =	sadd.s32 s3, s14  }
0x9: {  	s22 =	sadd.s32 s14, s5;
	s26 =	sadd.s32 s14, s6;
	s18 =	sadd.s32 s14, s7  }
0xa: {  	s20 =	sadd.s32 s14, s8;
	s15 =	sshrl.u32 s15, $0x3;
	s16 =	sadd.s32 s14, s4  }
0xb: {  	s23 =	sshrl.u32 s22, $0x3;
	s17 =	sshrl.u32 s26, $0x3;
	s19 =	sshrl.u32 s18, $0x3  }
0xc: {  	s22 =	sadd.s32 s14, s9;
	s15 =	sadd.s32 s13, s15;
	s21 =	sshrl.u32 s16, $0x3  }
0xd: {  	s26 =	sadd.s32 s14, s10;
	[dreg:$0x4] =	wrdreg s15;
	s15 =	sadd.s32 s13, s21  }
0xe: {  	s16 =	sshrl.u32 s26, $0x3;
	[dreg:$0x5] =	wrdreg s15;
	s15 =	sadd.s32 s13, s23  }
0xf: {  	s21 =	sshrl.u32 s20, $0x3;
	[dreg:$0x6] =	wrdreg s15;
	s15 =	sadd.s32 s13, s17  }
0x10: {  	s23 =	sshrl.u32 s22, $0x3;
	s17 =	sadd.s32 s14, s11;
	[dreg:$0x7] =	wrdreg s15  }
0x11: {  	s15 =	sadd.s32 s13, s19;
	s18 =	sshrl.u32 s17, $0x3;
	s19 =	sadd.s32 s14, s12  }
0x12: {  	[dreg:$0x8] =	wrdreg s15;
	s15 =	sadd.s32 s13, s21;
	s20 =	sshrl.u32 s19, $0x3  }
0x13: {  	[dreg:$0x9] =	wrdreg s15;
	s15 =	sadd.s32 s13, s23;
	s23 =	sadd.s32 $0x12000, s3  }
0x14: {  	[dreg:$0xa] =	wrdreg s15;
	s15 =	sadd.s32 s13, s16;
	s16 =	sadd.s32 $0xF000, s3  }
0x15: {  	[dreg:$0xb] =	wrdreg s15;
	s15 =	sadd.s32 s13, s18;
	s17 =	sadd.s32 s14, s16  }
0x16: {  	[dreg:$0xc] =	wrdreg s15;
	s15 =	sadd.s32 s13, s20;
	s17 =	sshrl.u32 s17, $0x3  }
0x17: {  	[dreg:$0xd] =	wrdreg s15;
	s15 =	sadd.s32 $0x10800, s3;
	s17 =	sadd.s32 s13, s17  }
0x18: {  	s22 =	sadd.s32 s14, s23;
	s18 =	sadd.s32 s14, s15;
	[dreg:$0xe] =	wrdreg s17  }
0x19: {  	s26 =	sshrl.u32 s22, $0x3;
	s21 =	sshrl.u32 s18, $0x3;
	s18 =	rddreg [dreg:$0x2]  }
0x1a: {  	s14 =	sshrl.u32 s14, $0x3;
	s17 =	sadd.s32 s13, s21;
	s28 =	sadd.s32 s9, s18  }
0x1b: {  	[dreg:$0xf] =	wrdreg s17;
	s17 =	sadd.s32 s13, s26;
	s13 =	sadd.s32 s13, s14  }
0x1c: {  	s9 =	sadd.s32 s23, s18;
	[dreg:$0x10] =	wrdreg s17;
	s23 =	sadd.s32 $0x27000, s13  }
0x1d: {  	s0 =	smax.u32 s0, $0x1;
	_ =	strace $0x80000047;
	[smem:$0x7F9] =	sst s23  }
0x1e: {  	[smem:$0x7FA] =	sst s0  }
0x1f: {  	s29 =	simm.s32 $0x2;
	s17 =	smul.u32 $0xA, s25;
	[dreg:$0x1b] =	wrdreg s25  }
0x20: {  	s30 =	sor.u32 $0xA0, s25;
	s19 =	sadd.s32 $0x31E00, s2;
	[dreg:$0x1e] =	wrdreg s9  }
0x21: {  	s20 =	sadd.s32 $0x28000, s2;
	[smem:$0x7FD] =	sst s30;
	s26 =	sadd.s32 s19, s17  }
0x22: {  	p0 =	sne.s32 s24, $0xF;
	s17 =	sadd.s32 s20, s17;
	[dreg:$0x11] =	wrdreg s26  }
0x23: {  	s24 =	simm.s32 $0x1;
	s31 =	sadd.s32 s10, s18;
	[dreg:$0x12] =	wrdreg s17  }
0x24: {  	s17 =	sadd.s32 s3, s18;
	s26 =	sadd.s32 s4, s18;
	s3 =	sadd.s32 s5, s18  }
0x25: {  	s4 =	sadd.s32 s6, s18;
	s6 =	smov.u32 s26;
	[dreg:$0x13] =	wrdreg s17  }
0x26: {  	s14 =	sadd.s32 s7, s18;
	s10 =	smov.u32 s3;
	[dreg:$0x14] =	wrdreg s6  }
0x27: {  	s3 =	sadd.s32 s11, s18;
	s11 =	smov.u32 s4;
	[dreg:$0x15] =	wrdreg s10  }
0x28: {  	s4 =	sadd.s32 s12, s18;
	s12 =	smov.u32 s14;
	[dreg:$0x16] =	wrdreg s11  }
0x29: {  	s22 =	sadd.s32 $0xC00, s2;
	s21 =	sadd.s32 $0x14600, s2;
	[dreg:$0x17] =	wrdreg s12  }
0x2a: {  	s7 =	simm.s32 $0x50;
	s23 =	simm.s32 $0x5;
	[dreg:$0x19] =	wrdreg s3  }
0x2b: {  	s26 =	sadd.s32 s8, s18;
	s8 =	sadd.s32 s15, s18;
	[dreg:$0x1a] =	wrdreg s4  }
0x2c: {  	s5 =	smul.u32 $0x50, s25;
	s14 =	sor.u32 $0x80, s25;
	[dreg:$0x1d] =	wrdreg s8  }
0x2d: {  	s13 =	smov.u32 s26;
	s26 =	sadd.s32 $0x138000, s18;
	[smem:$0x7FC] =	sst s14  }
0x2e: {  	s25 =	simm.s32 $0x3;
	s2 =	sshrl.u32 s5, $0x3;
	[smem:$0x7FB] =	sst s26  }
0x2f: {  	s5 =	sadd.s32 s16, s18;
	s2 =	sadd.s32 $0x140, s2;
	[dreg:$0x18] =	wrdreg s13  }
0x30: {  	s15 =	simm.s32 $0x4;
	[dreg:$0x1c] =	wrdreg s5;
	s16 =	sadd.s32 s19, s2  }
0x31: {  	s26 =	simm.s32 $0xA0;
	s2 =	sadd.s32 s20, s2;
	[dreg:$0x1f] =	wrdreg s16  }
0x32: {  	[smem:$0x7F8] =	sst s2;
	s16 =	simm.s32 $0xA280;
	s2 =	simm.s32 $0x0  }
.LBB2_1:
0x33: {  	[smem:$0x7F7] =	sst s2  }
0x34: {  	s0 =	rddreg [dreg:$0x11]  }
0x35: {  	[tilespmem:s1], [sflag:$0x1] =	stream.linear.gather [hbm4b:s0+s1], $0x50, $0x38;
	[tilespmem:$0x1F300] =	vst v63  }
0x36: {  	s2 =	rddreg [dreg:$0x12];
	s0 =	simm.s32 $0x140  }
0x37: {  	[tilespmem:s0], [sflag:$0x1] =	stream.linear.gather [hbm4b:s2+s1], $0x50, $0x38;
	[tilespmem:$0x1F300] =	vst v63  }
0x38: {  	s2 =	rddreg [dreg:$0x1]  }
0x39: {  	[tilespmem:s16], [sflag:$0x5] =	stream.linear.gather [hbm4b:s2+s1], $0x1800, $0x38;
	[tilespmem:$0x1F300] =	vst v63  }
0x3a: {  	_ =	swait.ge [sflag:s23], $0x1800  }
0x3b: {  	[sflag:s23] =	ssyncset.done $0x0  }
0x3c: {  	[sflag:s23] =	ssyncadd.s32 $0xFFFFE800  }
0x3d: {  	[spmem:s17] =	stream.linear.scatter [tilespmem:s16], [sflag:$0x5], $0x1800, $0x38;
	[tilespmem:$0x1F300] =	vst v63  }
0x3e: {  	_ =	swait.ge [sflag:s23], $0x1800  }
0x3f: {  	[sflag:s23] =	ssyncset.done $0x0  }
0x40: {  	[sflag:s23] =	ssyncadd.s32 $0xFFFFE800  }
0x41: {  	[spmem:s6] =	stream.linear.scatter [tilespmem:s16], [sflag:$0x5], $0x1800, $0x38;
	[tilespmem:$0x1F300] =	vst v63  }
0x42: {  	_ =	swait.ge [sflag:s23], $0x1800  }
0x43: {  	[sflag:s23] =	ssyncset.done $0x0  }
0x44: {  	[sflag:s23] =	ssyncadd.s32 $0xFFFFE800  }
0x45: {  	[spmem:s10] =	stream.linear.scatter [tilespmem:s16], [sflag:$0x5], $0x1800, $0x38;
	[tilespmem:$0x1F300] =	vst v63  }
0x46: {  	_ =	swait.ge [sflag:s23], $0x1800  }
0x47: {  	[sflag:s23] =	ssyncset.done $0x0  }
0x48: {  	[sflag:s23] =	ssyncadd.s32 $0xFFFFE800  }
0x49: {  	[spmem:s11] =	stream.linear.scatter [tilespmem:s16], [sflag:$0x5], $0x1800, $0x38;
	[tilespmem:$0x1F300] =	vst v63  }
0x4a: {  	_ =	swait.ge [sflag:s23], $0x1800  }
0x4b: {  	[sflag:s23] =	ssyncset.done $0x0  }
0x4c: {  	[sflag:s23] =	ssyncadd.s32 $0xFFFFE800  }
0x4d: {  	[spmem:s12] =	stream.linear.scatter [tilespmem:s16], [sflag:$0x5], $0x1800, $0x38;
	[tilespmem:$0x1F300] =	vst v63  }
0x4e: {  	_ =	swait.ge [sflag:s23], $0x1800  }
0x4f: {  	[sflag:s23] =	ssyncset.done $0x0  }
0x50: {  	[sflag:s23] =	ssyncadd.s32 $0xFFFFE800  }
0x51: {  	[spmem:s13] =	stream.linear.scatter [tilespmem:s16], [sflag:$0x5], $0x1800, $0x38;
	[tilespmem:$0x1F300] =	vst v63  }
0x52: {  	_ =	swait.ge [sflag:s23], $0x1800  }
0x53: {  	[sflag:s23] =	ssyncset.done $0x0  }
0x54: {  	[sflag:s23] =	ssyncadd.s32 $0xFFFFE800  }
0x55: {  	[spmem:s28] =	stream.linear.scatter [tilespmem:s16], [sflag:$0x5], $0x1800, $0x38;
	[tilespmem:$0x1F300] =	vst v63  }
0x56: {  	_ =	swait.ge [sflag:s23], $0x1800  }
0x57: {  	[sflag:s23] =	ssyncset.done $0x0  }
0x58: {  	[sflag:s23] =	ssyncadd.s32 $0xFFFFE800  }
0x59: {  	[spmem:s31] =	stream.linear.scatter [tilespmem:s16], [sflag:$0x5], $0x1800, $0x38;
	[tilespmem:$0x1F300] =	vst v63  }
0x5a: {  	_ =	swait.ge [sflag:s23], $0x1800  }
0x5b: {  	[sflag:s23] =	ssyncset.done $0x0  }
0x5c: {  	[sflag:s23] =	ssyncadd.s32 $0xFFFFE800  }
0x5d: {  	[spmem:s3] =	stream.linear.scatter [tilespmem:s16], [sflag:$0x5], $0x1800, $0x38;
	[tilespmem:$0x1F300] =	vst v63  }
0x5e: {  	_ =	swait.ge [sflag:s23], $0x1800  }
0x5f: {  	[sflag:s23] =	ssyncset.done $0x0  }
0x60: {  	[sflag:s23] =	ssyncadd.s32 $0xFFFFE800  }
0x61: {  	[spmem:s4] =	stream.linear.scatter [tilespmem:s16], [sflag:$0x5], $0x1800, $0x38;
	[tilespmem:$0x1F300] =	vst v63  }
0x62: {  	_ =	swait.ge [sflag:s23], $0x1800  }
0x63: {  	[sflag:s23] =	ssyncset.done $0x0  }
0x64: {  	[sflag:s23] =	ssyncadd.s32 $0xFFFFE800  }
0x65: {  	[spmem:s5] =	stream.linear.scatter [tilespmem:s16], [sflag:$0x5], $0x1800, $0x38;
	[tilespmem:$0x1F300] =	vst v63  }
0x66: {  	_ =	swait.ge [sflag:s23], $0x1800  }
0x67: {  	[sflag:s23] =	ssyncset.done $0x0  }
0x68: {  	[sflag:s23] =	ssyncadd.s32 $0xFFFFE800  }
0x69: {  	[spmem:s8] =	stream.linear.scatter [tilespmem:s16], [sflag:$0x5], $0x1800, $0x38;
	[tilespmem:$0x1F300] =	vst v63  }
0x6a: {  	_ =	swait.ge [sflag:s23], $0x1800  }
0x6b: {  	[sflag:s23] =	ssyncset.done $0x0  }
0x6c: {  	[sflag:s23] =	ssyncadd.s32 $0xFFFFE800  }
0x6d: {  	[spmem:s9] =	stream.linear.scatter [tilespmem:s16], [sflag:$0x5], $0x1800, $0x38;
	[tilespmem:$0x1F300] =	vst v63  }
0x6e: {  	_ =	swait.ge [sflag:s23], $0x1800  }
0x6f: {  	s3 =	sld [smem:$0x7FB]  }
0x70: {  	[sflag:s23] =	ssyncset.done $0x0  }
0x71: {  	s2 =	simm.s32 @!p0 $0xA280;
	[sflag:s23] =	ssyncadd.s32 $0xFFFFE800  }
0x72: {  	[spmem:s3] =	stream.linear.scatter @!p0 [tilespmem:s2], [sflag:$0x5], $0x800, $0x38;
	[tilespmem:$0x1F300] =	vst v63  }
0x73: {  	s2 =	simm.s32 @!p0 $0x5  }
0x74: {  	_ =	swait.ge @!p0 [sflag:s2], $0x800  }
0x75: {  	[sflag:s2] =	ssyncset.done @!p0 $0x0  }
0x76: {  	[sflag:s2] =	ssyncadd.s32 @!p0 $0xFFFFF800  }
0x77: {  	[bflag:$0x0] =	sbarrier.arrive $0xFFFF  }
0x78: {  	_ =	swait.ge [sflag:s24], $0x50  }
0x79: {  	[sflag:s24] =	ssyncset.done $0x0  }
0x7a: {  	[sflag:s24] =	ssyncadd.s32 $0xFFFFFFB0  }
0x7b: {  	_ =	swait.ge [sflag:s24], $0x50  }
0x7c: {  	[sflag:s24] =	ssyncset.done $0x0  }
0x7d: {  	s10 =	simm.s32 $0x280;
	[sflag:s24] =	ssyncadd.s32 $0xFFFFFFB0  }
0x7e: {  	[tilespmem:s10], [sflag:$0x3] =	stream.indirect.gather [hbm4b:s21+s7], $0x40, s1, s7, $0xb8;
	[tilespmem:$0x1F300] =	vst v63  }
0x7f: {  	s11 =	simm.s32 $0x1680;
	s12 =	rddreg [dreg:$0x1f]  }
0x80: {  	[tilespmem:s11], [sflag:$0x3] =	stream.indirect.gather [hbm4b:s22+s7], $0x40, s0, s7, $0xb8;
	[tilespmem:$0x1F300] =	vst v63  }
0x81: {  	s13 =	sld [smem:$0x7F8]  }
0x82: {  	[tilespmem:s7], [sflag:$0x2] =	stream.linear.gather [hbm4b:s12+s1], $0x50, $0x38;
	[tilespmem:$0x1F300] =	vst v63  }
0x83: {  	s17 =	simm.s32 $0x190;
	s6 =	simm.s32 $0x0;
	s16 =	simm.s32 $0x140  }
0x84: {  	[tilespmem:s17], [sflag:$0x2] =	stream.linear.gather [hbm4b:s13+s1], $0x50, $0x38;
	[tilespmem:$0x1F300] =	vst v63  }
.LBB2_2:
0x85: {  	_ =	swait.ge [sflag:s25], $0x1400  }
0x86: {  	[sflag:s25] =	ssyncset.done $0x0  }
0x87: {  	[sflag:s25] =	ssyncadd.s32 $0xFFFFEC00  }
0x88: {  	p1 =	seq.s32 s6, $0x0;
	s11 =	sshll.u32 s6, $0x7;
	_ =	swait.ge [sflag:s25], $0x1400  }
0x89: {  	s2 =	simm.s32 @!p1 $0x50;
	s4 =	simm.s32 @!p1 $0xF0;
	[sflag:s25] =	ssyncset.done $0x0  }
0x8a: {  	s5 =	simm.s32 @!p1 $0x7A80;
	s9 =	rddreg [dreg:$0x1b];
	[sflag:s25] =	ssyncadd.s32 $0xFFFFEC00  }
0x8b: {  	[spmem:s18] =	stream.indirect.scatter.add.f32 @!p1 [tilespmem:s5], [sflag:$0x5], $0x80, s4, s2, $0xb8;
	[tilespmem:$0x1F300] =	vst v63  }
0x8c: {  	s2 =	sor.u32 s9, s11  }
0x8d: {  	s2 =	smul.u32 $0x50, s2  }
0x8e: {  	s4 =	simm.s32 @!p1 $0x5  }
0x8f: {  	_ =	swait.ge @!p1 [sflag:s4], $0x2800;
	s5 =	sshrl.u32 s2, $0x3  }
0x90: {  	[sflag:s4] =	ssyncset.done @!p1 $0x0;
	s2 =	sadd.s32 $0x280, s5  }
0x91: {  	[sflag:s4] =	ssyncadd.s32 @!p1 $0xFFFFD800;
	s10 =	sadd.s32 s19, s2  }
0x92: {  	[tilespmem:s26], [sflag:$0x1] =	stream.linear.gather [hbm4b:s10+s1], $0x50, $0x38;
	[tilespmem:$0x1F300] =	vst v63  }
0x93: {  	s0 =	simm.s32 $0x1E0;
	s2 =	sadd.s32 s20, s2  }
0x94: {  	[tilespmem:s0], [sflag:$0x1] =	stream.linear.gather [hbm4b:s2+s1], $0x50, $0x38;
	[tilespmem:$0x1F300] =	vst v63  }
0x95: {  	_ =	swait.ge [sflag:s29], $0x50  }
0x96: {  	[sflag:s29] =	ssyncset.done $0x0  }
0x97: {  	[sflag:s29] =	ssyncadd.s32 $0xFFFFFFB0  }
0x98: {  	_ =	swait.ge [sflag:s29], $0x50  }
0x99: {  	[sflag:s29] =	ssyncset.done $0x0  }
0x9a: {  	s12 =	simm.s32 $0x2A80;
	[sflag:s29] =	ssyncadd.s32 $0xFFFFFFB0  }
0x9b: {  	[tilespmem:s12], [sflag:$0x4] =	stream.indirect.gather [hbm4b:s21+s7], $0x40, s7, s7, $0xb8;
	[tilespmem:$0x1F300] =	vst v63  }
0x9c: {  	s13 =	simm.s32 $0x190;
	s17 =	simm.s32 $0x3E80  }
0x9d: {  	[tilespmem:s17], [sflag:$0x4] =	stream.indirect.gather [hbm4b:s22+s7], $0x40, s13, s7, $0xb8;
	[tilespmem:$0x1F300] =	vst v63  }
0x9e: {  	s13 =	simm.s32 $0x300  }
0x9f: {  	s12 =	simm.s32 $0x1700;
	v0 =	vld [tilespmem:s13+$0x40]  }
0xa0: {  	v1 =	vld [tilespmem:s12+$0x40];
	_ =	sdelay $0x3  }
0xa1: {  	v4 =	vld [tilespmem:s12+$0xFFFFFF80]  }
0xa2: {  	v5 =	vld [tilespmem:s12+$0xFFFFFFC0];
	v2 =	vshll.u32 v0, $0x10;
	v3 =	vshll.u32 v1, $0x10  }
0xa3: {  	v0 =	vand.u32 $0xFFFF0000, v0;
	v1 =	vand.u32 $0xFFFF0000, v1;
	v2 =	vadd.f32 v3, v2;
	v3 =	vld [tilespmem:s13+$0xFFFFFFC0]  }
0xa4: {  	v0 =	vadd.f32 v1, v0;
	v1 =	vld [tilespmem:s13+$0xFFFFFF80]  }
0xa5: {  	s10 =	simm.s32 $0x5380;
	v2 =	vmax.f32 v2, $0.0e+00  }
0xa6: {  	v0 =	vmax.f32 v0, $0.0e+00;
	[tilespmem:s10+$0x80] =	vst v2  }
0xa7: {  	v10 =	vshll.u32 v5, $0x10;
	[tilespmem:s10+$0xC0] =	vst v0  }
0xa8: {  	v5 =	vand.u32 $0xFFFF0000, v5;
	v2 =	vshll.u32 v4, $0x10;
	v4 =	vand.u32 $0xFFFF0000, v4;
	v0 =	vld [tilespmem:s13+$0x50]  }
0xa9: {  	v6 =	vld [tilespmem:s12+$0x50];
	v7 =	vshll.u32 v3, $0x10;
	v8 =	vshll.u32 v1, $0x10;
	v1 =	vand.u32 $0xFFFF0000, v1  }
0xaa: {  	v9 =	vld [tilespmem:s13+$0x0];
	v3 =	vand.u32 $0xFFFF0000, v3;
	v2 =	vadd.f32 v2, v8;
	v1 =	vadd.f32 v4, v1  }
0xab: {  	v4 =	vld [tilespmem:s12+$0x0];
	v7 =	vadd.f32 v10, v7;
	v3 =	vadd.f32 v5, v3  }
0xac: {  	v2 =	vmax.f32 v2, $0.0e+00  }
0xad: {  	v1 =	vmax.f32 v1, $0.0e+00;
	v3 =	vmax.f32 v3, $0.0e+00;
	[tilespmem:s10+$0xFFFFFF00] =	vst v2;
	v2 =	vmax.f32 v7, $0.0e+00  }
0xae: {  	v5 =	vshll.u32 v0, $0x10;
	v7 =	vshll.u32 v6, $0x10;
	[tilespmem:s10+$0xFFFFFF40] =	vst v1;
	v0 =	vand.u32 $0xFFFF0000, v0  }
0xaf: {  	v1 =	vand.u32 $0xFFFF0000, v6;
	v6 =	vshll.u32 v9, $0x10;
	v5 =	vadd.f32 v7, v5;
	v7 =	vld [tilespmem:s13+$0xFFFFFF90]  }
0xb0: {  	[tilespmem:s10+$0xFFFFFF80] =	vst v2;
	v0 =	vadd.f32 v1, v0;
	v2 =	vand.u32 $0xFFFF0000, v9;
	v8 =	vld [tilespmem:s12+$0xFFFFFF90];
	v1 =	vshll.u32 v4, $0x10  }
0xb1: {  	[tilespmem:s10+$0xFFFFFFC0] =	vst v3;
	v4 =	vand.u32 $0xFFFF0000, v4;
	v3 =	vmax.f32 v5, $0.0e+00;
	v1 =	vadd.f32 v1, v6  }
0xb2: {  	v5 =	vld [tilespmem:s13+$0xFFFFFFD0];
	v0 =	vmax.f32 v0, $0.0e+00;
	v2 =	vadd.f32 v4, v2;
	[tilespmem:s10+$0x90] =	vst v3  }
0xb3: {  	v3 =	vld [tilespmem:s12+$0xFFFFFFD0];
	[tilespmem:s10+$0xD0] =	vst v0;
	v0 =	vmax.f32 v1, $0.0e+00  }
0xb4: {  	v1 =	vld [tilespmem:s13+$0x60];
	v2 =	vmax.f32 v2, $0.0e+00;
	[tilespmem:s10+$0x0] =	vst v0  }
0xb5: {  	v0 =	vld [tilespmem:s12+$0x60];
	[tilespmem:s10+$0x40] =	vst v2;
	v2 =	vshll.u32 v7, $0x10;
	v4 =	vshll.u32 v8, $0x10  }
0xb6: {  	v7 =	vand.u32 $0xFFFF0000, v7;
	v8 =	vand.u32 $0xFFFF0000, v8;
	v2 =	vadd.f32 v4, v2  }
0xb7: {  	v7 =	vadd.f32 v8, v7  }
0xb8: {  	v6 =	vld [tilespmem:s13+$0x10];
	v4 =	vshll.u32 v5, $0x10;
	v5 =	vand.u32 $0xFFFF0000, v5;
	v2 =	vmax.f32 v2, $0.0e+00  }
0xb9: {  	v8 =	vld [tilespmem:s12+$0x10];
	v9 =	vshll.u32 v3, $0x10;
	v3 =	vand.u32 $0xFFFF0000, v3;
	[tilespmem:s10+$0xFFFFFF10] =	vst v2;
	v2 =	vmax.f32 v7, $0.0e+00  }
0xba: {  	v7 =	vshll.u32 v1, $0x10;
	v1 =	vand.u32 $0xFFFF0000, v1;
	v10 =	vshll.u32 v0, $0x10  }
0xbb: {  	v4 =	vadd.f32 v9, v4;
	[tilespmem:s10+$0xFFFFFF50] =	vst v2;
	v0 =	vand.u32 $0xFFFF0000, v0;
	v2 =	vadd.f32 v10, v7  }
0xbc: {  	v3 =	vadd.f32 v3, v5;
	v9 =	vld [tilespmem:s13+$0xFFFFFFA0];
	v0 =	vadd.f32 v0, v1  }
0xbd: {  	v7 =	vshll.u32 v6, $0x10;
	v1 =	vand.u32 $0xFFFF0000, v6;
	v5 =	vld [tilespmem:s12+$0xFFFFFFA0];
	v2 =	vmax.f32 v2, $0.0e+00  }
0xbe: {  	s4 =	simm.s32 $0x400;
	v6 =	vshll.u32 v8, $0x10;
	v8 =	vand.u32 $0xFFFF0000, v8;
	v0 =	vmax.f32 v0, $0.0e+00;
	[tilespmem:s10+$0xA0] =	vst v2  }
0xbf: {  	v14 =	vld [tilespmem:s4+$0xFFFFFFC0];
	v4 =	vmax.f32 v4, $0.0e+00;
	v1 =	vadd.f32 v8, v1;
	v2 =	vadd.f32 v6, v7;
	[tilespmem:s10+$0xE0] =	vst v0  }
0xc0: {  	[tilespmem:s10+$0xFFFFFF90] =	vst v4;
	v0 =	vmax.f32 v3, $0.0e+00;
	v3 =	vld [tilespmem:s13+$0x70]  }
0xc1: {  	v1 =	vmax.f32 v1, $0.0e+00;
	[tilespmem:s10+$0xFFFFFFD0] =	vst v0;
	v4 =	vld [tilespmem:s12+$0x70];
	v2 =	vmax.f32 v2, $0.0e+00;
	v0 =	vshll.u32 v9, $0x10  }
0xc2: {  	v6 =	vand.u32 $0xFFFF0000, v9;
	v7 =	vld [tilespmem:s13+$0xFFFFFFE0];
	[tilespmem:s10+$0x10] =	vst v2;
	v2 =	vshll.u32 v5, $0x10;
	v5 =	vand.u32 $0xFFFF0000, v5  }
0xc3: {  	[tilespmem:s10+$0x50] =	vst v1;
	v0 =	vadd.f32 v2, v0;
	v1 =	vadd.f32 v5, v6;
	v2 =	vld [tilespmem:s12+$0xFFFFFFE0]  }
0xc4: {  	v5 =	vld [tilespmem:s13+$0x20]  }
0xc5: {  	v8 =	vld [tilespmem:s12+$0x20];
	v6 =	vmax.f32 v0, $0.0e+00;
	v1 =	vmax.f32 v1, $0.0e+00;
	v0 =	vshll.u32 v3, $0x10  }
0xc6: {  	s2 =	simm.s32 $0x1800;
	v10 =	vld [tilespmem:s4+$0x40];
	v9 =	vshll.u32 v4, $0x10;
	v3 =	vand.u32 $0xFFFF0000, v3;
	v4 =	vand.u32 $0xFFFF0000, v4  }
0xc7: {  	v11 =	vshll.u32 v7, $0x10;
	v7 =	vand.u32 $0xFFFF0000, v7;
	v3 =	vadd.f32 v4, v3;
	v4 =	vld [tilespmem:s2+$0x40]  }
0xc8: {  	v0 =	vadd.f32 v9, v0;
	[tilespmem:s10+$0xFFFFFF60] =	vst v1;
	v1 =	vshll.u32 v14, $0x10;
	v12 =	vshll.u32 v2, $0x10  }
0xc9: {  	v2 =	vand.u32 $0xFFFF0000, v2;
	v13 =	vshll.u32 v5, $0x10;
	v5 =	vand.u32 $0xFFFF0000, v5  }
0xca: {  	v9 =	vld [tilespmem:s2+$0xFFFFFF80];
	v11 =	vadd.f32 v12, v11;
	v12 =	vshll.u32 v8, $0x10;
	v8 =	vand.u32 $0xFFFF0000, v8  }
0xcb: {  	v15 =	vld [tilespmem:s2+$0xFFFFFFC0];
	v2 =	vadd.f32 v2, v7;
	v7 =	vadd.f32 v12, v13;
	v13 =	vshll.u32 v10, $0x10  }
0xcc: {  	v17 =	vld [tilespmem:s4+$0xFFFFFF80];
	[tilespmem:s10+$0xFFFFFF20] =	vst v6;
	v10 =	vand.u32 $0xFFFF0000, v10;
	v11 =	vmax.f32 v11, $0.0e+00;
	v16 =	vshll.u32 v4, $0x10  }
0xcd: {  	v12 =	vld [tilespmem:s4+$0x0];
	v2 =	vmax.f32 v2, $0.0e+00;
	v4 =	vand.u32 $0xFFFF0000, v4;
	v13 =	vadd.f32 v16, v13;
	[tilespmem:s10+$0xFFFFFFA0] =	vst v11  }
0xce: {  	v5 =	vadd.f32 v8, v5;
	v8 =	vld [tilespmem:s2+$0x0];
	v4 =	vadd.f32 v4, v10;
	[tilespmem:s10+$0xFFFFFFE0] =	vst v2;
	v7 =	vmax.f32 v7, $0.0e+00  }
0xcf: {  	s17 =	simm.s32 $0x5580;
	v14 =	vand.u32 $0xFFFF0000, v14;
	v6 =	vshll.u32 v9, $0x10;
	[tilespmem:s10+$0x20] =	vst v7;
	v13 =	vmax.f32 v13, $0.0e+00  }
0xd0: {  	v9 =	vand.u32 $0xFFFF0000, v9;
	v10 =	vshll.u32 v15, $0x10;
	v4 =	vmax.f32 v4, $0.0e+00;
	[tilespmem:s17+$0x80] =	vst v13  }
0xd1: {  	v15 =	vand.u32 $0xFFFF0000, v15;
	v11 =	vand.u32 $0xFFFF0000, v17;
	v5 =	vmax.f32 v5, $0.0e+00;
	v7 =	vld [tilespmem:s12+$0xFFFFFFF0];
	[tilespmem:s17+$0xC0] =	vst v4  }
0xd2: {  	v1 =	vadd.f32 v10, v1;
	v10 =	vadd.f32 v15, v14;
	v4 =	vshll.u32 v17, $0x10;
	v51 =	vld [tilespmem:s4+$0x50]  }
0xd3: {  	v18 =	vshll.u32 v12, $0x10;
	v19 =	vshll.u32 v8, $0x10;
	v2 =	vadd.f32 v6, v4;
	v6 =	vld [tilespmem:s2+$0x50]  }
0xd4: {  	v50 =	vld [tilespmem:s13+$0xFFFFFFB0];
	[tilespmem:s10+$0x60] =	vst v5;
	v12 =	vand.u32 $0xFFFF0000, v12;
	v8 =	vand.u32 $0xFFFF0000, v8;
	v1 =	vmax.f32 v1, $0.0e+00  }
0xd5: {  	v13 =	vld [tilespmem:s12+$0xFFFFFFB0];
	v5 =	vmax.f32 v10, $0.0e+00;
	v4 =	vadd.f32 v9, v11;
	v8 =	vadd.f32 v8, v12;
	[tilespmem:s17+$0xFFFFFF80] =	vst v1  }
0xd6: {  	v3 =	vmax.f32 v3, $0.0e+00;
	v10 =	vld [tilespmem:s12+$0x30];
	v11 =	vadd.f32 v19, v18;
	[tilespmem:s17+$0xFFFFFFC0] =	vst v5;
	v2 =	vmax.f32 v2, $0.0e+00  }
0xd7: {  	v9 =	vld [tilespmem:s13+$0xFFFFFFF0];
	v8 =	vmax.f32 v8, $0.0e+00;
	v53 =	vshll.u32 v7, $0x10;
	[tilespmem:s17+$0xFFFFFF00] =	vst v2;
	v2 =	vmax.f32 v4, $0.0e+00  }
0xd8: {  	v52 =	vld [tilespmem:s4+$0xFFFFFFD0];
	[tilespmem:s17+$0xFFFFFF40] =	vst v2;
	v2 =	vmax.f32 v11, $0.0e+00;
	v1 =	vshll.u32 v51, $0x10;
	v14 =	vshll.u32 v6, $0x10  }
0xd9: {  	v4 =	vld [tilespmem:s13+$0x30];
	v5 =	vand.u32 $0xFFFF0000, v51;
	v6 =	vand.u32 $0xFFFF0000, v6;
	v1 =	vadd.f32 v14, v1  }
0xda: {  	v7 =	vand.u32 $0xFFFF0000, v7;
	v11 =	vshll.u32 v50, $0x10;
	v12 =	vld [tilespmem:s4+$0xFFFFFF90];
	[tilespmem:s17+$0x0] =	vst v2;
	v2 =	vadd.f32 v6, v5  }
0xdb: {  	[tilespmem:s17+$0x40] =	vst v8;
	v22 =	vshll.u32 v10, $0x10;
	v10 =	vand.u32 $0xFFFF0000, v10;
	v15 =	vld [tilespmem:s2+$0xFFFFFF90];
	v1 =	vmax.f32 v1, $0.0e+00  }
0xdc: {  	v14 =	vshll.u32 v13, $0x10;
	v6 =	vand.u32 $0xFFFF0000, v13;
	v13 =	vld [tilespmem:s2+$0xFFFFFFD0];
	[tilespmem:s17+$0x90] =	vst v1;
	v1 =	vmax.f32 v2, $0.0e+00  }
0xdd: {  	v8 =	vshll.u32 v9, $0x10;
	v5 =	vand.u32 $0xFFFF0000, v50;
	v54 =	vld [tilespmem:s4+$0x10];
	v56 =	vshll.u32 v52, $0x10;
	[tilespmem:s17+$0xD0] =	vst v1  }
0xde: {  	v17 =	vand.u32 $0xFFFF0000, v52;
	v8 =	vadd.f32 v53, v8;
	v5 =	vadd.f32 v6, v5;
	v21 =	vld [tilespmem:s4+$0x60]  }
0xdf: {  	v6 =	vmax.f32 v0, $0.0e+00;
	v2 =	vand.u32 $0xFFFF0000, v9;
	v9 =	vshll.u32 v12, $0x10;
	v23 =	vld [tilespmem:s2+$0x60]  }
0xe0: {  	v12 =	vand.u32 $0xFFFF0000, v12;
	v1 =	vshll.u32 v4, $0x10;
	v20 =	vshll.u32 v15, $0x10  }
0xe1: {  	v55 =	vld [tilespmem:s2+$0x10];
	v15 =	vand.u32 $0xFFFF0000, v15;
	v4 =	vand.u32 $0xFFFF0000, v4;
	v9 =	vadd.f32 v20, v9  }
0xe2: {  	v12 =	vadd.f32 v15, v12;
	v15 =	vshll.u32 v13, $0x10;
	v13 =	vand.u32 $0xFFFF0000, v13  }
0xe3: {  	v57 =	vshll.u32 v54, $0x10;
	v18 =	vand.u32 $0xFFFF0000, v54;
	v9 =	vmax.f32 v9, $0.0e+00  }
0xe4: {  	[tilespmem:s17+$0xFFFFFF10] =	vst v9;
	v9 =	vmax.f32 v12, $0.0e+00;
	v12 =	vshll.u32 v21, $0x10;
	v59 =	vshll.u32 v23, $0x10  }
0xe5: {  	[tilespmem:s17+$0xFFFFFF50] =	vst v9;
	v9 =	vand.u32 $0xFFFF0000, v21;
	v60 =	vand.u32 $0xFFFF0000, v23;
	v12 =	vadd.f32 v59, v12  }
0xe6: {  	[tilespmem:s10+$0xF0] =	vst v3;
	v58 =	vshll.u32 v55, $0x10;
	v19 =	vand.u32 $0xFFFF0000, v55;
	v61 =	vld [tilespmem:s4+$0xFFFFFFA0];
	v9 =	vadd.f32 v60, v9  }
0xe7: {  	[tilespmem:s10+$0xB0] =	vst v6;
	v15 =	vadd.f32 v15, v56;
	v13 =	vadd.f32 v13, v17;
	v62 =	vld [tilespmem:s2+$0xFFFFFFA0];
	v12 =	vmax.f32 v12, $0.0e+00  }
0xe8: {  	v17 =	vadd.f32 v58, v57;
	v3 =	vadd.f32 v19, v18;
	v9 =	vmax.f32 v9, $0.0e+00;
	[tilespmem:s17+$0xA0] =	vst v12  }
0xe9: {  	v1 =	vadd.f32 v22, v1;
	v15 =	vmax.f32 v15, $0.0e+00;
	v13 =	vmax.f32 v13, $0.0e+00;
	[tilespmem:s17+$0xE0] =	vst v9  }
0xea: {  	v3 =	vmax.f32 v3, $0.0e+00;
	[tilespmem:s17+$0xFFFFFF90] =	vst v15;
	v15 =	vmax.f32 v17, $0.0e+00;
	v9 =	vadd.f32 v14, v11;
	v11 =	vld [tilespmem:s4+$0x70]  }
0xeb: {  	[tilespmem:s17+$0xFFFFFFD0] =	vst v13;
	v12 =	vadd.f32 v7, v2;
	v2 =	vadd.f32 v10, v4;
	v7 =	vshll.u32 v61, $0x10;
	v14 =	vld [tilespmem:s2+$0x70]  }
0xec: {  	[tilespmem:s17+$0x10] =	vst v15;
	v0 =	vld [tilespmem:s4+$0xFFFFFFE0];
	v13 =	vand.u32 $0xFFFF0000, v61;
	v15 =	vshll.u32 v62, $0x10;
	v63 =	vand.u32 $0xFFFF0000, v62  }
0xed: {  	[tilespmem:s17+$0x50] =	vst v3;
	v10 =	vadd.f32 v15, v7;
	v13 =	vadd.f32 v63, v13;
	v3 =	vmax.f32 v9, $0.0e+00;
	v7 =	vld [tilespmem:s2+$0xFFFFFFE0]  }
0xee: {  	v6 =	vld [tilespmem:s4+$0x20];
	v4 =	vmax.f32 v8, $0.0e+00;
	v9 =	vmax.f32 v5, $0.0e+00;
	[tilespmem:s10+$0xFFFFFF30] =	vst v3;
	v3 =	vmax.f32 v12, $0.0e+00  }
0xef: {  	s3 =	smov.u32 s31;
	s31 =	smov.u32 s28;
	v8 =	vld [tilespmem:s2+$0x20];
	[tilespmem:s10+$0xFFFFFF70] =	vst v9;
	v10 =	vmax.f32 v10, $0.0e+00;
	v12 =	vmax.f32 v13, $0.0e+00;
	v5 =	vshll.u32 v11, $0x10  }
0xf0: {  	s28 =	simm.s32 $0x500;
	s12 =	simm.s32 $0x1800;
	s13 =	simm.s32 $0x4;
	[tilespmem:s17+$0xFFFFFF20] =	vst v10;
	v9 =	vshll.u32 v14, $0x10;
	v10 =	vand.u32 $0xFFFF0000, v11;
	v11 =	vand.u32 $0xFFFF0000, v14  }
.LBB2_3:
0xf1: {  	v13 =	vld [tilespmem:s28+$0x40];
	[tilespmem:s17+$0xFFFFFF60] =	vst v12;
	v12 =	vshll.u32 v0, $0x10;
	v14 =	vand.u32 $0xFFFF0000, v0;
	v10 =	vadd.f32 v11, v10;
	s2 =	sadd.s32 $0x100, s2  }
0xf2: {  	v0 =	vadd.f32 v9, v5;
	v11 =	vld [tilespmem:s2+$0x40];
	v15 =	vshll.u32 v7, $0x10;
	v7 =	vand.u32 $0xFFFF0000, v7;
	[tilespmem:s10+$0xFFFFFFB0] =	vst v4  }
0xf3: {  	v4 =	vld [tilespmem:s2+$0xFFFFFF80];
	v5 =	vshll.u32 v6, $0x10;
	v6 =	vand.u32 $0xFFFF0000, v6;
	v9 =	vmax.f32 v10, $0.0e+00;
	[tilespmem:s10+$0xFFFFFFF0] =	vst v3  }
0xf4: {  	v10 =	vadd.f32 v15, v12;
	v3 =	vld [tilespmem:s28+$0xFFFFFFC0];
	v12 =	vshll.u32 v8, $0x10;
	v8 =	vand.u32 $0xFFFF0000, v8;
	[tilespmem:s17+$0xF0] =	vst v9  }
0xf5: {  	v1 =	vmax.f32 v1, $0.0e+00;
	v7 =	vadd.f32 v7, v14;
	v9 =	vld [tilespmem:s2+$0xFFFFFFC0];
	v5 =	vadd.f32 v12, v5  }
0xf6: {  	v10 =	vmax.f32 v10, $0.0e+00;
	v6 =	vadd.f32 v8, v6;
	v12 =	vld [tilespmem:s28+$0x0];
	[tilespmem:s10+$0x30] =	vst v1;
	v1 =	vmax.f32 v2, $0.0e+00  }
0xf7: {  	v7 =	vmax.f32 v7, $0.0e+00;
	v8 =	vshll.u32 v13, $0x10;
	v2 =	vld [tilespmem:s2+$0x0];
	v14 =	vshll.u32 v11, $0x10;
	[tilespmem:s17+$0xFFFFFFA0] =	vst v10  }
0xf8: {  	s13 =	sadd.s32 $0x4, s13;
	v13 =	vand.u32 $0xFFFF0000, v13;
	v11 =	vand.u32 $0xFFFF0000, v11;
	v10 =	vld [tilespmem:s28+$0xFFFFFF80];
	v8 =	vadd.f32 v14, v8;
	[tilespmem:s17+$0xFFFFFFE0] =	vst v7  }
0xf9: {  	p1 =	slt.u32 s13, $0x4C;
	v7 =	vshll.u32 v4, $0x10;
	v4 =	vand.u32 $0xFFFF0000, v4;
	v11 =	vadd.f32 v11, v13;
	v13 =	vld [tilespmem:s4+$0xFFFFFFB0];
	[tilespmem:s10+$0x70] =	vst v1;
	s10 =	smov.u32 s17  }
0xfa: {  	v1 =	vshll.u32 v3, $0x10;
	s17 =	sadd.s32 $0x200, s17;
	v14 =	vshll.u32 v9, $0x10;
	v8 =	vmax.f32 v8, $0.0e+00;
	v15 =	vld [tilespmem:s12+$0xFFFFFFB0]  }
0xfb: {  	v3 =	vand.u32 $0xFFFF0000, v3;
	v9 =	vand.u32 $0xFFFF0000, v9;
	[tilespmem:s17+$0x80] =	vst v8;
	v8 =	vmax.f32 v11, $0.0e+00;
	v11 =	vld [tilespmem:s4+$0xFFFFFFF0]  }
0xfc: {  	v16 =	vshll.u32 v12, $0x10;
	v12 =	vand.u32 $0xFFFF0000, v12;
	v17 =	vshll.u32 v2, $0x10;
	[tilespmem:s17+$0xC0] =	vst v8;
	v8 =	vld [tilespmem:s12+$0xFFFFFFF0]  }
0xfd: {  	v2 =	vand.u32 $0xFFFF0000, v2;
	v18 =	vshll.u32 v10, $0x10;
	v10 =	vand.u32 $0xFFFF0000, v10;
	v19 =	vld [tilespmem:s28+$0x50]  }
0xfe: {  	v5 =	vmax.f32 v5, $0.0e+00;
	v7 =	vadd.f32 v7, v18;
	v4 =	vadd.f32 v4, v10;
	v10 =	vld [tilespmem:s2+$0x50]  }
0xff: {  	v1 =	vadd.f32 v14, v1;
	v3 =	vadd.f32 v9, v3;
	[tilespmem:s10+$0x20] =	vst v5;
	v5 =	vmax.f32 v6, $0.0e+00  }
0x100: {  	v2 =	vadd.f32 v2, v12;
	v6 =	vmax.f32 v7, $0.0e+00;
	v7 =	vadd.f32 v17, v16;
	[tilespmem:s10+$0x60] =	vst v5  }
0x101: {  	v1 =	vmax.f32 v1, $0.0e+00;
	v3 =	vmax.f32 v3, $0.0e+00;
	v4 =	vmax.f32 v4, $0.0e+00;
	[tilespmem:s17+$0xFFFFFF00] =	vst v6;
	v5 =	vld [tilespmem:s4+$0x30];
	s4 =	smov.u32 s28  }
0x102: {  	v2 =	vmax.f32 v2, $0.0e+00;
	v6 =	vshll.u32 v13, $0x10;
	[tilespmem:s17+$0xFFFFFF40] =	vst v4;
	v4 =	vmax.f32 v7, $0.0e+00;
	v7 =	vld [tilespmem:s12+$0x30];
	s12 =	smov.u32 s2  }
0x103: {  	v14 =	vshll.u32 v15, $0x10;
	v9 =	vld [tilespmem:s28+$0xFFFFFF90];
	[tilespmem:s17+$0xFFFFFF80] =	vst v1;
	v1 =	vshll.u32 v19, $0x10;
	v12 =	vshll.u32 v10, $0x10  }
0x104: {  	v10 =	vand.u32 $0xFFFF0000, v10;
	v16 =	vld [tilespmem:s2+$0xFFFFFF90];
	[tilespmem:s17+$0xFFFFFFC0] =	vst v3;
	v3 =	vand.u32 $0xFFFF0000, v19;
	v1 =	vadd.f32 v12, v1  }
0x105: {  	v12 =	vld [tilespmem:s28+$0xFFFFFFD0];
	[tilespmem:s17+$0x0] =	vst v4;
	v3 =	vadd.f32 v10, v3;
	v4 =	vand.u32 $0xFFFF0000, v13;
	v10 =	vand.u32 $0xFFFF0000, v15  }
0x106: {  	v15 =	vshll.u32 v8, $0x10;
	v13 =	vld [tilespmem:s2+$0xFFFFFFD0];
	[tilespmem:s17+$0x40] =	vst v2;
	v1 =	vmax.f32 v1, $0.0e+00;
	v2 =	vshll.u32 v11, $0x10  }
0x107: {  	v8 =	vand.u32 $0xFFFF0000, v8;
	v17 =	vld [tilespmem:s28+$0x10];
	[tilespmem:s17+$0x90] =	vst v1;
	v1 =	vmax.f32 v3, $0.0e+00;
	v3 =	vand.u32 $0xFFFF0000, v11  }
0x108: {  	v11 =	vshll.u32 v9, $0x10;
	v9 =	vand.u32 $0xFFFF0000, v9;
	v18 =	vld [tilespmem:s2+$0x10];
	[tilespmem:s17+$0xD0] =	vst v1;
	v1 =	vshll.u32 v5, $0x10  }
0x109: {  	v21 =	vshll.u32 v7, $0x10;
	v19 =	vshll.u32 v16, $0x10;
	v16 =	vand.u32 $0xFFFF0000, v16;
	v20 =	vld [tilespmem:s28+$0x60]  }
0x10a: {  	v11 =	vadd.f32 v19, v11;
	v19 =	vshll.u32 v12, $0x10;
	v12 =	vand.u32 $0xFFFF0000, v12;
	v22 =	vld [tilespmem:s2+$0x60]  }
0x10b: {  	v9 =	vadd.f32 v16, v9;
	v16 =	vshll.u32 v13, $0x10;
	v13 =	vand.u32 $0xFFFF0000, v13  }
0x10c: {  	v16 =	vadd.f32 v16, v19;
	v19 =	vshll.u32 v17, $0x10;
	v17 =	vand.u32 $0xFFFF0000, v17  }
0x10d: {  	v12 =	vadd.f32 v13, v12;
	v13 =	vshll.u32 v18, $0x10;
	v18 =	vand.u32 $0xFFFF0000, v18  }
0x10e: {  	v11 =	vmax.f32 v11, $0.0e+00;
	v13 =	vadd.f32 v13, v19;
	v17 =	vadd.f32 v18, v17  }
0x10f: {  	v9 =	vmax.f32 v9, $0.0e+00;
	[tilespmem:s17+$0xFFFFFF10] =	vst v11;
	v11 =	vshll.u32 v20, $0x10;
	v18 =	vshll.u32 v22, $0x10  }
0x110: {  	v19 =	vand.u32 $0xFFFF0000, v22;
	[tilespmem:s17+$0xFFFFFF50] =	vst v9;
	v9 =	vand.u32 $0xFFFF0000, v20;
	v11 =	vadd.f32 v18, v11  }
0x111: {  	v16 =	vmax.f32 v16, $0.0e+00;
	v12 =	vmax.f32 v12, $0.0e+00;
	v18 =	vld [tilespmem:s28+$0xFFFFFFA0];
	v9 =	vadd.f32 v19, v9  }
0x112: {  	v13 =	vmax.f32 v13, $0.0e+00;
	v19 =	vld [tilespmem:s2+$0xFFFFFFA0];
	[tilespmem:s17+$0xFFFFFF90] =	vst v16;
	v16 =	vmax.f32 v17, $0.0e+00;
	v11 =	vmax.f32 v11, $0.0e+00  }
0x113: {  	v7 =	vand.u32 $0xFFFF0000, v7;
	v5 =	vand.u32 $0xFFFF0000, v5;
	[tilespmem:s17+$0xA0] =	vst v11;
	v9 =	vmax.f32 v9, $0.0e+00  }
0x114: {  	v6 =	vadd.f32 v14, v6;
	v4 =	vadd.f32 v10, v4;
	[tilespmem:s17+$0xE0] =	vst v9;
	v9 =	vmax.f32 v0, $0.0e+00  }
0x115: {  	v3 =	vadd.f32 v8, v3;
	v11 =	vadd.f32 v15, v2;
	[tilespmem:s17+$0xFFFFFFD0] =	vst v12;
	v10 =	vld [tilespmem:s28+$0x70]  }
0x116: {  	v1 =	vadd.f32 v21, v1;
	v8 =	vshll.u32 v18, $0x10;
	v12 =	vand.u32 $0xFFFF0000, v18;
	[tilespmem:s17+$0x10] =	vst v13;
	v13 =	vld [tilespmem:s2+$0x70]  }
.Ltmp0:
0x117: {  	v2 =	vadd.f32 v7, v5;
	v14 =	vshll.u32 v19, $0x10;
	v15 =	vand.u32 $0xFFFF0000, v19;
	v0 =	vld [tilespmem:s28+$0xFFFFFFE0];
	[tilespmem:s17+$0x50] =	vst v16;
	(pc) =	sbr.rel @p1 .LBB2_3-.Ltmp0, $4  }
0x118: {  	v5 =	vadd.f32 v14, v8;
	v8 =	vadd.f32 v15, v12;
	v7 =	vld [tilespmem:s2+$0xFFFFFFE0];
	v12 =	vmax.f32 v6, $0.0e+00;
	[tilespmem:s10+$0xB0] =	vst v9  }
0x119: {  	v3 =	vmax.f32 v3, $0.0e+00;
	v9 =	vmax.f32 v4, $0.0e+00;
	v4 =	vmax.f32 v11, $0.0e+00;
	v6 =	vld [tilespmem:s28+$0x20];
	[tilespmem:s10+$0xFFFFFF30] =	vst v12  }
0x11a: {  	v11 =	vmax.f32 v5, $0.0e+00;
	v12 =	vmax.f32 v8, $0.0e+00;
	v8 =	vld [tilespmem:s2+$0x20];
	v5 =	vshll.u32 v10, $0x10;
	[tilespmem:s10+$0xFFFFFF70] =	vst v9  }
0x11b: {  	s28 =	sadd.s32 $0x100, s28;
	v10 =	vand.u32 $0xFFFF0000, v10;
	[tilespmem:s17+$0xFFFFFF20] =	vst v11;
	v9 =	vshll.u32 v13, $0x10;
	v11 =	vand.u32 $0xFFFF0000, v13  }
0x11c: {  	_ = 	snop  }
0x11d: {  	v13 =	vshll.u32 v0, $0x10;
	v14 =	vshll.u32 v7, $0x10  }
0x11e: {  	v0 =	vand.u32 $0xFFFF0000, v0;
	v7 =	vand.u32 $0xFFFF0000, v7;
	v13 =	vadd.f32 v14, v13  }
0x11f: {  	v14 =	vshll.u32 v6, $0x10;
	v0 =	vadd.f32 v7, v0  }
0x120: {  	[tilespmem:s17+$0xFFFFFF60] =	vst v12;
	v6 =	vand.u32 $0xFFFF0000, v6;
	v7 =	vshll.u32 v8, $0x10;
	v12 =	vmax.f32 v13, $0.0e+00  }
0x121: {  	v8 =	vand.u32 $0xFFFF0000, v8;
	v7 =	vadd.f32 v7, v14;
	v0 =	vmax.f32 v0, $0.0e+00;
	[tilespmem:s17+$0xFFFFFFA0] =	vst v12;
	v12 =	vld [tilespmem:s4+$0xFFFFFFB0]  }
0x122: {  	v6 =	vadd.f32 v8, v6;
	[tilespmem:s17+$0xFFFFFFE0] =	vst v0;
	v0 =	vld [tilespmem:s12+$0xFFFFFFB0]  }
0x123: {  	v8 =	vld [tilespmem:s4+$0xFFFFFFF0];
	v7 =	vmax.f32 v7, $0.0e+00  }
0x124: {  	v5 =	vadd.f32 v9, v5;
	v13 =	vld [tilespmem:s12+$0xFFFFFFF0];
	v6 =	vmax.f32 v6, $0.0e+00;
	[tilespmem:s17+$0x20] =	vst v7  }
0x125: {  	v7 =	vadd.f32 v11, v10;
	[tilespmem:s17+$0x60] =	vst v6  }
0x126: {  	[tilespmem:s10+$0xFFFFFFB0] =	vst v4;
	v1 =	vmax.f32 v1, $0.0e+00;
	v2 =	vmax.f32 v2, $0.0e+00;
	v5 =	vmax.f32 v5, $0.0e+00;
	v6 =	vld [tilespmem:s4+$0x30]  }
0x127: {  	[tilespmem:s10+$0xFFFFFFF0] =	vst v3;
	v4 =	vmax.f32 v7, $0.0e+00;
	v7 =	vld [tilespmem:s12+$0x30];
	v3 =	vshll.u32 v12, $0x10;
	v9 =	vshll.u32 v0, $0x10  }
0x128: {  	v10 =	vand.u32 $0xFFFF0000, v12;
	[tilespmem:s17+$0xF0] =	vst v4;
	v0 =	vand.u32 $0xFFFF0000, v0;
	v4 =	vshll.u32 v8, $0x10  }
0x129: {  	[tilespmem:s10+$0x30] =	vst v1;
	v11 =	vshll.u32 v13, $0x10;
	v1 =	vand.u32 $0xFFFF0000, v8;
	v3 =	vadd.f32 v9, v3  }
0x12a: {  	[tilespmem:s10+$0x70] =	vst v2;
	v8 =	vand.u32 $0xFFFF0000, v13;
	v0 =	vadd.f32 v0, v10;
	v4 =	vadd.f32 v11, v4  }
0x12b: {  	[tilespmem:s17+$0xB0] =	vst v5;
	v1 =	vadd.f32 v8, v1;
	v2 =	vshll.u32 v6, $0x10;
	v3 =	vmax.f32 v3, $0.0e+00  }
0x12c: {  	v5 =	vand.u32 $0xFFFF0000, v6;
	v0 =	vmax.f32 v0, $0.0e+00;
	v9 =	vshll.u32 v7, $0x10;
	[tilespmem:s17+$0xFFFFFF30] =	vst v3  }
0x12d: {  	v3 =	vand.u32 $0xFFFF0000, v7;
	v4 =	vmax.f32 v4, $0.0e+00;
	[tilespmem:s17+$0xFFFFFF70] =	vst v0;
	v2 =	vadd.f32 v9, v2  }
0x12e: {  	v1 =	vmax.f32 v1, $0.0e+00;
	v0 =	vadd.f32 v3, v5;
	[tilespmem:s17+$0xFFFFFFB0] =	vst v4  }
0x12f: {  	[tilespmem:s17+$0xFFFFFFF0] =	vst v1;
	v1 =	vmax.f32 v2, $0.0e+00  }
0x130: {  	v0 =	vmax.f32 v0, $0.0e+00;
	[tilespmem:s17+$0x30] =	vst v1  }
0x131: {  	[tilespmem:s17+$0x70] =	vst v0  }
0x132: {  	_ =	swait.ge [sflag:s15], $0x1400  }
0x133: {  	[sflag:s15] =	ssyncset.done $0x0  }
0x134: {  	[sflag:s15] =	ssyncadd.s32 $0xFFFFEC00  }
0x135: {  	_ =	swait.ge [sflag:s15], $0x1400  }
0x136: {  	[sflag:s15] =	ssyncset.done $0x0  }
0x137: {  	s0 =	simm.s32 $0x5280;
	[sflag:s15] =	ssyncadd.s32 $0xFFFFEC00  }
0x138: {  	[spmem:s18] =	stream.indirect.scatter.add.f32 [tilespmem:s0], [sflag:$0x5], $0x80, s1, s7, $0xb8;
	[tilespmem:$0x1F300] =	vst v63  }
0x139: {  	_ =	swait.ge [sflag:s23], $0x2800  }
0x13a: {  	s2 =	sadd.s32 $0x3C0, s5;
	[sflag:s23] =	ssyncset.done $0x0  }
0x13b: {  	s9 =	simm.s32 $0xF0;
	s8 =	sadd.s32 s19, s2;
	[sflag:s23] =	ssyncadd.s32 $0xFFFFD800  }
0x13c: {  	[tilespmem:s9], [sflag:$0x2] =	stream.linear.gather [hbm4b:s8+s1], $0x50, $0x38;
	[tilespmem:$0x1F300] =	vst v63  }
0x13d: {  	s2 =	sadd.s32 s20, s2;
	s10 =	simm.s32 $0x230  }
0x13e: {  	[tilespmem:s10], [sflag:$0x2] =	stream.linear.gather [hbm4b:s2+s1], $0x50, $0x38;
	[tilespmem:$0x1F300] =	vst v63  }
0x13f: {  	_ =	swait.ge [sflag:s24], $0x50  }
0x140: {  	[sflag:s24] =	ssyncset.done $0x0  }
0x141: {  	[sflag:s24] =	ssyncadd.s32 $0xFFFFFFB0  }
0x142: {  	_ =	swait.ge [sflag:s24], $0x50  }
0x143: {  	[sflag:s24] =	ssyncset.done $0x0  }
0x144: {  	s12 =	simm.s32 $0x280;
	[sflag:s24] =	ssyncadd.s32 $0xFFFFFFB0  }
0x145: {  	[tilespmem:s12], [sflag:$0x3] =	stream.indirect.gather [hbm4b:s21+s7], $0x40, s26, s7, $0xb8;
	[tilespmem:$0x1F300] =	vst v63  }
0x146: {  	s13 =	simm.s32 $0x1680;
	s17 =	simm.s32 $0x1E0  }
0x147: {  	[tilespmem:s13], [sflag:$0x3] =	stream.indirect.gather [hbm4b:s22+s7], $0x40, s17, s7, $0xb8;
	[tilespmem:$0x1F300] =	vst v63  }
0x148: {  	s13 =	simm.s32 $0x2B00  }
0x149: {  	s28 =	simm.s32 $0x3F00;
	v0 =	vld [tilespmem:s13+$0x40]  }
0x14a: {  	v1 =	vld [tilespmem:s28+$0x40];
	_ =	sdelay $0x3  }
0x14b: {  	v4 =	vld [tilespmem:s28+$0xFFFFFF80]  }
0x14c: {  	v5 =	vld [tilespmem:s28+$0xFFFFFFC0];
	v2 =	vshll.u32 v0, $0x10;
	v3 =	vshll.u32 v1, $0x10  }
0x14d: {  	v0 =	vand.u32 $0xFFFF0000, v0;
	v1 =	vand.u32 $0xFFFF0000, v1;
	v2 =	vadd.f32 v3, v2;
	v3 =	vld [tilespmem:s13+$0xFFFFFFC0]  }
0x14e: {  	v0 =	vadd.f32 v1, v0;
	v1 =	vld [tilespmem:s13+$0xFFFFFF80]  }
0x14f: {  	s5 =	simm.s32 $0x7B80;
	v2 =	vmax.f32 v2, $0.0e+00  }
0x150: {  	v0 =	vmax.f32 v0, $0.0e+00;
	[tilespmem:s5+$0x80] =	vst v2  }
0x151: {  	v10 =	vshll.u32 v5, $0x10;
	[tilespmem:s5+$0xC0] =	vst v0  }
0x152: {  	v5 =	vand.u32 $0xFFFF0000, v5;
	v2 =	vshll.u32 v4, $0x10;
	v4 =	vand.u32 $0xFFFF0000, v4;
	v0 =	vld [tilespmem:s13+$0x50]  }
0x153: {  	v6 =	vld [tilespmem:s28+$0x50];
	v7 =	vshll.u32 v3, $0x10;
	v8 =	vshll.u32 v1, $0x10;
	v1 =	vand.u32 $0xFFFF0000, v1  }
0x154: {  	v9 =	vld [tilespmem:s13+$0x0];
	v3 =	vand.u32 $0xFFFF0000, v3;
	v2 =	vadd.f32 v2, v8;
	v1 =	vadd.f32 v4, v1  }
0x155: {  	v4 =	vld [tilespmem:s28+$0x0];
	v7 =	vadd.f32 v10, v7;
	v3 =	vadd.f32 v5, v3  }
0x156: {  	v2 =	vmax.f32 v2, $0.0e+00  }
0x157: {  	v1 =	vmax.f32 v1, $0.0e+00;
	v3 =	vmax.f32 v3, $0.0e+00;
	[tilespmem:s5+$0xFFFFFF00] =	vst v2;
	v2 =	vmax.f32 v7, $0.0e+00  }
0x158: {  	v5 =	vshll.u32 v0, $0x10;
	v7 =	vshll.u32 v6, $0x10;
	[tilespmem:s5+$0xFFFFFF40] =	vst v1;
	v0 =	vand.u32 $0xFFFF0000, v0  }
0x159: {  	v1 =	vand.u32 $0xFFFF0000, v6;
	v6 =	vshll.u32 v9, $0x10;
	v5 =	vadd.f32 v7, v5;
	v7 =	vld [tilespmem:s13+$0xFFFFFF90]  }
0x15a: {  	[tilespmem:s5+$0xFFFFFF80] =	vst v2;
	v0 =	vadd.f32 v1, v0;
	v2 =	vand.u32 $0xFFFF0000, v9;
	v8 =	vld [tilespmem:s28+$0xFFFFFF90];
	v1 =	vshll.u32 v4, $0x10  }
0x15b: {  	[tilespmem:s5+$0xFFFFFFC0] =	vst v3;
	v4 =	vand.u32 $0xFFFF0000, v4;
	v3 =	vmax.f32 v5, $0.0e+00;
	v1 =	vadd.f32 v1, v6  }
0x15c: {  	v5 =	vld [tilespmem:s13+$0xFFFFFFD0];
	v0 =	vmax.f32 v0, $0.0e+00;
	v2 =	vadd.f32 v4, v2;
	[tilespmem:s5+$0x90] =	vst v3  }
0x15d: {  	v3 =	vld [tilespmem:s28+$0xFFFFFFD0];
	[tilespmem:s5+$0xD0] =	vst v0;
	v0 =	vmax.f32 v1, $0.0e+00  }
0x15e: {  	v1 =	vld [tilespmem:s13+$0x60];
	v2 =	vmax.f32 v2, $0.0e+00;
	[tilespmem:s5+$0x0] =	vst v0  }
0x15f: {  	v0 =	vld [tilespmem:s28+$0x60];
	[tilespmem:s5+$0x40] =	vst v2;
	v2 =	vshll.u32 v7, $0x10;
	v4 =	vshll.u32 v8, $0x10  }
0x160: {  	v7 =	vand.u32 $0xFFFF0000, v7;
	v8 =	vand.u32 $0xFFFF0000, v8;
	v2 =	vadd.f32 v4, v2  }
0x161: {  	v7 =	vadd.f32 v8, v7  }
0x162: {  	v6 =	vld [tilespmem:s13+$0x10];
	v4 =	vshll.u32 v5, $0x10;
	v5 =	vand.u32 $0xFFFF0000, v5;
	v2 =	vmax.f32 v2, $0.0e+00  }
0x163: {  	v8 =	vld [tilespmem:s28+$0x10];
	v9 =	vshll.u32 v3, $0x10;
	v3 =	vand.u32 $0xFFFF0000, v3;
	[tilespmem:s5+$0xFFFFFF10] =	vst v2;
	v2 =	vmax.f32 v7, $0.0e+00  }
0x164: {  	v7 =	vshll.u32 v1, $0x10;
	v1 =	vand.u32 $0xFFFF0000, v1;
	v10 =	vshll.u32 v0, $0x10  }
0x165: {  	v4 =	vadd.f32 v9, v4;
	[tilespmem:s5+$0xFFFFFF50] =	vst v2;
	v0 =	vand.u32 $0xFFFF0000, v0;
	v2 =	vadd.f32 v10, v7  }
0x166: {  	v3 =	vadd.f32 v3, v5;
	v9 =	vld [tilespmem:s13+$0xFFFFFFA0];
	v0 =	vadd.f32 v0, v1  }
0x167: {  	v7 =	vshll.u32 v6, $0x10;
	v1 =	vand.u32 $0xFFFF0000, v6;
	v5 =	vld [tilespmem:s28+$0xFFFFFFA0];
	v2 =	vmax.f32 v2, $0.0e+00  }
0x168: {  	s4 =	simm.s32 $0x2C00;
	v6 =	vshll.u32 v8, $0x10;
	v8 =	vand.u32 $0xFFFF0000, v8;
	v0 =	vmax.f32 v0, $0.0e+00;
	[tilespmem:s5+$0xA0] =	vst v2  }
0x169: {  	v14 =	vld [tilespmem:s4+$0xFFFFFFC0];
	v4 =	vmax.f32 v4, $0.0e+00;
	v1 =	vadd.f32 v8, v1;
	v2 =	vadd.f32 v6, v7;
	[tilespmem:s5+$0xE0] =	vst v0  }
0x16a: {  	[tilespmem:s5+$0xFFFFFF90] =	vst v4;
	v0 =	vmax.f32 v3, $0.0e+00;
	v3 =	vld [tilespmem:s13+$0x70]  }
0x16b: {  	v1 =	vmax.f32 v1, $0.0e+00;
	[tilespmem:s5+$0xFFFFFFD0] =	vst v0;
	v4 =	vld [tilespmem:s28+$0x70];
	v2 =	vmax.f32 v2, $0.0e+00;
	v0 =	vshll.u32 v9, $0x10  }
0x16c: {  	v6 =	vand.u32 $0xFFFF0000, v9;
	v7 =	vld [tilespmem:s13+$0xFFFFFFE0];
	[tilespmem:s5+$0x10] =	vst v2;
	v2 =	vshll.u32 v5, $0x10;
	v5 =	vand.u32 $0xFFFF0000, v5  }
0x16d: {  	[tilespmem:s5+$0x50] =	vst v1;
	v0 =	vadd.f32 v2, v0;
	v1 =	vadd.f32 v5, v6;
	v2 =	vld [tilespmem:s28+$0xFFFFFFE0]  }
0x16e: {  	v5 =	vld [tilespmem:s13+$0x20]  }
0x16f: {  	v8 =	vld [tilespmem:s28+$0x20];
	v6 =	vmax.f32 v0, $0.0e+00;
	v1 =	vmax.f32 v1, $0.0e+00;
	v0 =	vshll.u32 v3, $0x10  }
0x170: {  	s2 =	simm.s32 $0x4000;
	v10 =	vld [tilespmem:s4+$0x40];
	v9 =	vshll.u32 v4, $0x10;
	v3 =	vand.u32 $0xFFFF0000, v3;
	v4 =	vand.u32 $0xFFFF0000, v4  }
0x171: {  	v11 =	vshll.u32 v7, $0x10;
	v7 =	vand.u32 $0xFFFF0000, v7;
	v3 =	vadd.f32 v4, v3;
	v4 =	vld [tilespmem:s2+$0x40]  }
0x172: {  	v0 =	vadd.f32 v9, v0;
	[tilespmem:s5+$0xFFFFFF60] =	vst v1;
	v1 =	vshll.u32 v14, $0x10;
	v12 =	vshll.u32 v2, $0x10  }
0x173: {  	v2 =	vand.u32 $0xFFFF0000, v2;
	v13 =	vshll.u32 v5, $0x10;
	v5 =	vand.u32 $0xFFFF0000, v5  }
0x174: {  	v9 =	vld [tilespmem:s2+$0xFFFFFF80];
	v11 =	vadd.f32 v12, v11;
	v12 =	vshll.u32 v8, $0x10;
	v8 =	vand.u32 $0xFFFF0000, v8  }
0x175: {  	v15 =	vld [tilespmem:s2+$0xFFFFFFC0];
	v2 =	vadd.f32 v2, v7;
	v7 =	vadd.f32 v12, v13;
	v13 =	vshll.u32 v10, $0x10  }
0x176: {  	v17 =	vld [tilespmem:s4+$0xFFFFFF80];
	[tilespmem:s5+$0xFFFFFF20] =	vst v6;
	v10 =	vand.u32 $0xFFFF0000, v10;
	v11 =	vmax.f32 v11, $0.0e+00;
	v16 =	vshll.u32 v4, $0x10  }
0x177: {  	v12 =	vld [tilespmem:s4+$0x0];
	v2 =	vmax.f32 v2, $0.0e+00;
	v4 =	vand.u32 $0xFFFF0000, v4;
	v13 =	vadd.f32 v16, v13;
	[tilespmem:s5+$0xFFFFFFA0] =	vst v11  }
0x178: {  	v5 =	vadd.f32 v8, v5;
	v8 =	vld [tilespmem:s2+$0x0];
	v4 =	vadd.f32 v4, v10;
	[tilespmem:s5+$0xFFFFFFE0] =	vst v2;
	v7 =	vmax.f32 v7, $0.0e+00  }
0x179: {  	s10 =	simm.s32 $0x7D80;
	v14 =	vand.u32 $0xFFFF0000, v14;
	v6 =	vshll.u32 v9, $0x10;
	[tilespmem:s5+$0x20] =	vst v7;
	v13 =	vmax.f32 v13, $0.0e+00  }
0x17a: {  	v9 =	vand.u32 $0xFFFF0000, v9;
	v10 =	vshll.u32 v15, $0x10;
	v4 =	vmax.f32 v4, $0.0e+00;
	[tilespmem:s10+$0x80] =	vst v13  }
0x17b: {  	v15 =	vand.u32 $0xFFFF0000, v15;
	v11 =	vand.u32 $0xFFFF0000, v17;
	v5 =	vmax.f32 v5, $0.0e+00;
	v7 =	vld [tilespmem:s28+$0xFFFFFFF0];
	[tilespmem:s10+$0xC0] =	vst v4  }
0x17c: {  	v1 =	vadd.f32 v10, v1;
	v10 =	vadd.f32 v15, v14;
	v4 =	vshll.u32 v17, $0x10;
	v51 =	vld [tilespmem:s4+$0x50]  }
0x17d: {  	v18 =	vshll.u32 v12, $0x10;
	v19 =	vshll.u32 v8, $0x10;
	v2 =	vadd.f32 v6, v4;
	v6 =	vld [tilespmem:s2+$0x50]  }
0x17e: {  	v50 =	vld [tilespmem:s13+$0xFFFFFFB0];
	[tilespmem:s5+$0x60] =	vst v5;
	v12 =	vand.u32 $0xFFFF0000, v12;
	v8 =	vand.u32 $0xFFFF0000, v8;
	v1 =	vmax.f32 v1, $0.0e+00  }
0x17f: {  	v13 =	vld [tilespmem:s28+$0xFFFFFFB0];
	v5 =	vmax.f32 v10, $0.0e+00;
	v4 =	vadd.f32 v9, v11;
	v8 =	vadd.f32 v8, v12;
	[tilespmem:s10+$0xFFFFFF80] =	vst v1  }
0x180: {  	v3 =	vmax.f32 v3, $0.0e+00;
	v10 =	vld [tilespmem:s28+$0x30];
	v11 =	vadd.f32 v19, v18;
	[tilespmem:s10+$0xFFFFFFC0] =	vst v5;
	v2 =	vmax.f32 v2, $0.0e+00  }
0x181: {  	v9 =	vld [tilespmem:s13+$0xFFFFFFF0];
	v8 =	vmax.f32 v8, $0.0e+00;
	v53 =	vshll.u32 v7, $0x10;
	[tilespmem:s10+$0xFFFFFF00] =	vst v2;
	v2 =	vmax.f32 v4, $0.0e+00  }
0x182: {  	v52 =	vld [tilespmem:s4+$0xFFFFFFD0];
	[tilespmem:s10+$0xFFFFFF40] =	vst v2;
	v2 =	vmax.f32 v11, $0.0e+00;
	v1 =	vshll.u32 v51, $0x10;
	v14 =	vshll.u32 v6, $0x10  }
0x183: {  	v4 =	vld [tilespmem:s13+$0x30];
	v5 =	vand.u32 $0xFFFF0000, v51;
	v6 =	vand.u32 $0xFFFF0000, v6;
	v1 =	vadd.f32 v14, v1  }
0x184: {  	v7 =	vand.u32 $0xFFFF0000, v7;
	v11 =	vshll.u32 v50, $0x10;
	v12 =	vld [tilespmem:s4+$0xFFFFFF90];
	[tilespmem:s10+$0x0] =	vst v2;
	v2 =	vadd.f32 v6, v5  }
0x185: {  	[tilespmem:s10+$0x40] =	vst v8;
	v22 =	vshll.u32 v10, $0x10;
	v10 =	vand.u32 $0xFFFF0000, v10;
	v15 =	vld [tilespmem:s2+$0xFFFFFF90];
	v1 =	vmax.f32 v1, $0.0e+00  }
0x186: {  	v14 =	vshll.u32 v13, $0x10;
	v6 =	vand.u32 $0xFFFF0000, v13;
	v13 =	vld [tilespmem:s2+$0xFFFFFFD0];
	[tilespmem:s10+$0x90] =	vst v1;
	v1 =	vmax.f32 v2, $0.0e+00  }
0x187: {  	v8 =	vshll.u32 v9, $0x10;
	v5 =	vand.u32 $0xFFFF0000, v50;
	v54 =	vld [tilespmem:s4+$0x10];
	v56 =	vshll.u32 v52, $0x10;
	[tilespmem:s10+$0xD0] =	vst v1  }
0x188: {  	v17 =	vand.u32 $0xFFFF0000, v52;
	v8 =	vadd.f32 v53, v8;
	v5 =	vadd.f32 v6, v5;
	v21 =	vld [tilespmem:s4+$0x60]  }
0x189: {  	v6 =	vmax.f32 v0, $0.0e+00;
	v2 =	vand.u32 $0xFFFF0000, v9;
	v9 =	vshll.u32 v12, $0x10;
	v23 =	vld [tilespmem:s2+$0x60]  }
0x18a: {  	v12 =	vand.u32 $0xFFFF0000, v12;
	v1 =	vshll.u32 v4, $0x10;
	v20 =	vshll.u32 v15, $0x10  }
0x18b: {  	v55 =	vld [tilespmem:s2+$0x10];
	v15 =	vand.u32 $0xFFFF0000, v15;
	v4 =	vand.u32 $0xFFFF0000, v4;
	v9 =	vadd.f32 v20, v9  }
0x18c: {  	v12 =	vadd.f32 v15, v12;
	v15 =	vshll.u32 v13, $0x10;
	v13 =	vand.u32 $0xFFFF0000, v13  }
0x18d: {  	v57 =	vshll.u32 v54, $0x10;
	v18 =	vand.u32 $0xFFFF0000, v54;
	v9 =	vmax.f32 v9, $0.0e+00  }
0x18e: {  	[tilespmem:s10+$0xFFFFFF10] =	vst v9;
	v9 =	vmax.f32 v12, $0.0e+00;
	v12 =	vshll.u32 v21, $0x10;
	v59 =	vshll.u32 v23, $0x10  }
0x18f: {  	[tilespmem:s10+$0xFFFFFF50] =	vst v9;
	v9 =	vand.u32 $0xFFFF0000, v21;
	v60 =	vand.u32 $0xFFFF0000, v23;
	v12 =	vadd.f32 v59, v12  }
0x190: {  	[tilespmem:s5+$0xF0] =	vst v3;
	v58 =	vshll.u32 v55, $0x10;
	v19 =	vand.u32 $0xFFFF0000, v55;
	v61 =	vld [tilespmem:s4+$0xFFFFFFA0];
	v9 =	vadd.f32 v60, v9  }
0x191: {  	[tilespmem:s5+$0xB0] =	vst v6;
	v15 =	vadd.f32 v15, v56;
	v13 =	vadd.f32 v13, v17;
	v62 =	vld [tilespmem:s2+$0xFFFFFFA0];
	v12 =	vmax.f32 v12, $0.0e+00  }
0x192: {  	v17 =	vadd.f32 v58, v57;
	v3 =	vadd.f32 v19, v18;
	v9 =	vmax.f32 v9, $0.0e+00;
	[tilespmem:s10+$0xA0] =	vst v12  }
0x193: {  	v1 =	vadd.f32 v22, v1;
	v15 =	vmax.f32 v15, $0.0e+00;
	v13 =	vmax.f32 v13, $0.0e+00;
	[tilespmem:s10+$0xE0] =	vst v9  }
0x194: {  	v3 =	vmax.f32 v3, $0.0e+00;
	[tilespmem:s10+$0xFFFFFF90] =	vst v15;
	v15 =	vmax.f32 v17, $0.0e+00;
	v9 =	vadd.f32 v14, v11;
	v11 =	vld [tilespmem:s4+$0x70]  }
0x195: {  	[tilespmem:s10+$0xFFFFFFD0] =	vst v13;
	v12 =	vadd.f32 v7, v2;
	v2 =	vadd.f32 v10, v4;
	v7 =	vshll.u32 v61, $0x10;
	v14 =	vld [tilespmem:s2+$0x70]  }
0x196: {  	[tilespmem:s10+$0x10] =	vst v15;
	v0 =	vld [tilespmem:s4+$0xFFFFFFE0];
	v13 =	vand.u32 $0xFFFF0000, v61;
	v15 =	vshll.u32 v62, $0x10;
	v63 =	vand.u32 $0xFFFF0000, v62  }
0x197: {  	[tilespmem:s10+$0x50] =	vst v3;
	v10 =	vadd.f32 v15, v7;
	v13 =	vadd.f32 v63, v13;
	v3 =	vmax.f32 v9, $0.0e+00;
	v7 =	vld [tilespmem:s2+$0xFFFFFFE0]  }
0x198: {  	v6 =	vld [tilespmem:s4+$0x20];
	v4 =	vmax.f32 v8, $0.0e+00;
	v9 =	vmax.f32 v5, $0.0e+00;
	[tilespmem:s5+$0xFFFFFF30] =	vst v3;
	v3 =	vmax.f32 v12, $0.0e+00  }
0x199: {  	v8 =	vld [tilespmem:s2+$0x20];
	[tilespmem:s5+$0xFFFFFF70] =	vst v9;
	v10 =	vmax.f32 v10, $0.0e+00;
	v12 =	vmax.f32 v13, $0.0e+00;
	v5 =	vshll.u32 v11, $0x10  }
0x19a: {  	s12 =	simm.s32 $0x4000;
	s17 =	simm.s32 $0x2D00;
	s13 =	simm.s32 $0x4;
	[tilespmem:s10+$0xFFFFFF20] =	vst v10;
	v9 =	vshll.u32 v14, $0x10;
	v10 =	vand.u32 $0xFFFF0000, v11;
	v11 =	vand.u32 $0xFFFF0000, v14  }
.LBB2_5:
0x19b: {  	v13 =	vld [tilespmem:s17+$0x40];
	[tilespmem:s10+$0xFFFFFF60] =	vst v12;
	v12 =	vshll.u32 v0, $0x10;
	v14 =	vand.u32 $0xFFFF0000, v0;
	v10 =	vadd.f32 v11, v10;
	s2 =	sadd.s32 $0x100, s2  }
0x19c: {  	v0 =	vadd.f32 v9, v5;
	v11 =	vld [tilespmem:s2+$0x40];
	v15 =	vshll.u32 v7, $0x10;
	v7 =	vand.u32 $0xFFFF0000, v7;
	[tilespmem:s5+$0xFFFFFFB0] =	vst v4  }
0x19d: {  	v4 =	vld [tilespmem:s2+$0xFFFFFF80];
	v5 =	vshll.u32 v6, $0x10;
	v6 =	vand.u32 $0xFFFF0000, v6;
	v9 =	vmax.f32 v10, $0.0e+00;
	[tilespmem:s5+$0xFFFFFFF0] =	vst v3  }
0x19e: {  	v10 =	vadd.f32 v15, v12;
	v3 =	vld [tilespmem:s17+$0xFFFFFFC0];
	v12 =	vshll.u32 v8, $0x10;
	v8 =	vand.u32 $0xFFFF0000, v8;
	[tilespmem:s10+$0xF0] =	vst v9  }
0x19f: {  	v1 =	vmax.f32 v1, $0.0e+00;
	v7 =	vadd.f32 v7, v14;
	v9 =	vld [tilespmem:s2+$0xFFFFFFC0];
	v5 =	vadd.f32 v12, v5  }
0x1a0: {  	v10 =	vmax.f32 v10, $0.0e+00;
	v6 =	vadd.f32 v8, v6;
	v12 =	vld [tilespmem:s17+$0x0];
	[tilespmem:s5+$0x30] =	vst v1;
	v1 =	vmax.f32 v2, $0.0e+00  }
0x1a1: {  	v7 =	vmax.f32 v7, $0.0e+00;
	v8 =	vshll.u32 v13, $0x10;
	v2 =	vld [tilespmem:s2+$0x0];
	v14 =	vshll.u32 v11, $0x10;
	[tilespmem:s10+$0xFFFFFFA0] =	vst v10  }
0x1a2: {  	s13 =	sadd.s32 $0x4, s13;
	v13 =	vand.u32 $0xFFFF0000, v13;
	v11 =	vand.u32 $0xFFFF0000, v11;
	v10 =	vld [tilespmem:s17+$0xFFFFFF80];
	v8 =	vadd.f32 v14, v8;
	[tilespmem:s10+$0xFFFFFFE0] =	vst v7  }
0x1a3: {  	p1 =	slt.u32 s13, $0x4C;
	v7 =	vshll.u32 v4, $0x10;
	v4 =	vand.u32 $0xFFFF0000, v4;
	v11 =	vadd.f32 v11, v13;
	v13 =	vld [tilespmem:s4+$0xFFFFFFB0];
	[tilespmem:s5+$0x70] =	vst v1;
	s5 =	smov.u32 s10  }
0x1a4: {  	v1 =	vshll.u32 v3, $0x10;
	s10 =	sadd.s32 $0x200, s10;
	v14 =	vshll.u32 v9, $0x10;
	v8 =	vmax.f32 v8, $0.0e+00;
	v15 =	vld [tilespmem:s12+$0xFFFFFFB0]  }
0x1a5: {  	v3 =	vand.u32 $0xFFFF0000, v3;
	v9 =	vand.u32 $0xFFFF0000, v9;
	[tilespmem:s10+$0x80] =	vst v8;
	v8 =	vmax.f32 v11, $0.0e+00;
	v11 =	vld [tilespmem:s4+$0xFFFFFFF0]  }
0x1a6: {  	v16 =	vshll.u32 v12, $0x10;
	v12 =	vand.u32 $0xFFFF0000, v12;
	v17 =	vshll.u32 v2, $0x10;
	[tilespmem:s10+$0xC0] =	vst v8;
	v8 =	vld [tilespmem:s12+$0xFFFFFFF0]  }
0x1a7: {  	v2 =	vand.u32 $0xFFFF0000, v2;
	v18 =	vshll.u32 v10, $0x10;
	v10 =	vand.u32 $0xFFFF0000, v10;
	v19 =	vld [tilespmem:s17+$0x50]  }
0x1a8: {  	v5 =	vmax.f32 v5, $0.0e+00;
	v7 =	vadd.f32 v7, v18;
	v4 =	vadd.f32 v4, v10;
	v10 =	vld [tilespmem:s2+$0x50]  }
0x1a9: {  	v1 =	vadd.f32 v14, v1;
	v3 =	vadd.f32 v9, v3;
	[tilespmem:s5+$0x20] =	vst v5;
	v5 =	vmax.f32 v6, $0.0e+00  }
0x1aa: {  	v2 =	vadd.f32 v2, v12;
	v6 =	vmax.f32 v7, $0.0e+00;
	v7 =	vadd.f32 v17, v16;
	[tilespmem:s5+$0x60] =	vst v5  }
0x1ab: {  	v1 =	vmax.f32 v1, $0.0e+00;
	v3 =	vmax.f32 v3, $0.0e+00;
	v4 =	vmax.f32 v4, $0.0e+00;
	[tilespmem:s10+$0xFFFFFF00] =	vst v6;
	v5 =	vld [tilespmem:s4+$0x30];
	s4 =	smov.u32 s17  }
0x1ac: {  	v2 =	vmax.f32 v2, $0.0e+00;
	v6 =	vshll.u32 v13, $0x10;
	[tilespmem:s10+$0xFFFFFF40] =	vst v4;
	v4 =	vmax.f32 v7, $0.0e+00;
	v7 =	vld [tilespmem:s12+$0x30];
	s12 =	smov.u32 s2  }
0x1ad: {  	v14 =	vshll.u32 v15, $0x10;
	v9 =	vld [tilespmem:s17+$0xFFFFFF90];
	[tilespmem:s10+$0xFFFFFF80] =	vst v1;
	v1 =	vshll.u32 v19, $0x10;
	v12 =	vshll.u32 v10, $0x10  }
0x1ae: {  	v10 =	vand.u32 $0xFFFF0000, v10;
	v16 =	vld [tilespmem:s2+$0xFFFFFF90];
	[tilespmem:s10+$0xFFFFFFC0] =	vst v3;
	v3 =	vand.u32 $0xFFFF0000, v19;
	v1 =	vadd.f32 v12, v1  }
0x1af: {  	v12 =	vld [tilespmem:s17+$0xFFFFFFD0];
	[tilespmem:s10+$0x0] =	vst v4;
	v3 =	vadd.f32 v10, v3;
	v4 =	vand.u32 $0xFFFF0000, v13;
	v10 =	vand.u32 $0xFFFF0000, v15  }
0x1b0: {  	v15 =	vshll.u32 v8, $0x10;
	v13 =	vld [tilespmem:s2+$0xFFFFFFD0];
	[tilespmem:s10+$0x40] =	vst v2;
	v1 =	vmax.f32 v1, $0.0e+00;
	v2 =	vshll.u32 v11, $0x10  }
0x1b1: {  	v8 =	vand.u32 $0xFFFF0000, v8;
	v17 =	vld [tilespmem:s17+$0x10];
	[tilespmem:s10+$0x90] =	vst v1;
	v1 =	vmax.f32 v3, $0.0e+00;
	v3 =	vand.u32 $0xFFFF0000, v11  }
0x1b2: {  	v11 =	vshll.u32 v9, $0x10;
	v9 =	vand.u32 $0xFFFF0000, v9;
	v18 =	vld [tilespmem:s2+$0x10];
	[tilespmem:s10+$0xD0] =	vst v1;
	v1 =	vshll.u32 v5, $0x10  }
0x1b3: {  	v21 =	vshll.u32 v7, $0x10;
	v19 =	vshll.u32 v16, $0x10;
	v16 =	vand.u32 $0xFFFF0000, v16;
	v20 =	vld [tilespmem:s17+$0x60]  }
0x1b4: {  	v11 =	vadd.f32 v19, v11;
	v19 =	vshll.u32 v12, $0x10;
	v12 =	vand.u32 $0xFFFF0000, v12;
	v22 =	vld [tilespmem:s2+$0x60]  }
0x1b5: {  	v9 =	vadd.f32 v16, v9;
	v16 =	vshll.u32 v13, $0x10;
	v13 =	vand.u32 $0xFFFF0000, v13  }
0x1b6: {  	v16 =	vadd.f32 v16, v19;
	v19 =	vshll.u32 v17, $0x10;
	v17 =	vand.u32 $0xFFFF0000, v17  }
0x1b7: {  	v12 =	vadd.f32 v13, v12;
	v13 =	vshll.u32 v18, $0x10;
	v18 =	vand.u32 $0xFFFF0000, v18  }
0x1b8: {  	v11 =	vmax.f32 v11, $0.0e+00;
	v13 =	vadd.f32 v13, v19;
	v17 =	vadd.f32 v18, v17  }
0x1b9: {  	v9 =	vmax.f32 v9, $0.0e+00;
	[tilespmem:s10+$0xFFFFFF10] =	vst v11;
	v11 =	vshll.u32 v20, $0x10;
	v18 =	vshll.u32 v22, $0x10  }
0x1ba: {  	v19 =	vand.u32 $0xFFFF0000, v22;
	[tilespmem:s10+$0xFFFFFF50] =	vst v9;
	v9 =	vand.u32 $0xFFFF0000, v20;
	v11 =	vadd.f32 v18, v11  }
0x1bb: {  	v16 =	vmax.f32 v16, $0.0e+00;
	v12 =	vmax.f32 v12, $0.0e+00;
	v18 =	vld [tilespmem:s17+$0xFFFFFFA0];
	v9 =	vadd.f32 v19, v9  }
0x1bc: {  	v13 =	vmax.f32 v13, $0.0e+00;
	v19 =	vld [tilespmem:s2+$0xFFFFFFA0];
	[tilespmem:s10+$0xFFFFFF90] =	vst v16;
	v16 =	vmax.f32 v17, $0.0e+00;
	v11 =	vmax.f32 v11, $0.0e+00  }
0x1bd: {  	v7 =	vand.u32 $0xFFFF0000, v7;
	v5 =	vand.u32 $0xFFFF0000, v5;
	[tilespmem:s10+$0xA0] =	vst v11;
	v9 =	vmax.f32 v9, $0.0e+00  }
0x1be: {  	v6 =	vadd.f32 v14, v6;
	v4 =	vadd.f32 v10, v4;
	[tilespmem:s10+$0xE0] =	vst v9;
	v9 =	vmax.f32 v0, $0.0e+00  }
0x1bf: {  	v3 =	vadd.f32 v8, v3;
	v11 =	vadd.f32 v15, v2;
	[tilespmem:s10+$0xFFFFFFD0] =	vst v12;
	v10 =	vld [tilespmem:s17+$0x70]  }
0x1c0: {  	v1 =	vadd.f32 v21, v1;
	v8 =	vshll.u32 v18, $0x10;
	v12 =	vand.u32 $0xFFFF0000, v18;
	[tilespmem:s10+$0x10] =	vst v13;
	v13 =	vld [tilespmem:s2+$0x70]  }
.Ltmp1:
0x1c1: {  	v2 =	vadd.f32 v7, v5;
	v14 =	vshll.u32 v19, $0x10;
	v15 =	vand.u32 $0xFFFF0000, v19;
	v0 =	vld [tilespmem:s17+$0xFFFFFFE0];
	[tilespmem:s10+$0x50] =	vst v16;
	(pc) =	sbr.rel @p1 .LBB2_5-.Ltmp1, $4  }
0x1c2: {  	v5 =	vadd.f32 v14, v8;
	v8 =	vadd.f32 v15, v12;
	v7 =	vld [tilespmem:s2+$0xFFFFFFE0];
	v12 =	vmax.f32 v6, $0.0e+00;
	[tilespmem:s5+$0xB0] =	vst v9  }
0x1c3: {  	v3 =	vmax.f32 v3, $0.0e+00;
	v9 =	vmax.f32 v4, $0.0e+00;
	v4 =	vmax.f32 v11, $0.0e+00;
	v6 =	vld [tilespmem:s17+$0x20];
	[tilespmem:s5+$0xFFFFFF30] =	vst v12  }
0x1c4: {  	v11 =	vmax.f32 v5, $0.0e+00;
	v12 =	vmax.f32 v8, $0.0e+00;
	v8 =	vld [tilespmem:s2+$0x20];
	v5 =	vshll.u32 v10, $0x10;
	[tilespmem:s5+$0xFFFFFF70] =	vst v9  }
0x1c5: {  	s17 =	sadd.s32 $0x100, s17;
	v10 =	vand.u32 $0xFFFF0000, v10;
	[tilespmem:s10+$0xFFFFFF20] =	vst v11;
	v9 =	vshll.u32 v13, $0x10;
	v11 =	vand.u32 $0xFFFF0000, v13  }
0x1c6: {  	_ = 	snop  }
0x1c7: {  	v13 =	vshll.u32 v0, $0x10;
	v14 =	vshll.u32 v7, $0x10  }
0x1c8: {  	v0 =	vand.u32 $0xFFFF0000, v0;
	v7 =	vand.u32 $0xFFFF0000, v7;
	v13 =	vadd.f32 v14, v13  }
0x1c9: {  	v14 =	vshll.u32 v6, $0x10;
	v0 =	vadd.f32 v7, v0  }
0x1ca: {  	[tilespmem:s10+$0xFFFFFF60] =	vst v12;
	v6 =	vand.u32 $0xFFFF0000, v6;
	v7 =	vshll.u32 v8, $0x10;
	v12 =	vmax.f32 v13, $0.0e+00  }
0x1cb: {  	v8 =	vand.u32 $0xFFFF0000, v8;
	v7 =	vadd.f32 v7, v14;
	v0 =	vmax.f32 v0, $0.0e+00;
	[tilespmem:s10+$0xFFFFFFA0] =	vst v12;
	v12 =	vld [tilespmem:s4+$0xFFFFFFB0]  }
0x1cc: {  	v6 =	vadd.f32 v8, v6;
	[tilespmem:s10+$0xFFFFFFE0] =	vst v0;
	v0 =	vld [tilespmem:s12+$0xFFFFFFB0]  }
0x1cd: {  	v8 =	vld [tilespmem:s4+$0xFFFFFFF0];
	v7 =	vmax.f32 v7, $0.0e+00  }
0x1ce: {  	v5 =	vadd.f32 v9, v5;
	v13 =	vld [tilespmem:s12+$0xFFFFFFF0];
	v6 =	vmax.f32 v6, $0.0e+00;
	[tilespmem:s10+$0x20] =	vst v7  }
0x1cf: {  	v7 =	vadd.f32 v11, v10;
	[tilespmem:s10+$0x60] =	vst v6  }
0x1d0: {  	[tilespmem:s5+$0xFFFFFFB0] =	vst v4;
	v1 =	vmax.f32 v1, $0.0e+00;
	v2 =	vmax.f32 v2, $0.0e+00;
	v5 =	vmax.f32 v5, $0.0e+00;
	v6 =	vld [tilespmem:s4+$0x30]  }
0x1d1: {  	[tilespmem:s5+$0xFFFFFFF0] =	vst v3;
	v4 =	vmax.f32 v7, $0.0e+00;
	v7 =	vld [tilespmem:s12+$0x30];
	v3 =	vshll.u32 v12, $0x10;
	v9 =	vshll.u32 v0, $0x10  }
0x1d2: {  	v10 =	vand.u32 $0xFFFF0000, v12;
	[tilespmem:s10+$0xF0] =	vst v4;
	v0 =	vand.u32 $0xFFFF0000, v0;
	v4 =	vshll.u32 v8, $0x10  }
0x1d3: {  	[tilespmem:s5+$0x30] =	vst v1;
	v11 =	vshll.u32 v13, $0x10;
	v1 =	vand.u32 $0xFFFF0000, v8;
	v3 =	vadd.f32 v9, v3  }
0x1d4: {  	[tilespmem:s5+$0x70] =	vst v2;
	v8 =	vand.u32 $0xFFFF0000, v13;
	v0 =	vadd.f32 v0, v10;
	v4 =	vadd.f32 v11, v4  }
0x1d5: {  	[tilespmem:s10+$0xB0] =	vst v5;
	v1 =	vadd.f32 v8, v1;
	v2 =	vshll.u32 v6, $0x10;
	v3 =	vmax.f32 v3, $0.0e+00  }
0x1d6: {  	v5 =	vand.u32 $0xFFFF0000, v6;
	v0 =	vmax.f32 v0, $0.0e+00;
	v9 =	vshll.u32 v7, $0x10;
	[tilespmem:s10+$0xFFFFFF30] =	vst v3  }
0x1d7: {  	v3 =	vand.u32 $0xFFFF0000, v7;
	v4 =	vmax.f32 v4, $0.0e+00;
	[tilespmem:s10+$0xFFFFFF70] =	vst v0;
	v2 =	vadd.f32 v9, v2  }
0x1d8: {  	v1 =	vmax.f32 v1, $0.0e+00;
	v0 =	vadd.f32 v3, v5;
	[tilespmem:s10+$0xFFFFFFB0] =	vst v4  }
0x1d9: {  	[tilespmem:s10+$0xFFFFFFF0] =	vst v1;
	v1 =	vmax.f32 v2, $0.0e+00  }
0x1da: {  	v0 =	vmax.f32 v0, $0.0e+00;
	[tilespmem:s10+$0x30] =	vst v1  }
0x1db: {  	[tilespmem:s10+$0x70] =	vst v0  }
0x1dc: {  	_ =	swait.ge [sflag:s25], $0x1400  }
0x1dd: {  	[sflag:s25] =	ssyncset.done $0x0  }
0x1de: {  	[sflag:s25] =	ssyncadd.s32 $0xFFFFEC00  }
0x1df: {  	_ =	swait.ge [sflag:s25], $0x1400  }
0x1e0: {  	[sflag:s25] =	ssyncset.done $0x0  }
0x1e1: {  	s0 =	simm.s32 $0x7A80;
	s2 =	sadd.s32 s14, s11;
	[sflag:s25] =	ssyncadd.s32 $0xFFFFEC00  }
0x1e2: {  	[spmem:s18] =	stream.indirect.scatter.add.f32 [tilespmem:s0], [sflag:$0x5], $0x80, s7, s7, $0xb8;
	[tilespmem:$0x1F300] =	vst v63  }
0x1e3: {  	s2 =	smul.u32 $0xA, s2;
	_ =	swait.ge [sflag:s23], $0x2800  }
0x1e4: {  	[sflag:s23] =	ssyncset.done $0x0  }
0x1e5: {  	s8 =	sadd.s32 s19, s2;
	[sflag:s23] =	ssyncadd.s32 $0xFFFFD800  }
0x1e6: {  	[tilespmem:s1], [sflag:$0x1] =	stream.linear.gather [hbm4b:s8+s1], $0x50, $0x38;
	[tilespmem:$0x1F300] =	vst v63  }
0x1e7: {  	s2 =	sadd.s32 s20, s2  }
0x1e8: {  	[tilespmem:s16], [sflag:$0x1] =	stream.linear.gather [hbm4b:s2+s1], $0x50, $0x38;
	[tilespmem:$0x1F300] =	vst v63  }
0x1e9: {  	_ =	swait.ge [sflag:s29], $0x50  }
0x1ea: {  	[sflag:s29] =	ssyncset.done $0x0  }
0x1eb: {  	[sflag:s29] =	ssyncadd.s32 $0xFFFFFFB0  }
0x1ec: {  	_ =	swait.ge [sflag:s29], $0x50  }
0x1ed: {  	[sflag:s29] =	ssyncset.done $0x0  }
0x1ee: {  	s9 =	simm.s32 $0x2A80;
	s10 =	simm.s32 $0xF0;
	[sflag:s29] =	ssyncadd.s32 $0xFFFFFFB0  }
0x1ef: {  	[tilespmem:s9], [sflag:$0x4] =	stream.indirect.gather [hbm4b:s21+s7], $0x40, s10, s7, $0xb8;
	[tilespmem:$0x1F300] =	vst v63  }
0x1f0: {  	s13 =	simm.s32 $0x230;
	s12 =	simm.s32 $0x3E80  }
0x1f1: {  	[tilespmem:s12], [sflag:$0x4] =	stream.indirect.gather [hbm4b:s22+s7], $0x40, s13, s7, $0xb8;
	[tilespmem:$0x1F300] =	vst v63  }
0x1f2: {  	s13 =	simm.s32 $0x300  }
0x1f3: {  	s17 =	simm.s32 $0x1700;
	v0 =	vld [tilespmem:s13+$0x40]  }
0x1f4: {  	v1 =	vld [tilespmem:s17+$0x40];
	_ =	sdelay $0x3  }
0x1f5: {  	v4 =	vld [tilespmem:s17+$0xFFFFFF80]  }
0x1f6: {  	v5 =	vld [tilespmem:s17+$0xFFFFFFC0];
	v2 =	vshll.u32 v0, $0x10;
	v3 =	vshll.u32 v1, $0x10  }
0x1f7: {  	v0 =	vand.u32 $0xFFFF0000, v0;
	v1 =	vand.u32 $0xFFFF0000, v1;
	v2 =	vadd.f32 v3, v2;
	v3 =	vld [tilespmem:s13+$0xFFFFFFC0]  }
0x1f8: {  	v0 =	vadd.f32 v1, v0;
	v1 =	vld [tilespmem:s13+$0xFFFFFF80]  }
0x1f9: {  	s5 =	simm.s32 $0x5380;
	v2 =	vmax.f32 v2, $0.0e+00  }
0x1fa: {  	v0 =	vmax.f32 v0, $0.0e+00;
	[tilespmem:s5+$0x80] =	vst v2  }
0x1fb: {  	v10 =	vshll.u32 v5, $0x10;
	[tilespmem:s5+$0xC0] =	vst v0  }
0x1fc: {  	v5 =	vand.u32 $0xFFFF0000, v5;
	v2 =	vshll.u32 v4, $0x10;
	v4 =	vand.u32 $0xFFFF0000, v4;
	v0 =	vld [tilespmem:s13+$0x50]  }
0x1fd: {  	v6 =	vld [tilespmem:s17+$0x50];
	v7 =	vshll.u32 v3, $0x10;
	v8 =	vshll.u32 v1, $0x10;
	v1 =	vand.u32 $0xFFFF0000, v1  }
0x1fe: {  	v9 =	vld [tilespmem:s13+$0x0];
	v3 =	vand.u32 $0xFFFF0000, v3;
	v2 =	vadd.f32 v2, v8;
	v1 =	vadd.f32 v4, v1  }
0x1ff: {  	v4 =	vld [tilespmem:s17+$0x0];
	v7 =	vadd.f32 v10, v7;
	v3 =	vadd.f32 v5, v3  }
0x200: {  	v2 =	vmax.f32 v2, $0.0e+00  }
0x201: {  	v1 =	vmax.f32 v1, $0.0e+00;
	v3 =	vmax.f32 v3, $0.0e+00;
	[tilespmem:s5+$0xFFFFFF00] =	vst v2;
	v2 =	vmax.f32 v7, $0.0e+00  }
0x202: {  	v5 =	vshll.u32 v0, $0x10;
	v7 =	vshll.u32 v6, $0x10;
	[tilespmem:s5+$0xFFFFFF40] =	vst v1;
	v0 =	vand.u32 $0xFFFF0000, v0  }
0x203: {  	v1 =	vand.u32 $0xFFFF0000, v6;
	v6 =	vshll.u32 v9, $0x10;
	v5 =	vadd.f32 v7, v5;
	v7 =	vld [tilespmem:s13+$0xFFFFFF90]  }
0x204: {  	[tilespmem:s5+$0xFFFFFF80] =	vst v2;
	v0 =	vadd.f32 v1, v0;
	v2 =	vand.u32 $0xFFFF0000, v9;
	v8 =	vld [tilespmem:s17+$0xFFFFFF90];
	v1 =	vshll.u32 v4, $0x10  }
0x205: {  	[tilespmem:s5+$0xFFFFFFC0] =	vst v3;
	v4 =	vand.u32 $0xFFFF0000, v4;
	v3 =	vmax.f32 v5, $0.0e+00;
	v1 =	vadd.f32 v1, v6  }
0x206: {  	v5 =	vld [tilespmem:s13+$0xFFFFFFD0];
	v0 =	vmax.f32 v0, $0.0e+00;
	v2 =	vadd.f32 v4, v2;
	[tilespmem:s5+$0x90] =	vst v3  }
0x207: {  	v3 =	vld [tilespmem:s17+$0xFFFFFFD0];
	[tilespmem:s5+$0xD0] =	vst v0;
	v0 =	vmax.f32 v1, $0.0e+00  }
0x208: {  	v1 =	vld [tilespmem:s13+$0x60];
	v2 =	vmax.f32 v2, $0.0e+00;
	[tilespmem:s5+$0x0] =	vst v0  }
0x209: {  	v0 =	vld [tilespmem:s17+$0x60];
	[tilespmem:s5+$0x40] =	vst v2;
	v2 =	vshll.u32 v7, $0x10;
	v4 =	vshll.u32 v8, $0x10  }
0x20a: {  	v7 =	vand.u32 $0xFFFF0000, v7;
	v8 =	vand.u32 $0xFFFF0000, v8;
	v2 =	vadd.f32 v4, v2  }
0x20b: {  	v7 =	vadd.f32 v8, v7  }
0x20c: {  	v6 =	vld [tilespmem:s13+$0x10];
	v4 =	vshll.u32 v5, $0x10;
	v5 =	vand.u32 $0xFFFF0000, v5;
	v2 =	vmax.f32 v2, $0.0e+00  }
0x20d: {  	v8 =	vld [tilespmem:s17+$0x10];
	v9 =	vshll.u32 v3, $0x10;
	v3 =	vand.u32 $0xFFFF0000, v3;
	[tilespmem:s5+$0xFFFFFF10] =	vst v2;
	v2 =	vmax.f32 v7, $0.0e+00  }
0x20e: {  	v7 =	vshll.u32 v1, $0x10;
	v1 =	vand.u32 $0xFFFF0000, v1;
	v10 =	vshll.u32 v0, $0x10  }
0x20f: {  	v4 =	vadd.f32 v9, v4;
	[tilespmem:s5+$0xFFFFFF50] =	vst v2;
	v0 =	vand.u32 $0xFFFF0000, v0;
	v2 =	vadd.f32 v10, v7  }
0x210: {  	v3 =	vadd.f32 v3, v5;
	v9 =	vld [tilespmem:s13+$0xFFFFFFA0];
	v0 =	vadd.f32 v0, v1  }
0x211: {  	v7 =	vshll.u32 v6, $0x10;
	v1 =	vand.u32 $0xFFFF0000, v6;
	v5 =	vld [tilespmem:s17+$0xFFFFFFA0];
	v2 =	vmax.f32 v2, $0.0e+00  }
0x212: {  	s4 =	simm.s32 $0x400;
	v6 =	vshll.u32 v8, $0x10;
	v8 =	vand.u32 $0xFFFF0000, v8;
	v0 =	vmax.f32 v0, $0.0e+00;
	[tilespmem:s5+$0xA0] =	vst v2  }
0x213: {  	v14 =	vld [tilespmem:s4+$0xFFFFFFC0];
	v4 =	vmax.f32 v4, $0.0e+00;
	v1 =	vadd.f32 v8, v1;
	v2 =	vadd.f32 v6, v7;
	[tilespmem:s5+$0xE0] =	vst v0  }
0x214: {  	[tilespmem:s5+$0xFFFFFF90] =	vst v4;
	v0 =	vmax.f32 v3, $0.0e+00;
	v3 =	vld [tilespmem:s13+$0x70]  }
0x215: {  	v1 =	vmax.f32 v1, $0.0e+00;
	[tilespmem:s5+$0xFFFFFFD0] =	vst v0;
	v4 =	vld [tilespmem:s17+$0x70];
	v2 =	vmax.f32 v2, $0.0e+00;
	v0 =	vshll.u32 v9, $0x10  }
0x216: {  	v6 =	vand.u32 $0xFFFF0000, v9;
	v7 =	vld [tilespmem:s13+$0xFFFFFFE0];
	[tilespmem:s5+$0x10] =	vst v2;
	v2 =	vshll.u32 v5, $0x10;
	v5 =	vand.u32 $0xFFFF0000, v5  }
0x217: {  	[tilespmem:s5+$0x50] =	vst v1;
	v0 =	vadd.f32 v2, v0;
	v1 =	vadd.f32 v5, v6;
	v2 =	vld [tilespmem:s17+$0xFFFFFFE0]  }
0x218: {  	v5 =	vld [tilespmem:s13+$0x20]  }
0x219: {  	v8 =	vld [tilespmem:s17+$0x20];
	v6 =	vmax.f32 v0, $0.0e+00;
	v1 =	vmax.f32 v1, $0.0e+00;
	v0 =	vshll.u32 v3, $0x10  }
0x21a: {  	s2 =	simm.s32 $0x1800;
	v10 =	vld [tilespmem:s4+$0x40];
	v9 =	vshll.u32 v4, $0x10;
	v3 =	vand.u32 $0xFFFF0000, v3;
	v4 =	vand.u32 $0xFFFF0000, v4  }
0x21b: {  	v11 =	vshll.u32 v7, $0x10;
	v7 =	vand.u32 $0xFFFF0000, v7;
	v3 =	vadd.f32 v4, v3;
	v4 =	vld [tilespmem:s2+$0x40]  }
0x21c: {  	v0 =	vadd.f32 v9, v0;
	[tilespmem:s5+$0xFFFFFF60] =	vst v1;
	v1 =	vshll.u32 v14, $0x10;
	v12 =	vshll.u32 v2, $0x10  }
0x21d: {  	v2 =	vand.u32 $0xFFFF0000, v2;
	v13 =	vshll.u32 v5, $0x10;
	v5 =	vand.u32 $0xFFFF0000, v5  }
0x21e: {  	v9 =	vld [tilespmem:s2+$0xFFFFFF80];
	v11 =	vadd.f32 v12, v11;
	v12 =	vshll.u32 v8, $0x10;
	v8 =	vand.u32 $0xFFFF0000, v8  }
0x21f: {  	v15 =	vld [tilespmem:s2+$0xFFFFFFC0];
	v2 =	vadd.f32 v2, v7;
	v7 =	vadd.f32 v12, v13;
	v13 =	vshll.u32 v10, $0x10  }
0x220: {  	v17 =	vld [tilespmem:s4+$0xFFFFFF80];
	[tilespmem:s5+$0xFFFFFF20] =	vst v6;
	v10 =	vand.u32 $0xFFFF0000, v10;
	v11 =	vmax.f32 v11, $0.0e+00;
	v16 =	vshll.u32 v4, $0x10  }
0x221: {  	v12 =	vld [tilespmem:s4+$0x0];
	v2 =	vmax.f32 v2, $0.0e+00;
	v4 =	vand.u32 $0xFFFF0000, v4;
	v13 =	vadd.f32 v16, v13;
	[tilespmem:s5+$0xFFFFFFA0] =	vst v11  }
0x222: {  	v5 =	vadd.f32 v8, v5;
	v8 =	vld [tilespmem:s2+$0x0];
	v4 =	vadd.f32 v4, v10;
	[tilespmem:s5+$0xFFFFFFE0] =	vst v2;
	v7 =	vmax.f32 v7, $0.0e+00  }
0x223: {  	s10 =	simm.s32 $0x5580;
	v14 =	vand.u32 $0xFFFF0000, v14;
	v6 =	vshll.u32 v9, $0x10;
	[tilespmem:s5+$0x20] =	vst v7;
	v13 =	vmax.f32 v13, $0.0e+00  }
0x224: {  	v9 =	vand.u32 $0xFFFF0000, v9;
	v10 =	vshll.u32 v15, $0x10;
	v4 =	vmax.f32 v4, $0.0e+00;
	[tilespmem:s10+$0x80] =	vst v13  }
0x225: {  	v15 =	vand.u32 $0xFFFF0000, v15;
	v11 =	vand.u32 $0xFFFF0000, v17;
	v5 =	vmax.f32 v5, $0.0e+00;
	v7 =	vld [tilespmem:s17+$0xFFFFFFF0];
	[tilespmem:s10+$0xC0] =	vst v4  }
0x226: {  	v1 =	vadd.f32 v10, v1;
	v10 =	vadd.f32 v15, v14;
	v4 =	vshll.u32 v17, $0x10;
	v51 =	vld [tilespmem:s4+$0x50]  }
0x227: {  	v18 =	vshll.u32 v12, $0x10;
	v19 =	vshll.u32 v8, $0x10;
	v2 =	vadd.f32 v6, v4;
	v6 =	vld [tilespmem:s2+$0x50]  }
0x228: {  	v50 =	vld [tilespmem:s13+$0xFFFFFFB0];
	[tilespmem:s5+$0x60] =	vst v5;
	v12 =	vand.u32 $0xFFFF0000, v12;
	v8 =	vand.u32 $0xFFFF0000, v8;
	v1 =	vmax.f32 v1, $0.0e+00  }
0x229: {  	v13 =	vld [tilespmem:s17+$0xFFFFFFB0];
	v5 =	vmax.f32 v10, $0.0e+00;
	v4 =	vadd.f32 v9, v11;
	v8 =	vadd.f32 v8, v12;
	[tilespmem:s10+$0xFFFFFF80] =	vst v1  }
0x22a: {  	v3 =	vmax.f32 v3, $0.0e+00;
	v10 =	vld [tilespmem:s17+$0x30];
	v11 =	vadd.f32 v19, v18;
	[tilespmem:s10+$0xFFFFFFC0] =	vst v5;
	v2 =	vmax.f32 v2, $0.0e+00  }
0x22b: {  	v9 =	vld [tilespmem:s13+$0xFFFFFFF0];
	v8 =	vmax.f32 v8, $0.0e+00;
	v53 =	vshll.u32 v7, $0x10;
	[tilespmem:s10+$0xFFFFFF00] =	vst v2;
	v2 =	vmax.f32 v4, $0.0e+00  }
0x22c: {  	v52 =	vld [tilespmem:s4+$0xFFFFFFD0];
	[tilespmem:s10+$0xFFFFFF40] =	vst v2;
	v2 =	vmax.f32 v11, $0.0e+00;
	v1 =	vshll.u32 v51, $0x10;
	v14 =	vshll.u32 v6, $0x10  }
0x22d: {  	v4 =	vld [tilespmem:s13+$0x30];
	v5 =	vand.u32 $0xFFFF0000, v51;
	v6 =	vand.u32 $0xFFFF0000, v6;
	v1 =	vadd.f32 v14, v1  }
0x22e: {  	v7 =	vand.u32 $0xFFFF0000, v7;
	v11 =	vshll.u32 v50, $0x10;
	v12 =	vld [tilespmem:s4+$0xFFFFFF90];
	[tilespmem:s10+$0x0] =	vst v2;
	v2 =	vadd.f32 v6, v5  }
0x22f: {  	[tilespmem:s10+$0x40] =	vst v8;
	v22 =	vshll.u32 v10, $0x10;
	v10 =	vand.u32 $0xFFFF0000, v10;
	v15 =	vld [tilespmem:s2+$0xFFFFFF90];
	v1 =	vmax.f32 v1, $0.0e+00  }
0x230: {  	v14 =	vshll.u32 v13, $0x10;
	v6 =	vand.u32 $0xFFFF0000, v13;
	v13 =	vld [tilespmem:s2+$0xFFFFFFD0];
	[tilespmem:s10+$0x90] =	vst v1;
	v1 =	vmax.f32 v2, $0.0e+00  }
0x231: {  	v8 =	vshll.u32 v9, $0x10;
	v5 =	vand.u32 $0xFFFF0000, v50;
	v54 =	vld [tilespmem:s4+$0x10];
	v56 =	vshll.u32 v52, $0x10;
	[tilespmem:s10+$0xD0] =	vst v1  }
0x232: {  	v17 =	vand.u32 $0xFFFF0000, v52;
	v8 =	vadd.f32 v53, v8;
	v5 =	vadd.f32 v6, v5;
	v21 =	vld [tilespmem:s4+$0x60]  }
0x233: {  	v6 =	vmax.f32 v0, $0.0e+00;
	v2 =	vand.u32 $0xFFFF0000, v9;
	v9 =	vshll.u32 v12, $0x10;
	v23 =	vld [tilespmem:s2+$0x60]  }
0x234: {  	v12 =	vand.u32 $0xFFFF0000, v12;
	v1 =	vshll.u32 v4, $0x10;
	v20 =	vshll.u32 v15, $0x10  }
0x235: {  	v55 =	vld [tilespmem:s2+$0x10];
	v15 =	vand.u32 $0xFFFF0000, v15;
	v4 =	vand.u32 $0xFFFF0000, v4;
	v9 =	vadd.f32 v20, v9  }
0x236: {  	v12 =	vadd.f32 v15, v12;
	v15 =	vshll.u32 v13, $0x10;
	v13 =	vand.u32 $0xFFFF0000, v13  }
0x237: {  	v57 =	vshll.u32 v54, $0x10;
	v18 =	vand.u32 $0xFFFF0000, v54;
	v9 =	vmax.f32 v9, $0.0e+00  }
0x238: {  	[tilespmem:s10+$0xFFFFFF10] =	vst v9;
	v9 =	vmax.f32 v12, $0.0e+00;
	v12 =	vshll.u32 v21, $0x10;
	v59 =	vshll.u32 v23, $0x10  }
0x239: {  	[tilespmem:s10+$0xFFFFFF50] =	vst v9;
	v9 =	vand.u32 $0xFFFF0000, v21;
	v60 =	vand.u32 $0xFFFF0000, v23;
	v12 =	vadd.f32 v59, v12  }
0x23a: {  	[tilespmem:s5+$0xF0] =	vst v3;
	v58 =	vshll.u32 v55, $0x10;
	v19 =	vand.u32 $0xFFFF0000, v55;
	v61 =	vld [tilespmem:s4+$0xFFFFFFA0];
	v9 =	vadd.f32 v60, v9  }
0x23b: {  	[tilespmem:s5+$0xB0] =	vst v6;
	v15 =	vadd.f32 v15, v56;
	v13 =	vadd.f32 v13, v17;
	v62 =	vld [tilespmem:s2+$0xFFFFFFA0];
	v12 =	vmax.f32 v12, $0.0e+00  }
0x23c: {  	v17 =	vadd.f32 v58, v57;
	v3 =	vadd.f32 v19, v18;
	v9 =	vmax.f32 v9, $0.0e+00;
	[tilespmem:s10+$0xA0] =	vst v12  }
0x23d: {  	v1 =	vadd.f32 v22, v1;
	v15 =	vmax.f32 v15, $0.0e+00;
	v13 =	vmax.f32 v13, $0.0e+00;
	[tilespmem:s10+$0xE0] =	vst v9  }
0x23e: {  	v3 =	vmax.f32 v3, $0.0e+00;
	[tilespmem:s10+$0xFFFFFF90] =	vst v15;
	v15 =	vmax.f32 v17, $0.0e+00;
	v9 =	vadd.f32 v14, v11;
	v11 =	vld [tilespmem:s4+$0x70]  }
0x23f: {  	[tilespmem:s10+$0xFFFFFFD0] =	vst v13;
	v12 =	vadd.f32 v7, v2;
	v2 =	vadd.f32 v10, v4;
	v7 =	vshll.u32 v61, $0x10;
	v14 =	vld [tilespmem:s2+$0x70]  }
0x240: {  	[tilespmem:s10+$0x10] =	vst v15;
	v0 =	vld [tilespmem:s4+$0xFFFFFFE0];
	v13 =	vand.u32 $0xFFFF0000, v61;
	v15 =	vshll.u32 v62, $0x10;
	v63 =	vand.u32 $0xFFFF0000, v62  }
0x241: {  	[tilespmem:s10+$0x50] =	vst v3;
	v10 =	vadd.f32 v15, v7;
	v13 =	vadd.f32 v63, v13;
	v3 =	vmax.f32 v9, $0.0e+00;
	v7 =	vld [tilespmem:s2+$0xFFFFFFE0]  }
0x242: {  	v6 =	vld [tilespmem:s4+$0x20];
	v4 =	vmax.f32 v8, $0.0e+00;
	v9 =	vmax.f32 v5, $0.0e+00;
	[tilespmem:s5+$0xFFFFFF30] =	vst v3;
	v3 =	vmax.f32 v12, $0.0e+00  }
0x243: {  	s28 =	smov.u32 s31;
	v8 =	vld [tilespmem:s2+$0x20];
	[tilespmem:s5+$0xFFFFFF70] =	vst v9;
	v10 =	vmax.f32 v10, $0.0e+00;
	v12 =	vmax.f32 v13, $0.0e+00;
	v5 =	vshll.u32 v11, $0x10  }
0x244: {  	s12 =	simm.s32 $0x1800;
	s17 =	simm.s32 $0x500;
	s13 =	simm.s32 $0x4;
	[tilespmem:s10+$0xFFFFFF20] =	vst v10;
	v9 =	vshll.u32 v14, $0x10;
	v10 =	vand.u32 $0xFFFF0000, v11;
	v11 =	vand.u32 $0xFFFF0000, v14  }
.LBB2_7:
0x245: {  	v13 =	vld [tilespmem:s17+$0x40];
	[tilespmem:s10+$0xFFFFFF60] =	vst v12;
	v12 =	vshll.u32 v0, $0x10;
	v14 =	vand.u32 $0xFFFF0000, v0;
	v10 =	vadd.f32 v11, v10;
	s2 =	sadd.s32 $0x100, s2  }
0x246: {  	v0 =	vadd.f32 v9, v5;
	v11 =	vld [tilespmem:s2+$0x40];
	v15 =	vshll.u32 v7, $0x10;
	v7 =	vand.u32 $0xFFFF0000, v7;
	[tilespmem:s5+$0xFFFFFFB0] =	vst v4  }
0x247: {  	v4 =	vld [tilespmem:s2+$0xFFFFFF80];
	v5 =	vshll.u32 v6, $0x10;
	v6 =	vand.u32 $0xFFFF0000, v6;
	v9 =	vmax.f32 v10, $0.0e+00;
	[tilespmem:s5+$0xFFFFFFF0] =	vst v3  }
0x248: {  	v10 =	vadd.f32 v15, v12;
	v3 =	vld [tilespmem:s17+$0xFFFFFFC0];
	v12 =	vshll.u32 v8, $0x10;
	v8 =	vand.u32 $0xFFFF0000, v8;
	[tilespmem:s10+$0xF0] =	vst v9  }
0x249: {  	v1 =	vmax.f32 v1, $0.0e+00;
	v7 =	vadd.f32 v7, v14;
	v9 =	vld [tilespmem:s2+$0xFFFFFFC0];
	v5 =	vadd.f32 v12, v5  }
0x24a: {  	v10 =	vmax.f32 v10, $0.0e+00;
	v6 =	vadd.f32 v8, v6;
	v12 =	vld [tilespmem:s17+$0x0];
	[tilespmem:s5+$0x30] =	vst v1;
	v1 =	vmax.f32 v2, $0.0e+00  }
0x24b: {  	v7 =	vmax.f32 v7, $0.0e+00;
	v8 =	vshll.u32 v13, $0x10;
	v2 =	vld [tilespmem:s2+$0x0];
	v14 =	vshll.u32 v11, $0x10;
	[tilespmem:s10+$0xFFFFFFA0] =	vst v10  }
0x24c: {  	s13 =	sadd.s32 $0x4, s13;
	v13 =	vand.u32 $0xFFFF0000, v13;
	v11 =	vand.u32 $0xFFFF0000, v11;
	v10 =	vld [tilespmem:s17+$0xFFFFFF80];
	v8 =	vadd.f32 v14, v8;
	[tilespmem:s10+$0xFFFFFFE0] =	vst v7  }
0x24d: {  	p1 =	slt.u32 s13, $0x4C;
	v7 =	vshll.u32 v4, $0x10;
	v4 =	vand.u32 $0xFFFF0000, v4;
	v11 =	vadd.f32 v11, v13;
	v13 =	vld [tilespmem:s4+$0xFFFFFFB0];
	[tilespmem:s5+$0x70] =	vst v1;
	s5 =	smov.u32 s10  }
0x24e: {  	v1 =	vshll.u32 v3, $0x10;
	s10 =	sadd.s32 $0x200, s10;
	v14 =	vshll.u32 v9, $0x10;
	v8 =	vmax.f32 v8, $0.0e+00;
	v15 =	vld [tilespmem:s12+$0xFFFFFFB0]  }
0x24f: {  	v3 =	vand.u32 $0xFFFF0000, v3;
	v9 =	vand.u32 $0xFFFF0000, v9;
	[tilespmem:s10+$0x80] =	vst v8;
	v8 =	vmax.f32 v11, $0.0e+00;
	v11 =	vld [tilespmem:s4+$0xFFFFFFF0]  }
0x250: {  	v16 =	vshll.u32 v12, $0x10;
	v12 =	vand.u32 $0xFFFF0000, v12;
	v17 =	vshll.u32 v2, $0x10;
	[tilespmem:s10+$0xC0] =	vst v8;
	v8 =	vld [tilespmem:s12+$0xFFFFFFF0]  }
0x251: {  	v2 =	vand.u32 $0xFFFF0000, v2;
	v18 =	vshll.u32 v10, $0x10;
	v10 =	vand.u32 $0xFFFF0000, v10;
	v19 =	vld [tilespmem:s17+$0x50]  }
0x252: {  	v5 =	vmax.f32 v5, $0.0e+00;
	v7 =	vadd.f32 v7, v18;
	v4 =	vadd.f32 v4, v10;
	v10 =	vld [tilespmem:s2+$0x50]  }
0x253: {  	v1 =	vadd.f32 v14, v1;
	v3 =	vadd.f32 v9, v3;
	[tilespmem:s5+$0x20] =	vst v5;
	v5 =	vmax.f32 v6, $0.0e+00  }
0x254: {  	v2 =	vadd.f32 v2, v12;
	v6 =	vmax.f32 v7, $0.0e+00;
	v7 =	vadd.f32 v17, v16;
	[tilespmem:s5+$0x60] =	vst v5  }
0x255: {  	v1 =	vmax.f32 v1, $0.0e+00;
	v3 =	vmax.f32 v3, $0.0e+00;
	v4 =	vmax.f32 v4, $0.0e+00;
	[tilespmem:s10+$0xFFFFFF00] =	vst v6;
	v5 =	vld [tilespmem:s4+$0x30];
	s4 =	smov.u32 s17  }
0x256: {  	v2 =	vmax.f32 v2, $0.0e+00;
	v6 =	vshll.u32 v13, $0x10;
	[tilespmem:s10+$0xFFFFFF40] =	vst v4;
	v4 =	vmax.f32 v7, $0.0e+00;
	v7 =	vld [tilespmem:s12+$0x30];
	s12 =	smov.u32 s2  }
0x257: {  	v14 =	vshll.u32 v15, $0x10;
	v9 =	vld [tilespmem:s17+$0xFFFFFF90];
	[tilespmem:s10+$0xFFFFFF80] =	vst v1;
	v1 =	vshll.u32 v19, $0x10;
	v12 =	vshll.u32 v10, $0x10  }
0x258: {  	v10 =	vand.u32 $0xFFFF0000, v10;
	v16 =	vld [tilespmem:s2+$0xFFFFFF90];
	[tilespmem:s10+$0xFFFFFFC0] =	vst v3;
	v3 =	vand.u32 $0xFFFF0000, v19;
	v1 =	vadd.f32 v12, v1  }
0x259: {  	v12 =	vld [tilespmem:s17+$0xFFFFFFD0];
	[tilespmem:s10+$0x0] =	vst v4;
	v3 =	vadd.f32 v10, v3;
	v4 =	vand.u32 $0xFFFF0000, v13;
	v10 =	vand.u32 $0xFFFF0000, v15  }
0x25a: {  	v15 =	vshll.u32 v8, $0x10;
	v13 =	vld [tilespmem:s2+$0xFFFFFFD0];
	[tilespmem:s10+$0x40] =	vst v2;
	v1 =	vmax.f32 v1, $0.0e+00;
	v2 =	vshll.u32 v11, $0x10  }
0x25b: {  	v8 =	vand.u32 $0xFFFF0000, v8;
	v17 =	vld [tilespmem:s17+$0x10];
	[tilespmem:s10+$0x90] =	vst v1;
	v1 =	vmax.f32 v3, $0.0e+00;
	v3 =	vand.u32 $0xFFFF0000, v11  }
0x25c: {  	v11 =	vshll.u32 v9, $0x10;
	v9 =	vand.u32 $0xFFFF0000, v9;
	v18 =	vld [tilespmem:s2+$0x10];
	[tilespmem:s10+$0xD0] =	vst v1;
	v1 =	vshll.u32 v5, $0x10  }
0x25d: {  	v21 =	vshll.u32 v7, $0x10;
	v19 =	vshll.u32 v16, $0x10;
	v16 =	vand.u32 $0xFFFF0000, v16;
	v20 =	vld [tilespmem:s17+$0x60]  }
0x25e: {  	v11 =	vadd.f32 v19, v11;
	v19 =	vshll.u32 v12, $0x10;
	v12 =	vand.u32 $0xFFFF0000, v12;
	v22 =	vld [tilespmem:s2+$0x60]  }
0x25f: {  	v9 =	vadd.f32 v16, v9;
	v16 =	vshll.u32 v13, $0x10;
	v13 =	vand.u32 $0xFFFF0000, v13  }
0x260: {  	v16 =	vadd.f32 v16, v19;
	v19 =	vshll.u32 v17, $0x10;
	v17 =	vand.u32 $0xFFFF0000, v17  }
0x261: {  	v12 =	vadd.f32 v13, v12;
	v13 =	vshll.u32 v18, $0x10;
	v18 =	vand.u32 $0xFFFF0000, v18  }
0x262: {  	v11 =	vmax.f32 v11, $0.0e+00;
	v13 =	vadd.f32 v13, v19;
	v17 =	vadd.f32 v18, v17  }
0x263: {  	v9 =	vmax.f32 v9, $0.0e+00;
	[tilespmem:s10+$0xFFFFFF10] =	vst v11;
	v11 =	vshll.u32 v20, $0x10;
	v18 =	vshll.u32 v22, $0x10  }
0x264: {  	v19 =	vand.u32 $0xFFFF0000, v22;
	[tilespmem:s10+$0xFFFFFF50] =	vst v9;
	v9 =	vand.u32 $0xFFFF0000, v20;
	v11 =	vadd.f32 v18, v11  }
0x265: {  	v16 =	vmax.f32 v16, $0.0e+00;
	v12 =	vmax.f32 v12, $0.0e+00;
	v18 =	vld [tilespmem:s17+$0xFFFFFFA0];
	v9 =	vadd.f32 v19, v9  }
0x266: {  	v13 =	vmax.f32 v13, $0.0e+00;
	v19 =	vld [tilespmem:s2+$0xFFFFFFA0];
	[tilespmem:s10+$0xFFFFFF90] =	vst v16;
	v16 =	vmax.f32 v17, $0.0e+00;
	v11 =	vmax.f32 v11, $0.0e+00  }
0x267: {  	v7 =	vand.u32 $0xFFFF0000, v7;
	v5 =	vand.u32 $0xFFFF0000, v5;
	[tilespmem:s10+$0xA0] =	vst v11;
	v9 =	vmax.f32 v9, $0.0e+00  }
0x268: {  	v6 =	vadd.f32 v14, v6;
	v4 =	vadd.f32 v10, v4;
	[tilespmem:s10+$0xE0] =	vst v9;
	v9 =	vmax.f32 v0, $0.0e+00  }
0x269: {  	v3 =	vadd.f32 v8, v3;
	v11 =	vadd.f32 v15, v2;
	[tilespmem:s10+$0xFFFFFFD0] =	vst v12;
	v10 =	vld [tilespmem:s17+$0x70]  }
0x26a: {  	v1 =	vadd.f32 v21, v1;
	v8 =	vshll.u32 v18, $0x10;
	v12 =	vand.u32 $0xFFFF0000, v18;
	[tilespmem:s10+$0x10] =	vst v13;
	v13 =	vld [tilespmem:s2+$0x70]  }
.Ltmp2:
0x26b: {  	v2 =	vadd.f32 v7, v5;
	v14 =	vshll.u32 v19, $0x10;
	v15 =	vand.u32 $0xFFFF0000, v19;
	v0 =	vld [tilespmem:s17+$0xFFFFFFE0];
	[tilespmem:s10+$0x50] =	vst v16;
	(pc) =	sbr.rel @p1 .LBB2_7-.Ltmp2, $4  }
0x26c: {  	v5 =	vadd.f32 v14, v8;
	v8 =	vadd.f32 v15, v12;
	v7 =	vld [tilespmem:s2+$0xFFFFFFE0];
	v12 =	vmax.f32 v6, $0.0e+00;
	[tilespmem:s5+$0xB0] =	vst v9  }
0x26d: {  	v3 =	vmax.f32 v3, $0.0e+00;
	v9 =	vmax.f32 v4, $0.0e+00;
	v4 =	vmax.f32 v11, $0.0e+00;
	v6 =	vld [tilespmem:s17+$0x20];
	[tilespmem:s5+$0xFFFFFF30] =	vst v12  }
0x26e: {  	v11 =	vmax.f32 v5, $0.0e+00;
	v12 =	vmax.f32 v8, $0.0e+00;
	v8 =	vld [tilespmem:s2+$0x20];
	v5 =	vshll.u32 v10, $0x10;
	[tilespmem:s5+$0xFFFFFF70] =	vst v9  }
0x26f: {  	s17 =	sadd.s32 $0x100, s17;
	v10 =	vand.u32 $0xFFFF0000, v10;
	[tilespmem:s10+$0xFFFFFF20] =	vst v11;
	v9 =	vshll.u32 v13, $0x10;
	v11 =	vand.u32 $0xFFFF0000, v13  }
0x270: {  	_ = 	snop  }
0x271: {  	v13 =	vshll.u32 v0, $0x10;
	v14 =	vshll.u32 v7, $0x10  }
0x272: {  	v0 =	vand.u32 $0xFFFF0000, v0;
	v7 =	vand.u32 $0xFFFF0000, v7;
	v13 =	vadd.f32 v14, v13  }
0x273: {  	v14 =	vshll.u32 v6, $0x10;
	v0 =	vadd.f32 v7, v0  }
0x274: {  	[tilespmem:s10+$0xFFFFFF60] =	vst v12;
	v6 =	vand.u32 $0xFFFF0000, v6;
	v7 =	vshll.u32 v8, $0x10;
	v12 =	vmax.f32 v13, $0.0e+00  }
0x275: {  	v8 =	vand.u32 $0xFFFF0000, v8;
	v7 =	vadd.f32 v7, v14;
	v0 =	vmax.f32 v0, $0.0e+00;
	[tilespmem:s10+$0xFFFFFFA0] =	vst v12;
	v12 =	vld [tilespmem:s4+$0xFFFFFFB0]  }
0x276: {  	v6 =	vadd.f32 v8, v6;
	[tilespmem:s10+$0xFFFFFFE0] =	vst v0;
	v0 =	vld [tilespmem:s12+$0xFFFFFFB0]  }
0x277: {  	v8 =	vld [tilespmem:s4+$0xFFFFFFF0];
	v7 =	vmax.f32 v7, $0.0e+00  }
0x278: {  	v5 =	vadd.f32 v9, v5;
	v13 =	vld [tilespmem:s12+$0xFFFFFFF0];
	v6 =	vmax.f32 v6, $0.0e+00;
	[tilespmem:s10+$0x20] =	vst v7  }
0x279: {  	v7 =	vadd.f32 v11, v10;
	[tilespmem:s10+$0x60] =	vst v6  }
0x27a: {  	[tilespmem:s5+$0xFFFFFFB0] =	vst v4;
	v1 =	vmax.f32 v1, $0.0e+00;
	v2 =	vmax.f32 v2, $0.0e+00;
	v5 =	vmax.f32 v5, $0.0e+00;
	v6 =	vld [tilespmem:s4+$0x30]  }
0x27b: {  	[tilespmem:s5+$0xFFFFFFF0] =	vst v3;
	v4 =	vmax.f32 v7, $0.0e+00;
	v7 =	vld [tilespmem:s12+$0x30];
	v3 =	vshll.u32 v12, $0x10;
	v9 =	vshll.u32 v0, $0x10  }
0x27c: {  	v10 =	vand.u32 $0xFFFF0000, v12;
	[tilespmem:s10+$0xF0] =	vst v4;
	v0 =	vand.u32 $0xFFFF0000, v0;
	v4 =	vshll.u32 v8, $0x10  }
0x27d: {  	[tilespmem:s5+$0x30] =	vst v1;
	v11 =	vshll.u32 v13, $0x10;
	v1 =	vand.u32 $0xFFFF0000, v8;
	v3 =	vadd.f32 v9, v3  }
0x27e: {  	[tilespmem:s5+$0x70] =	vst v2;
	v8 =	vand.u32 $0xFFFF0000, v13;
	v0 =	vadd.f32 v0, v10;
	v4 =	vadd.f32 v11, v4  }
0x27f: {  	[tilespmem:s10+$0xB0] =	vst v5;
	v1 =	vadd.f32 v8, v1;
	v2 =	vshll.u32 v6, $0x10;
	v3 =	vmax.f32 v3, $0.0e+00  }
0x280: {  	v5 =	vand.u32 $0xFFFF0000, v6;
	v0 =	vmax.f32 v0, $0.0e+00;
	v9 =	vshll.u32 v7, $0x10;
	[tilespmem:s10+$0xFFFFFF30] =	vst v3  }
0x281: {  	v3 =	vand.u32 $0xFFFF0000, v7;
	v4 =	vmax.f32 v4, $0.0e+00;
	[tilespmem:s10+$0xFFFFFF70] =	vst v0;
	v2 =	vadd.f32 v9, v2  }
0x282: {  	v1 =	vmax.f32 v1, $0.0e+00;
	v0 =	vadd.f32 v3, v5;
	[tilespmem:s10+$0xFFFFFFB0] =	vst v4  }
0x283: {  	[tilespmem:s10+$0xFFFFFFF0] =	vst v1;
	v1 =	vmax.f32 v2, $0.0e+00  }
0x284: {  	v0 =	vmax.f32 v0, $0.0e+00;
	[tilespmem:s10+$0x30] =	vst v1  }
0x285: {  	[tilespmem:s10+$0x70] =	vst v0  }
0x286: {  	_ =	swait.ge [sflag:s15], $0x1400  }
0x287: {  	[sflag:s15] =	ssyncset.done $0x0  }
0x288: {  	[sflag:s15] =	ssyncadd.s32 $0xFFFFEC00  }
0x289: {  	_ =	swait.ge [sflag:s15], $0x1400  }
0x28a: {  	p1 =	sgt.u32 s6, $0x1D;
	[sflag:s15] =	ssyncset.done $0x0  }
0x28b: {  	s0 =	simm.s32 $0x5280;
	s2 =	sadd.s32 @!p1 s30, s11;
	[sflag:s15] =	ssyncadd.s32 $0xFFFFEC00  }
0x28c: {  	[spmem:s18] =	stream.indirect.scatter.add.f32 [tilespmem:s0], [sflag:$0x5], $0x80, s26, s7, $0xb8;
	[tilespmem:$0x1F300] =	vst v63  }
0x28d: {  	s2 =	smul.u32 @!p1 $0xA, s2;
	_ =	swait.ge [sflag:s23], $0x2800  }
0x28e: {  	s5 =	simm.s32 @!p1 $0x0;
	[sflag:s23] =	ssyncset.done $0x0  }
0x28f: {  	s4 =	sadd.s32 @!p1 s19, s2;
	s10 =	simm.s32 @!p1 $0x50;
	[sflag:s23] =	ssyncadd.s32 $0xFFFFD800  }
0x290: {  	[tilespmem:s10], [sflag:$0x2] =	stream.linear.gather @!p1 [hbm4b:s4+s5], $0x50, $0x38;
	[tilespmem:$0x1F300] =	vst v63  }
0x291: {  	s2 =	sadd.s32 @!p1 s20, s2;
	s4 =	simm.s32 @!p1 $0x190  }
0x292: {  	[tilespmem:s4], [sflag:$0x2] =	stream.linear.gather @!p1 [hbm4b:s2+s5], $0x50, $0x38;
	[tilespmem:$0x1F300] =	vst v63  }
0x293: {  	_ =	swait.ge [sflag:s24], $0x50  }
0x294: {  	[sflag:s24] =	ssyncset.done $0x0  }
0x295: {  	[sflag:s24] =	ssyncadd.s32 $0xFFFFFFB0  }
0x296: {  	_ =	swait.ge [sflag:s24], $0x50  }
0x297: {  	[sflag:s24] =	ssyncset.done $0x0  }
0x298: {  	s11 =	simm.s32 $0x280;
	[sflag:s24] =	ssyncadd.s32 $0xFFFFFFB0  }
0x299: {  	[tilespmem:s11], [sflag:$0x3] =	stream.indirect.gather [hbm4b:s21+s7], $0x40, s1, s7, $0xb8;
	[tilespmem:$0x1F300] =	vst v63  }
0x29a: {  	s13 =	simm.s32 $0x2B00;
	s12 =	simm.s32 $0x1680  }
0x29b: {  	[tilespmem:s12], [sflag:$0x3] =	stream.indirect.gather [hbm4b:s22+s7], $0x40, s16, s7, $0xb8;
	[tilespmem:$0x1F300] =	vst v63  }
0x29c: {  	s17 =	simm.s32 $0x3F00;
	v0 =	vld [tilespmem:s13+$0x40]  }
0x29d: {  	v1 =	vld [tilespmem:s17+$0x40];
	_ =	sdelay $0x3  }
0x29e: {  	v4 =	vld [tilespmem:s17+$0xFFFFFF80]  }
0x29f: {  	v5 =	vld [tilespmem:s17+$0xFFFFFFC0];
	v2 =	vshll.u32 v0, $0x10;
	v3 =	vshll.u32 v1, $0x10  }
0x2a0: {  	v0 =	vand.u32 $0xFFFF0000, v0;
	v1 =	vand.u32 $0xFFFF0000, v1;
	v2 =	vadd.f32 v3, v2;
	v3 =	vld [tilespmem:s13+$0xFFFFFFC0]  }
0x2a1: {  	v0 =	vadd.f32 v1, v0;
	v1 =	vld [tilespmem:s13+$0xFFFFFF80]  }
0x2a2: {  	s5 =	simm.s32 $0x7B80;
	v2 =	vmax.f32 v2, $0.0e+00  }
0x2a3: {  	v0 =	vmax.f32 v0, $0.0e+00;
	[tilespmem:s5+$0x80] =	vst v2  }
0x2a4: {  	v10 =	vshll.u32 v5, $0x10;
	[tilespmem:s5+$0xC0] =	vst v0  }
0x2a5: {  	v5 =	vand.u32 $0xFFFF0000, v5;
	v2 =	vshll.u32 v4, $0x10;
	v4 =	vand.u32 $0xFFFF0000, v4;
	v0 =	vld [tilespmem:s13+$0x50]  }
0x2a6: {  	v6 =	vld [tilespmem:s17+$0x50];
	v7 =	vshll.u32 v3, $0x10;
	v8 =	vshll.u32 v1, $0x10;
	v1 =	vand.u32 $0xFFFF0000, v1  }
0x2a7: {  	v9 =	vld [tilespmem:s13+$0x0];
	v3 =	vand.u32 $0xFFFF0000, v3;
	v2 =	vadd.f32 v2, v8;
	v1 =	vadd.f32 v4, v1  }
0x2a8: {  	v4 =	vld [tilespmem:s17+$0x0];
	v7 =	vadd.f32 v10, v7;
	v3 =	vadd.f32 v5, v3  }
0x2a9: {  	v2 =	vmax.f32 v2, $0.0e+00  }
0x2aa: {  	v1 =	vmax.f32 v1, $0.0e+00;
	v3 =	vmax.f32 v3, $0.0e+00;
	[tilespmem:s5+$0xFFFFFF00] =	vst v2;
	v2 =	vmax.f32 v7, $0.0e+00  }
0x2ab: {  	v5 =	vshll.u32 v0, $0x10;
	v7 =	vshll.u32 v6, $0x10;
	[tilespmem:s5+$0xFFFFFF40] =	vst v1;
	v0 =	vand.u32 $0xFFFF0000, v0  }
0x2ac: {  	v1 =	vand.u32 $0xFFFF0000, v6;
	v6 =	vshll.u32 v9, $0x10;
	v5 =	vadd.f32 v7, v5;
	v7 =	vld [tilespmem:s13+$0xFFFFFF90]  }
0x2ad: {  	[tilespmem:s5+$0xFFFFFF80] =	vst v2;
	v0 =	vadd.f32 v1, v0;
	v2 =	vand.u32 $0xFFFF0000, v9;
	v8 =	vld [tilespmem:s17+$0xFFFFFF90];
	v1 =	vshll.u32 v4, $0x10  }
0x2ae: {  	[tilespmem:s5+$0xFFFFFFC0] =	vst v3;
	v4 =	vand.u32 $0xFFFF0000, v4;
	v3 =	vmax.f32 v5, $0.0e+00;
	v1 =	vadd.f32 v1, v6  }
0x2af: {  	v5 =	vld [tilespmem:s13+$0xFFFFFFD0];
	v0 =	vmax.f32 v0, $0.0e+00;
	v2 =	vadd.f32 v4, v2;
	[tilespmem:s5+$0x90] =	vst v3  }
0x2b0: {  	v3 =	vld [tilespmem:s17+$0xFFFFFFD0];
	[tilespmem:s5+$0xD0] =	vst v0;
	v0 =	vmax.f32 v1, $0.0e+00  }
0x2b1: {  	v1 =	vld [tilespmem:s13+$0x60];
	v2 =	vmax.f32 v2, $0.0e+00;
	[tilespmem:s5+$0x0] =	vst v0  }
0x2b2: {  	v0 =	vld [tilespmem:s17+$0x60];
	[tilespmem:s5+$0x40] =	vst v2;
	v2 =	vshll.u32 v7, $0x10;
	v4 =	vshll.u32 v8, $0x10  }
0x2b3: {  	v7 =	vand.u32 $0xFFFF0000, v7;
	v8 =	vand.u32 $0xFFFF0000, v8;
	v2 =	vadd.f32 v4, v2  }
0x2b4: {  	v7 =	vadd.f32 v8, v7  }
0x2b5: {  	v6 =	vld [tilespmem:s13+$0x10];
	v4 =	vshll.u32 v5, $0x10;
	v5 =	vand.u32 $0xFFFF0000, v5;
	v2 =	vmax.f32 v2, $0.0e+00  }
0x2b6: {  	v8 =	vld [tilespmem:s17+$0x10];
	v9 =	vshll.u32 v3, $0x10;
	v3 =	vand.u32 $0xFFFF0000, v3;
	[tilespmem:s5+$0xFFFFFF10] =	vst v2;
	v2 =	vmax.f32 v7, $0.0e+00  }
0x2b7: {  	v7 =	vshll.u32 v1, $0x10;
	v1 =	vand.u32 $0xFFFF0000, v1;
	v10 =	vshll.u32 v0, $0x10  }
0x2b8: {  	v4 =	vadd.f32 v9, v4;
	[tilespmem:s5+$0xFFFFFF50] =	vst v2;
	v0 =	vand.u32 $0xFFFF0000, v0;
	v2 =	vadd.f32 v10, v7  }
0x2b9: {  	v3 =	vadd.f32 v3, v5;
	v9 =	vld [tilespmem:s13+$0xFFFFFFA0];
	v0 =	vadd.f32 v0, v1  }
0x2ba: {  	v7 =	vshll.u32 v6, $0x10;
	v1 =	vand.u32 $0xFFFF0000, v6;
	v5 =	vld [tilespmem:s17+$0xFFFFFFA0];
	v2 =	vmax.f32 v2, $0.0e+00  }
0x2bb: {  	s4 =	simm.s32 $0x2C00;
	v6 =	vshll.u32 v8, $0x10;
	v8 =	vand.u32 $0xFFFF0000, v8;
	v0 =	vmax.f32 v0, $0.0e+00;
	[tilespmem:s5+$0xA0] =	vst v2  }
0x2bc: {  	v14 =	vld [tilespmem:s4+$0xFFFFFFC0];
	v4 =	vmax.f32 v4, $0.0e+00;
	v1 =	vadd.f32 v8, v1;
	v2 =	vadd.f32 v6, v7;
	[tilespmem:s5+$0xE0] =	vst v0  }
0x2bd: {  	[tilespmem:s5+$0xFFFFFF90] =	vst v4;
	v0 =	vmax.f32 v3, $0.0e+00;
	v3 =	vld [tilespmem:s13+$0x70]  }
0x2be: {  	v1 =	vmax.f32 v1, $0.0e+00;
	[tilespmem:s5+$0xFFFFFFD0] =	vst v0;
	v4 =	vld [tilespmem:s17+$0x70];
	v2 =	vmax.f32 v2, $0.0e+00;
	v0 =	vshll.u32 v9, $0x10  }
0x2bf: {  	v6 =	vand.u32 $0xFFFF0000, v9;
	v7 =	vld [tilespmem:s13+$0xFFFFFFE0];
	[tilespmem:s5+$0x10] =	vst v2;
	v2 =	vshll.u32 v5, $0x10;
	v5 =	vand.u32 $0xFFFF0000, v5  }
0x2c0: {  	[tilespmem:s5+$0x50] =	vst v1;
	v0 =	vadd.f32 v2, v0;
	v1 =	vadd.f32 v5, v6;
	v2 =	vld [tilespmem:s17+$0xFFFFFFE0]  }
0x2c1: {  	v5 =	vld [tilespmem:s13+$0x20]  }
0x2c2: {  	v8 =	vld [tilespmem:s17+$0x20];
	v6 =	vmax.f32 v0, $0.0e+00;
	v1 =	vmax.f32 v1, $0.0e+00;
	v0 =	vshll.u32 v3, $0x10  }
0x2c3: {  	s2 =	simm.s32 $0x4000;
	v10 =	vld [tilespmem:s4+$0x40];
	v9 =	vshll.u32 v4, $0x10;
	v3 =	vand.u32 $0xFFFF0000, v3;
	v4 =	vand.u32 $0xFFFF0000, v4  }
0x2c4: {  	v11 =	vshll.u32 v7, $0x10;
	v7 =	vand.u32 $0xFFFF0000, v7;
	v3 =	vadd.f32 v4, v3;
	v4 =	vld [tilespmem:s2+$0x40]  }
0x2c5: {  	v0 =	vadd.f32 v9, v0;
	[tilespmem:s5+$0xFFFFFF60] =	vst v1;
	v1 =	vshll.u32 v14, $0x10;
	v12 =	vshll.u32 v2, $0x10  }
0x2c6: {  	v2 =	vand.u32 $0xFFFF0000, v2;
	v13 =	vshll.u32 v5, $0x10;
	v5 =	vand.u32 $0xFFFF0000, v5  }
0x2c7: {  	v9 =	vld [tilespmem:s2+$0xFFFFFF80];
	v11 =	vadd.f32 v12, v11;
	v12 =	vshll.u32 v8, $0x10;
	v8 =	vand.u32 $0xFFFF0000, v8  }
0x2c8: {  	v15 =	vld [tilespmem:s2+$0xFFFFFFC0];
	v2 =	vadd.f32 v2, v7;
	v7 =	vadd.f32 v12, v13;
	v13 =	vshll.u32 v10, $0x10  }
0x2c9: {  	v17 =	vld [tilespmem:s4+$0xFFFFFF80];
	[tilespmem:s5+$0xFFFFFF20] =	vst v6;
	v10 =	vand.u32 $0xFFFF0000, v10;
	v11 =	vmax.f32 v11, $0.0e+00;
	v16 =	vshll.u32 v4, $0x10  }
0x2ca: {  	v12 =	vld [tilespmem:s4+$0x0];
	v2 =	vmax.f32 v2, $0.0e+00;
	v4 =	vand.u32 $0xFFFF0000, v4;
	v13 =	vadd.f32 v16, v13;
	[tilespmem:s5+$0xFFFFFFA0] =	vst v11  }
0x2cb: {  	v5 =	vadd.f32 v8, v5;
	v8 =	vld [tilespmem:s2+$0x0];
	v4 =	vadd.f32 v4, v10;
	[tilespmem:s5+$0xFFFFFFE0] =	vst v2;
	v7 =	vmax.f32 v7, $0.0e+00  }
0x2cc: {  	s10 =	simm.s32 $0x7D80;
	v14 =	vand.u32 $0xFFFF0000, v14;
	v6 =	vshll.u32 v9, $0x10;
	[tilespmem:s5+$0x20] =	vst v7;
	v13 =	vmax.f32 v13, $0.0e+00  }
0x2cd: {  	v9 =	vand.u32 $0xFFFF0000, v9;
	v10 =	vshll.u32 v15, $0x10;
	v4 =	vmax.f32 v4, $0.0e+00;
	[tilespmem:s10+$0x80] =	vst v13  }
0x2ce: {  	v15 =	vand.u32 $0xFFFF0000, v15;
	v11 =	vand.u32 $0xFFFF0000, v17;
	v5 =	vmax.f32 v5, $0.0e+00;
	v7 =	vld [tilespmem:s17+$0xFFFFFFF0];
	[tilespmem:s10+$0xC0] =	vst v4  }
0x2cf: {  	v1 =	vadd.f32 v10, v1;
	v10 =	vadd.f32 v15, v14;
	v4 =	vshll.u32 v17, $0x10;
	v51 =	vld [tilespmem:s4+$0x50]  }
0x2d0: {  	v18 =	vshll.u32 v12, $0x10;
	v19 =	vshll.u32 v8, $0x10;
	v2 =	vadd.f32 v6, v4;
	v6 =	vld [tilespmem:s2+$0x50]  }
0x2d1: {  	v50 =	vld [tilespmem:s13+$0xFFFFFFB0];
	[tilespmem:s5+$0x60] =	vst v5;
	v12 =	vand.u32 $0xFFFF0000, v12;
	v8 =	vand.u32 $0xFFFF0000, v8;
	v1 =	vmax.f32 v1, $0.0e+00  }
0x2d2: {  	v13 =	vld [tilespmem:s17+$0xFFFFFFB0];
	v5 =	vmax.f32 v10, $0.0e+00;
	v4 =	vadd.f32 v9, v11;
	v8 =	vadd.f32 v8, v12;
	[tilespmem:s10+$0xFFFFFF80] =	vst v1  }
0x2d3: {  	v3 =	vmax.f32 v3, $0.0e+00;
	v10 =	vld [tilespmem:s17+$0x30];
	v11 =	vadd.f32 v19, v18;
	[tilespmem:s10+$0xFFFFFFC0] =	vst v5;
	v2 =	vmax.f32 v2, $0.0e+00  }
0x2d4: {  	v9 =	vld [tilespmem:s13+$0xFFFFFFF0];
	v8 =	vmax.f32 v8, $0.0e+00;
	v53 =	vshll.u32 v7, $0x10;
	[tilespmem:s10+$0xFFFFFF00] =	vst v2;
	v2 =	vmax.f32 v4, $0.0e+00  }
0x2d5: {  	v52 =	vld [tilespmem:s4+$0xFFFFFFD0];
	[tilespmem:s10+$0xFFFFFF40] =	vst v2;
	v2 =	vmax.f32 v11, $0.0e+00;
	v1 =	vshll.u32 v51, $0x10;
	v14 =	vshll.u32 v6, $0x10  }
0x2d6: {  	v4 =	vld [tilespmem:s13+$0x30];
	v5 =	vand.u32 $0xFFFF0000, v51;
	v6 =	vand.u32 $0xFFFF0000, v6;
	v1 =	vadd.f32 v14, v1  }
0x2d7: {  	v7 =	vand.u32 $0xFFFF0000, v7;
	v11 =	vshll.u32 v50, $0x10;
	v12 =	vld [tilespmem:s4+$0xFFFFFF90];
	[tilespmem:s10+$0x0] =	vst v2;
	v2 =	vadd.f32 v6, v5  }
0x2d8: {  	[tilespmem:s10+$0x40] =	vst v8;
	v22 =	vshll.u32 v10, $0x10;
	v10 =	vand.u32 $0xFFFF0000, v10;
	v15 =	vld [tilespmem:s2+$0xFFFFFF90];
	v1 =	vmax.f32 v1, $0.0e+00  }
0x2d9: {  	v14 =	vshll.u32 v13, $0x10;
	v6 =	vand.u32 $0xFFFF0000, v13;
	v13 =	vld [tilespmem:s2+$0xFFFFFFD0];
	[tilespmem:s10+$0x90] =	vst v1;
	v1 =	vmax.f32 v2, $0.0e+00  }
0x2da: {  	v8 =	vshll.u32 v9, $0x10;
	v5 =	vand.u32 $0xFFFF0000, v50;
	v54 =	vld [tilespmem:s4+$0x10];
	v56 =	vshll.u32 v52, $0x10;
	[tilespmem:s10+$0xD0] =	vst v1  }
0x2db: {  	v17 =	vand.u32 $0xFFFF0000, v52;
	v8 =	vadd.f32 v53, v8;
	v5 =	vadd.f32 v6, v5;
	v21 =	vld [tilespmem:s4+$0x60]  }
0x2dc: {  	v6 =	vmax.f32 v0, $0.0e+00;
	v2 =	vand.u32 $0xFFFF0000, v9;
	v9 =	vshll.u32 v12, $0x10;
	v23 =	vld [tilespmem:s2+$0x60]  }
0x2dd: {  	v12 =	vand.u32 $0xFFFF0000, v12;
	v1 =	vshll.u32 v4, $0x10;
	v20 =	vshll.u32 v15, $0x10  }
0x2de: {  	v55 =	vld [tilespmem:s2+$0x10];
	v15 =	vand.u32 $0xFFFF0000, v15;
	v4 =	vand.u32 $0xFFFF0000, v4;
	v9 =	vadd.f32 v20, v9  }
0x2df: {  	v12 =	vadd.f32 v15, v12;
	v15 =	vshll.u32 v13, $0x10;
	v13 =	vand.u32 $0xFFFF0000, v13  }
0x2e0: {  	v57 =	vshll.u32 v54, $0x10;
	v18 =	vand.u32 $0xFFFF0000, v54;
	v9 =	vmax.f32 v9, $0.0e+00  }
0x2e1: {  	[tilespmem:s10+$0xFFFFFF10] =	vst v9;
	v9 =	vmax.f32 v12, $0.0e+00;
	v12 =	vshll.u32 v21, $0x10;
	v59 =	vshll.u32 v23, $0x10  }
0x2e2: {  	[tilespmem:s10+$0xFFFFFF50] =	vst v9;
	v9 =	vand.u32 $0xFFFF0000, v21;
	v60 =	vand.u32 $0xFFFF0000, v23;
	v12 =	vadd.f32 v59, v12  }
0x2e3: {  	[tilespmem:s5+$0xF0] =	vst v3;
	v58 =	vshll.u32 v55, $0x10;
	v19 =	vand.u32 $0xFFFF0000, v55;
	v61 =	vld [tilespmem:s4+$0xFFFFFFA0];
	v9 =	vadd.f32 v60, v9  }
0x2e4: {  	[tilespmem:s5+$0xB0] =	vst v6;
	v15 =	vadd.f32 v15, v56;
	v13 =	vadd.f32 v13, v17;
	v62 =	vld [tilespmem:s2+$0xFFFFFFA0];
	v12 =	vmax.f32 v12, $0.0e+00  }
0x2e5: {  	v17 =	vadd.f32 v58, v57;
	v3 =	vadd.f32 v19, v18;
	v9 =	vmax.f32 v9, $0.0e+00;
	[tilespmem:s10+$0xA0] =	vst v12  }
0x2e6: {  	v1 =	vadd.f32 v22, v1;
	v15 =	vmax.f32 v15, $0.0e+00;
	v13 =	vmax.f32 v13, $0.0e+00;
	[tilespmem:s10+$0xE0] =	vst v9  }
0x2e7: {  	v3 =	vmax.f32 v3, $0.0e+00;
	[tilespmem:s10+$0xFFFFFF90] =	vst v15;
	v15 =	vmax.f32 v17, $0.0e+00;
	v9 =	vadd.f32 v14, v11;
	v11 =	vld [tilespmem:s4+$0x70]  }
0x2e8: {  	[tilespmem:s10+$0xFFFFFFD0] =	vst v13;
	v12 =	vadd.f32 v7, v2;
	v2 =	vadd.f32 v10, v4;
	v7 =	vshll.u32 v61, $0x10;
	v14 =	vld [tilespmem:s2+$0x70]  }
0x2e9: {  	[tilespmem:s10+$0x10] =	vst v15;
	v0 =	vld [tilespmem:s4+$0xFFFFFFE0];
	v13 =	vand.u32 $0xFFFF0000, v61;
	v15 =	vshll.u32 v62, $0x10;
	v63 =	vand.u32 $0xFFFF0000, v62  }
0x2ea: {  	[tilespmem:s10+$0x50] =	vst v3;
	v10 =	vadd.f32 v15, v7;
	v13 =	vadd.f32 v63, v13;
	v3 =	vmax.f32 v9, $0.0e+00;
	v7 =	vld [tilespmem:s2+$0xFFFFFFE0]  }
0x2eb: {  	v4 =	vmax.f32 v8, $0.0e+00;
	v9 =	vmax.f32 v5, $0.0e+00;
	v5 =	vld [tilespmem:s4+$0x20];
	[tilespmem:s5+$0xFFFFFF30] =	vst v3;
	v3 =	vmax.f32 v12, $0.0e+00  }
0x2ec: {  	s31 =	smov.u32 s3;
	v8 =	vld [tilespmem:s2+$0x20];
	[tilespmem:s5+$0xFFFFFF70] =	vst v9;
	v10 =	vmax.f32 v10, $0.0e+00;
	v12 =	vmax.f32 v13, $0.0e+00;
	v6 =	vshll.u32 v11, $0x10  }
0x2ed: {  	s11 =	simm.s32 $0x4000;
	s12 =	simm.s32 $0x4;
	s13 =	simm.s32 $0x2D00;
	[tilespmem:s10+$0xFFFFFF20] =	vst v10;
	v9 =	vshll.u32 v14, $0x10;
	v10 =	vand.u32 $0xFFFF0000, v11;
	v11 =	vand.u32 $0xFFFF0000, v14  }
.LBB2_9:
0x2ee: {  	v13 =	vld [tilespmem:s13+$0x40];
	[tilespmem:s10+$0xFFFFFF60] =	vst v12;
	v12 =	vshll.u32 v0, $0x10;
	v14 =	vand.u32 $0xFFFF0000, v0;
	v10 =	vadd.f32 v11, v10;
	s2 =	sadd.s32 $0x100, s2  }
0x2ef: {  	v0 =	vadd.f32 v9, v6;
	v11 =	vld [tilespmem:s2+$0x40];
	v15 =	vshll.u32 v7, $0x10;
	v7 =	vand.u32 $0xFFFF0000, v7;
	[tilespmem:s5+$0xFFFFFFB0] =	vst v4  }
0x2f0: {  	v4 =	vld [tilespmem:s2+$0xFFFFFF80];
	v6 =	vshll.u32 v5, $0x10;
	v5 =	vand.u32 $0xFFFF0000, v5;
	v9 =	vmax.f32 v10, $0.0e+00;
	[tilespmem:s5+$0xFFFFFFF0] =	vst v3  }
0x2f1: {  	v10 =	vadd.f32 v15, v12;
	v3 =	vld [tilespmem:s13+$0xFFFFFFC0];
	v12 =	vshll.u32 v8, $0x10;
	v8 =	vand.u32 $0xFFFF0000, v8;
	[tilespmem:s10+$0xF0] =	vst v9  }
0x2f2: {  	v1 =	vmax.f32 v1, $0.0e+00;
	v7 =	vadd.f32 v7, v14;
	v9 =	vld [tilespmem:s2+$0xFFFFFFC0];
	v6 =	vadd.f32 v12, v6  }
0x2f3: {  	v10 =	vmax.f32 v10, $0.0e+00;
	v5 =	vadd.f32 v8, v5;
	v12 =	vld [tilespmem:s13+$0x0];
	[tilespmem:s5+$0x30] =	vst v1;
	v1 =	vmax.f32 v2, $0.0e+00  }
0x2f4: {  	v7 =	vmax.f32 v7, $0.0e+00;
	v8 =	vshll.u32 v13, $0x10;
	v2 =	vld [tilespmem:s2+$0x0];
	v14 =	vshll.u32 v11, $0x10;
	[tilespmem:s10+$0xFFFFFFA0] =	vst v10  }
0x2f5: {  	s12 =	sadd.s32 $0x4, s12;
	v13 =	vand.u32 $0xFFFF0000, v13;
	v11 =	vand.u32 $0xFFFF0000, v11;
	v10 =	vld [tilespmem:s13+$0xFFFFFF80];
	v8 =	vadd.f32 v14, v8;
	[tilespmem:s10+$0xFFFFFFE0] =	vst v7  }
0x2f6: {  	p1 =	slt.u32 s12, $0x4C;
	v7 =	vshll.u32 v4, $0x10;
	v4 =	vand.u32 $0xFFFF0000, v4;
	v11 =	vadd.f32 v11, v13;
	v13 =	vld [tilespmem:s4+$0xFFFFFFB0];
	[tilespmem:s5+$0x70] =	vst v1;
	s5 =	smov.u32 s10  }
0x2f7: {  	v1 =	vshll.u32 v3, $0x10;
	s10 =	sadd.s32 $0x200, s10;
	v14 =	vshll.u32 v9, $0x10;
	v8 =	vmax.f32 v8, $0.0e+00;
	v15 =	vld [tilespmem:s11+$0xFFFFFFB0]  }
0x2f8: {  	v3 =	vand.u32 $0xFFFF0000, v3;
	v9 =	vand.u32 $0xFFFF0000, v9;
	[tilespmem:s10+$0x80] =	vst v8;
	v8 =	vmax.f32 v11, $0.0e+00;
	v11 =	vld [tilespmem:s4+$0xFFFFFFF0]  }
0x2f9: {  	v16 =	vshll.u32 v12, $0x10;
	v12 =	vand.u32 $0xFFFF0000, v12;
	v17 =	vshll.u32 v2, $0x10;
	[tilespmem:s10+$0xC0] =	vst v8;
	v8 =	vld [tilespmem:s11+$0xFFFFFFF0]  }
0x2fa: {  	v2 =	vand.u32 $0xFFFF0000, v2;
	v18 =	vshll.u32 v10, $0x10;
	v10 =	vand.u32 $0xFFFF0000, v10;
	v19 =	vld [tilespmem:s13+$0x50]  }
0x2fb: {  	v6 =	vmax.f32 v6, $0.0e+00;
	v7 =	vadd.f32 v7, v18;
	v4 =	vadd.f32 v4, v10;
	v10 =	vld [tilespmem:s2+$0x50]  }
0x2fc: {  	v5 =	vmax.f32 v5, $0.0e+00;
	v1 =	vadd.f32 v14, v1;
	v3 =	vadd.f32 v9, v3;
	[tilespmem:s5+$0x20] =	vst v6  }
0x2fd: {  	v2 =	vadd.f32 v2, v12;
	v6 =	vmax.f32 v7, $0.0e+00;
	v7 =	vadd.f32 v17, v16;
	[tilespmem:s5+$0x60] =	vst v5  }
0x2fe: {  	v1 =	vmax.f32 v1, $0.0e+00;
	v3 =	vmax.f32 v3, $0.0e+00;
	v4 =	vmax.f32 v4, $0.0e+00;
	[tilespmem:s10+$0xFFFFFF00] =	vst v6;
	v5 =	vld [tilespmem:s4+$0x30];
	s4 =	smov.u32 s13  }
0x2ff: {  	v2 =	vmax.f32 v2, $0.0e+00;
	v6 =	vshll.u32 v13, $0x10;
	[tilespmem:s10+$0xFFFFFF40] =	vst v4;
	v4 =	vmax.f32 v7, $0.0e+00;
	v7 =	vld [tilespmem:s11+$0x30];
	s11 =	smov.u32 s2  }
0x300: {  	v14 =	vshll.u32 v15, $0x10;
	v9 =	vld [tilespmem:s13+$0xFFFFFF90];
	[tilespmem:s10+$0xFFFFFF80] =	vst v1;
	v1 =	vshll.u32 v19, $0x10;
	v12 =	vshll.u32 v10, $0x10  }
0x301: {  	v10 =	vand.u32 $0xFFFF0000, v10;
	v16 =	vld [tilespmem:s2+$0xFFFFFF90];
	[tilespmem:s10+$0xFFFFFFC0] =	vst v3;
	v3 =	vand.u32 $0xFFFF0000, v19;
	v1 =	vadd.f32 v12, v1  }
0x302: {  	v12 =	vld [tilespmem:s13+$0xFFFFFFD0];
	[tilespmem:s10+$0x0] =	vst v4;
	v3 =	vadd.f32 v10, v3;
	v4 =	vand.u32 $0xFFFF0000, v13;
	v10 =	vand.u32 $0xFFFF0000, v15  }
0x303: {  	v15 =	vshll.u32 v8, $0x10;
	v13 =	vld [tilespmem:s2+$0xFFFFFFD0];
	[tilespmem:s10+$0x40] =	vst v2;
	v1 =	vmax.f32 v1, $0.0e+00;
	v2 =	vshll.u32 v11, $0x10  }
0x304: {  	v8 =	vand.u32 $0xFFFF0000, v8;
	v17 =	vld [tilespmem:s13+$0x10];
	[tilespmem:s10+$0x90] =	vst v1;
	v1 =	vmax.f32 v3, $0.0e+00;
	v3 =	vand.u32 $0xFFFF0000, v11  }
0x305: {  	v11 =	vshll.u32 v9, $0x10;
	v9 =	vand.u32 $0xFFFF0000, v9;
	v18 =	vld [tilespmem:s2+$0x10];
	[tilespmem:s10+$0xD0] =	vst v1;
	v1 =	vshll.u32 v5, $0x10  }
0x306: {  	v21 =	vshll.u32 v7, $0x10;
	v19 =	vshll.u32 v16, $0x10;
	v16 =	vand.u32 $0xFFFF0000, v16;
	v20 =	vld [tilespmem:s13+$0x60]  }
0x307: {  	v11 =	vadd.f32 v19, v11;
	v19 =	vshll.u32 v12, $0x10;
	v12 =	vand.u32 $0xFFFF0000, v12;
	v22 =	vld [tilespmem:s2+$0x60]  }
0x308: {  	v9 =	vadd.f32 v16, v9;
	v16 =	vshll.u32 v13, $0x10;
	v13 =	vand.u32 $0xFFFF0000, v13  }
0x309: {  	v16 =	vadd.f32 v16, v19;
	v19 =	vshll.u32 v17, $0x10;
	v17 =	vand.u32 $0xFFFF0000, v17  }
0x30a: {  	v12 =	vadd.f32 v13, v12;
	v13 =	vshll.u32 v18, $0x10;
	v18 =	vand.u32 $0xFFFF0000, v18  }
0x30b: {  	v11 =	vmax.f32 v11, $0.0e+00;
	v13 =	vadd.f32 v13, v19;
	v17 =	vadd.f32 v18, v17  }
0x30c: {  	v9 =	vmax.f32 v9, $0.0e+00;
	[tilespmem:s10+$0xFFFFFF10] =	vst v11;
	v11 =	vshll.u32 v20, $0x10;
	v18 =	vshll.u32 v22, $0x10  }
0x30d: {  	v19 =	vand.u32 $0xFFFF0000, v22;
	[tilespmem:s10+$0xFFFFFF50] =	vst v9;
	v9 =	vand.u32 $0xFFFF0000, v20;
	v11 =	vadd.f32 v18, v11  }
0x30e: {  	v16 =	vmax.f32 v16, $0.0e+00;
	v12 =	vmax.f32 v12, $0.0e+00;
	v18 =	vld [tilespmem:s13+$0xFFFFFFA0];
	v9 =	vadd.f32 v19, v9  }
0x30f: {  	v13 =	vmax.f32 v13, $0.0e+00;
	v19 =	vld [tilespmem:s2+$0xFFFFFFA0];
	[tilespmem:s10+$0xFFFFFF90] =	vst v16;
	v16 =	vmax.f32 v17, $0.0e+00;
	v11 =	vmax.f32 v11, $0.0e+00  }
0x310: {  	v7 =	vand.u32 $0xFFFF0000, v7;
	v5 =	vand.u32 $0xFFFF0000, v5;
	[tilespmem:s10+$0xA0] =	vst v11;
	v9 =	vmax.f32 v9, $0.0e+00  }
0x311: {  	v6 =	vadd.f32 v14, v6;
	v4 =	vadd.f32 v10, v4;
	[tilespmem:s10+$0xE0] =	vst v9;
	v9 =	vmax.f32 v0, $0.0e+00  }
0x312: {  	v3 =	vadd.f32 v8, v3;
	v11 =	vadd.f32 v15, v2;
	[tilespmem:s10+$0xFFFFFFD0] =	vst v12;
	v10 =	vld [tilespmem:s13+$0x70]  }
0x313: {  	v1 =	vadd.f32 v21, v1;
	v8 =	vshll.u32 v18, $0x10;
	v12 =	vand.u32 $0xFFFF0000, v18;
	[tilespmem:s10+$0x10] =	vst v13;
	v13 =	vld [tilespmem:s2+$0x70]  }
.Ltmp3:
0x314: {  	v2 =	vadd.f32 v7, v5;
	v14 =	vshll.u32 v19, $0x10;
	v15 =	vand.u32 $0xFFFF0000, v19;
	v0 =	vld [tilespmem:s13+$0xFFFFFFE0];
	[tilespmem:s10+$0x50] =	vst v16;
	(pc) =	sbr.rel @p1 .LBB2_9-.Ltmp3, $4  }
0x315: {  	v6 =	vmax.f32 v6, $0.0e+00;
	v8 =	vadd.f32 v14, v8;
	v12 =	vadd.f32 v15, v12;
	v7 =	vld [tilespmem:s2+$0xFFFFFFE0];
	[tilespmem:s5+$0xB0] =	vst v9  }
0x316: {  	v3 =	vmax.f32 v3, $0.0e+00;
	v9 =	vmax.f32 v4, $0.0e+00;
	v4 =	vmax.f32 v11, $0.0e+00;
	v5 =	vld [tilespmem:s13+$0x20];
	[tilespmem:s5+$0xFFFFFF30] =	vst v6  }
0x317: {  	v11 =	vmax.f32 v8, $0.0e+00;
	v12 =	vmax.f32 v12, $0.0e+00;
	v8 =	vld [tilespmem:s2+$0x20];
	v6 =	vshll.u32 v10, $0x10;
	[tilespmem:s5+$0xFFFFFF70] =	vst v9  }
0x318: {  	s13 =	sadd.s32 $0x100, s13;
	v10 =	vand.u32 $0xFFFF0000, v10;
	[tilespmem:s10+$0xFFFFFF20] =	vst v11;
	v9 =	vshll.u32 v13, $0x10;
	v11 =	vand.u32 $0xFFFF0000, v13  }
0x319: {  	_ = 	snop  }
0x31a: {  	v13 =	vshll.u32 v0, $0x10;
	v37 =	vand.u32 $0xFFFF0000, v0;
	v14 =	vshll.u32 v7, $0x10  }
0x31b: {  	[tilespmem:s10+$0xFFFFFF60] =	vst v12;
	v38 =	vand.u32 $0xFFFF0000, v7;
	v13 =	vadd.f32 v14, v13;
	v39 =	vshll.u32 v5, $0x10  }
0x31c: {  	v44 =	vld [tilespmem:s4+$0xFFFFFFB0];
	v0 =	vadd.f32 v38, v37;
	v42 =	vand.u32 $0xFFFF0000, v5;
	v40 =	vshll.u32 v8, $0x10  }
0x31d: {  	v45 =	vld [tilespmem:s11+$0xFFFFFFB0];
	v43 =	vand.u32 $0xFFFF0000, v8;
	v7 =	vadd.f32 v40, v39;
	v41 =	vmax.f32 v13, $0.0e+00  }
0x31e: {  	v0 =	vmax.f32 v0, $0.0e+00;
	v5 =	vadd.f32 v43, v42;
	[tilespmem:s10+$0xFFFFFFA0] =	vst v41  }
0x31f: {  	[tilespmem:s10+$0xFFFFFFE0] =	vst v0;
	v7 =	vmax.f32 v7, $0.0e+00  }
0x320: {  	v46 =	vld [tilespmem:s4+$0xFFFFFFF0];
	v5 =	vmax.f32 v5, $0.0e+00;
	[tilespmem:s10+$0x20] =	vst v7  }
0x321: {  	v10 =	vadd.f32 v11, v10;
	v48 =	vadd.f32 v9, v6;
	v47 =	vld [tilespmem:s11+$0xFFFFFFF0];
	[tilespmem:s10+$0x60] =	vst v5  }
0x322: {  	[tilespmem:s5+$0xFFFFFFB0] =	vst v4;
	v1 =	vmax.f32 v1, $0.0e+00;
	v52 =	vshll.u32 v44, $0x10;
	v53 =	vshll.u32 v45, $0x10;
	v49 =	vld [tilespmem:s4+$0x30]  }
0x323: {  	[tilespmem:s5+$0xFFFFFFF0] =	vst v3;
	v54 =	vand.u32 $0xFFFF0000, v44;
	v0 =	vand.u32 $0xFFFF0000, v45;
	v3 =	vadd.f32 v53, v52;
	v51 =	vld [tilespmem:s11+$0x30]  }
0x324: {  	v2 =	vmax.f32 v2, $0.0e+00;
	[tilespmem:s5+$0x30] =	vst v1;
	v50 =	vmax.f32 v10, $0.0e+00;
	v0 =	vadd.f32 v0, v54  }
0x325: {  	[tilespmem:s5+$0x70] =	vst v2;
	v5 =	vmax.f32 v48, $0.0e+00;
	v3 =	vmax.f32 v3, $0.0e+00;
	v55 =	vshll.u32 v46, $0x10  }
0x326: {  	[tilespmem:s10+$0xF0] =	vst v50;
	v56 =	vshll.u32 v47, $0x10;
	v57 =	vand.u32 $0xFFFF0000, v46;
	v7 =	vand.u32 $0xFFFF0000, v47  }
0x327: {  	s6 =	sadd.s32 $0x1, s6;
	[tilespmem:s10+$0xB0] =	vst v5;
	v0 =	vmax.f32 v0, $0.0e+00;
	v4 =	vadd.f32 v56, v55;
	v1 =	vadd.f32 v7, v57  }
0x328: {  	p1 =	sne.s32 s6, $0x1F;
	[tilespmem:s10+$0xFFFFFF30] =	vst v3;
	v58 =	vshll.u32 v49, $0x10;
	v59 =	vshll.u32 v51, $0x10;
	v60 =	vand.u32 $0xFFFF0000, v49  }
.Ltmp4:
0x329: {  	[tilespmem:s10+$0xFFFFFF70] =	vst v0;
	v61 =	vand.u32 $0xFFFF0000, v51;
	v2 =	vadd.f32 v59, v58;
	v4 =	vmax.f32 v4, $0.0e+00;
	(pc) =	sbr.rel @p1 .LBB2_2-.Ltmp4, $4  }
0x32a: {  	v62 =	vadd.f32 v61, v60;
	v1 =	vmax.f32 v1, $0.0e+00;
	[tilespmem:s10+$0xFFFFFFB0] =	vst v4  }
0x32b: {  	[tilespmem:s10+$0xFFFFFFF0] =	vst v1;
	v63 =	vmax.f32 v2, $0.0e+00  }
0x32c: {  	v0 =	vmax.f32 v62, $0.0e+00;
	[tilespmem:s10+$0x30] =	vst v63  }
0x32d: {  	[tilespmem:s10+$0x70] =	vst v0  }
0x32e: {  	_ =	swait.ge [sflag:s25], $0x1400  }
0x32f: {  	[sflag:s25] =	ssyncset.done $0x0  }
0x330: {  	[sflag:s25] =	ssyncadd.s32 $0xFFFFEC00  }
0x331: {  	_ =	swait.ge [sflag:s25], $0x1400  }
0x332: {  	[sflag:s25] =	ssyncset.done $0x0  }
0x333: {  	s0 =	simm.s32 $0xF0;
	s2 =	simm.s32 $0x7A80;
	[sflag:s25] =	ssyncadd.s32 $0xFFFFEC00  }
0x334: {  	[spmem:s18] =	stream.indirect.scatter.add.f32 [tilespmem:s2], [sflag:$0x5], $0x80, s0, s7, $0xb8;
	[tilespmem:$0x1F300] =	vst v63  }
0x335: {  	_ =	swait.ge [sflag:s23], $0x2800  }
0x336: {  	[sflag:s23] =	ssyncset.done $0x0  }
0x337: {  	s11 =	simm.s32 $0x300;
	[sflag:s23] =	ssyncadd.s32 $0xFFFFD800  }
0x338: {  	s10 =	simm.s32 $0x1700;
	v0 =	vld [tilespmem:s11+$0x40]  }
0x339: {  	v1 =	vld [tilespmem:s10+$0x40];
	_ =	sdelay $0x3  }
0x33a: {  	v4 =	vld [tilespmem:s10+$0xFFFFFF80]  }
0x33b: {  	v5 =	vld [tilespmem:s10+$0xFFFFFFC0];
	v2 =	vshll.u32 v0, $0x10;
	v3 =	vshll.u32 v1, $0x10  }
0x33c: {  	v0 =	vand.u32 $0xFFFF0000, v0;
	v1 =	vand.u32 $0xFFFF0000, v1;
	v2 =	vadd.f32 v3, v2;
	v3 =	vld [tilespmem:s11+$0xFFFFFFC0]  }
0x33d: {  	v0 =	vadd.f32 v1, v0;
	v1 =	vld [tilespmem:s11+$0xFFFFFF80]  }
0x33e: {  	s5 =	simm.s32 $0x5380;
	v2 =	vmax.f32 v2, $0.0e+00  }
0x33f: {  	v0 =	vmax.f32 v0, $0.0e+00;
	[tilespmem:s5+$0x80] =	vst v2  }
0x340: {  	v10 =	vshll.u32 v5, $0x10;
	[tilespmem:s5+$0xC0] =	vst v0  }
0x341: {  	v5 =	vand.u32 $0xFFFF0000, v5;
	v2 =	vshll.u32 v4, $0x10;
	v4 =	vand.u32 $0xFFFF0000, v4;
	v0 =	vld [tilespmem:s11+$0x50]  }
0x342: {  	v6 =	vld [tilespmem:s10+$0x50];
	v7 =	vshll.u32 v3, $0x10;
	v8 =	vshll.u32 v1, $0x10;
	v1 =	vand.u32 $0xFFFF0000, v1  }
0x343: {  	v9 =	vld [tilespmem:s11+$0x0];
	v3 =	vand.u32 $0xFFFF0000, v3;
	v2 =	vadd.f32 v2, v8;
	v1 =	vadd.f32 v4, v1  }
0x344: {  	v4 =	vld [tilespmem:s10+$0x0];
	v7 =	vadd.f32 v10, v7;
	v3 =	vadd.f32 v5, v3  }
0x345: {  	v2 =	vmax.f32 v2, $0.0e+00  }
0x346: {  	v1 =	vmax.f32 v1, $0.0e+00;
	v3 =	vmax.f32 v3, $0.0e+00;
	[tilespmem:s5+$0xFFFFFF00] =	vst v2;
	v2 =	vmax.f32 v7, $0.0e+00  }
0x347: {  	v5 =	vshll.u32 v0, $0x10;
	v7 =	vshll.u32 v6, $0x10;
	[tilespmem:s5+$0xFFFFFF40] =	vst v1;
	v0 =	vand.u32 $0xFFFF0000, v0  }
0x348: {  	v1 =	vand.u32 $0xFFFF0000, v6;
	v6 =	vshll.u32 v9, $0x10;
	v5 =	vadd.f32 v7, v5;
	v7 =	vld [tilespmem:s11+$0xFFFFFF90]  }
0x349: {  	[tilespmem:s5+$0xFFFFFF80] =	vst v2;
	v0 =	vadd.f32 v1, v0;
	v2 =	vand.u32 $0xFFFF0000, v9;
	v8 =	vld [tilespmem:s10+$0xFFFFFF90];
	v1 =	vshll.u32 v4, $0x10  }
0x34a: {  	[tilespmem:s5+$0xFFFFFFC0] =	vst v3;
	v4 =	vand.u32 $0xFFFF0000, v4;
	v3 =	vmax.f32 v5, $0.0e+00;
	v1 =	vadd.f32 v1, v6  }
0x34b: {  	v5 =	vld [tilespmem:s11+$0xFFFFFFD0];
	v0 =	vmax.f32 v0, $0.0e+00;
	v2 =	vadd.f32 v4, v2;
	[tilespmem:s5+$0x90] =	vst v3  }
0x34c: {  	v3 =	vld [tilespmem:s10+$0xFFFFFFD0];
	[tilespmem:s5+$0xD0] =	vst v0;
	v0 =	vmax.f32 v1, $0.0e+00  }
0x34d: {  	v1 =	vld [tilespmem:s11+$0x60];
	v2 =	vmax.f32 v2, $0.0e+00;
	[tilespmem:s5+$0x0] =	vst v0  }
0x34e: {  	v0 =	vld [tilespmem:s10+$0x60];
	[tilespmem:s5+$0x40] =	vst v2;
	v2 =	vshll.u32 v7, $0x10;
	v4 =	vshll.u32 v8, $0x10  }
0x34f: {  	v7 =	vand.u32 $0xFFFF0000, v7;
	v8 =	vand.u32 $0xFFFF0000, v8;
	v2 =	vadd.f32 v4, v2  }
0x350: {  	v7 =	vadd.f32 v8, v7  }
0x351: {  	v6 =	vld [tilespmem:s11+$0x10];
	v4 =	vshll.u32 v5, $0x10;
	v5 =	vand.u32 $0xFFFF0000, v5;
	v2 =	vmax.f32 v2, $0.0e+00  }
0x352: {  	v8 =	vld [tilespmem:s10+$0x10];
	v9 =	vshll.u32 v3, $0x10;
	v3 =	vand.u32 $0xFFFF0000, v3;
	[tilespmem:s5+$0xFFFFFF10] =	vst v2;
	v2 =	vmax.f32 v7, $0.0e+00  }
0x353: {  	v7 =	vshll.u32 v1, $0x10;
	v1 =	vand.u32 $0xFFFF0000, v1;
	v10 =	vshll.u32 v0, $0x10  }
0x354: {  	v4 =	vadd.f32 v9, v4;
	[tilespmem:s5+$0xFFFFFF50] =	vst v2;
	v0 =	vand.u32 $0xFFFF0000, v0;
	v2 =	vadd.f32 v10, v7  }
0x355: {  	v3 =	vadd.f32 v3, v5;
	v9 =	vld [tilespmem:s11+$0xFFFFFFA0];
	v0 =	vadd.f32 v0, v1  }
0x356: {  	v7 =	vshll.u32 v6, $0x10;
	v1 =	vand.u32 $0xFFFF0000, v6;
	v5 =	vld [tilespmem:s10+$0xFFFFFFA0];
	v2 =	vmax.f32 v2, $0.0e+00  }
0x357: {  	s6 =	simm.s32 $0x400;
	v6 =	vshll.u32 v8, $0x10;
	v8 =	vand.u32 $0xFFFF0000, v8;
	v0 =	vmax.f32 v0, $0.0e+00;
	[tilespmem:s5+$0xA0] =	vst v2  }
0x358: {  	v14 =	vld [tilespmem:s6+$0xFFFFFFC0];
	v4 =	vmax.f32 v4, $0.0e+00;
	v1 =	vadd.f32 v8, v1;
	v2 =	vadd.f32 v6, v7;
	[tilespmem:s5+$0xE0] =	vst v0  }
0x359: {  	[tilespmem:s5+$0xFFFFFF90] =	vst v4;
	v0 =	vmax.f32 v3, $0.0e+00;
	v3 =	vld [tilespmem:s11+$0x70]  }
0x35a: {  	v1 =	vmax.f32 v1, $0.0e+00;
	[tilespmem:s5+$0xFFFFFFD0] =	vst v0;
	v4 =	vld [tilespmem:s10+$0x70];
	v2 =	vmax.f32 v2, $0.0e+00;
	v0 =	vshll.u32 v9, $0x10  }
0x35b: {  	v6 =	vand.u32 $0xFFFF0000, v9;
	v7 =	vld [tilespmem:s11+$0xFFFFFFE0];
	[tilespmem:s5+$0x10] =	vst v2;
	v2 =	vshll.u32 v5, $0x10;
	v5 =	vand.u32 $0xFFFF0000, v5  }
0x35c: {  	[tilespmem:s5+$0x50] =	vst v1;
	v0 =	vadd.f32 v2, v0;
	v1 =	vadd.f32 v5, v6;
	v2 =	vld [tilespmem:s10+$0xFFFFFFE0]  }
0x35d: {  	v5 =	vld [tilespmem:s11+$0x20]  }
0x35e: {  	v8 =	vld [tilespmem:s10+$0x20];
	v6 =	vmax.f32 v0, $0.0e+00;
	v1 =	vmax.f32 v1, $0.0e+00;
	v0 =	vshll.u32 v3, $0x10  }
0x35f: {  	s2 =	simm.s32 $0x1800;
	v10 =	vld [tilespmem:s6+$0x40];
	v9 =	vshll.u32 v4, $0x10;
	v3 =	vand.u32 $0xFFFF0000, v3;
	v4 =	vand.u32 $0xFFFF0000, v4  }
0x360: {  	v11 =	vshll.u32 v7, $0x10;
	v7 =	vand.u32 $0xFFFF0000, v7;
	v3 =	vadd.f32 v4, v3;
	v4 =	vld [tilespmem:s2+$0x40]  }
0x361: {  	v0 =	vadd.f32 v9, v0;
	[tilespmem:s5+$0xFFFFFF60] =	vst v1;
	v1 =	vshll.u32 v14, $0x10;
	v12 =	vshll.u32 v2, $0x10  }
0x362: {  	v2 =	vand.u32 $0xFFFF0000, v2;
	v13 =	vshll.u32 v5, $0x10;
	v5 =	vand.u32 $0xFFFF0000, v5  }
0x363: {  	v9 =	vld [tilespmem:s2+$0xFFFFFF80];
	v11 =	vadd.f32 v12, v11;
	v12 =	vshll.u32 v8, $0x10;
	v8 =	vand.u32 $0xFFFF0000, v8  }
0x364: {  	v15 =	vld [tilespmem:s2+$0xFFFFFFC0];
	v2 =	vadd.f32 v2, v7;
	v7 =	vadd.f32 v12, v13;
	v13 =	vshll.u32 v10, $0x10  }
0x365: {  	v17 =	vld [tilespmem:s6+$0xFFFFFF80];
	[tilespmem:s5+$0xFFFFFF20] =	vst v6;
	v10 =	vand.u32 $0xFFFF0000, v10;
	v11 =	vmax.f32 v11, $0.0e+00;
	v16 =	vshll.u32 v4, $0x10  }
0x366: {  	v12 =	vld [tilespmem:s6+$0x0];
	v2 =	vmax.f32 v2, $0.0e+00;
	v4 =	vand.u32 $0xFFFF0000, v4;
	v13 =	vadd.f32 v16, v13;
	[tilespmem:s5+$0xFFFFFFA0] =	vst v11  }
0x367: {  	v5 =	vadd.f32 v8, v5;
	v8 =	vld [tilespmem:s2+$0x0];
	v4 =	vadd.f32 v4, v10;
	[tilespmem:s5+$0xFFFFFFE0] =	vst v2;
	v7 =	vmax.f32 v7, $0.0e+00  }
0x368: {  	s4 =	simm.s32 $0x5580;
	v14 =	vand.u32 $0xFFFF0000, v14;
	v6 =	vshll.u32 v9, $0x10;
	[tilespmem:s5+$0x20] =	vst v7;
	v13 =	vmax.f32 v13, $0.0e+00  }
0x369: {  	v9 =	vand.u32 $0xFFFF0000, v9;
	v10 =	vshll.u32 v15, $0x10;
	v4 =	vmax.f32 v4, $0.0e+00;
	[tilespmem:s4+$0x80] =	vst v13  }
0x36a: {  	v15 =	vand.u32 $0xFFFF0000, v15;
	v11 =	vand.u32 $0xFFFF0000, v17;
	v5 =	vmax.f32 v5, $0.0e+00;
	v7 =	vld [tilespmem:s10+$0xFFFFFFF0];
	[tilespmem:s4+$0xC0] =	vst v4  }
0x36b: {  	v1 =	vadd.f32 v10, v1;
	v10 =	vadd.f32 v15, v14;
	v4 =	vshll.u32 v17, $0x10;
	v51 =	vld [tilespmem:s6+$0x50]  }
0x36c: {  	v18 =	vshll.u32 v12, $0x10;
	v19 =	vshll.u32 v8, $0x10;
	v2 =	vadd.f32 v6, v4;
	v6 =	vld [tilespmem:s2+$0x50]  }
0x36d: {  	v50 =	vld [tilespmem:s11+$0xFFFFFFB0];
	[tilespmem:s5+$0x60] =	vst v5;
	v12 =	vand.u32 $0xFFFF0000, v12;
	v8 =	vand.u32 $0xFFFF0000, v8;
	v1 =	vmax.f32 v1, $0.0e+00  }
0x36e: {  	v13 =	vld [tilespmem:s10+$0xFFFFFFB0];
	v5 =	vmax.f32 v10, $0.0e+00;
	v4 =	vadd.f32 v9, v11;
	v8 =	vadd.f32 v8, v12;
	[tilespmem:s4+$0xFFFFFF80] =	vst v1  }
0x36f: {  	v3 =	vmax.f32 v3, $0.0e+00;
	v10 =	vld [tilespmem:s10+$0x30];
	v11 =	vadd.f32 v19, v18;
	[tilespmem:s4+$0xFFFFFFC0] =	vst v5;
	v2 =	vmax.f32 v2, $0.0e+00  }
0x370: {  	v9 =	vld [tilespmem:s11+$0xFFFFFFF0];
	v8 =	vmax.f32 v8, $0.0e+00;
	v53 =	vshll.u32 v7, $0x10;
	[tilespmem:s4+$0xFFFFFF00] =	vst v2;
	v2 =	vmax.f32 v4, $0.0e+00  }
0x371: {  	v52 =	vld [tilespmem:s6+$0xFFFFFFD0];
	[tilespmem:s4+$0xFFFFFF40] =	vst v2;
	v2 =	vmax.f32 v11, $0.0e+00;
	v1 =	vshll.u32 v51, $0x10;
	v14 =	vshll.u32 v6, $0x10  }
0x372: {  	v4 =	vld [tilespmem:s11+$0x30];
	v5 =	vand.u32 $0xFFFF0000, v51;
	v6 =	vand.u32 $0xFFFF0000, v6;
	v1 =	vadd.f32 v14, v1  }
0x373: {  	v7 =	vand.u32 $0xFFFF0000, v7;
	v11 =	vshll.u32 v50, $0x10;
	v12 =	vld [tilespmem:s6+$0xFFFFFF90];
	[tilespmem:s4+$0x0] =	vst v2;
	v2 =	vadd.f32 v6, v5  }
0x374: {  	[tilespmem:s4+$0x40] =	vst v8;
	v22 =	vshll.u32 v10, $0x10;
	v10 =	vand.u32 $0xFFFF0000, v10;
	v15 =	vld [tilespmem:s2+$0xFFFFFF90];
	v1 =	vmax.f32 v1, $0.0e+00  }
0x375: {  	v14 =	vshll.u32 v13, $0x10;
	v6 =	vand.u32 $0xFFFF0000, v13;
	v13 =	vld [tilespmem:s2+$0xFFFFFFD0];
	[tilespmem:s4+$0x90] =	vst v1;
	v1 =	vmax.f32 v2, $0.0e+00  }
0x376: {  	v8 =	vshll.u32 v9, $0x10;
	v5 =	vand.u32 $0xFFFF0000, v50;
	v54 =	vld [tilespmem:s6+$0x10];
	v56 =	vshll.u32 v52, $0x10;
	[tilespmem:s4+$0xD0] =	vst v1  }
0x377: {  	v17 =	vand.u32 $0xFFFF0000, v52;
	v8 =	vadd.f32 v53, v8;
	v5 =	vadd.f32 v6, v5;
	v21 =	vld [tilespmem:s6+$0x60]  }
0x378: {  	v6 =	vmax.f32 v0, $0.0e+00;
	v2 =	vand.u32 $0xFFFF0000, v9;
	v9 =	vshll.u32 v12, $0x10;
	v23 =	vld [tilespmem:s2+$0x60]  }
0x379: {  	v12 =	vand.u32 $0xFFFF0000, v12;
	v1 =	vshll.u32 v4, $0x10;
	v20 =	vshll.u32 v15, $0x10  }
0x37a: {  	v55 =	vld [tilespmem:s2+$0x10];
	v15 =	vand.u32 $0xFFFF0000, v15;
	v4 =	vand.u32 $0xFFFF0000, v4;
	v9 =	vadd.f32 v20, v9  }
0x37b: {  	v12 =	vadd.f32 v15, v12;
	v15 =	vshll.u32 v13, $0x10;
	v13 =	vand.u32 $0xFFFF0000, v13  }
0x37c: {  	v57 =	vshll.u32 v54, $0x10;
	v18 =	vand.u32 $0xFFFF0000, v54;
	v9 =	vmax.f32 v9, $0.0e+00  }
0x37d: {  	[tilespmem:s4+$0xFFFFFF10] =	vst v9;
	v9 =	vmax.f32 v12, $0.0e+00;
	v12 =	vshll.u32 v21, $0x10;
	v59 =	vshll.u32 v23, $0x10  }
0x37e: {  	[tilespmem:s4+$0xFFFFFF50] =	vst v9;
	v9 =	vand.u32 $0xFFFF0000, v21;
	v60 =	vand.u32 $0xFFFF0000, v23;
	v12 =	vadd.f32 v59, v12  }
0x37f: {  	[tilespmem:s5+$0xF0] =	vst v3;
	v58 =	vshll.u32 v55, $0x10;
	v19 =	vand.u32 $0xFFFF0000, v55;
	v61 =	vld [tilespmem:s6+$0xFFFFFFA0];
	v9 =	vadd.f32 v60, v9  }
0x380: {  	[tilespmem:s5+$0xB0] =	vst v6;
	v15 =	vadd.f32 v15, v56;
	v13 =	vadd.f32 v13, v17;
	v62 =	vld [tilespmem:s2+$0xFFFFFFA0];
	v12 =	vmax.f32 v12, $0.0e+00  }
0x381: {  	v17 =	vadd.f32 v58, v57;
	v3 =	vadd.f32 v19, v18;
	v9 =	vmax.f32 v9, $0.0e+00;
	[tilespmem:s4+$0xA0] =	vst v12  }
0x382: {  	v1 =	vadd.f32 v22, v1;
	v15 =	vmax.f32 v15, $0.0e+00;
	v13 =	vmax.f32 v13, $0.0e+00;
	[tilespmem:s4+$0xE0] =	vst v9  }
0x383: {  	v3 =	vmax.f32 v3, $0.0e+00;
	[tilespmem:s4+$0xFFFFFF90] =	vst v15;
	v15 =	vmax.f32 v17, $0.0e+00;
	v9 =	vadd.f32 v14, v11;
	v11 =	vld [tilespmem:s6+$0x70]  }
0x384: {  	[tilespmem:s4+$0xFFFFFFD0] =	vst v13;
	v12 =	vadd.f32 v7, v2;
	v2 =	vadd.f32 v10, v4;
	v7 =	vshll.u32 v61, $0x10;
	v14 =	vld [tilespmem:s2+$0x70]  }
0x385: {  	[tilespmem:s4+$0x10] =	vst v15;
	v0 =	vld [tilespmem:s6+$0xFFFFFFE0];
	v13 =	vand.u32 $0xFFFF0000, v61;
	v15 =	vshll.u32 v62, $0x10;
	v63 =	vand.u32 $0xFFFF0000, v62  }
0x386: {  	[tilespmem:s4+$0x50] =	vst v3;
	v10 =	vadd.f32 v15, v7;
	v13 =	vadd.f32 v63, v13;
	v3 =	vmax.f32 v9, $0.0e+00;
	v7 =	vld [tilespmem:s2+$0xFFFFFFE0]  }
0x387: {  	v4 =	vmax.f32 v8, $0.0e+00;
	v9 =	vmax.f32 v5, $0.0e+00;
	v5 =	vld [tilespmem:s6+$0x20];
	[tilespmem:s5+$0xFFFFFF30] =	vst v3;
	v3 =	vmax.f32 v12, $0.0e+00  }
0x388: {  	v8 =	vld [tilespmem:s2+$0x20];
	[tilespmem:s5+$0xFFFFFF70] =	vst v9;
	v10 =	vmax.f32 v10, $0.0e+00;
	v12 =	vmax.f32 v13, $0.0e+00;
	v6 =	vshll.u32 v11, $0x10  }
0x389: {  	s12 =	simm.s32 $0x500;
	s10 =	simm.s32 $0x1800;
	s11 =	simm.s32 $0x4;
	[tilespmem:s4+$0xFFFFFF20] =	vst v10;
	v9 =	vshll.u32 v14, $0x10;
	v10 =	vand.u32 $0xFFFF0000, v11;
	v11 =	vand.u32 $0xFFFF0000, v14  }
.LBB2_12:
0x38a: {  	v13 =	vld [tilespmem:s12+$0x40];
	[tilespmem:s4+$0xFFFFFF60] =	vst v12;
	v12 =	vshll.u32 v0, $0x10;
	v14 =	vand.u32 $0xFFFF0000, v0;
	v10 =	vadd.f32 v11, v10;
	s2 =	sadd.s32 $0x100, s2  }
0x38b: {  	v0 =	vadd.f32 v9, v6;
	v11 =	vld [tilespmem:s2+$0x40];
	v15 =	vshll.u32 v7, $0x10;
	v7 =	vand.u32 $0xFFFF0000, v7;
	[tilespmem:s5+$0xFFFFFFB0] =	vst v4  }
0x38c: {  	v4 =	vld [tilespmem:s2+$0xFFFFFF80];
	v6 =	vshll.u32 v5, $0x10;
	v5 =	vand.u32 $0xFFFF0000, v5;
	v9 =	vmax.f32 v10, $0.0e+00;
	[tilespmem:s5+$0xFFFFFFF0] =	vst v3  }
0x38d: {  	v10 =	vadd.f32 v15, v12;
	v3 =	vld [tilespmem:s12+$0xFFFFFFC0];
	v12 =	vshll.u32 v8, $0x10;
	v8 =	vand.u32 $0xFFFF0000, v8;
	[tilespmem:s4+$0xF0] =	vst v9  }
0x38e: {  	v1 =	vmax.f32 v1, $0.0e+00;
	v7 =	vadd.f32 v7, v14;
	v9 =	vld [tilespmem:s2+$0xFFFFFFC0];
	v6 =	vadd.f32 v12, v6  }
0x38f: {  	v10 =	vmax.f32 v10, $0.0e+00;
	v5 =	vadd.f32 v8, v5;
	v12 =	vld [tilespmem:s12+$0x0];
	[tilespmem:s5+$0x30] =	vst v1;
	v1 =	vmax.f32 v2, $0.0e+00  }
0x390: {  	v7 =	vmax.f32 v7, $0.0e+00;
	v8 =	vshll.u32 v13, $0x10;
	v2 =	vld [tilespmem:s2+$0x0];
	v14 =	vshll.u32 v11, $0x10;
	[tilespmem:s4+$0xFFFFFFA0] =	vst v10  }
0x391: {  	s11 =	sadd.s32 $0x4, s11;
	v13 =	vand.u32 $0xFFFF0000, v13;
	v11 =	vand.u32 $0xFFFF0000, v11;
	v10 =	vld [tilespmem:s12+$0xFFFFFF80];
	v8 =	vadd.f32 v14, v8;
	[tilespmem:s4+$0xFFFFFFE0] =	vst v7  }
0x392: {  	p1 =	slt.u32 s11, $0x4C;
	v7 =	vshll.u32 v4, $0x10;
	v4 =	vand.u32 $0xFFFF0000, v4;
	v11 =	vadd.f32 v11, v13;
	v13 =	vld [tilespmem:s6+$0xFFFFFFB0];
	[tilespmem:s5+$0x70] =	vst v1;
	s5 =	smov.u32 s4  }
0x393: {  	v1 =	vshll.u32 v3, $0x10;
	s4 =	sadd.s32 $0x200, s4;
	v14 =	vshll.u32 v9, $0x10;
	v8 =	vmax.f32 v8, $0.0e+00;
	v15 =	vld [tilespmem:s10+$0xFFFFFFB0]  }
0x394: {  	v3 =	vand.u32 $0xFFFF0000, v3;
	v9 =	vand.u32 $0xFFFF0000, v9;
	[tilespmem:s4+$0x80] =	vst v8;
	v8 =	vmax.f32 v11, $0.0e+00;
	v11 =	vld [tilespmem:s6+$0xFFFFFFF0]  }
0x395: {  	v16 =	vshll.u32 v12, $0x10;
	v12 =	vand.u32 $0xFFFF0000, v12;
	v17 =	vshll.u32 v2, $0x10;
	[tilespmem:s4+$0xC0] =	vst v8;
	v8 =	vld [tilespmem:s10+$0xFFFFFFF0]  }
0x396: {  	v2 =	vand.u32 $0xFFFF0000, v2;
	v18 =	vshll.u32 v10, $0x10;
	v10 =	vand.u32 $0xFFFF0000, v10;
	v19 =	vld [tilespmem:s12+$0x50]  }
0x397: {  	v6 =	vmax.f32 v6, $0.0e+00;
	v7 =	vadd.f32 v7, v18;
	v4 =	vadd.f32 v4, v10;
	v10 =	vld [tilespmem:s2+$0x50]  }
0x398: {  	v5 =	vmax.f32 v5, $0.0e+00;
	v1 =	vadd.f32 v14, v1;
	v3 =	vadd.f32 v9, v3;
	[tilespmem:s5+$0x20] =	vst v6  }
0x399: {  	v2 =	vadd.f32 v2, v12;
	v6 =	vmax.f32 v7, $0.0e+00;
	v7 =	vadd.f32 v17, v16;
	[tilespmem:s5+$0x60] =	vst v5  }
0x39a: {  	v1 =	vmax.f32 v1, $0.0e+00;
	v3 =	vmax.f32 v3, $0.0e+00;
	v4 =	vmax.f32 v4, $0.0e+00;
	[tilespmem:s4+$0xFFFFFF00] =	vst v6;
	v5 =	vld [tilespmem:s6+$0x30];
	s6 =	smov.u32 s12  }
0x39b: {  	v2 =	vmax.f32 v2, $0.0e+00;
	v6 =	vshll.u32 v13, $0x10;
	[tilespmem:s4+$0xFFFFFF40] =	vst v4;
	v4 =	vmax.f32 v7, $0.0e+00;
	v7 =	vld [tilespmem:s10+$0x30];
	s10 =	smov.u32 s2  }
0x39c: {  	v14 =	vshll.u32 v15, $0x10;
	v9 =	vld [tilespmem:s12+$0xFFFFFF90];
	[tilespmem:s4+$0xFFFFFF80] =	vst v1;
	v1 =	vshll.u32 v19, $0x10;
	v12 =	vshll.u32 v10, $0x10  }
0x39d: {  	v10 =	vand.u32 $0xFFFF0000, v10;
	v16 =	vld [tilespmem:s2+$0xFFFFFF90];
	[tilespmem:s4+$0xFFFFFFC0] =	vst v3;
	v3 =	vand.u32 $0xFFFF0000, v19;
	v1 =	vadd.f32 v12, v1  }
0x39e: {  	v12 =	vld [tilespmem:s12+$0xFFFFFFD0];
	[tilespmem:s4+$0x0] =	vst v4;
	v3 =	vadd.f32 v10, v3;
	v4 =	vand.u32 $0xFFFF0000, v13;
	v10 =	vand.u32 $0xFFFF0000, v15  }
0x39f: {  	v15 =	vshll.u32 v8, $0x10;
	v13 =	vld [tilespmem:s2+$0xFFFFFFD0];
	[tilespmem:s4+$0x40] =	vst v2;
	v1 =	vmax.f32 v1, $0.0e+00;
	v2 =	vshll.u32 v11, $0x10  }
0x3a0: {  	v8 =	vand.u32 $0xFFFF0000, v8;
	v17 =	vld [tilespmem:s12+$0x10];
	[tilespmem:s4+$0x90] =	vst v1;
	v1 =	vmax.f32 v3, $0.0e+00;
	v3 =	vand.u32 $0xFFFF0000, v11  }
0x3a1: {  	v11 =	vshll.u32 v9, $0x10;
	v9 =	vand.u32 $0xFFFF0000, v9;
	v18 =	vld [tilespmem:s2+$0x10];
	[tilespmem:s4+$0xD0] =	vst v1;
	v1 =	vshll.u32 v5, $0x10  }
0x3a2: {  	v21 =	vshll.u32 v7, $0x10;
	v19 =	vshll.u32 v16, $0x10;
	v16 =	vand.u32 $0xFFFF0000, v16;
	v20 =	vld [tilespmem:s12+$0x60]  }
0x3a3: {  	v11 =	vadd.f32 v19, v11;
	v19 =	vshll.u32 v12, $0x10;
	v12 =	vand.u32 $0xFFFF0000, v12;
	v22 =	vld [tilespmem:s2+$0x60]  }
0x3a4: {  	v9 =	vadd.f32 v16, v9;
	v16 =	vshll.u32 v13, $0x10;
	v13 =	vand.u32 $0xFFFF0000, v13  }
0x3a5: {  	v16 =	vadd.f32 v16, v19;
	v19 =	vshll.u32 v17, $0x10;
	v17 =	vand.u32 $0xFFFF0000, v17  }
0x3a6: {  	v12 =	vadd.f32 v13, v12;
	v13 =	vshll.u32 v18, $0x10;
	v18 =	vand.u32 $0xFFFF0000, v18  }
0x3a7: {  	v11 =	vmax.f32 v11, $0.0e+00;
	v13 =	vadd.f32 v13, v19;
	v17 =	vadd.f32 v18, v17  }
0x3a8: {  	v9 =	vmax.f32 v9, $0.0e+00;
	[tilespmem:s4+$0xFFFFFF10] =	vst v11;
	v11 =	vshll.u32 v20, $0x10;
	v18 =	vshll.u32 v22, $0x10  }
0x3a9: {  	v19 =	vand.u32 $0xFFFF0000, v22;
	[tilespmem:s4+$0xFFFFFF50] =	vst v9;
	v9 =	vand.u32 $0xFFFF0000, v20;
	v11 =	vadd.f32 v18, v11  }
0x3aa: {  	v16 =	vmax.f32 v16, $0.0e+00;
	v12 =	vmax.f32 v12, $0.0e+00;
	v18 =	vld [tilespmem:s12+$0xFFFFFFA0];
	v9 =	vadd.f32 v19, v9  }
0x3ab: {  	v13 =	vmax.f32 v13, $0.0e+00;
	v19 =	vld [tilespmem:s2+$0xFFFFFFA0];
	[tilespmem:s4+$0xFFFFFF90] =	vst v16;
	v16 =	vmax.f32 v17, $0.0e+00;
	v11 =	vmax.f32 v11, $0.0e+00  }
0x3ac: {  	v7 =	vand.u32 $0xFFFF0000, v7;
	v5 =	vand.u32 $0xFFFF0000, v5;
	[tilespmem:s4+$0xA0] =	vst v11;
	v9 =	vmax.f32 v9, $0.0e+00  }
0x3ad: {  	v6 =	vadd.f32 v14, v6;
	v4 =	vadd.f32 v10, v4;
	[tilespmem:s4+$0xE0] =	vst v9;
	v9 =	vmax.f32 v0, $0.0e+00  }
0x3ae: {  	v3 =	vadd.f32 v8, v3;
	v11 =	vadd.f32 v15, v2;
	[tilespmem:s4+$0xFFFFFFD0] =	vst v12;
	v10 =	vld [tilespmem:s12+$0x70]  }
0x3af: {  	v1 =	vadd.f32 v21, v1;
	v8 =	vshll.u32 v18, $0x10;
	v12 =	vand.u32 $0xFFFF0000, v18;
	[tilespmem:s4+$0x10] =	vst v13;
	v13 =	vld [tilespmem:s2+$0x70]  }
.Ltmp5:
0x3b0: {  	v2 =	vadd.f32 v7, v5;
	v14 =	vshll.u32 v19, $0x10;
	v15 =	vand.u32 $0xFFFF0000, v19;
	v0 =	vld [tilespmem:s12+$0xFFFFFFE0];
	[tilespmem:s4+$0x50] =	vst v16;
	(pc) =	sbr.rel @p1 .LBB2_12-.Ltmp5, $4  }
0x3b1: {  	v6 =	vmax.f32 v6, $0.0e+00;
	v8 =	vadd.f32 v14, v8;
	v12 =	vadd.f32 v15, v12;
	v7 =	vld [tilespmem:s2+$0xFFFFFFE0];
	[tilespmem:s5+$0xB0] =	vst v9  }
0x3b2: {  	v3 =	vmax.f32 v3, $0.0e+00;
	v9 =	vmax.f32 v4, $0.0e+00;
	v4 =	vmax.f32 v11, $0.0e+00;
	v5 =	vld [tilespmem:s12+$0x20];
	[tilespmem:s5+$0xFFFFFF30] =	vst v6  }
0x3b3: {  	v11 =	vmax.f32 v8, $0.0e+00;
	v12 =	vmax.f32 v12, $0.0e+00;
	v8 =	vld [tilespmem:s2+$0x20];
	v6 =	vshll.u32 v10, $0x10;
	[tilespmem:s5+$0xFFFFFF70] =	vst v9  }
0x3b4: {  	s12 =	sadd.s32 $0x100, s12;
	v10 =	vand.u32 $0xFFFF0000, v10;
	[tilespmem:s4+$0xFFFFFF20] =	vst v11;
	v9 =	vshll.u32 v13, $0x10;
	v11 =	vand.u32 $0xFFFF0000, v13  }
0x3b5: {  	_ = 	snop  }
0x3b6: {  	v13 =	vshll.u32 v0, $0x10;
	v40 =	vand.u32 $0xFFFF0000, v0;
	v14 =	vshll.u32 v7, $0x10  }
0x3b7: {  	[tilespmem:s4+$0xFFFFFF60] =	vst v12;
	v41 =	vand.u32 $0xFFFF0000, v7;
	v13 =	vadd.f32 v14, v13;
	v42 =	vshll.u32 v5, $0x10  }
0x3b8: {  	v47 =	vld [tilespmem:s6+$0xFFFFFFB0];
	v0 =	vadd.f32 v41, v40;
	v45 =	vand.u32 $0xFFFF0000, v5;
	v43 =	vshll.u32 v8, $0x10  }
0x3b9: {  	v48 =	vld [tilespmem:s10+$0xFFFFFFB0];
	v46 =	vand.u32 $0xFFFF0000, v8;
	v7 =	vadd.f32 v43, v42;
	v44 =	vmax.f32 v13, $0.0e+00  }
0x3ba: {  	v0 =	vmax.f32 v0, $0.0e+00;
	v5 =	vadd.f32 v46, v45;
	[tilespmem:s4+$0xFFFFFFA0] =	vst v44  }
0x3bb: {  	[tilespmem:s4+$0xFFFFFFE0] =	vst v0;
	v7 =	vmax.f32 v7, $0.0e+00  }
0x3bc: {  	v49 =	vld [tilespmem:s6+$0xFFFFFFF0];
	v5 =	vmax.f32 v5, $0.0e+00;
	[tilespmem:s4+$0x20] =	vst v7  }
0x3bd: {  	v10 =	vadd.f32 v11, v10;
	v6 =	vadd.f32 v9, v6;
	v50 =	vld [tilespmem:s10+$0xFFFFFFF0];
	[tilespmem:s4+$0x60] =	vst v5  }
0x3be: {  	[tilespmem:s5+$0xFFFFFFB0] =	vst v4;
	v1 =	vmax.f32 v1, $0.0e+00;
	v53 =	vshll.u32 v47, $0x10;
	v54 =	vshll.u32 v48, $0x10;
	v5 =	vld [tilespmem:s6+$0x30]  }
0x3bf: {  	v2 =	vmax.f32 v2, $0.0e+00;
	[tilespmem:s5+$0xFFFFFFF0] =	vst v3;
	v51 =	vmax.f32 v10, $0.0e+00;
	v3 =	vadd.f32 v54, v53;
	v52 =	vld [tilespmem:s10+$0x30]  }
0x3c0: {  	[tilespmem:s5+$0x30] =	vst v1;
	v6 =	vmax.f32 v6, $0.0e+00;
	v55 =	vand.u32 $0xFFFF0000, v47;
	v0 =	vand.u32 $0xFFFF0000, v48  }
0x3c1: {  	[tilespmem:s5+$0x70] =	vst v2;
	v0 =	vadd.f32 v0, v55;
	v3 =	vmax.f32 v3, $0.0e+00;
	v56 =	vshll.u32 v49, $0x10  }
0x3c2: {  	[tilespmem:s4+$0xF0] =	vst v51;
	v57 =	vshll.u32 v50, $0x10;
	v58 =	vand.u32 $0xFFFF0000, v49;
	v7 =	vand.u32 $0xFFFF0000, v50  }
0x3c3: {  	[tilespmem:s4+$0xB0] =	vst v6;
	v0 =	vmax.f32 v0, $0.0e+00;
	v4 =	vadd.f32 v57, v56;
	v1 =	vadd.f32 v7, v58  }
0x3c4: {  	[tilespmem:s4+$0xFFFFFF30] =	vst v3;
	v59 =	vshll.u32 v5, $0x10;
	v60 =	vshll.u32 v52, $0x10;
	v5 =	vand.u32 $0xFFFF0000, v5  }
0x3c5: {  	[tilespmem:s4+$0xFFFFFF70] =	vst v0;
	v61 =	vand.u32 $0xFFFF0000, v52;
	v2 =	vadd.f32 v60, v59;
	v4 =	vmax.f32 v4, $0.0e+00  }
0x3c6: {  	v62 =	vadd.f32 v61, v5;
	v1 =	vmax.f32 v1, $0.0e+00;
	[tilespmem:s4+$0xFFFFFFB0] =	vst v4  }
0x3c7: {  	[tilespmem:s4+$0xFFFFFFF0] =	vst v1;
	v63 =	vmax.f32 v2, $0.0e+00  }
0x3c8: {  	v0 =	vmax.f32 v62, $0.0e+00;
	[tilespmem:s4+$0x30] =	vst v63  }
0x3c9: {  	s0 =	simm.s32 $0x5280;
	[tilespmem:s4+$0x70] =	vst v0  }
0x3ca: {  	[spmem:s18] =	stream.indirect.scatter.add.f32 [tilespmem:s0], [sflag:$0x5], $0x80, s1, s7, $0xb8;
	[tilespmem:$0x1F300] =	vst v63  }
0x3cb: {  	_ =	swait.ge [sflag:s23], $0x2800  }
0x3cc: {  	[sflag:s23] =	ssyncset.done $0x0  }
0x3cd: {  	[sflag:s23] =	ssyncadd.s32 $0xFFFFD800  }
0x3ce: {  	[bflag:$0x0] =	sbarrier.arrive $0xFFFF  }
0x3cf: {  	s4 =	simm.s32 $0xA280;
	s17 =	rddreg [dreg:$0x13]  }
0x3d0: {  	[tilespmem:s4], [sflag:$0x5] =	stream.linear.gather [spmem:s17], $0x1800, $0x38;
	[tilespmem:$0x1F300] =	vst v63  }
0x3d1: {  	_ =	swait.ge [sflag:s23], $0x1800  }
0x3d2: {  	[sflag:s23] =	ssyncset.done $0x0  }
0x3d3: {  	s2 =	rddreg [dreg:$0x4];
	[sflag:s23] =	ssyncadd.s32 $0xFFFFE800  }
0x3d4: {  	[hbm4b:s2+s1] =	stream.linear.scatter [tilespmem:s4], [sflag:$0x5], $0x1800, $0x38;
	[tilespmem:$0x1F300] =	vst v63  }
0x3d5: {  	_ =	swait.ge [sflag:s23], $0x1800  }
0x3d6: {  	[sflag:s23] =	ssyncset.done $0x0  }
0x3d7: {  	s6 =	rddreg [dreg:$0x14];
	[sflag:s23] =	ssyncadd.s32 $0xFFFFE800  }
0x3d8: {  	[tilespmem:s4], [sflag:$0x5] =	stream.linear.gather [spmem:s6], $0x1800, $0x38;
	[tilespmem:$0x1F300] =	vst v63  }
0x3d9: {  	_ =	swait.ge [sflag:s23], $0x1800  }
0x3da: {  	[sflag:s23] =	ssyncset.done $0x0  }
0x3db: {  	s11 =	rddreg [dreg:$0x5];
	[sflag:s23] =	ssyncadd.s32 $0xFFFFE800  }
0x3dc: {  	[hbm4b:s11+s1] =	stream.linear.scatter [tilespmem:s4], [sflag:$0x5], $0x1800, $0x38;
	[tilespmem:$0x1F300] =	vst v63  }
0x3dd: {  	_ =	swait.ge [sflag:s23], $0x1800  }
0x3de: {  	[sflag:s23] =	ssyncset.done $0x0  }
0x3df: {  	s10 =	rddreg [dreg:$0x15];
	[sflag:s23] =	ssyncadd.s32 $0xFFFFE800  }
0x3e0: {  	[tilespmem:s4], [sflag:$0x5] =	stream.linear.gather [spmem:s10], $0x1800, $0x38;
	[tilespmem:$0x1F300] =	vst v63  }
0x3e1: {  	_ =	swait.ge [sflag:s23], $0x1800  }
0x3e2: {  	[sflag:s23] =	ssyncset.done $0x0  }
0x3e3: {  	s12 =	rddreg [dreg:$0x6];
	[sflag:s23] =	ssyncadd.s32 $0xFFFFE800  }
0x3e4: {  	[hbm4b:s12+s1] =	stream.linear.scatter [tilespmem:s4], [sflag:$0x5], $0x1800, $0x38;
	[tilespmem:$0x1F300] =	vst v63  }
0x3e5: {  	_ =	swait.ge [sflag:s23], $0x1800  }
0x3e6: {  	[sflag:s23] =	ssyncset.done $0x0  }
0x3e7: {  	s11 =	rddreg [dreg:$0x16];
	[sflag:s23] =	ssyncadd.s32 $0xFFFFE800  }
0x3e8: {  	[tilespmem:s4], [sflag:$0x5] =	stream.linear.gather [spmem:s11], $0x1800, $0x38;
	[tilespmem:$0x1F300] =	vst v63  }
0x3e9: {  	_ =	swait.ge [sflag:s23], $0x1800  }
0x3ea: {  	[sflag:s23] =	ssyncset.done $0x0  }
0x3eb: {  	s13 =	rddreg [dreg:$0x7];
	[sflag:s23] =	ssyncadd.s32 $0xFFFFE800  }
0x3ec: {  	[hbm4b:s13+s1] =	stream.linear.scatter [tilespmem:s4], [sflag:$0x5], $0x1800, $0x38;
	[tilespmem:$0x1F300] =	vst v63  }
0x3ed: {  	_ =	swait.ge [sflag:s23], $0x1800  }
0x3ee: {  	[sflag:s23] =	ssyncset.done $0x0  }
0x3ef: {  	s12 =	rddreg [dreg:$0x17];
	[sflag:s23] =	ssyncadd.s32 $0xFFFFE800  }
0x3f0: {  	[tilespmem:s4], [sflag:$0x5] =	stream.linear.gather [spmem:s12], $0x1800, $0x38;
	[tilespmem:$0x1F300] =	vst v63  }
0x3f1: {  	_ =	swait.ge [sflag:s23], $0x1800  }
0x3f2: {  	[sflag:s23] =	ssyncset.done $0x0  }
0x3f3: {  	s14 =	rddreg [dreg:$0x8];
	[sflag:s23] =	ssyncadd.s32 $0xFFFFE800  }
0x3f4: {  	[hbm4b:s14+s1] =	stream.linear.scatter [tilespmem:s4], [sflag:$0x5], $0x1800, $0x38;
	[tilespmem:$0x1F300] =	vst v63  }
0x3f5: {  	_ =	swait.ge [sflag:s23], $0x1800  }
0x3f6: {  	[sflag:s23] =	ssyncset.done $0x0  }
0x3f7: {  	s13 =	rddreg [dreg:$0x18];
	[sflag:s23] =	ssyncadd.s32 $0xFFFFE800  }
0x3f8: {  	[tilespmem:s4], [sflag:$0x5] =	stream.linear.gather [spmem:s13], $0x1800, $0x38;
	[tilespmem:$0x1F300] =	vst v63  }
0x3f9: {  	_ =	swait.ge [sflag:s23], $0x1800  }
0x3fa: {  	[sflag:s23] =	ssyncset.done $0x0  }
0x3fb: {  	s16 =	rddreg [dreg:$0x9];
	[sflag:s23] =	ssyncadd.s32 $0xFFFFE800  }
0x3fc: {  	[hbm4b:s16+s1] =	stream.linear.scatter [tilespmem:s4], [sflag:$0x5], $0x1800, $0x38;
	[tilespmem:$0x1F300] =	vst v63  }
0x3fd: {  	_ =	swait.ge [sflag:s23], $0x1800  }
0x3fe: {  	[sflag:s23] =	ssyncset.done $0x0  }
0x3ff: {  	[sflag:s23] =	ssyncadd.s32 $0xFFFFE800  }
0x400: {  	[tilespmem:s4], [sflag:$0x5] =	stream.linear.gather [spmem:s28], $0x1800, $0x38;
	[tilespmem:$0x1F300] =	vst v63  }
0x401: {  	_ =	swait.ge [sflag:s23], $0x1800  }
0x402: {  	[sflag:s23] =	ssyncset.done $0x0  }
0x403: {  	s0 =	rddreg [dreg:$0xa];
	[sflag:s23] =	ssyncadd.s32 $0xFFFFE800  }
0x404: {  	[hbm4b:s0+s1] =	stream.linear.scatter [tilespmem:s4], [sflag:$0x5], $0x1800, $0x38;
	[tilespmem:$0x1F300] =	vst v63  }
0x405: {  	_ =	swait.ge [sflag:s23], $0x1800  }
0x406: {  	[sflag:s23] =	ssyncset.done $0x0  }
0x407: {  	[sflag:s23] =	ssyncadd.s32 $0xFFFFE800  }
0x408: {  	[tilespmem:s4], [sflag:$0x5] =	stream.linear.gather [spmem:s31], $0x1800, $0x38;
	[tilespmem:$0x1F300] =	vst v63  }
0x409: {  	_ =	swait.ge [sflag:s23], $0x1800  }
0x40a: {  	[sflag:s23] =	ssyncset.done $0x0  }
0x40b: {  	s3 =	rddreg [dreg:$0xb];
	[sflag:s23] =	ssyncadd.s32 $0xFFFFE800  }
0x40c: {  	[hbm4b:s3+s1] =	stream.linear.scatter [tilespmem:s4], [sflag:$0x5], $0x1800, $0x38;
	[tilespmem:$0x1F300] =	vst v63  }
0x40d: {  	_ =	swait.ge [sflag:s23], $0x1800  }
0x40e: {  	[sflag:s23] =	ssyncset.done $0x0  }
0x40f: {  	s3 =	rddreg [dreg:$0x19];
	[sflag:s23] =	ssyncadd.s32 $0xFFFFE800  }
0x410: {  	[tilespmem:s4], [sflag:$0x5] =	stream.linear.gather [spmem:s3], $0x1800, $0x38;
	[tilespmem:$0x1F300] =	vst v63  }
0x411: {  	_ =	swait.ge [sflag:s23], $0x1800  }
0x412: {  	[sflag:s23] =	ssyncset.done $0x0  }
0x413: {  	s5 =	rddreg [dreg:$0xc];
	[sflag:s23] =	ssyncadd.s32 $0xFFFFE800  }
0x414: {  	[hbm4b:s5+s1] =	stream.linear.scatter [tilespmem:s4], [sflag:$0x5], $0x1800, $0x38;
	[tilespmem:$0x1F300] =	vst v63  }
0x415: {  	_ =	swait.ge [sflag:s23], $0x1800  }
0x416: {  	[sflag:s23] =	ssyncset.done $0x0  }
0x417: {  	s30 =	rddreg [dreg:$0x1a];
	[sflag:s23] =	ssyncadd.s32 $0xFFFFE800  }
0x418: {  	[tilespmem:s4], [sflag:$0x5] =	stream.linear.gather [spmem:s30], $0x1800, $0x38;
	[tilespmem:$0x1F300] =	vst v63  }
0x419: {  	_ =	swait.ge [sflag:s23], $0x1800  }
0x41a: {  	[sflag:s23] =	ssyncset.done $0x0  }
0x41b: {  	s8 =	rddreg [dreg:$0xd];
	[sflag:s23] =	ssyncadd.s32 $0xFFFFE800  }
0x41c: {  	[hbm4b:s8+s1] =	stream.linear.scatter [tilespmem:s4], [sflag:$0x5], $0x1800, $0x38;
	[tilespmem:$0x1F300] =	vst v63  }
0x41d: {  	_ =	swait.ge [sflag:s23], $0x1800  }
0x41e: {  	[sflag:s23] =	ssyncset.done $0x0  }
0x41f: {  	s0 =	rddreg [dreg:$0x1c];
	[sflag:s23] =	ssyncadd.s32 $0xFFFFE800  }
0x420: {  	[tilespmem:s4], [sflag:$0x5] =	stream.linear.gather [spmem:s0], $0x1800, $0x38;
	[tilespmem:$0x1F300] =	vst v63  }
0x421: {  	_ =	swait.ge [sflag:s23], $0x1800  }
0x422: {  	[sflag:s23] =	ssyncset.done $0x0  }
0x423: {  	s9 =	rddreg [dreg:$0xe];
	[sflag:s23] =	ssyncadd.s32 $0xFFFFE800  }
0x424: {  	[hbm4b:s9+s1] =	stream.linear.scatter [tilespmem:s4], [sflag:$0x5], $0x1800, $0x38;
	[tilespmem:$0x1F300] =	vst v63  }
0x425: {  	_ =	swait.ge [sflag:s23], $0x1800  }
0x426: {  	[sflag:s23] =	ssyncset.done $0x0  }
0x427: {  	s8 =	rddreg [dreg:$0x1d];
	[sflag:s23] =	ssyncadd.s32 $0xFFFFE800  }
0x428: {  	[tilespmem:s4], [sflag:$0x5] =	stream.linear.gather [spmem:s8], $0x1800, $0x38;
	[tilespmem:$0x1F300] =	vst v63  }
0x429: {  	_ =	swait.ge [sflag:s23], $0x1800  }
0x42a: {  	[sflag:s23] =	ssyncset.done $0x0  }
0x42b: {  	s14 =	rddreg [dreg:$0xf];
	[sflag:s23] =	ssyncadd.s32 $0xFFFFE800  }
0x42c: {  	[hbm4b:s14+s1] =	stream.linear.scatter [tilespmem:s4], [sflag:$0x5], $0x1800, $0x38;
	[tilespmem:$0x1F300] =	vst v63  }
0x42d: {  	_ =	swait.ge [sflag:s23], $0x1800  }
0x42e: {  	[sflag:s23] =	ssyncset.done $0x0  }
0x42f: {  	s9 =	rddreg [dreg:$0x1e];
	[sflag:s23] =	ssyncadd.s32 $0xFFFFE800  }
0x430: {  	[tilespmem:s4], [sflag:$0x5] =	stream.linear.gather [spmem:s9], $0x1800, $0x38;
	[tilespmem:$0x1F300] =	vst v63  }
0x431: {  	_ =	swait.ge [sflag:s23], $0x1800  }
0x432: {  	[sflag:s23] =	ssyncset.done $0x0  }
0x433: {  	s16 =	rddreg [dreg:$0x10];
	[sflag:s23] =	ssyncadd.s32 $0xFFFFE800  }
0x434: {  	[hbm4b:s16+s1] =	stream.linear.scatter [tilespmem:s4], [sflag:$0x5], $0x1800, $0x38;
	[tilespmem:$0x1F300] =	vst v63  }
0x435: {  	_ =	swait.ge [sflag:s23], $0x1800  }
0x436: {  	s4 =	sld [smem:$0x7FB]  }
0x437: {  	[sflag:s23] =	ssyncset.done $0x0  }
0x438: {  	s2 =	simm.s32 @!p0 $0xA280;
	[sflag:s23] =	ssyncadd.s32 $0xFFFFE800  }
0x439: {  	[tilespmem:s2], [sflag:$0x5] =	stream.linear.gather @!p0 [spmem:s4], $0x800, $0x38;
	[tilespmem:$0x1F300] =	vst v63  }
0x43a: {  	s4 =	simm.s32 @!p0 $0x5  }
0x43b: {  	_ =	swait.ge @!p0 [sflag:s4], $0x800  }
0x43c: {  	s16 =	sld [smem:$0x7F9]  }
0x43d: {  	[sflag:s4] =	ssyncset.done @!p0 $0x0  }
0x43e: {  	s5 =	simm.s32 @!p0 $0x0;
	[sflag:s4] =	ssyncadd.s32 @!p0 $0xFFFFF800  }
0x43f: {  	[hbm4b:s16+s5] =	stream.linear.scatter @!p0 [tilespmem:s2], [sflag:$0x5], $0x800, $0x38;
	[tilespmem:$0x1F300] =	vst v63  }
0x440: {  	_ =	swait.ge @!p0 [sflag:s4], $0x800  }
0x441: {  	s5 =	smov.u32 s0;
	s0 =	sld [smem:$0x7F7]  }
0x442: {  	s14 =	sld [smem:$0x7FA];
	_ =	sdelay $0x1  }
0x443: {  	s2 =	sadd.s32 $0x1, s0  }
0x444: {  	p1 =	sne.s32 s2, s14  }
.Ltmp6:
0x445: {  	_ = 	snop;
	(pc) =	sbr.rel @p1 .LBB2_1-.Ltmp6, $4  }
0x446: {  	_ = 	snop  }
0x447: {  	[sflag:s4] =	ssyncset.done @!p0 $0x0  }
0x448: {  	[sflag:s4] =	ssyncadd.s32 @!p0 $0xFFFFF800;
	s4 =	smov.u32 s30;
	s30 =	sld [smem:$0x7FD]  }
0x449: {  	s16 =	simm.s32 $0xA280;
	s14 =	sld [smem:$0x7FC]  }
0x44a: {  	_ =	sfence.sel $0x180000  }
0x44b: {  	[bflag:$0x0] =	sbarrier.arrive $0xFFFF  }
0x44c: {  	_ =	strace $0x90000047  }
0x44d: {  	s0 =	stileid.u32;
	[bflag:$0x2] =	sbarrier.arrive $0xFFFF  }
0x44e: {  	p0 =	sne.s32 s0, $0x0;
	s0 =	rddreg [dreg:$0x3]  }
0x44f: {  	s0 =	sadd.s32 @!p0 $0x100000, s0  }
0x450: {  	[sflag:s0] =	ssyncadd.tile.s32 @!p0 $0x1;
	_ =	shalt  }
.Lfunc_end2:
_tile_overlayer_lowered:
.L_overlay_start_2:
0x451: {  	(tag) =	ssettag $0x2  }
0x452: {  	s0 =	rddreg [dreg:$0x0];
	s2 =	stileid.u32  }
0x453: {  	s1 =	rddreg [dreg:$0x1];
	p0 =	sne.s32 s2, $0x0  }
0x454: {  	s3 =	rddreg [dreg:$0x2];
	[bflag:$0x3] =	sbarrier.arrive $0xFFFF;
	s2 =	simm.s32 @!p0 $0x1C05  }
0x455: {  	[timem:s3], [sflag:s2] =	dma.local @!p0 [hbm:s0], s1  }
0x456: {  	s0 =	simm.s32 @!p0 $0x5  }
0x457: {  	_ =	swait.ge @!p0 [sflag:s0], s1  }
0x458: {  	s1 =	ssub.s32 @!p0 $0x0, s1;
	[sflag:s0] =	ssyncset.done @!p0 $0x0  }
0x459: {  	[sflag:s0] =	ssyncadd.s32 @!p0 s1  }
0x45a: {  	[bflag:$0x3] =	sbarrier.arrive $0xFFFF  }
0x45b: {  	_ =	shalt  }

</sc_bundles>
